<compile_context>
chip_gen: v7x
topology: tpu7x:2x2x1
jax: 0.10.2.dev20260603
libtpu: 0.0.44.dev20260713+nightly
codegen_flags: <defaults>
</compile_context>

<pallas_src>
import functools

import jax
import jax.numpy as jnp
from jax import lax
from jax.experimental import pallas as pl
from jax.experimental.pallas import tpu as pltpu
from jax.experimental.pallas import tpu_sc as plsc

V = 1000000
D = 64
R = 16
B = 16384
L = 20

NC, NS = 2, 16
NW = NC * NS
N = B * L
NB = 256
CPL = B // NB
CPW = L * CPL // NW


def _adap_body(idx0_ref, wd_ref, bd_ref, wu_ref, bu_ref, table_ref,
               out_ref, emb_ref, sem):
    for i in range(L):
        pltpu.make_async_copy(
            table_ref.at[pl.ds(idx0_ref[i], 1)], emb_ref.at[pl.ds(i, 1)], sem
        ).start()
    for i in range(L):
        pltpu.make_async_copy(
            table_ref.at[pl.ds(idx0_ref[i], 1)], emb_ref.at[pl.ds(i, 1)], sem
        ).wait()
    h = emb_ref[...]
    mid = jnp.maximum(
        jnp.dot(h, wd_ref[...], preferred_element_type=jnp.float32)
        + bd_ref[...], 0.0)
    out_ref[...] = (h
                    + jnp.dot(mid, wu_ref[...],
                              preferred_element_type=jnp.float32)
                    + bu_ref[...])


_adapter_call = pl.pallas_call(
    _adap_body,
    out_shape=jax.ShapeDtypeStruct((L, D), jnp.float32),
    in_specs=[
        pl.BlockSpec(memory_space=pltpu.SMEM),
        pl.BlockSpec(memory_space=pltpu.VMEM),
        pl.BlockSpec(memory_space=pltpu.VMEM),
        pl.BlockSpec(memory_space=pltpu.VMEM),
        pl.BlockSpec(memory_space=pltpu.VMEM),
        pl.BlockSpec(memory_space=pltpu.MemorySpace.HBM),
    ],
    out_specs=pl.BlockSpec(memory_space=pltpu.VMEM),
    scratch_shapes=[pltpu.VMEM((L, D), jnp.float32), pltpu.SemaphoreType.DMA],
)


def _sc_body(table2, idxf, adap, out,
             idx_v, adap_v, spl_v, rows_v, tr_v,
             is0, is1, gs0, gs1, ss0, ss1):
    wid = lax.axis_index("s") * NC + lax.axis_index("c")
    cbase = wid * CPW
    l0 = cbase // CPL

    pltpu.sync_copy(adap, adap_v)

    iota = lax.iota(jnp.int32, 16)

    for li in range(2):
        l = jnp.minimum(l0 + li, L - 1)
        for d in range(D):
            base = l * D + (d // 16) * 16
            s = adap_v[pl.ds(base, 16)][d % 16]
            spl_v[li * D + d, :] = lax.broadcast(s, (16,))

    isems = (is0, is1)
    gsems = (gs0, gs1)
    ssems = (ss0, ss1)

    def start_idx(c, buf):
        pltpu.async_copy(
            idxf.at[pl.ds((cbase + c) * NB, NB)], idx_v.at[buf], isems[buf])

    def wait_idx(buf):
        pltpu.make_async_copy(
            idxf.at[pl.ds(0, NB)], idx_v.at[buf], isems[buf]).wait()

    def start_gather(buf):
        for j in range(2):
            pltpu.async_copy(
                table2.at[idx_v.at[buf, pl.ds(j * 128, 128)]],
                rows_v.at[buf, pl.ds(j * 128, 128), :],
                gsems[buf])

    def wait_gather(buf):
        for j in range(2):
            pltpu.make_async_copy(
                table2.at[idx_v.at[buf, pl.ds(j * 128, 128)]],
                rows_v.at[buf, pl.ds(j * 128, 128), :],
                gsems[buf]).wait()

    def add_chunk(c, buf):
        li = (cbase + c) // CPL - l0

        @plsc.parallel_loop(0, D, unroll=4)
        def _(d):
            spl = spl_v[li * D + d, :]
            cols = lax.broadcast(d, (16,))
            for blk in range(NB // 16):
                r0 = blk * 16
                vals = plsc.load_gather(rows_v.at[buf], [iota + r0, cols])
                tr_v[buf, d, pl.ds(r0, 16)] = vals + spl

    def start_store(c, buf):
        g = cbase + c
        pltpu.async_copy(
            tr_v.at[buf],
            out.at[g // CPL, :, pl.ds((g % CPL) * NB, NB)],
            ssems[buf])

    def wait_store(buf):
        pltpu.make_async_copy(
            tr_v.at[buf], out.at[0, :, pl.ds(0, NB)], ssems[buf]).wait()

    start_idx(0, 0)
    start_idx(1, 1)
    wait_idx(0)
    start_gather(0)

    @pl.loop(0, CPW, step=2)
    def _(c):
        for b in range(2):
            cc = c + b
            buf = b
            obuf = 1 - b

            @pl.when(cc + 1 < CPW)
            def _():
                wait_idx(obuf)

            wait_gather(buf)

            @pl.when(cc + 1 < CPW)
            def _():
                start_gather(obuf)

            @pl.when(cc >= 2)
            def _():
                wait_store(buf)

            add_chunk(cc, buf)
            start_store(cc, buf)

            @pl.when(cc + 2 < CPW)
            def _():
                start_idx(cc + 2, buf)

    wait_store(0)
    wait_store(1)


_sc_call = functools.partial(
    pl.kernel,
    out_type=jax.ShapeDtypeStruct((L, D, B), jnp.float32),
    mesh=plsc.VectorSubcoreMesh(
        core_axis_name="c", subcore_axis_name="s",
        num_cores=NC, num_subcores=NS),
    scratch_types=[
        pltpu.VMEM((2, NB), jnp.int32),
        pltpu.VMEM((L * D,), jnp.float32),
        pltpu.VMEM((2 * D, 16), jnp.float32),
        pltpu.VMEM((2, NB, 128), jnp.float32),
        pltpu.VMEM((2, D, NB), jnp.float32),
        pltpu.SemaphoreType.DMA,
        pltpu.SemaphoreType.DMA,
        pltpu.SemaphoreType.DMA,
        pltpu.SemaphoreType.DMA,
        pltpu.SemaphoreType.DMA,
        pltpu.SemaphoreType.DMA,
    ],
    compiler_params=pltpu.CompilerParams(needs_layout_passes=False),
)(_sc_body)


def kernel(indices, table, W_down, b_down, W_up, b_up):
    idx0 = indices[0]
    adap = _adapter_call(idx0, W_down, b_down.reshape(1, R),
                         W_up, b_up.reshape(1, D), table)
    out_ldb = _sc_call(jnp.pad(table, ((0, 0), (0, D))),
                       indices.T.reshape(N),
                       adap.reshape(L * D))
    return out_ldb.transpose(2, 0, 1)

# --- scband reference (transcript-rebuilt; emitter-appended) ---
"""Pipeline reference for scband-embedding-adaptered-24326694764679 (READ-ONLY COPY).

The authoritative reference and input builder live on the scoring server;
editing this copy changes nothing except your own understanding.
"""

import jax, jax.numpy as jnp
import numpy as np

V = 1000000   # num_embeddings
D = 64        # embedding_dim
R = 16        # adapter bottleneck dim
B = 16384     # batch
L = 20        # hist_len


def setup_inputs(seed: int = 0) -> dict:
    key = jax.random.key(seed)
    k1, k2, k3, k4, k5 = jax.random.split(key, 5)
    indices = jax.random.randint(k1, (B, L), 0, V, dtype=jnp.int32)
    table = jax.random.normal(k2, (V, D), dtype=jnp.float32) * 0.02
    W_down = jax.random.normal(k3, (D, R), dtype=jnp.float32) * 0.02
    b_down = jnp.zeros((R,), dtype=jnp.float32)
    W_up = jax.random.normal(k4, (R, D), dtype=jnp.float32) * 0.02
    b_up = jnp.zeros((D,), dtype=jnp.float32)
    return {
        'indices': indices,
        'table': table,
        'W_down': W_down,
        'b_down': b_down,
        'W_up': W_up,
        'b_up': b_up,
    }


def _adapter(h, W_down, b_down, W_up, b_up):
    # bottleneck adapter with residual: h + up(relu(down(h)))
    mid = jax.nn.relu(jnp.einsum('bld,dr->blr', h, W_down) + b_down)
    return h + jnp.einsum('blr,rd->bld', mid, W_up) + b_up


def reference(indices, table, W_down, b_down, W_up, b_up):
    # embed_out = self.embed_layer(*x)  -> gather rows
    emb = jnp.take(table, indices, axis=0)                 # [B, L, D]
    # adapter applied to first batch element unsqueezed, then re-squeezed
    h = emb[0][None, :, :]                                 # [1, L, D]
    adapter_out = _adapter(h, W_down, b_down, W_up, b_up)[0]  # [L, D]
    # out = embed_out + adapter_out  (broadcast over batch)
    out = emb + adapter_out
    return out

if __name__ == "__main__":
    import jax
    _d = setup_inputs()
    print(jax.jit(kernel)(*tuple(_d.values())))

</pallas_src>

<mosaic_0001>
#map = affine_map<(d0, d1) -> (0, 0)>
#map1 = affine_map<(d0, d1) -> (0)>
#map2 = affine_map<(d0, d1) -> (0, 0, 0)>
module attributes {stable_mosaic.version = 14 : i64} {
  func.func @_sc_body(%arg0: i32, %arg1: i32, %arg2: memref<1000000x128xf32, #tpu.memory_space<hbm>>, %arg3: memref<327680xi32, #tpu.memory_space<hbm>>, %arg4: memref<1280xf32, #tpu.memory_space<hbm>>, %arg5: memref<20x64x16384xf32, #tpu.memory_space<hbm>>, %arg6: memref<2x256xi32, #tpu.memory_space<vmem>>, %arg7: memref<1280xf32, #tpu.memory_space<vmem>>, %arg8: memref<128x16xf32, #tpu.memory_space<vmem>>, %arg9: memref<2x256x128xf32, #tpu.memory_space<vmem>>, %arg10: memref<2x64x256xf32, #tpu.memory_space<vmem>>, %arg11: memref<!tpu.dma_semaphore, #tpu.memory_space<semaphore_mem>>, %arg12: memref<!tpu.dma_semaphore, #tpu.memory_space<semaphore_mem>>, %arg13: memref<!tpu.dma_semaphore, #tpu.memory_space<semaphore_mem>>, %arg14: memref<!tpu.dma_semaphore, #tpu.memory_space<semaphore_mem>>, %arg15: memref<!tpu.dma_semaphore, #tpu.memory_space<semaphore_mem>>, %arg16: memref<!tpu.dma_semaphore, #tpu.memory_space<semaphore_mem>>) attributes {dimension_semantics = [#tpu.dimension_semantics<core_parallel>, #tpu.dimension_semantics<subcore_parallel>], iteration_bounds = array<i64: 2, 16>, scalar_prefetch = 0 : i64, scratch_operands = 11 : i64, tpu.core_type = #tpu.core_type<sc_vector_subcore>, window_params = [{transform_indices = #map}, {transform_indices = #map1}, {transform_indices = #map1}, {transform_indices = #map2}]} {
    %mul3A = arith.constant 2 : i32
    %mul3A_0 = arith.muli %arg1, %mul3A : i32
    %add3A = arith.addi %mul3A_0, %arg0 : i32
    %mul3A_1 = arith.constant 40 : i32
    %mul3A_2 = arith.muli %add3A, %mul3A_1 : i32
    %jit3A = arith.constant 64 : i32
    %div3A = arith.divsi %mul3A_2, %jit3A : i32
    %sign3A = arith.constant 0 : i32
    %sign3A_3 = arith.cmpi sgt, %mul3A_2, %sign3A : i32
    %sign3A_4 = arith.extui %sign3A_3 : i1 to i32
    %sign3A_5 = arith.constant 0 : i32
    %sign3A_6 = arith.cmpi slt, %mul3A_2, %sign3A_5 : i32
    %sign3A_7 = arith.extui %sign3A_6 : i1 to i32
    %sign3A_8 = arith.subi %sign3A_4, %sign3A_7 : i32
    %sign3A_9 = arith.constant 0 : i32
    %sign3A_10 = arith.cmpi sgt, %jit3A, %sign3A_9 : i32
    %sign3A_11 = arith.extui %sign3A_10 : i1 to i32
    %sign3A_12 = arith.constant 0 : i32
    %sign3A_13 = arith.cmpi slt, %jit3A, %sign3A_12 : i32
    %sign3A_14 = arith.extui %sign3A_13 : i1 to i32
    %sign3A_15 = arith.subi %sign3A_11, %sign3A_14 : i32
    %ne3A = arith.cmpi ne, %sign3A_8, %sign3A_15 : i32
    %rem3A = arith.remsi %mul3A_2, %jit3A : i32
    %ne3A_16 = arith.constant 0 : i32
    %ne3A_17 = arith.cmpi ne, %rem3A, %ne3A_16 : i32
    %and3A = arith.andi %ne3A, %ne3A_17 : i1
    %sub3A = arith.constant 1 : i32
    %sub3A_18 = arith.subi %div3A, %sub3A : i32
    %select_n3A = arith.select %and3A, %sub3A_18, %div3A : i32
    "tpu.region"() ({
      %run_scoped3A = tpu.sem_alloc : memref<!tpu.dma_semaphore, #tpu.memory_space<semaphore_mem>>
      tpu.enqueue_dma source(%arg4 : memref<1280xf32, #tpu.memory_space<hbm>>) target(%arg7 : memref<1280xf32, #tpu.memory_space<vmem>>) target_semaphore(%run_scoped3A : memref<!tpu.dma_semaphore, #tpu.memory_space<semaphore_mem>>)
      tpu.wait_dma2 semaphore(%run_scoped3A : memref<!tpu.dma_semaphore, #tpu.memory_space<semaphore_mem>>) src(%arg4 : memref<1280xf32, #tpu.memory_space<hbm>>) dst(%arg7 : memref<1280xf32, #tpu.memory_space<vmem>>)
      tpu.yield
    }) : () -> ()
    %iota3A = tpu.iota {dimensions = array<i32: 0>} : vector<16xi32>
    %add3A_19 = arith.constant 0 : i32
    %add3A_20 = arith.addi %select_n3A, %add3A_19 : i32
    %min3A = arith.constant 19 : i32
    %min3A_21 = arith.minsi %add3A_20, %min3A : i32
    %mul3A_22 = arith.constant 64 : i32
    %mul3A_23 = arith.muli %min3A_21, %mul3A_22 : i32
    %add3A_24 = arith.constant 0 : i32
    %add3A_25 = arith.addi %mul3A_23, %add3A_24 : i32
    %get3A = arith.index_cast %add3A_25 : i32 to index
    %get3A_26 = tpu.vector_load %arg7[%get3A] {strides = array<i32>} : memref<1280xf32, #tpu.memory_space<vmem>>, vector<16xf32>,
    %slice3A = vector.extract_strided_slice %get3A_26 {offsets = [0], sizes = [1], strides = [1]} : vector<16xf32> to vector<1xf32>
    %squeeze3A = vector.extract %slice3A[0] : f32 from vector<1xf32>
    %broadcast_in_dim3A = vector.broadcast %squeeze3A : f32 to vector<16xf32>
    %swap3A = arith.constant 0 : i32
    %swap3A_27 = arith.index_cast %swap3A : i32 to index
    %swap3A_28 = arith.constant 0 : index
    %swap3A_29 = tpu.vector_load %arg8[%swap3A_27, %swap3A_28] {strides = array<i32>} : memref<128x16xf32, #tpu.memory_space<vmem>>, vector<16xf32>,
    tpu.vector_store %arg8[%swap3A_27, %swap3A_28], %broadcast_in_dim3A {strides = array<i32>} : memref<128x16xf32, #tpu.memory_space<vmem>>, vector<16xf32>,
    %mul3A_30 = arith.constant 64 : i32
    %mul3A_31 = arith.muli %min3A_21, %mul3A_30 : i32
    %add3A_32 = arith.constant 0 : i32
    %add3A_33 = arith.addi %mul3A_31, %add3A_32 : i32
    %get3A_34 = arith.index_cast %add3A_33 : i32 to index
    %get3A_35 = tpu.vector_load %arg7[%get3A_34] {strides = array<i32>} : memref<1280xf32, #tpu.memory_space<vmem>>, vector<16xf32>,
    %slice3A_36 = vector.extract_strided_slice %get3A_35 {offsets = [1], sizes = [1], strides = [1]} : vector<16xf32> to vector<1xf32>
    %squeeze3A_37 = vector.extract %slice3A_36[0] : f32 from vector<1xf32>
    %broadcast_in_dim3A_38 = vector.broadcast %squeeze3A_37 : f32 to vector<16xf32>
    %swap3A_39 = arith.constant 1 : i32
    %swap3A_40 = arith.index_cast %swap3A_39 : i32 to index
    %swap3A_41 = arith.constant 0 : index
    %swap3A_42 = tpu.vector_load %arg8[%swap3A_40, %swap3A_41] {strides = array<i32>} : memref<128x16xf32, #tpu.memory_space<vmem>>, vector<16xf32>,
    tpu.vector_store %arg8[%swap3A_40, %swap3A_41], %broadcast_in_dim3A_38 {strides = array<i32>} : memref<128x16xf32, #tpu.memory_space<vmem>>, vector<16xf32>,
    %mul3A_43 = arith.constant 64 : i32
    %mul3A_44 = arith.muli %min3A_21, %mul3A_43 : i32
    %add3A_45 = arith.constant 0 : i32
    %add3A_46 = arith.addi %mul3A_44, %add3A_45 : i32
    %get3A_47 = arith.index_cast %add3A_46 : i32 to index
    %get3A_48 = tpu.vector_load %arg7[%get3A_47] {strides = array<i32>} : memref<1280xf32, #tpu.memory_space<vmem>>, vector<16xf32>,
    %slice3A_49 = vector.extract_strided_slice %get3A_48 {offsets = [2], sizes = [1], strides = [1]} : vector<16xf32> to vector<1xf32>
    %squeeze3A_50 = vector.extract %slice3A_49[0] : f32 from vector<1xf32>
    %broadcast_in_dim3A_51 = vector.broadcast %squeeze3A_50 : f32 to vector<16xf32>
    %swap3A_52 = arith.constant 2 : i32
    %swap3A_53 = arith.index_cast %swap3A_52 : i32 to index
    %swap3A_54 = arith.constant 0 : index
    %swap3A_55 = tpu.vector_load %arg8[%swap3A_53, %swap3A_54] {strides = array<i32>} : memref<128x16xf32, #tpu.memory_space<vmem>>, vector<16xf32>,
    tpu.vector_store %arg8[%swap3A_53, %swap3A_54], %broadcast_in_dim3A_51 {strides = array<i32>} : memref<128x16xf32, #tpu.memory_space<vmem>>, vector<16xf32>,
    %mul3A_56 = arith.constant 64 : i32
    %mul3A_57 = arith.muli %min3A_21, %mul3A_56 : i32
    %add3A_58 = arith.constant 0 : i32
    %add3A_59 = arith.addi %mul3A_57, %add3A_58 : i32
    %get3A_60 = arith.index_cast %add3A_59 : i32 to index
    %get3A_61 = tpu.vector_load %arg7[%get3A_60] {strides = array<i32>} : memref<1280xf32, #tpu.memory_space<vmem>>, vector<16xf32>,
    %slice3A_62 = vector.extract_strided_slice %get3A_61 {offsets = [3], sizes = [1], strides = [1]} : vector<16xf32> to vector<1xf32>
    %squeeze3A_63 = vector.extract %slice3A_62[0] : f32 from vector<1xf32>
    %broadcast_in_dim3A_64 = vector.broadcast %squeeze3A_63 : f32 to vector<16xf32>
    %swap3A_65 = arith.constant 3 : i32
    %swap3A_66 = arith.index_cast %swap3A_65 : i32 to index
    %swap3A_67 = arith.constant 0 : index
    %swap3A_68 = tpu.vector_load %arg8[%swap3A_66, %swap3A_67] {strides = array<i32>} : memref<128x16xf32, #tpu.memory_space<vmem>>, vector<16xf32>,
    tpu.vector_store %arg8[%swap3A_66, %swap3A_67], %broadcast_in_dim3A_64 {strides = array<i32>} : memref<128x16xf32, #tpu.memory_space<vmem>>, vector<16xf32>,
    %mul3A_69 = arith.constant 64 : i32
    %mul3A_70 = arith.muli %min3A_21, %mul3A_69 : i32
    %add3A_71 = arith.constant 0 : i32
    %add3A_72 = arith.addi %mul3A_70, %add3A_71 : i32
    %get3A_73 = arith.index_cast %add3A_72 : i32 to index
    %get3A_74 = tpu.vector_load %arg7[%get3A_73] {strides = array<i32>} : memref<1280xf32, #tpu.memory_space<vmem>>, vector<16xf32>,
    %slice3A_75 = vector.extract_strided_slice %get3A_74 {offsets = [4], sizes = [1], strides = [1]} : vector<16xf32> to vector<1xf32>
    %squeeze3A_76 = vector.extract %slice3A_75[0] : f32 from vector<1xf32>
    %broadcast_in_dim3A_77 = vector.broadcast %squeeze3A_76 : f32 to vector<16xf32>
    %swap3A_78 = arith.constant 4 : i32
    %swap3A_79 = arith.index_cast %swap3A_78 : i32 to index
    %swap3A_80 = arith.constant 0 : index
    %swap3A_81 = tpu.vector_load %arg8[%swap3A_79, %swap3A_80] {strides = array<i32>} : memref<128x16xf32, #tpu.memory_space<vmem>>, vector<16xf32>,
    tpu.vector_store %arg8[%swap3A_79, %swap3A_80], %broadcast_in_dim3A_77 {strides = array<i32>} : memref<128x16xf32, #tpu.memory_space<vmem>>, vector<16xf32>,
    %mul3A_82 = arith.constant 64 : i32
    %mul3A_83 = arith.muli %min3A_21, %mul3A_82 : i32
    %add3A_84 = arith.constant 0 : i32
    %add3A_85 = arith.addi %mul3A_83, %add3A_84 : i32
    %get3A_86 = arith.index_cast %add3A_85 : i32 to index
    %get3A_87 = tpu.vector_load %arg7[%get3A_86] {strides = array<i32>} : memref<1280xf32, #tpu.memory_space<vmem>>, vector<16xf32>,
    %slice3A_88 = vector.extract_strided_slice %get3A_87 {offsets = [5], sizes = [1], strides = [1]} : vector<16xf32> to vector<1xf32>
    %squeeze3A_89 = vector.extract %slice3A_88[0] : f32 from vector<1xf32>
    %broadcast_in_dim3A_90 = vector.broadcast %squeeze3A_89 : f32 to vector<16xf32>
    %swap3A_91 = arith.constant 5 : i32
    %swap3A_92 = arith.index_cast %swap3A_91 : i32 to index
    %swap3A_93 = arith.constant 0 : index
    %swap3A_94 = tpu.vector_load %arg8[%swap3A_92, %swap3A_93] {strides = array<i32>} : memref<128x16xf32, #tpu.memory_space<vmem>>, vector<16xf32>,
    tpu.vector_store %arg8[%swap3A_92, %swap3A_93], %broadcast_in_dim3A_90 {strides = array<i32>} : memref<128x16xf32, #tpu.memory_space<vmem>>, vector<16xf32>,
    %mul3A_95 = arith.constant 64 : i32
    %mul3A_96 = arith.muli %min3A_21, %mul3A_95 : i32
    %add3A_97 = arith.constant 0 : i32
    %add3A_98 = arith.addi %mul3A_96, %add3A_97 : i32
    %get3A_99 = arith.index_cast %add3A_98 : i32 to index
    %get3A_100 = tpu.vector_load %arg7[%get3A_99] {strides = array<i32>} : memref<1280xf32, #tpu.memory_space<vmem>>, vector<16xf32>,
    %slice3A_101 = vector.extract_strided_slice %get3A_100 {offsets = [6], sizes = [1], strides = [1]} : vector<16xf32> to vector<1xf32>
    %squeeze3A_102 = vector.extract %slice3A_101[0] : f32 from vector<1xf32>
    %broadcast_in_dim3A_103 = vector.broadcast %squeeze3A_102 : f32 to vector<16xf32>
    %swap3A_104 = arith.constant 6 : i32
    %swap3A_105 = arith.index_cast %swap3A_104 : i32 to index
    %swap3A_106 = arith.constant 0 : index
    %swap3A_107 = tpu.vector_load %arg8[%swap3A_105, %swap3A_106] {strides = array<i32>} : memref<128x16xf32, #tpu.memory_space<vmem>>, vector<16xf32>,
    tpu.vector_store %arg8[%swap3A_105, %swap3A_106], %broadcast_in_dim3A_103 {strides = array<i32>} : memref<128x16xf32, #tpu.memory_space<vmem>>, vector<16xf32>,
    %mul3A_108 = arith.constant 64 : i32
    %mul3A_109 = arith.muli %min3A_21, %mul3A_108 : i32
    %add3A_110 = arith.constant 0 : i32
    %add3A_111 = arith.addi %mul3A_109, %add3A_110 : i32
    %get3A_112 = arith.index_cast %add3A_111 : i32 to index
    %get3A_113 = tpu.vector_load %arg7[%get3A_112] {strides = array<i32>} : memref<1280xf32, #tpu.memory_space<vmem>>, vector<16xf32>,
    %slice3A_114 = vector.extract_strided_slice %get3A_113 {offsets = [7], sizes = [1], strides = [1]} : vector<16xf32> to vector<1xf32>
    %squeeze3A_115 = vector.extract %slice3A_114[0] : f32 from vector<1xf32>
    %broadcast_in_dim3A_116 = vector.broadcast %squeeze3A_115 : f32 to vector<16xf32>
    %swap3A_117 = arith.constant 7 : i32
    %swap3A_118 = arith.index_cast %swap3A_117 : i32 to index
    %swap3A_119 = arith.constant 0 : index
    %swap3A_120 = tpu.vector_load %arg8[%swap3A_118, %swap3A_119] {strides = array<i32>} : memref<128x16xf32, #tpu.memory_space<vmem>>, vector<16xf32>,
    tpu.vector_store %arg8[%swap3A_118, %swap3A_119], %broadcast_in_dim3A_116 {strides = array<i32>} : memref<128x16xf32, #tpu.memory_space<vmem>>, vector<16xf32>,
    %mul3A_121 = arith.constant 64 : i32
    %mul3A_122 = arith.muli %min3A_21, %mul3A_121 : i32
    %add3A_123 = arith.constant 0 : i32
    %add3A_124 = arith.addi %mul3A_122, %add3A_123 : i32
    %get3A_125 = arith.index_cast %add3A_124 : i32 to index
    %get3A_126 = tpu.vector_load %arg7[%get3A_125] {strides = array<i32>} : memref<1280xf32, #tpu.memory_space<vmem>>, vector<16xf32>,
    %slice3A_127 = vector.extract_strided_slice %get3A_126 {offsets = [8], sizes = [1], strides = [1]} : vector<16xf32> to vector<1xf32>
    %squeeze3A_128 = vector.extract %slice3A_127[0] : f32 from vector<1xf32>
    %broadcast_in_dim3A_129 = vector.broadcast %squeeze3A_128 : f32 to vector<16xf32>
    %swap3A_130 = arith.constant 8 : i32
    %swap3A_131 = arith.index_cast %swap3A_130 : i32 to index
    %swap3A_132 = arith.constant 0 : index
    %swap3A_133 = tpu.vector_load %arg8[%swap3A_131, %swap3A_132] {strides = array<i32>} : memref<128x16xf32, #tpu.memory_space<vmem>>, vector<16xf32>,
    tpu.vector_store %arg8[%swap3A_131, %swap3A_132], %broadcast_in_dim3A_129 {strides = array<i32>} : memref<128x16xf32, #tpu.memory_space<vmem>>, vector<16xf32>,
    %mul3A_134 = arith.constant 64 : i32
    %mul3A_135 = arith.muli %min3A_21, %mul3A_134 : i32
    %add3A_136 = arith.constant 0 : i32
    %add3A_137 = arith.addi %mul3A_135, %add3A_136 : i32
    %get3A_138 = arith.index_cast %add3A_137 : i32 to index
    %get3A_139 = tpu.vector_load %arg7[%get3A_138] {strides = array<i32>} : memref<1280xf32, #tpu.memory_space<vmem>>, vector<16xf32>,
    %slice3A_140 = vector.extract_strided_slice %get3A_139 {offsets = [9], sizes = [1], strides = [1]} : vector<16xf32> to vector<1xf32>
    %squeeze3A_141 = vector.extract %slice3A_140[0] : f32 from vector<1xf32>
    %broadcast_in_dim3A_142 = vector.broadcast %squeeze3A_141 : f32 to vector<16xf32>
    %swap3A_143 = arith.constant 9 : i32
    %swap3A_144 = arith.index_cast %swap3A_143 : i32 to index
    %swap3A_145 = arith.constant 0 : index
    %swap3A_146 = tpu.vector_load %arg8[%swap3A_144, %swap3A_145] {strides = array<i32>} : memref<128x16xf32, #tpu.memory_space<vmem>>, vector<16xf32>,
    tpu.vector_store %arg8[%swap3A_144, %swap3A_145], %broadcast_in_dim3A_142 {strides = array<i32>} : memref<128x16xf32, #tpu.memory_space<vmem>>, vector<16xf32>,
    %mul3A_147 = arith.constant 64 : i32
    %mul3A_148 = arith.muli %min3A_21, %mul3A_147 : i32
    %add3A_149 = arith.constant 0 : i32
    %add3A_150 = arith.addi %mul3A_148, %add3A_149 : i32
    %get3A_151 = arith.index_cast %add3A_150 : i32 to index
    %get3A_152 = tpu.vector_load %arg7[%get3A_151] {strides = array<i32>} : memref<1280xf32, #tpu.memory_space<vmem>>, vector<16xf32>,
    %slice3A_153 = vector.extract_strided_slice %get3A_152 {offsets = [10], sizes = [1], strides = [1]} : vector<16xf32> to vector<1xf32>
    %squeeze3A_154 = vector.extract %slice3A_153[0] : f32 from vector<1xf32>
    %broadcast_in_dim3A_155 = vector.broadcast %squeeze3A_154 : f32 to vector<16xf32>
    %swap3A_156 = arith.constant 10 : i32
    %swap3A_157 = arith.index_cast %swap3A_156 : i32 to index
    %swap3A_158 = arith.constant 0 : index
    %swap3A_159 = tpu.vector_load %arg8[%swap3A_157, %swap3A_158] {strides = array<i32>} : memref<128x16xf32, #tpu.memory_space<vmem>>, vector<16xf32>,
    tpu.vector_store %arg8[%swap3A_157, %swap3A_158], %broadcast_in_dim3A_155 {strides = array<i32>} : memref<128x16xf32, #tpu.memory_space<vmem>>, vector<16xf32>,
    %mul3A_160 = arith.constant 64 : i32
    %mul3A_161 = arith.muli %min3A_21, %mul3A_160 : i32
    %add3A_162 = arith.constant 0 : i32
    %add3A_163 = arith.addi %mul3A_161, %add3A_162 : i32
    %get3A_164 = arith.index_cast %add3A_163 : i32 to index
    %get3A_165 = tpu.vector_load %arg7[%get3A_164] {strides = array<i32>} : memref<1280xf32, #tpu.memory_space<vmem>>, vector<16xf32>,
    %slice3A_166 = vector.extract_strided_slice %get3A_165 {offsets = [11], sizes = [1], strides = [1]} : vector<16xf32> to vector<1xf32>
    %squeeze3A_167 = vector.extract %slice3A_166[0] : f32 from vector<1xf32>
    %broadcast_in_dim3A_168 = vector.broadcast %squeeze3A_167 : f32 to vector<16xf32>
    %swap3A_169 = arith.constant 11 : i32
    %swap3A_170 = arith.index_cast %swap3A_169 : i32 to index
    %swap3A_171 = arith.constant 0 : index
    %swap3A_172 = tpu.vector_load %arg8[%swap3A_170, %swap3A_171] {strides = array<i32>} : memref<128x16xf32, #tpu.memory_space<vmem>>, vector<16xf32>,
    tpu.vector_store %arg8[%swap3A_170, %swap3A_171], %broadcast_in_dim3A_168 {strides = array<i32>} : memref<128x16xf32, #tpu.memory_space<vmem>>, vector<16xf32>,
    %mul3A_173 = arith.constant 64 : i32
    %mul3A_174 = arith.muli %min3A_21, %mul3A_173 : i32
    %add3A_175 = arith.constant 0 : i32
    %add3A_176 = arith.addi %mul3A_174, %add3A_175 : i32
    %get3A_177 = arith.index_cast %add3A_176 : i32 to index
    %get3A_178 = tpu.vector_load %arg7[%get3A_177] {strides = array<i32>} : memref<1280xf32, #tpu.memory_space<vmem>>, vector<16xf32>,
    %slice3A_179 = vector.extract_strided_slice %get3A_178 {offsets = [12], sizes = [1], strides = [1]} : vector<16xf32> to vector<1xf32>
    %squeeze3A_180 = vector.extract %slice3A_179[0] : f32 from vector<1xf32>
    %broadcast_in_dim3A_181 = vector.broadcast %squeeze3A_180 : f32 to vector<16xf32>
    %swap3A_182 = arith.constant 12 : i32
    %swap3A_183 = arith.index_cast %swap3A_182 : i32 to index
    %swap3A_184 = arith.constant 0 : index
    %swap3A_185 = tpu.vector_load %arg8[%swap3A_183, %swap3A_184] {strides = array<i32>} : memref<128x16xf32, #tpu.memory_space<vmem>>, vector<16xf32>,
    tpu.vector_store %arg8[%swap3A_183, %swap3A_184], %broadcast_in_dim3A_181 {strides = array<i32>} : memref<128x16xf32, #tpu.memory_space<vmem>>, vector<16xf32>,
    %mul3A_186 = arith.constant 64 : i32
    %mul3A_187 = arith.muli %min3A_21, %mul3A_186 : i32
    %add3A_188 = arith.constant 0 : i32
    %add3A_189 = arith.addi %mul3A_187, %add3A_188 : i32
    %get3A_190 = arith.index_cast %add3A_189 : i32 to index
    %get3A_191 = tpu.vector_load %arg7[%get3A_190] {strides = array<i32>} : memref<1280xf32, #tpu.memory_space<vmem>>, vector<16xf32>,
    %slice3A_192 = vector.extract_strided_slice %get3A_191 {offsets = [13], sizes = [1], strides = [1]} : vector<16xf32> to vector<1xf32>
    %squeeze3A_193 = vector.extract %slice3A_192[0] : f32 from vector<1xf32>
    %broadcast_in_dim3A_194 = vector.broadcast %squeeze3A_193 : f32 to vector<16xf32>
    %swap3A_195 = arith.constant 13 : i32
    %swap3A_196 = arith.index_cast %swap3A_195 : i32 to index
    %swap3A_197 = arith.constant 0 : index
    %swap3A_198 = tpu.vector_load %arg8[%swap3A_196, %swap3A_197] {strides = array<i32>} : memref<128x16xf32, #tpu.memory_space<vmem>>, vector<16xf32>,
    tpu.vector_store %arg8[%swap3A_196, %swap3A_197], %broadcast_in_dim3A_194 {strides = array<i32>} : memref<128x16xf32, #tpu.memory_space<vmem>>, vector<16xf32>,
    %mul3A_199 = arith.constant 64 : i32
    %mul3A_200 = arith.muli %min3A_21, %mul3A_199 : i32
    %add3A_201 = arith.constant 0 : i32
    %add3A_202 = arith.addi %mul3A_200, %add3A_201 : i32
    %get3A_203 = arith.index_cast %add3A_202 : i32 to index
    %get3A_204 = tpu.vector_load %arg7[%get3A_203] {strides = array<i32>} : memref<1280xf32, #tpu.memory_space<vmem>>, vector<16xf32>,
    %slice3A_205 = vector.extract_strided_slice %get3A_204 {offsets = [14], sizes = [1], strides = [1]} : vector<16xf32> to vector<1xf32>
    %squeeze3A_206 = vector.extract %slice3A_205[0] : f32 from vector<1xf32>
    %broadcast_in_dim3A_207 = vector.broadcast %squeeze3A_206 : f32 to vector<16xf32>
    %swap3A_208 = arith.constant 14 : i32
    %swap3A_209 = arith.index_cast %swap3A_208 : i32 to index
    %swap3A_210 = arith.constant 0 : index
    %swap3A_211 = tpu.vector_load %arg8[%swap3A_209, %swap3A_210] {strides = array<i32>} : memref<128x16xf32, #tpu.memory_space<vmem>>, vector<16xf32>,
    tpu.vector_store %arg8[%swap3A_209, %swap3A_210], %broadcast_in_dim3A_207 {strides = array<i32>} : memref<128x16xf32, #tpu.memory_space<vmem>>, vector<16xf32>,
    %mul3A_212 = arith.constant 64 : i32
    %mul3A_213 = arith.muli %min3A_21, %mul3A_212 : i32
    %add3A_214 = arith.constant 0 : i32
    %add3A_215 = arith.addi %mul3A_213, %add3A_214 : i32
    %get3A_216 = arith.index_cast %add3A_215 : i32 to index
    %get3A_217 = tpu.vector_load %arg7[%get3A_216] {strides = array<i32>} : memref<1280xf32, #tpu.memory_space<vmem>>, vector<16xf32>,
    %slice3A_218 = vector.extract_strided_slice %get3A_217 {offsets = [15], sizes = [1], strides = [1]} : vector<16xf32> to vector<1xf32>
    %squeeze3A_219 = vector.extract %slice3A_218[0] : f32 from vector<1xf32>
    %broadcast_in_dim3A_220 = vector.broadcast %squeeze3A_219 : f32 to vector<16xf32>
    %swap3A_221 = arith.constant 15 : i32
    %swap3A_222 = arith.index_cast %swap3A_221 : i32 to index
    %swap3A_223 = arith.constant 0 : index
    %swap3A_224 = tpu.vector_load %arg8[%swap3A_222, %swap3A_223] {strides = array<i32>} : memref<128x16xf32, #tpu.memory_space<vmem>>, vector<16xf32>,
    tpu.vector_store %arg8[%swap3A_222, %swap3A_223], %broadcast_in_dim3A_220 {strides = array<i32>} : memref<128x16xf32, #tpu.memory_space<vmem>>, vector<16xf32>,
    %mul3A_225 = arith.constant 64 : i32
    %mul3A_226 = arith.muli %min3A_21, %mul3A_225 : i32
    %add3A_227 = arith.constant 16 : i32
    %add3A_228 = arith.addi %mul3A_226, %add3A_227 : i32
    %get3A_229 = arith.index_cast %add3A_228 : i32 to index
    %get3A_230 = tpu.vector_load %arg7[%get3A_229] {strides = array<i32>} : memref<1280xf32, #tpu.memory_space<vmem>>, vector<16xf32>,
    %slice3A_231 = vector.extract_strided_slice %get3A_230 {offsets = [0], sizes = [1], strides = [1]} : vector<16xf32> to vector<1xf32>
    %squeeze3A_232 = vector.extract %slice3A_231[0] : f32 from vector<1xf32>
    %broadcast_in_dim3A_233 = vector.broadcast %squeeze3A_232 : f32 to vector<16xf32>
    %swap3A_234 = arith.constant 16 : i32
    %swap3A_235 = arith.index_cast %swap3A_234 : i32 to index
    %swap3A_236 = arith.constant 0 : index
    %swap3A_237 = tpu.vector_load %arg8[%swap3A_235, %swap3A_236] {strides = array<i32>} : memref<128x16xf32, #tpu.memory_space<vmem>>, vector<16xf32>,
    tpu.vector_store %arg8[%swap3A_235, %swap3A_236], %broadcast_in_dim3A_233 {strides = array<i32>} : memref<128x16xf32, #tpu.memory_space<vmem>>, vector<16xf32>,
    %mul3A_238 = arith.constant 64 : i32
    %mul3A_239 = arith.muli %min3A_21, %mul3A_238 : i32
    %add3A_240 = arith.constant 16 : i32
    %add3A_241 = arith.addi %mul3A_239, %add3A_240 : i32
    %get3A_242 = arith.index_cast %add3A_241 : i32 to index
    %get3A_243 = tpu.vector_load %arg7[%get3A_242] {strides = array<i32>} : memref<1280xf32, #tpu.memory_space<vmem>>, vector<16xf32>,
    %slice3A_244 = vector.extract_strided_slice %get3A_243 {offsets = [1], sizes = [1], strides = [1]} : vector<16xf32> to vector<1xf32>
    %squeeze3A_245 = vector.extract %slice3A_244[0] : f32 from vector<1xf32>
    %broadcast_in_dim3A_246 = vector.broadcast %squeeze3A_245 : f32 to vector<16xf32>
    %swap3A_247 = arith.constant 17 : i32
    %swap3A_248 = arith.index_cast %swap3A_247 : i32 to index
    %swap3A_249 = arith.constant 0 : index
    %swap3A_250 = tpu.vector_load %arg8[%swap3A_248, %swap3A_249] {strides = array<i32>} : memref<128x16xf32, #tpu.memory_space<vmem>>, vector<16xf32>,
    tpu.vector_store %arg8[%swap3A_248, %swap3A_249], %broadcast_in_dim3A_246 {strides = array<i32>} : memref<128x16xf32, #tpu.memory_space<vmem>>, vector<16xf32>,
    %mul3A_251 = arith.constant 64 : i32
    %mul3A_252 = arith.muli %min3A_21, %mul3A_251 : i32
    %add3A_253 = arith.constant 16 : i32
    %add3A_254 = arith.addi %mul3A_252, %add3A_253 : i32
    %get3A_255 = arith.index_cast %add3A_254 : i32 to index
    %get3A_256 = tpu.vector_load %arg7[%get3A_255] {strides = array<i32>} : memref<1280xf32, #tpu.memory_space<vmem>>, vector<16xf32>,
    %slice3A_257 = vector.extract_strided_slice %get3A_256 {offsets = [2], sizes = [1], strides = [1]} : vector<16xf32> to vector<1xf32>
    %squeeze3A_258 = vector.extract %slice3A_257[0] : f32 from vector<1xf32>
    %broadcast_in_dim3A_259 = vector.broadcast %squeeze3A_258 : f32 to vector<16xf32>
    %swap3A_260 = arith.constant 18 : i32
    %swap3A_261 = arith.index_cast %swap3A_260 : i32 to index
    %swap3A_262 = arith.constant 0 : index
    %swap3A_263 = tpu.vector_load %arg8[%swap3A_261, %swap3A_262] {strides = array<i32>} : memref<128x16xf32, #tpu.memory_space<vmem>>, vector<16xf32>,
    tpu.vector_store %arg8[%swap3A_261, %swap3A_262], %broadcast_in_dim3A_259 {strides = array<i32>} : memref<128x16xf32, #tpu.memory_space<vmem>>, vector<16xf32>,
    %mul3A_264 = arith.constant 64 : i32
    %mul3A_265 = arith.muli %min3A_21, %mul3A_264 : i32
    %add3A_266 = arith.constant 16 : i32
    %add3A_267 = arith.addi %mul3A_265, %add3A_266 : i32
    %get3A_268 = arith.index_cast %add3A_267 : i32 to index
    %get3A_269 = tpu.vector_load %arg7[%get3A_268] {strides = array<i32>} : memref<1280xf32, #tpu.memory_space<vmem>>, vector<16xf32>,
    %slice3A_270 = vector.extract_strided_slice %get3A_269 {offsets = [3], sizes = [1], strides = [1]} : vector<16xf32> to vector<1xf32>
    %squeeze3A_271 = vector.extract %slice3A_270[0] : f32 from vector<1xf32>
    %broadcast_in_dim3A_272 = vector.broadcast %squeeze3A_271 : f32 to vector<16xf32>
    %swap3A_273 = arith.constant 19 : i32
    %swap3A_274 = arith.index_cast %swap3A_273 : i32 to index
    %swap3A_275 = arith.constant 0 : index
    %swap3A_276 = tpu.vector_load %arg8[%swap3A_274, %swap3A_275] {strides = array<i32>} : memref<128x16xf32, #tpu.memory_space<vmem>>, vector<16xf32>,
    tpu.vector_store %arg8[%swap3A_274, %swap3A_275], %broadcast_in_dim3A_272 {strides = array<i32>} : memref<128x16xf32, #tpu.memory_space<vmem>>, vector<16xf32>,
    %mul3A_277 = arith.constant 64 : i32
    %mul3A_278 = arith.muli %min3A_21, %mul3A_277 : i32
    %add3A_279 = arith.constant 16 : i32
    %add3A_280 = arith.addi %mul3A_278, %add3A_279 : i32
    %get3A_281 = arith.index_cast %add3A_280 : i32 to index
    %get3A_282 = tpu.vector_load %arg7[%get3A_281] {strides = array<i32>} : memref<1280xf32, #tpu.memory_space<vmem>>, vector<16xf32>,
    %slice3A_283 = vector.extract_strided_slice %get3A_282 {offsets = [4], sizes = [1], strides = [1]} : vector<16xf32> to vector<1xf32>
    %squeeze3A_284 = vector.extract %slice3A_283[0] : f32 from vector<1xf32>
    %broadcast_in_dim3A_285 = vector.broadcast %squeeze3A_284 : f32 to vector<16xf32>
    %swap3A_286 = arith.constant 20 : i32
    %swap3A_287 = arith.index_cast %swap3A_286 : i32 to index
    %swap3A_288 = arith.constant 0 : index
    %swap3A_289 = tpu.vector_load %arg8[%swap3A_287, %swap3A_288] {strides = array<i32>} : memref<128x16xf32, #tpu.memory_space<vmem>>, vector<16xf32>,
    tpu.vector_store %arg8[%swap3A_287, %swap3A_288], %broadcast_in_dim3A_285 {strides = array<i32>} : memref<128x16xf32, #tpu.memory_space<vmem>>, vector<16xf32>,
    %mul3A_290 = arith.constant 64 : i32
    %mul3A_291 = arith.muli %min3A_21, %mul3A_290 : i32
    %add3A_292 = arith.constant 16 : i32
    %add3A_293 = arith.addi %mul3A_291, %add3A_292 : i32
    %get3A_294 = arith.index_cast %add3A_293 : i32 to index
    %get3A_295 = tpu.vector_load %arg7[%get3A_294] {strides = array<i32>} : memref<1280xf32, #tpu.memory_space<vmem>>, vector<16xf32>,
    %slice3A_296 = vector.extract_strided_slice %get3A_295 {offsets = [5], sizes = [1], strides = [1]} : vector<16xf32> to vector<1xf32>
    %squeeze3A_297 = vector.extract %slice3A_296[0] : f32 from vector<1xf32>
    %broadcast_in_dim3A_298 = vector.broadcast %squeeze3A_297 : f32 to vector<16xf32>
    %swap3A_299 = arith.constant 21 : i32
    %swap3A_300 = arith.index_cast %swap3A_299 : i32 to index
    %swap3A_301 = arith.constant 0 : index
    %swap3A_302 = tpu.vector_load %arg8[%swap3A_300, %swap3A_301] {strides = array<i32>} : memref<128x16xf32, #tpu.memory_space<vmem>>, vector<16xf32>,
    tpu.vector_store %arg8[%swap3A_300, %swap3A_301], %broadcast_in_dim3A_298 {strides = array<i32>} : memref<128x16xf32, #tpu.memory_space<vmem>>, vector<16xf32>,
    %mul3A_303 = arith.constant 64 : i32
    %mul3A_304 = arith.muli %min3A_21, %mul3A_303 : i32
    %add3A_305 = arith.constant 16 : i32
    %add3A_306 = arith.addi %mul3A_304, %add3A_305 : i32
    %get3A_307 = arith.index_cast %add3A_306 : i32 to index
    %get3A_308 = tpu.vector_load %arg7[%get3A_307] {strides = array<i32>} : memref<1280xf32, #tpu.memory_space<vmem>>, vector<16xf32>,
    %slice3A_309 = vector.extract_strided_slice %get3A_308 {offsets = [6], sizes = [1], strides = [1]} : vector<16xf32> to vector<1xf32>
    %squeeze3A_310 = vector.extract %slice3A_309[0] : f32 from vector<1xf32>
    %broadcast_in_dim3A_311 = vector.broadcast %squeeze3A_310 : f32 to vector<16xf32>
    %swap3A_312 = arith.constant 22 : i32
    %swap3A_313 = arith.index_cast %swap3A_312 : i32 to index
    %swap3A_314 = arith.constant 0 : index
    %swap3A_315 = tpu.vector_load %arg8[%swap3A_313, %swap3A_314] {strides = array<i32>} : memref<128x16xf32, #tpu.memory_space<vmem>>, vector<16xf32>,
    tpu.vector_store %arg8[%swap3A_313, %swap3A_314], %broadcast_in_dim3A_311 {strides = array<i32>} : memref<128x16xf32, #tpu.memory_space<vmem>>, vector<16xf32>,
    %mul3A_316 = arith.constant 64 : i32
    %mul3A_317 = arith.muli %min3A_21, %mul3A_316 : i32
    %add3A_318 = arith.constant 16 : i32
    %add3A_319 = arith.addi %mul3A_317, %add3A_318 : i32
    %get3A_320 = arith.index_cast %add3A_319 : i32 to index
    %get3A_321 = tpu.vector_load %arg7[%get3A_320] {strides = array<i32>} : memref<1280xf32, #tpu.memory_space<vmem>>, vector<16xf32>,
    %slice3A_322 = vector.extract_strided_slice %get3A_321 {offsets = [7], sizes = [1], strides = [1]} : vector<16xf32> to vector<1xf32>
    %squeeze3A_323 = vector.extract %slice3A_322[0] : f32 from vector<1xf32>
    %broadcast_in_dim3A_324 = vector.broadcast %squeeze3A_323 : f32 to vector<16xf32>
    %swap3A_325 = arith.constant 23 : i32
    %swap3A_326 = arith.index_cast %swap3A_325 : i32 to index
    %swap3A_327 = arith.constant 0 : index
    %swap3A_328 = tpu.vector_load %arg8[%swap3A_326, %swap3A_327] {strides = array<i32>} : memref<128x16xf32, #tpu.memory_space<vmem>>, vector<16xf32>,
    tpu.vector_store %arg8[%swap3A_326, %swap3A_327], %broadcast_in_dim3A_324 {strides = array<i32>} : memref<128x16xf32, #tpu.memory_space<vmem>>, vector<16xf32>,
    %mul3A_329 = arith.constant 64 : i32
    %mul3A_330 = arith.muli %min3A_21, %mul3A_329 : i32
    %add3A_331 = arith.constant 16 : i32
    %add3A_332 = arith.addi %mul3A_330, %add3A_331 : i32
    %get3A_333 = arith.index_cast %add3A_332 : i32 to index
    %get3A_334 = tpu.vector_load %arg7[%get3A_333] {strides = array<i32>} : memref<1280xf32, #tpu.memory_space<vmem>>, vector<16xf32>,
    %slice3A_335 = vector.extract_strided_slice %get3A_334 {offsets = [8], sizes = [1], strides = [1]} : vector<16xf32> to vector<1xf32>
    %squeeze3A_336 = vector.extract %slice3A_335[0] : f32 from vector<1xf32>
    %broadcast_in_dim3A_337 = vector.broadcast %squeeze3A_336 : f32 to vector<16xf32>
    %swap3A_338 = arith.constant 24 : i32
    %swap3A_339 = arith.index_cast %swap3A_338 : i32 to index
    %swap3A_340 = arith.constant 0 : index
    %swap3A_341 = tpu.vector_load %arg8[%swap3A_339, %swap3A_340] {strides = array<i32>} : memref<128x16xf32, #tpu.memory_space<vmem>>, vector<16xf32>,
    tpu.vector_store %arg8[%swap3A_339, %swap3A_340], %broadcast_in_dim3A_337 {strides = array<i32>} : memref<128x16xf32, #tpu.memory_space<vmem>>, vector<16xf32>,
    %mul3A_342 = arith.constant 64 : i32
    %mul3A_343 = arith.muli %min3A_21, %mul3A_342 : i32
    %add3A_344 = arith.constant 16 : i32
    %add3A_345 = arith.addi %mul3A_343, %add3A_344 : i32
    %get3A_346 = arith.index_cast %add3A_345 : i32 to index
    %get3A_347 = tpu.vector_load %arg7[%get3A_346] {strides = array<i32>} : memref<1280xf32, #tpu.memory_space<vmem>>, vector<16xf32>,
    %slice3A_348 = vector.extract_strided_slice %get3A_347 {offsets = [9], sizes = [1], strides = [1]} : vector<16xf32> to vector<1xf32>
    %squeeze3A_349 = vector.extract %slice3A_348[0] : f32 from vector<1xf32>
    %broadcast_in_dim3A_350 = vector.broadcast %squeeze3A_349 : f32 to vector<16xf32>
    %swap3A_351 = arith.constant 25 : i32
    %swap3A_352 = arith.index_cast %swap3A_351 : i32 to index
    %swap3A_353 = arith.constant 0 : index
    %swap3A_354 = tpu.vector_load %arg8[%swap3A_352, %swap3A_353] {strides = array<i32>} : memref<128x16xf32, #tpu.memory_space<vmem>>, vector<16xf32>,
    tpu.vector_store %arg8[%swap3A_352, %swap3A_353], %broadcast_in_dim3A_350 {strides = array<i32>} : memref<128x16xf32, #tpu.memory_space<vmem>>, vector<16xf32>,
    %mul3A_355 = arith.constant 64 : i32
    %mul3A_356 = arith.muli %min3A_21, %mul3A_355 : i32
    %add3A_357 = arith.constant 16 : i32
    %add3A_358 = arith.addi %mul3A_356, %add3A_357 : i32
    %get3A_359 = arith.index_cast %add3A_358 : i32 to index
    %get3A_360 = tpu.vector_load %arg7[%get3A_359] {strides = array<i32>} : memref<1280xf32, #tpu.memory_space<vmem>>, vector<16xf32>,
    %slice3A_361 = vector.extract_strided_slice %get3A_360 {offsets = [10], sizes = [1], strides = [1]} : vector<16xf32> to vector<1xf32>
    %squeeze3A_362 = vector.extract %slice3A_361[0] : f32 from vector<1xf32>
    %broadcast_in_dim3A_363 = vector.broadcast %squeeze3A_362 : f32 to vector<16xf32>
    %swap3A_364 = arith.constant 26 : i32
    %swap3A_365 = arith.index_cast %swap3A_364 : i32 to index
    %swap3A_366 = arith.constant 0 : index
    %swap3A_367 = tpu.vector_load %arg8[%swap3A_365, %swap3A_366] {strides = array<i32>} : memref<128x16xf32, #tpu.memory_space<vmem>>, vector<16xf32>,
    tpu.vector_store %arg8[%swap3A_365, %swap3A_366], %broadcast_in_dim3A_363 {strides = array<i32>} : memref<128x16xf32, #tpu.memory_space<vmem>>, vector<16xf32>,
    %mul3A_368 = arith.constant 64 : i32
    %mul3A_369 = arith.muli %min3A_21, %mul3A_368 : i32
    %add3A_370 = arith.constant 16 : i32
    %add3A_371 = arith.addi %mul3A_369, %add3A_370 : i32
    %get3A_372 = arith.index_cast %add3A_371 : i32 to index
    %get3A_373 = tpu.vector_load %arg7[%get3A_372] {strides = array<i32>} : memref<1280xf32, #tpu.memory_space<vmem>>, vector<16xf32>,
    %slice3A_374 = vector.extract_strided_slice %get3A_373 {offsets = [11], sizes = [1], strides = [1]} : vector<16xf32> to vector<1xf32>
    %squeeze3A_375 = vector.extract %slice3A_374[0] : f32 from vector<1xf32>
    %broadcast_in_dim3A_376 = vector.broadcast %squeeze3A_375 : f32 to vector<16xf32>
    %swap3A_377 = arith.constant 27 : i32
    %swap3A_378 = arith.index_cast %swap3A_377 : i32 to index
    %swap3A_379 = arith.constant 0 : index
    %swap3A_380 = tpu.vector_load %arg8[%swap3A_378, %swap3A_379] {strides = array<i32>} : memref<128x16xf32, #tpu.memory_space<vmem>>, vector<16xf32>,
    tpu.vector_store %arg8[%swap3A_378, %swap3A_379], %broadcast_in_dim3A_376 {strides = array<i32>} : memref<128x16xf32, #tpu.memory_space<vmem>>, vector<16xf32>,
    %mul3A_381 = arith.constant 64 : i32
    %mul3A_382 = arith.muli %min3A_21, %mul3A_381 : i32
    %add3A_383 = arith.constant 16 : i32
    %add3A_384 = arith.addi %mul3A_382, %add3A_383 : i32
    %get3A_385 = arith.index_cast %add3A_384 : i32 to index
    %get3A_386 = tpu.vector_load %arg7[%get3A_385] {strides = array<i32>} : memref<1280xf32, #tpu.memory_space<vmem>>, vector<16xf32>,
    %slice3A_387 = vector.extract_strided_slice %get3A_386 {offsets = [12], sizes = [1], strides = [1]} : vector<16xf32> to vector<1xf32>
    %squeeze3A_388 = vector.extract %slice3A_387[0] : f32 from vector<1xf32>
    %broadcast_in_dim3A_389 = vector.broadcast %squeeze3A_388 : f32 to vector<16xf32>
    %swap3A_390 = arith.constant 28 : i32
    %swap3A_391 = arith.index_cast %swap3A_390 : i32 to index
    %swap3A_392 = arith.constant 0 : index
    %swap3A_393 = tpu.vector_load %arg8[%swap3A_391, %swap3A_392] {strides = array<i32>} : memref<128x16xf32, #tpu.memory_space<vmem>>, vector<16xf32>,
    tpu.vector_store %arg8[%swap3A_391, %swap3A_392], %broadcast_in_dim3A_389 {strides = array<i32>} : memref<128x16xf32, #tpu.memory_space<vmem>>, vector<16xf32>,
    %mul3A_394 = arith.constant 64 : i32
    %mul3A_395 = arith.muli %min3A_21, %mul3A_394 : i32
    %add3A_396 = arith.constant 16 : i32
    %add3A_397 = arith.addi %mul3A_395, %add3A_396 : i32
    %get3A_398 = arith.index_cast %add3A_397 : i32 to index
    %get3A_399 = tpu.vector_load %arg7[%get3A_398] {strides = array<i32>} : memref<1280xf32, #tpu.memory_space<vmem>>, vector<16xf32>,
    %slice3A_400 = vector.extract_strided_slice %get3A_399 {offsets = [13], sizes = [1], strides = [1]} : vector<16xf32> to vector<1xf32>
    %squeeze3A_401 = vector.extract %slice3A_400[0] : f32 from vector<1xf32>
    %broadcast_in_dim3A_402 = vector.broadcast %squeeze3A_401 : f32 to vector<16xf32>
    %swap3A_403 = arith.constant 29 : i32
    %swap3A_404 = arith.index_cast %swap3A_403 : i32 to index
    %swap3A_405 = arith.constant 0 : index
    %swap3A_406 = tpu.vector_load %arg8[%swap3A_404, %swap3A_405] {strides = array<i32>} : memref<128x16xf32, #tpu.memory_space<vmem>>, vector<16xf32>,
    tpu.vector_store %arg8[%swap3A_404, %swap3A_405], %broadcast_in_dim3A_402 {strides = array<i32>} : memref<128x16xf32, #tpu.memory_space<vmem>>, vector<16xf32>,
    %mul3A_407 = arith.constant 64 : i32
    %mul3A_408 = arith.muli %min3A_21, %mul3A_407 : i32
    %add3A_409 = arith.constant 16 : i32
    %add3A_410 = arith.addi %mul3A_408, %add3A_409 : i32
    %get3A_411 = arith.index_cast %add3A_410 : i32 to index
    %get3A_412 = tpu.vector_load %arg7[%get3A_411] {strides = array<i32>} : memref<1280xf32, #tpu.memory_space<vmem>>, vector<16xf32>,
    %slice3A_413 = vector.extract_strided_slice %get3A_412 {offsets = [14], sizes = [1], strides = [1]} : vector<16xf32> to vector<1xf32>
    %squeeze3A_414 = vector.extract %slice3A_413[0] : f32 from vector<1xf32>
    %broadcast_in_dim3A_415 = vector.broadcast %squeeze3A_414 : f32 to vector<16xf32>
    %swap3A_416 = arith.constant 30 : i32
    %swap3A_417 = arith.index_cast %swap3A_416 : i32 to index
    %swap3A_418 = arith.constant 0 : index
    %swap3A_419 = tpu.vector_load %arg8[%swap3A_417, %swap3A_418] {strides = array<i32>} : memref<128x16xf32, #tpu.memory_space<vmem>>, vector<16xf32>,
    tpu.vector_store %arg8[%swap3A_417, %swap3A_418], %broadcast_in_dim3A_415 {strides = array<i32>} : memref<128x16xf32, #tpu.memory_space<vmem>>, vector<16xf32>,
    %mul3A_420 = arith.constant 64 : i32
    %mul3A_421 = arith.muli %min3A_21, %mul3A_420 : i32
    %add3A_422 = arith.constant 16 : i32
    %add3A_423 = arith.addi %mul3A_421, %add3A_422 : i32
    %get3A_424 = arith.index_cast %add3A_423 : i32 to index
    %get3A_425 = tpu.vector_load %arg7[%get3A_424] {strides = array<i32>} : memref<1280xf32, #tpu.memory_space<vmem>>, vector<16xf32>,
    %slice3A_426 = vector.extract_strided_slice %get3A_425 {offsets = [15], sizes = [1], strides = [1]} : vector<16xf32> to vector<1xf32>
    %squeeze3A_427 = vector.extract %slice3A_426[0] : f32 from vector<1xf32>
    %broadcast_in_dim3A_428 = vector.broadcast %squeeze3A_427 : f32 to vector<16xf32>
    %swap3A_429 = arith.constant 31 : i32
    %swap3A_430 = arith.index_cast %swap3A_429 : i32 to index
    %swap3A_431 = arith.constant 0 : index
    %swap3A_432 = tpu.vector_load %arg8[%swap3A_430, %swap3A_431] {strides = array<i32>} : memref<128x16xf32, #tpu.memory_space<vmem>>, vector<16xf32>,
    tpu.vector_store %arg8[%swap3A_430, %swap3A_431], %broadcast_in_dim3A_428 {strides = array<i32>} : memref<128x16xf32, #tpu.memory_space<vmem>>, vector<16xf32>,
    %mul3A_433 = arith.constant 64 : i32
    %mul3A_434 = arith.muli %min3A_21, %mul3A_433 : i32
    %add3A_435 = arith.constant 32 : i32
    %add3A_436 = arith.addi %mul3A_434, %add3A_435 : i32
    %get3A_437 = arith.index_cast %add3A_436 : i32 to index
    %get3A_438 = tpu.vector_load %arg7[%get3A_437] {strides = array<i32>} : memref<1280xf32, #tpu.memory_space<vmem>>, vector<16xf32>,
    %slice3A_439 = vector.extract_strided_slice %get3A_438 {offsets = [0], sizes = [1], strides = [1]} : vector<16xf32> to vector<1xf32>
    %squeeze3A_440 = vector.extract %slice3A_439[0] : f32 from vector<1xf32>
    %broadcast_in_dim3A_441 = vector.broadcast %squeeze3A_440 : f32 to vector<16xf32>
    %swap3A_442 = arith.constant 32 : i32
    %swap3A_443 = arith.index_cast %swap3A_442 : i32 to index
    %swap3A_444 = arith.constant 0 : index
    %swap3A_445 = tpu.vector_load %arg8[%swap3A_443, %swap3A_444] {strides = array<i32>} : memref<128x16xf32, #tpu.memory_space<vmem>>, vector<16xf32>,
    tpu.vector_store %arg8[%swap3A_443, %swap3A_444], %broadcast_in_dim3A_441 {strides = array<i32>} : memref<128x16xf32, #tpu.memory_space<vmem>>, vector<16xf32>,
    %mul3A_446 = arith.constant 64 : i32
    %mul3A_447 = arith.muli %min3A_21, %mul3A_446 : i32
    %add3A_448 = arith.constant 32 : i32
    %add3A_449 = arith.addi %mul3A_447, %add3A_448 : i32
    %get3A_450 = arith.index_cast %add3A_449 : i32 to index
    %get3A_451 = tpu.vector_load %arg7[%get3A_450] {strides = array<i32>} : memref<1280xf32, #tpu.memory_space<vmem>>, vector<16xf32>,
    %slice3A_452 = vector.extract_strided_slice %get3A_451 {offsets = [1], sizes = [1], strides = [1]} : vector<16xf32> to vector<1xf32>
    %squeeze3A_453 = vector.extract %slice3A_452[0] : f32 from vector<1xf32>
    %broadcast_in_dim3A_454 = vector.broadcast %squeeze3A_453 : f32 to vector<16xf32>
    %swap3A_455 = arith.constant 33 : i32
    %swap3A_456 = arith.index_cast %swap3A_455 : i32 to index
    %swap3A_457 = arith.constant 0 : index
    %swap3A_458 = tpu.vector_load %arg8[%swap3A_456, %swap3A_457] {strides = array<i32>} : memref<128x16xf32, #tpu.memory_space<vmem>>, vector<16xf32>,
    tpu.vector_store %arg8[%swap3A_456, %swap3A_457], %broadcast_in_dim3A_454 {strides = array<i32>} : memref<128x16xf32, #tpu.memory_space<vmem>>, vector<16xf32>,
    %mul3A_459 = arith.constant 64 : i32
    %mul3A_460 = arith.muli %min3A_21, %mul3A_459 : i32
    %add3A_461 = arith.constant 32 : i32
    %add3A_462 = arith.addi %mul3A_460, %add3A_461 : i32
    %get3A_463 = arith.index_cast %add3A_462 : i32 to index
    %get3A_464 = tpu.vector_load %arg7[%get3A_463] {strides = array<i32>} : memref<1280xf32, #tpu.memory_space<vmem>>, vector<16xf32>,
    %slice3A_465 = vector.extract_strided_slice %get3A_464 {offsets = [2], sizes = [1], strides = [1]} : vector<16xf32> to vector<1xf32>
    %squeeze3A_466 = vector.extract %slice3A_465[0] : f32 from vector<1xf32>
    %broadcast_in_dim3A_467 = vector.broadcast %squeeze3A_466 : f32 to vector<16xf32>
    %swap3A_468 = arith.constant 34 : i32
    %swap3A_469 = arith.index_cast %swap3A_468 : i32 to index
    %swap3A_470 = arith.constant 0 : index
    %swap3A_471 = tpu.vector_load %arg8[%swap3A_469, %swap3A_470] {strides = array<i32>} : memref<128x16xf32, #tpu.memory_space<vmem>>, vector<16xf32>,
    tpu.vector_store %arg8[%swap3A_469, %swap3A_470], %broadcast_in_dim3A_467 {strides = array<i32>} : memref<128x16xf32, #tpu.memory_space<vmem>>, vector<16xf32>,
    %mul3A_472 = arith.constant 64 : i32
    %mul3A_473 = arith.muli %min3A_21, %mul3A_472 : i32
    %add3A_474 = arith.constant 32 : i32
    %add3A_475 = arith.addi %mul3A_473, %add3A_474 : i32
    %get3A_476 = arith.index_cast %add3A_475 : i32 to index
    %get3A_477 = tpu.vector_load %arg7[%get3A_476] {strides = array<i32>} : memref<1280xf32, #tpu.memory_space<vmem>>, vector<16xf32>,
    %slice3A_478 = vector.extract_strided_slice %get3A_477 {offsets = [3], sizes = [1], strides = [1]} : vector<16xf32> to vector<1xf32>
    %squeeze3A_479 = vector.extract %slice3A_478[0] : f32 from vector<1xf32>
    %broadcast_in_dim3A_480 = vector.broadcast %squeeze3A_479 : f32 to vector<16xf32>
    %swap3A_481 = arith.constant 35 : i32
    %swap3A_482 = arith.index_cast %swap3A_481 : i32 to index
    %swap3A_483 = arith.constant 0 : index
    %swap3A_484 = tpu.vector_load %arg8[%swap3A_482, %swap3A_483] {strides = array<i32>} : memref<128x16xf32, #tpu.memory_space<vmem>>, vector<16xf32>,
    tpu.vector_store %arg8[%swap3A_482, %swap3A_483], %broadcast_in_dim3A_480 {strides = array<i32>} : memref<128x16xf32, #tpu.memory_space<vmem>>, vector<16xf32>,
    %mul3A_485 = arith.constant 64 : i32
    %mul3A_486 = arith.muli %min3A_21, %mul3A_485 : i32
    %add3A_487 = arith.constant 32 : i32
    %add3A_488 = arith.addi %mul3A_486, %add3A_487 : i32
    %get3A_489 = arith.index_cast %add3A_488 : i32 to index
    %get3A_490 = tpu.vector_load %arg7[%get3A_489] {strides = array<i32>} : memref<1280xf32, #tpu.memory_space<vmem>>, vector<16xf32>,
    %slice3A_491 = vector.extract_strided_slice %get3A_490 {offsets = [4], sizes = [1], strides = [1]} : vector<16xf32> to vector<1xf32>
    %squeeze3A_492 = vector.extract %slice3A_491[0] : f32 from vector<1xf32>
    %broadcast_in_dim3A_493 = vector.broadcast %squeeze3A_492 : f32 to vector<16xf32>
    %swap3A_494 = arith.constant 36 : i32
    %swap3A_495 = arith.index_cast %swap3A_494 : i32 to index
    %swap3A_496 = arith.constant 0 : index
    %swap3A_497 = tpu.vector_load %arg8[%swap3A_495, %swap3A_496] {strides = array<i32>} : memref<128x16xf32, #tpu.memory_space<vmem>>, vector<16xf32>,
    tpu.vector_store %arg8[%swap3A_495, %swap3A_496], %broadcast_in_dim3A_493 {strides = array<i32>} : memref<128x16xf32, #tpu.memory_space<vmem>>, vector<16xf32>,
    %mul3A_498 = arith.constant 64 : i32
    %mul3A_499 = arith.muli %min3A_21, %mul3A_498 : i32
    %add3A_500 = arith.constant 32 : i32
    %add3A_501 = arith.addi %mul3A_499, %add3A_500 : i32
    %get3A_502 = arith.index_cast %add3A_501 : i32 to index
    %get3A_503 = tpu.vector_load %arg7[%get3A_502] {strides = array<i32>} : memref<1280xf32, #tpu.memory_space<vmem>>, vector<16xf32>,
    %slice3A_504 = vector.extract_strided_slice %get3A_503 {offsets = [5], sizes = [1], strides = [1]} : vector<16xf32> to vector<1xf32>
    %squeeze3A_505 = vector.extract %slice3A_504[0] : f32 from vector<1xf32>
    %broadcast_in_dim3A_506 = vector.broadcast %squeeze3A_505 : f32 to vector<16xf32>
    %swap3A_507 = arith.constant 37 : i32
    %swap3A_508 = arith.index_cast %swap3A_507 : i32 to index
    %swap3A_509 = arith.constant 0 : index
    %swap3A_510 = tpu.vector_load %arg8[%swap3A_508, %swap3A_509] {strides = array<i32>} : memref<128x16xf32, #tpu.memory_space<vmem>>, vector<16xf32>,
    tpu.vector_store %arg8[%swap3A_508, %swap3A_509], %broadcast_in_dim3A_506 {strides = array<i32>} : memref<128x16xf32, #tpu.memory_space<vmem>>, vector<16xf32>,
    %mul3A_511 = arith.constant 64 : i32
    %mul3A_512 = arith.muli %min3A_21, %mul3A_511 : i32
    %add3A_513 = arith.constant 32 : i32
    %add3A_514 = arith.addi %mul3A_512, %add3A_513 : i32
    %get3A_515 = arith.index_cast %add3A_514 : i32 to index
    %get3A_516 = tpu.vector_load %arg7[%get3A_515] {strides = array<i32>} : memref<1280xf32, #tpu.memory_space<vmem>>, vector<16xf32>,
    %slice3A_517 = vector.extract_strided_slice %get3A_516 {offsets = [6], sizes = [1], strides = [1]} : vector<16xf32> to vector<1xf32>
    %squeeze3A_518 = vector.extract %slice3A_517[0] : f32 from vector<1xf32>
    %broadcast_in_dim3A_519 = vector.broadcast %squeeze3A_518 : f32 to vector<16xf32>
    %swap3A_520 = arith.constant 38 : i32
    %swap3A_521 = arith.index_cast %swap3A_520 : i32 to index
    %swap3A_522 = arith.constant 0 : index
    %swap3A_523 = tpu.vector_load %arg8[%swap3A_521, %swap3A_522] {strides = array<i32>} : memref<128x16xf32, #tpu.memory_space<vmem>>, vector<16xf32>,
    tpu.vector_store %arg8[%swap3A_521, %swap3A_522], %broadcast_in_dim3A_519 {strides = array<i32>} : memref<128x16xf32, #tpu.memory_space<vmem>>, vector<16xf32>,
    %mul3A_524 = arith.constant 64 : i32
    %mul3A_525 = arith.muli %min3A_21, %mul3A_524 : i32
    %add3A_526 = arith.constant 32 : i32
    %add3A_527 = arith.addi %mul3A_525, %add3A_526 : i32
    %get3A_528 = arith.index_cast %add3A_527 : i32 to index
    %get3A_529 = tpu.vector_load %arg7[%get3A_528] {strides = array<i32>} : memref<1280xf32, #tpu.memory_space<vmem>>, vector<16xf32>,
    %slice3A_530 = vector.extract_strided_slice %get3A_529 {offsets = [7], sizes = [1], strides = [1]} : vector<16xf32> to vector<1xf32>
    %squeeze3A_531 = vector.extract %slice3A_530[0] : f32 from vector<1xf32>
    %broadcast_in_dim3A_532 = vector.broadcast %squeeze3A_531 : f32 to vector<16xf32>
    %swap3A_533 = arith.constant 39 : i32
    %swap3A_534 = arith.index_cast %swap3A_533 : i32 to index
    %swap3A_535 = arith.constant 0 : index
    %swap3A_536 = tpu.vector_load %arg8[%swap3A_534, %swap3A_535] {strides = array<i32>} : memref<128x16xf32, #tpu.memory_space<vmem>>, vector<16xf32>,
    tpu.vector_store %arg8[%swap3A_534, %swap3A_535], %broadcast_in_dim3A_532 {strides = array<i32>} : memref<128x16xf32, #tpu.memory_space<vmem>>, vector<16xf32>,
    %mul3A_537 = arith.constant 64 : i32
    %mul3A_538 = arith.muli %min3A_21, %mul3A_537 : i32
    %add3A_539 = arith.constant 32 : i32
    %add3A_540 = arith.addi %mul3A_538, %add3A_539 : i32
    %get3A_541 = arith.index_cast %add3A_540 : i32 to index
    %get3A_542 = tpu.vector_load %arg7[%get3A_541] {strides = array<i32>} : memref<1280xf32, #tpu.memory_space<vmem>>, vector<16xf32>,
    %slice3A_543 = vector.extract_strided_slice %get3A_542 {offsets = [8], sizes = [1], strides = [1]} : vector<16xf32> to vector<1xf32>
    %squeeze3A_544 = vector.extract %slice3A_543[0] : f32 from vector<1xf32>
    %broadcast_in_dim3A_545 = vector.broadcast %squeeze3A_544 : f32 to vector<16xf32>
    %swap3A_546 = arith.constant 40 : i32
    %swap3A_547 = arith.index_cast %swap3A_546 : i32 to index
    %swap3A_548 = arith.constant 0 : index
    %swap3A_549 = tpu.vector_load %arg8[%swap3A_547, %swap3A_548] {strides = array<i32>} : memref<128x16xf32, #tpu.memory_space<vmem>>, vector<16xf32>,
    tpu.vector_store %arg8[%swap3A_547, %swap3A_548], %broadcast_in_dim3A_545 {strides = array<i32>} : memref<128x16xf32, #tpu.memory_space<vmem>>, vector<16xf32>,
    %mul3A_550 = arith.constant 64 : i32
    %mul3A_551 = arith.muli %min3A_21, %mul3A_550 : i32
    %add3A_552 = arith.constant 32 : i32
    %add3A_553 = arith.addi %mul3A_551, %add3A_552 : i32
    %get3A_554 = arith.index_cast %add3A_553 : i32 to index
    %get3A_555 = tpu.vector_load %arg7[%get3A_554] {strides = array<i32>} : memref<1280xf32, #tpu.memory_space<vmem>>, vector<16xf32>,
    %slice3A_556 = vector.extract_strided_slice %get3A_555 {offsets = [9], sizes = [1], strides = [1]} : vector<16xf32> to vector<1xf32>
    %squeeze3A_557 = vector.extract %slice3A_556[0] : f32 from vector<1xf32>
    %broadcast_in_dim3A_558 = vector.broadcast %squeeze3A_557 : f32 to vector<16xf32>
    %swap3A_559 = arith.constant 41 : i32
    %swap3A_560 = arith.index_cast %swap3A_559 : i32 to index
    %swap3A_561 = arith.constant 0 : index
    %swap3A_562 = tpu.vector_load %arg8[%swap3A_560, %swap3A_561] {strides = array<i32>} : memref<128x16xf32, #tpu.memory_space<vmem>>, vector<16xf32>,
    tpu.vector_store %arg8[%swap3A_560, %swap3A_561], %broadcast_in_dim3A_558 {strides = array<i32>} : memref<128x16xf32, #tpu.memory_space<vmem>>, vector<16xf32>,
    %mul3A_563 = arith.constant 64 : i32
    %mul3A_564 = arith.muli %min3A_21, %mul3A_563 : i32
    %add3A_565 = arith.constant 32 : i32
    %add3A_566 = arith.addi %mul3A_564, %add3A_565 : i32
    %get3A_567 = arith.index_cast %add3A_566 : i32 to index
    %get3A_568 = tpu.vector_load %arg7[%get3A_567] {strides = array<i32>} : memref<1280xf32, #tpu.memory_space<vmem>>, vector<16xf32>,
    %slice3A_569 = vector.extract_strided_slice %get3A_568 {offsets = [10], sizes = [1], strides = [1]} : vector<16xf32> to vector<1xf32>
    %squeeze3A_570 = vector.extract %slice3A_569[0] : f32 from vector<1xf32>
    %broadcast_in_dim3A_571 = vector.broadcast %squeeze3A_570 : f32 to vector<16xf32>
    %swap3A_572 = arith.constant 42 : i32
    %swap3A_573 = arith.index_cast %swap3A_572 : i32 to index
    %swap3A_574 = arith.constant 0 : index
    %swap3A_575 = tpu.vector_load %arg8[%swap3A_573, %swap3A_574] {strides = array<i32>} : memref<128x16xf32, #tpu.memory_space<vmem>>, vector<16xf32>,
    tpu.vector_store %arg8[%swap3A_573, %swap3A_574], %broadcast_in_dim3A_571 {strides = array<i32>} : memref<128x16xf32, #tpu.memory_space<vmem>>, vector<16xf32>,
    %mul3A_576 = arith.constant 64 : i32
    %mul3A_577 = arith.muli %min3A_21, %mul3A_576 : i32
    %add3A_578 = arith.constant 32 : i32
    %add3A_579 = arith.addi %mul3A_577, %add3A_578 : i32
    %get3A_580 = arith.index_cast %add3A_579 : i32 to index
    %get3A_581 = tpu.vector_load %arg7[%get3A_580] {strides = array<i32>} : memref<1280xf32, #tpu.memory_space<vmem>>, vector<16xf32>,
    %slice3A_582 = vector.extract_strided_slice %get3A_581 {offsets = [11], sizes = [1], strides = [1]} : vector<16xf32> to vector<1xf32>
    %squeeze3A_583 = vector.extract %slice3A_582[0] : f32 from vector<1xf32>
    %broadcast_in_dim3A_584 = vector.broadcast %squeeze3A_583 : f32 to vector<16xf32>
    %swap3A_585 = arith.constant 43 : i32
    %swap3A_586 = arith.index_cast %swap3A_585 : i32 to index
    %swap3A_587 = arith.constant 0 : index
    %swap3A_588 = tpu.vector_load %arg8[%swap3A_586, %swap3A_587] {strides = array<i32>} : memref<128x16xf32, #tpu.memory_space<vmem>>, vector<16xf32>,
    tpu.vector_store %arg8[%swap3A_586, %swap3A_587], %broadcast_in_dim3A_584 {strides = array<i32>} : memref<128x16xf32, #tpu.memory_space<vmem>>, vector<16xf32>,
    %mul3A_589 = arith.constant 64 : i32
    %mul3A_590 = arith.muli %min3A_21, %mul3A_589 : i32
    %add3A_591 = arith.constant 32 : i32
    %add3A_592 = arith.addi %mul3A_590, %add3A_591 : i32
    %get3A_593 = arith.index_cast %add3A_592 : i32 to index
    %get3A_594 = tpu.vector_load %arg7[%get3A_593] {strides = array<i32>} : memref<1280xf32, #tpu.memory_space<vmem>>, vector<16xf32>,
    %slice3A_595 = vector.extract_strided_slice %get3A_594 {offsets = [12], sizes = [1], strides = [1]} : vector<16xf32> to vector<1xf32>
    %squeeze3A_596 = vector.extract %slice3A_595[0] : f32 from vector<1xf32>
    %broadcast_in_dim3A_597 = vector.broadcast %squeeze3A_596 : f32 to vector<16xf32>
    %swap3A_598 = arith.constant 44 : i32
    %swap3A_599 = arith.index_cast %swap3A_598 : i32 to index
    %swap3A_600 = arith.constant 0 : index
    %swap3A_601 = tpu.vector_load %arg8[%swap3A_599, %swap3A_600] {strides = array<i32>} : memref<128x16xf32, #tpu.memory_space<vmem>>, vector<16xf32>,
    tpu.vector_store %arg8[%swap3A_599, %swap3A_600], %broadcast_in_dim3A_597 {strides = array<i32>} : memref<128x16xf32, #tpu.memory_space<vmem>>, vector<16xf32>,
    %mul3A_602 = arith.constant 64 : i32
    %mul3A_603 = arith.muli %min3A_21, %mul3A_602 : i32
    %add3A_604 = arith.constant 32 : i32
    %add3A_605 = arith.addi %mul3A_603, %add3A_604 : i32
    %get3A_606 = arith.index_cast %add3A_605 : i32 to index
    %get3A_607 = tpu.vector_load %arg7[%get3A_606] {strides = array<i32>} : memref<1280xf32, #tpu.memory_space<vmem>>, vector<16xf32>,
    %slice3A_608 = vector.extract_strided_slice %get3A_607 {offsets = [13], sizes = [1], strides = [1]} : vector<16xf32> to vector<1xf32>
    %squeeze3A_609 = vector.extract %slice3A_608[0] : f32 from vector<1xf32>
    %broadcast_in_dim3A_610 = vector.broadcast %squeeze3A_609 : f32 to vector<16xf32>
    %swap3A_611 = arith.constant 45 : i32
    %swap3A_612 = arith.index_cast %swap3A_611 : i32 to index
    %swap3A_613 = arith.constant 0 : index
    %swap3A_614 = tpu.vector_load %arg8[%swap3A_612, %swap3A_613] {strides = array<i32>} : memref<128x16xf32, #tpu.memory_space<vmem>>, vector<16xf32>,
    tpu.vector_store %arg8[%swap3A_612, %swap3A_613], %broadcast_in_dim3A_610 {strides = array<i32>} : memref<128x16xf32, #tpu.memory_space<vmem>>, vector<16xf32>,
    %mul3A_615 = arith.constant 64 : i32
    %mul3A_616 = arith.muli %min3A_21, %mul3A_615 : i32
    %add3A_617 = arith.constant 32 : i32
    %add3A_618 = arith.addi %mul3A_616, %add3A_617 : i32
    %get3A_619 = arith.index_cast %add3A_618 : i32 to index
    %get3A_620 = tpu.vector_load %arg7[%get3A_619] {strides = array<i32>} : memref<1280xf32, #tpu.memory_space<vmem>>, vector<16xf32>,
    %slice3A_621 = vector.extract_strided_slice %get3A_620 {offsets = [14], sizes = [1], strides = [1]} : vector<16xf32> to vector<1xf32>
    %squeeze3A_622 = vector.extract %slice3A_621[0] : f32 from vector<1xf32>
    %broadcast_in_dim3A_623 = vector.broadcast %squeeze3A_622 : f32 to vector<16xf32>
    %swap3A_624 = arith.constant 46 : i32
    %swap3A_625 = arith.index_cast %swap3A_624 : i32 to index
    %swap3A_626 = arith.constant 0 : index
    %swap3A_627 = tpu.vector_load %arg8[%swap3A_625, %swap3A_626] {strides = array<i32>} : memref<128x16xf32, #tpu.memory_space<vmem>>, vector<16xf32>,
    tpu.vector_store %arg8[%swap3A_625, %swap3A_626], %broadcast_in_dim3A_623 {strides = array<i32>} : memref<128x16xf32, #tpu.memory_space<vmem>>, vector<16xf32>,
    %mul3A_628 = arith.constant 64 : i32
    %mul3A_629 = arith.muli %min3A_21, %mul3A_628 : i32
    %add3A_630 = arith.constant 32 : i32
    %add3A_631 = arith.addi %mul3A_629, %add3A_630 : i32
    %get3A_632 = arith.index_cast %add3A_631 : i32 to index
    %get3A_633 = tpu.vector_load %arg7[%get3A_632] {strides = array<i32>} : memref<1280xf32, #tpu.memory_space<vmem>>, vector<16xf32>,
    %slice3A_634 = vector.extract_strided_slice %get3A_633 {offsets = [15], sizes = [1], strides = [1]} : vector<16xf32> to vector<1xf32>
    %squeeze3A_635 = vector.extract %slice3A_634[0] : f32 from vector<1xf32>
    %broadcast_in_dim3A_636 = vector.broadcast %squeeze3A_635 : f32 to vector<16xf32>
    %swap3A_637 = arith.constant 47 : i32
    %swap3A_638 = arith.index_cast %swap3A_637 : i32 to index
    %swap3A_639 = arith.constant 0 : index
    %swap3A_640 = tpu.vector_load %arg8[%swap3A_638, %swap3A_639] {strides = array<i32>} : memref<128x16xf32, #tpu.memory_space<vmem>>, vector<16xf32>,
    tpu.vector_store %arg8[%swap3A_638, %swap3A_639], %broadcast_in_dim3A_636 {strides = array<i32>} : memref<128x16xf32, #tpu.memory_space<vmem>>, vector<16xf32>,
    %mul3A_641 = arith.constant 64 : i32
    %mul3A_642 = arith.muli %min3A_21, %mul3A_641 : i32
    %add3A_643 = arith.constant 48 : i32
    %add3A_644 = arith.addi %mul3A_642, %add3A_643 : i32
    %get3A_645 = arith.index_cast %add3A_644 : i32 to index
    %get3A_646 = tpu.vector_load %arg7[%get3A_645] {strides = array<i32>} : memref<1280xf32, #tpu.memory_space<vmem>>, vector<16xf32>,
    %slice3A_647 = vector.extract_strided_slice %get3A_646 {offsets = [0], sizes = [1], strides = [1]} : vector<16xf32> to vector<1xf32>
    %squeeze3A_648 = vector.extract %slice3A_647[0] : f32 from vector<1xf32>
    %broadcast_in_dim3A_649 = vector.broadcast %squeeze3A_648 : f32 to vector<16xf32>
    %swap3A_650 = arith.constant 48 : i32
    %swap3A_651 = arith.index_cast %swap3A_650 : i32 to index
    %swap3A_652 = arith.constant 0 : index
    %swap3A_653 = tpu.vector_load %arg8[%swap3A_651, %swap3A_652] {strides = array<i32>} : memref<128x16xf32, #tpu.memory_space<vmem>>, vector<16xf32>,
    tpu.vector_store %arg8[%swap3A_651, %swap3A_652], %broadcast_in_dim3A_649 {strides = array<i32>} : memref<128x16xf32, #tpu.memory_space<vmem>>, vector<16xf32>,
    %mul3A_654 = arith.constant 64 : i32
    %mul3A_655 = arith.muli %min3A_21, %mul3A_654 : i32
    %add3A_656 = arith.constant 48 : i32
    %add3A_657 = arith.addi %mul3A_655, %add3A_656 : i32
    %get3A_658 = arith.index_cast %add3A_657 : i32 to index
    %get3A_659 = tpu.vector_load %arg7[%get3A_658] {strides = array<i32>} : memref<1280xf32, #tpu.memory_space<vmem>>, vector<16xf32>,
    %slice3A_660 = vector.extract_strided_slice %get3A_659 {offsets = [1], sizes = [1], strides = [1]} : vector<16xf32> to vector<1xf32>
    %squeeze3A_661 = vector.extract %slice3A_660[0] : f32 from vector<1xf32>
    %broadcast_in_dim3A_662 = vector.broadcast %squeeze3A_661 : f32 to vector<16xf32>
    %swap3A_663 = arith.constant 49 : i32
    %swap3A_664 = arith.index_cast %swap3A_663 : i32 to index
    %swap3A_665 = arith.constant 0 : index
    %swap3A_666 = tpu.vector_load %arg8[%swap3A_664, %swap3A_665] {strides = array<i32>} : memref<128x16xf32, #tpu.memory_space<vmem>>, vector<16xf32>,
    tpu.vector_store %arg8[%swap3A_664, %swap3A_665], %broadcast_in_dim3A_662 {strides = array<i32>} : memref<128x16xf32, #tpu.memory_space<vmem>>, vector<16xf32>,
    %mul3A_667 = arith.constant 64 : i32
    %mul3A_668 = arith.muli %min3A_21, %mul3A_667 : i32
    %add3A_669 = arith.constant 48 : i32
    %add3A_670 = arith.addi %mul3A_668, %add3A_669 : i32
    %get3A_671 = arith.index_cast %add3A_670 : i32 to index
    %get3A_672 = tpu.vector_load %arg7[%get3A_671] {strides = array<i32>} : memref<1280xf32, #tpu.memory_space<vmem>>, vector<16xf32>,
    %slice3A_673 = vector.extract_strided_slice %get3A_672 {offsets = [2], sizes = [1], strides = [1]} : vector<16xf32> to vector<1xf32>
    %squeeze3A_674 = vector.extract %slice3A_673[0] : f32 from vector<1xf32>
    %broadcast_in_dim3A_675 = vector.broadcast %squeeze3A_674 : f32 to vector<16xf32>
    %swap3A_676 = arith.constant 50 : i32
    %swap3A_677 = arith.index_cast %swap3A_676 : i32 to index
    %swap3A_678 = arith.constant 0 : index
    %swap3A_679 = tpu.vector_load %arg8[%swap3A_677, %swap3A_678] {strides = array<i32>} : memref<128x16xf32, #tpu.memory_space<vmem>>, vector<16xf32>,
    tpu.vector_store %arg8[%swap3A_677, %swap3A_678], %broadcast_in_dim3A_675 {strides = array<i32>} : memref<128x16xf32, #tpu.memory_space<vmem>>, vector<16xf32>,
    %mul3A_680 = arith.constant 64 : i32
    %mul3A_681 = arith.muli %min3A_21, %mul3A_680 : i32
    %add3A_682 = arith.constant 48 : i32
    %add3A_683 = arith.addi %mul3A_681, %add3A_682 : i32
    %get3A_684 = arith.index_cast %add3A_683 : i32 to index
    %get3A_685 = tpu.vector_load %arg7[%get3A_684] {strides = array<i32>} : memref<1280xf32, #tpu.memory_space<vmem>>, vector<16xf32>,
    %slice3A_686 = vector.extract_strided_slice %get3A_685 {offsets = [3], sizes = [1], strides = [1]} : vector<16xf32> to vector<1xf32>
    %squeeze3A_687 = vector.extract %slice3A_686[0] : f32 from vector<1xf32>
    %broadcast_in_dim3A_688 = vector.broadcast %squeeze3A_687 : f32 to vector<16xf32>
    %swap3A_689 = arith.constant 51 : i32
    %swap3A_690 = arith.index_cast %swap3A_689 : i32 to index
    %swap3A_691 = arith.constant 0 : index
    %swap3A_692 = tpu.vector_load %arg8[%swap3A_690, %swap3A_691] {strides = array<i32>} : memref<128x16xf32, #tpu.memory_space<vmem>>, vector<16xf32>,
    tpu.vector_store %arg8[%swap3A_690, %swap3A_691], %broadcast_in_dim3A_688 {strides = array<i32>} : memref<128x16xf32, #tpu.memory_space<vmem>>, vector<16xf32>,
    %mul3A_693 = arith.constant 64 : i32
    %mul3A_694 = arith.muli %min3A_21, %mul3A_693 : i32
    %add3A_695 = arith.constant 48 : i32
    %add3A_696 = arith.addi %mul3A_694, %add3A_695 : i32
    %get3A_697 = arith.index_cast %add3A_696 : i32 to index
    %get3A_698 = tpu.vector_load %arg7[%get3A_697] {strides = array<i32>} : memref<1280xf32, #tpu.memory_space<vmem>>, vector<16xf32>,
    %slice3A_699 = vector.extract_strided_slice %get3A_698 {offsets = [4], sizes = [1], strides = [1]} : vector<16xf32> to vector<1xf32>
    %squeeze3A_700 = vector.extract %slice3A_699[0] : f32 from vector<1xf32>
    %broadcast_in_dim3A_701 = vector.broadcast %squeeze3A_700 : f32 to vector<16xf32>
    %swap3A_702 = arith.constant 52 : i32
    %swap3A_703 = arith.index_cast %swap3A_702 : i32 to index
    %swap3A_704 = arith.constant 0 : index
    %swap3A_705 = tpu.vector_load %arg8[%swap3A_703, %swap3A_704] {strides = array<i32>} : memref<128x16xf32, #tpu.memory_space<vmem>>, vector<16xf32>,
    tpu.vector_store %arg8[%swap3A_703, %swap3A_704], %broadcast_in_dim3A_701 {strides = array<i32>} : memref<128x16xf32, #tpu.memory_space<vmem>>, vector<16xf32>,
    %mul3A_706 = arith.constant 64 : i32
    %mul3A_707 = arith.muli %min3A_21, %mul3A_706 : i32
    %add3A_708 = arith.constant 48 : i32
    %add3A_709 = arith.addi %mul3A_707, %add3A_708 : i32
    %get3A_710 = arith.index_cast %add3A_709 : i32 to index
    %get3A_711 = tpu.vector_load %arg7[%get3A_710] {strides = array<i32>} : memref<1280xf32, #tpu.memory_space<vmem>>, vector<16xf32>,
    %slice3A_712 = vector.extract_strided_slice %get3A_711 {offsets = [5], sizes = [1], strides = [1]} : vector<16xf32> to vector<1xf32>
    %squeeze3A_713 = vector.extract %slice3A_712[0] : f32 from vector<1xf32>
    %broadcast_in_dim3A_714 = vector.broadcast %squeeze3A_713 : f32 to vector<16xf32>
    %swap3A_715 = arith.constant 53 : i32
    %swap3A_716 = arith.index_cast %swap3A_715 : i32 to index
    %swap3A_717 = arith.constant 0 : index
    %swap3A_718 = tpu.vector_load %arg8[%swap3A_716, %swap3A_717] {strides = array<i32>} : memref<128x16xf32, #tpu.memory_space<vmem>>, vector<16xf32>,
    tpu.vector_store %arg8[%swap3A_716, %swap3A_717], %broadcast_in_dim3A_714 {strides = array<i32>} : memref<128x16xf32, #tpu.memory_space<vmem>>, vector<16xf32>,
    %mul3A_719 = arith.constant 64 : i32
    %mul3A_720 = arith.muli %min3A_21, %mul3A_719 : i32
    %add3A_721 = arith.constant 48 : i32
    %add3A_722 = arith.addi %mul3A_720, %add3A_721 : i32
    %get3A_723 = arith.index_cast %add3A_722 : i32 to index
    %get3A_724 = tpu.vector_load %arg7[%get3A_723] {strides = array<i32>} : memref<1280xf32, #tpu.memory_space<vmem>>, vector<16xf32>,
    %slice3A_725 = vector.extract_strided_slice %get3A_724 {offsets = [6], sizes = [1], strides = [1]} : vector<16xf32> to vector<1xf32>
    %squeeze3A_726 = vector.extract %slice3A_725[0] : f32 from vector<1xf32>
    %broadcast_in_dim3A_727 = vector.broadcast %squeeze3A_726 : f32 to vector<16xf32>
    %swap3A_728 = arith.constant 54 : i32
    %swap3A_729 = arith.index_cast %swap3A_728 : i32 to index
    %swap3A_730 = arith.constant 0 : index
    %swap3A_731 = tpu.vector_load %arg8[%swap3A_729, %swap3A_730] {strides = array<i32>} : memref<128x16xf32, #tpu.memory_space<vmem>>, vector<16xf32>,
    tpu.vector_store %arg8[%swap3A_729, %swap3A_730], %broadcast_in_dim3A_727 {strides = array<i32>} : memref<128x16xf32, #tpu.memory_space<vmem>>, vector<16xf32>,
    %mul3A_732 = arith.constant 64 : i32
    %mul3A_733 = arith.muli %min3A_21, %mul3A_732 : i32
    %add3A_734 = arith.constant 48 : i32
    %add3A_735 = arith.addi %mul3A_733, %add3A_734 : i32
    %get3A_736 = arith.index_cast %add3A_735 : i32 to index
    %get3A_737 = tpu.vector_load %arg7[%get3A_736] {strides = array<i32>} : memref<1280xf32, #tpu.memory_space<vmem>>, vector<16xf32>,
    %slice3A_738 = vector.extract_strided_slice %get3A_737 {offsets = [7], sizes = [1], strides = [1]} : vector<16xf32> to vector<1xf32>
    %squeeze3A_739 = vector.extract %slice3A_738[0] : f32 from vector<1xf32>
    %broadcast_in_dim3A_740 = vector.broadcast %squeeze3A_739 : f32 to vector<16xf32>
    %swap3A_741 = arith.constant 55 : i32
    %swap3A_742 = arith.index_cast %swap3A_741 : i32 to index
    %swap3A_743 = arith.constant 0 : index
    %swap3A_744 = tpu.vector_load %arg8[%swap3A_742, %swap3A_743] {strides = array<i32>} : memref<128x16xf32, #tpu.memory_space<vmem>>, vector<16xf32>,
    tpu.vector_store %arg8[%swap3A_742, %swap3A_743], %broadcast_in_dim3A_740 {strides = array<i32>} : memref<128x16xf32, #tpu.memory_space<vmem>>, vector<16xf32>,
    %mul3A_745 = arith.constant 64 : i32
    %mul3A_746 = arith.muli %min3A_21, %mul3A_745 : i32
    %add3A_747 = arith.constant 48 : i32
    %add3A_748 = arith.addi %mul3A_746, %add3A_747 : i32
    %get3A_749 = arith.index_cast %add3A_748 : i32 to index
    %get3A_750 = tpu.vector_load %arg7[%get3A_749] {strides = array<i32>} : memref<1280xf32, #tpu.memory_space<vmem>>, vector<16xf32>,
    %slice3A_751 = vector.extract_strided_slice %get3A_750 {offsets = [8], sizes = [1], strides = [1]} : vector<16xf32> to vector<1xf32>
    %squeeze3A_752 = vector.extract %slice3A_751[0] : f32 from vector<1xf32>
    %broadcast_in_dim3A_753 = vector.broadcast %squeeze3A_752 : f32 to vector<16xf32>
    %swap3A_754 = arith.constant 56 : i32
    %swap3A_755 = arith.index_cast %swap3A_754 : i32 to index
    %swap3A_756 = arith.constant 0 : index
    %swap3A_757 = tpu.vector_load %arg8[%swap3A_755, %swap3A_756] {strides = array<i32>} : memref<128x16xf32, #tpu.memory_space<vmem>>, vector<16xf32>,
    tpu.vector_store %arg8[%swap3A_755, %swap3A_756], %broadcast_in_dim3A_753 {strides = array<i32>} : memref<128x16xf32, #tpu.memory_space<vmem>>, vector<16xf32>,
    %mul3A_758 = arith.constant 64 : i32
    %mul3A_759 = arith.muli %min3A_21, %mul3A_758 : i32
    %add3A_760 = arith.constant 48 : i32
    %add3A_761 = arith.addi %mul3A_759, %add3A_760 : i32
    %get3A_762 = arith.index_cast %add3A_761 : i32 to index
    %get3A_763 = tpu.vector_load %arg7[%get3A_762] {strides = array<i32>} : memref<1280xf32, #tpu.memory_space<vmem>>, vector<16xf32>,
    %slice3A_764 = vector.extract_strided_slice %get3A_763 {offsets = [9], sizes = [1], strides = [1]} : vector<16xf32> to vector<1xf32>
    %squeeze3A_765 = vector.extract %slice3A_764[0] : f32 from vector<1xf32>
    %broadcast_in_dim3A_766 = vector.broadcast %squeeze3A_765 : f32 to vector<16xf32>
    %swap3A_767 = arith.constant 57 : i32
    %swap3A_768 = arith.index_cast %swap3A_767 : i32 to index
    %swap3A_769 = arith.constant 0 : index
    %swap3A_770 = tpu.vector_load %arg8[%swap3A_768, %swap3A_769] {strides = array<i32>} : memref<128x16xf32, #tpu.memory_space<vmem>>, vector<16xf32>,
    tpu.vector_store %arg8[%swap3A_768, %swap3A_769], %broadcast_in_dim3A_766 {strides = array<i32>} : memref<128x16xf32, #tpu.memory_space<vmem>>, vector<16xf32>,
    %mul3A_771 = arith.constant 64 : i32
    %mul3A_772 = arith.muli %min3A_21, %mul3A_771 : i32
    %add3A_773 = arith.constant 48 : i32
    %add3A_774 = arith.addi %mul3A_772, %add3A_773 : i32
    %get3A_775 = arith.index_cast %add3A_774 : i32 to index
    %get3A_776 = tpu.vector_load %arg7[%get3A_775] {strides = array<i32>} : memref<1280xf32, #tpu.memory_space<vmem>>, vector<16xf32>,
    %slice3A_777 = vector.extract_strided_slice %get3A_776 {offsets = [10], sizes = [1], strides = [1]} : vector<16xf32> to vector<1xf32>
    %squeeze3A_778 = vector.extract %slice3A_777[0] : f32 from vector<1xf32>
    %broadcast_in_dim3A_779 = vector.broadcast %squeeze3A_778 : f32 to vector<16xf32>
    %swap3A_780 = arith.constant 58 : i32
    %swap3A_781 = arith.index_cast %swap3A_780 : i32 to index
    %swap3A_782 = arith.constant 0 : index
    %swap3A_783 = tpu.vector_load %arg8[%swap3A_781, %swap3A_782] {strides = array<i32>} : memref<128x16xf32, #tpu.memory_space<vmem>>, vector<16xf32>,
    tpu.vector_store %arg8[%swap3A_781, %swap3A_782], %broadcast_in_dim3A_779 {strides = array<i32>} : memref<128x16xf32, #tpu.memory_space<vmem>>, vector<16xf32>,
    %mul3A_784 = arith.constant 64 : i32
    %mul3A_785 = arith.muli %min3A_21, %mul3A_784 : i32
    %add3A_786 = arith.constant 48 : i32
    %add3A_787 = arith.addi %mul3A_785, %add3A_786 : i32
    %get3A_788 = arith.index_cast %add3A_787 : i32 to index
    %get3A_789 = tpu.vector_load %arg7[%get3A_788] {strides = array<i32>} : memref<1280xf32, #tpu.memory_space<vmem>>, vector<16xf32>,
    %slice3A_790 = vector.extract_strided_slice %get3A_789 {offsets = [11], sizes = [1], strides = [1]} : vector<16xf32> to vector<1xf32>
    %squeeze3A_791 = vector.extract %slice3A_790[0] : f32 from vector<1xf32>
    %broadcast_in_dim3A_792 = vector.broadcast %squeeze3A_791 : f32 to vector<16xf32>
    %swap3A_793 = arith.constant 59 : i32
    %swap3A_794 = arith.index_cast %swap3A_793 : i32 to index
    %swap3A_795 = arith.constant 0 : index
    %swap3A_796 = tpu.vector_load %arg8[%swap3A_794, %swap3A_795] {strides = array<i32>} : memref<128x16xf32, #tpu.memory_space<vmem>>, vector<16xf32>,
    tpu.vector_store %arg8[%swap3A_794, %swap3A_795], %broadcast_in_dim3A_792 {strides = array<i32>} : memref<128x16xf32, #tpu.memory_space<vmem>>, vector<16xf32>,
    %mul3A_797 = arith.constant 64 : i32
    %mul3A_798 = arith.muli %min3A_21, %mul3A_797 : i32
    %add3A_799 = arith.constant 48 : i32
    %add3A_800 = arith.addi %mul3A_798, %add3A_799 : i32
    %get3A_801 = arith.index_cast %add3A_800 : i32 to index
    %get3A_802 = tpu.vector_load %arg7[%get3A_801] {strides = array<i32>} : memref<1280xf32, #tpu.memory_space<vmem>>, vector<16xf32>,
    %slice3A_803 = vector.extract_strided_slice %get3A_802 {offsets = [12], sizes = [1], strides = [1]} : vector<16xf32> to vector<1xf32>
    %squeeze3A_804 = vector.extract %slice3A_803[0] : f32 from vector<1xf32>
    %broadcast_in_dim3A_805 = vector.broadcast %squeeze3A_804 : f32 to vector<16xf32>
    %swap3A_806 = arith.constant 60 : i32
    %swap3A_807 = arith.index_cast %swap3A_806 : i32 to index
    %swap3A_808 = arith.constant 0 : index
    %swap3A_809 = tpu.vector_load %arg8[%swap3A_807, %swap3A_808] {strides = array<i32>} : memref<128x16xf32, #tpu.memory_space<vmem>>, vector<16xf32>,
    tpu.vector_store %arg8[%swap3A_807, %swap3A_808], %broadcast_in_dim3A_805 {strides = array<i32>} : memref<128x16xf32, #tpu.memory_space<vmem>>, vector<16xf32>,
    %mul3A_810 = arith.constant 64 : i32
    %mul3A_811 = arith.muli %min3A_21, %mul3A_810 : i32
    %add3A_812 = arith.constant 48 : i32
    %add3A_813 = arith.addi %mul3A_811, %add3A_812 : i32
    %get3A_814 = arith.index_cast %add3A_813 : i32 to index
    %get3A_815 = tpu.vector_load %arg7[%get3A_814] {strides = array<i32>} : memref<1280xf32, #tpu.memory_space<vmem>>, vector<16xf32>,
    %slice3A_816 = vector.extract_strided_slice %get3A_815 {offsets = [13], sizes = [1], strides = [1]} : vector<16xf32> to vector<1xf32>
    %squeeze3A_817 = vector.extract %slice3A_816[0] : f32 from vector<1xf32>
    %broadcast_in_dim3A_818 = vector.broadcast %squeeze3A_817 : f32 to vector<16xf32>
    %swap3A_819 = arith.constant 61 : i32
    %swap3A_820 = arith.index_cast %swap3A_819 : i32 to index
    %swap3A_821 = arith.constant 0 : index
    %swap3A_822 = tpu.vector_load %arg8[%swap3A_820, %swap3A_821] {strides = array<i32>} : memref<128x16xf32, #tpu.memory_space<vmem>>, vector<16xf32>,
    tpu.vector_store %arg8[%swap3A_820, %swap3A_821], %broadcast_in_dim3A_818 {strides = array<i32>} : memref<128x16xf32, #tpu.memory_space<vmem>>, vector<16xf32>,
    %mul3A_823 = arith.constant 64 : i32
    %mul3A_824 = arith.muli %min3A_21, %mul3A_823 : i32
    %add3A_825 = arith.constant 48 : i32
    %add3A_826 = arith.addi %mul3A_824, %add3A_825 : i32
    %get3A_827 = arith.index_cast %add3A_826 : i32 to index
    %get3A_828 = tpu.vector_load %arg7[%get3A_827] {strides = array<i32>} : memref<1280xf32, #tpu.memory_space<vmem>>, vector<16xf32>,
    %slice3A_829 = vector.extract_strided_slice %get3A_828 {offsets = [14], sizes = [1], strides = [1]} : vector<16xf32> to vector<1xf32>
    %squeeze3A_830 = vector.extract %slice3A_829[0] : f32 from vector<1xf32>
    %broadcast_in_dim3A_831 = vector.broadcast %squeeze3A_830 : f32 to vector<16xf32>
    %swap3A_832 = arith.constant 62 : i32
    %swap3A_833 = arith.index_cast %swap3A_832 : i32 to index
    %swap3A_834 = arith.constant 0 : index
    %swap3A_835 = tpu.vector_load %arg8[%swap3A_833, %swap3A_834] {strides = array<i32>} : memref<128x16xf32, #tpu.memory_space<vmem>>, vector<16xf32>,
    tpu.vector_store %arg8[%swap3A_833, %swap3A_834], %broadcast_in_dim3A_831 {strides = array<i32>} : memref<128x16xf32, #tpu.memory_space<vmem>>, vector<16xf32>,
    %mul3A_836 = arith.constant 64 : i32
    %mul3A_837 = arith.muli %min3A_21, %mul3A_836 : i32
    %add3A_838 = arith.constant 48 : i32
    %add3A_839 = arith.addi %mul3A_837, %add3A_838 : i32
    %get3A_840 = arith.index_cast %add3A_839 : i32 to index
    %get3A_841 = tpu.vector_load %arg7[%get3A_840] {strides = array<i32>} : memref<1280xf32, #tpu.memory_space<vmem>>, vector<16xf32>,
    %slice3A_842 = vector.extract_strided_slice %get3A_841 {offsets = [15], sizes = [1], strides = [1]} : vector<16xf32> to vector<1xf32>
    %squeeze3A_843 = vector.extract %slice3A_842[0] : f32 from vector<1xf32>
    %broadcast_in_dim3A_844 = vector.broadcast %squeeze3A_843 : f32 to vector<16xf32>
    %swap3A_845 = arith.constant 63 : i32
    %swap3A_846 = arith.index_cast %swap3A_845 : i32 to index
    %swap3A_847 = arith.constant 0 : index
    %swap3A_848 = tpu.vector_load %arg8[%swap3A_846, %swap3A_847] {strides = array<i32>} : memref<128x16xf32, #tpu.memory_space<vmem>>, vector<16xf32>,
    tpu.vector_store %arg8[%swap3A_846, %swap3A_847], %broadcast_in_dim3A_844 {strides = array<i32>} : memref<128x16xf32, #tpu.memory_space<vmem>>, vector<16xf32>,
    %add3A_849 = arith.constant 1 : i32
    %add3A_850 = arith.addi %select_n3A, %add3A_849 : i32
    %min3A_851 = arith.constant 19 : i32
    %min3A_852 = arith.minsi %add3A_850, %min3A_851 : i32
    %mul3A_853 = arith.constant 64 : i32
    %mul3A_854 = arith.muli %min3A_852, %mul3A_853 : i32
    %add3A_855 = arith.constant 0 : i32
    %add3A_856 = arith.addi %mul3A_854, %add3A_855 : i32
    %get3A_857 = arith.index_cast %add3A_856 : i32 to index
    %get3A_858 = tpu.vector_load %arg7[%get3A_857] {strides = array<i32>} : memref<1280xf32, #tpu.memory_space<vmem>>, vector<16xf32>,
    %slice3A_859 = vector.extract_strided_slice %get3A_858 {offsets = [0], sizes = [1], strides = [1]} : vector<16xf32> to vector<1xf32>
    %squeeze3A_860 = vector.extract %slice3A_859[0] : f32 from vector<1xf32>
    %broadcast_in_dim3A_861 = vector.broadcast %squeeze3A_860 : f32 to vector<16xf32>
    %swap3A_862 = arith.constant 64 : i32
    %swap3A_863 = arith.index_cast %swap3A_862 : i32 to index
    %swap3A_864 = arith.constant 0 : index
    %swap3A_865 = tpu.vector_load %arg8[%swap3A_863, %swap3A_864] {strides = array<i32>} : memref<128x16xf32, #tpu.memory_space<vmem>>, vector<16xf32>,
    tpu.vector_store %arg8[%swap3A_863, %swap3A_864], %broadcast_in_dim3A_861 {strides = array<i32>} : memref<128x16xf32, #tpu.memory_space<vmem>>, vector<16xf32>,
    %mul3A_866 = arith.constant 64 : i32
    %mul3A_867 = arith.muli %min3A_852, %mul3A_866 : i32
    %add3A_868 = arith.constant 0 : i32
    %add3A_869 = arith.addi %mul3A_867, %add3A_868 : i32
    %get3A_870 = arith.index_cast %add3A_869 : i32 to index
    %get3A_871 = tpu.vector_load %arg7[%get3A_870] {strides = array<i32>} : memref<1280xf32, #tpu.memory_space<vmem>>, vector<16xf32>,
    %slice3A_872 = vector.extract_strided_slice %get3A_871 {offsets = [1], sizes = [1], strides = [1]} : vector<16xf32> to vector<1xf32>
    %squeeze3A_873 = vector.extract %slice3A_872[0] : f32 from vector<1xf32>
    %broadcast_in_dim3A_874 = vector.broadcast %squeeze3A_873 : f32 to vector<16xf32>
    %swap3A_875 = arith.constant 65 : i32
    %swap3A_876 = arith.index_cast %swap3A_875 : i32 to index
    %swap3A_877 = arith.constant 0 : index
    %swap3A_878 = tpu.vector_load %arg8[%swap3A_876, %swap3A_877] {strides = array<i32>} : memref<128x16xf32, #tpu.memory_space<vmem>>, vector<16xf32>,
    tpu.vector_store %arg8[%swap3A_876, %swap3A_877], %broadcast_in_dim3A_874 {strides = array<i32>} : memref<128x16xf32, #tpu.memory_space<vmem>>, vector<16xf32>,
    %mul3A_879 = arith.constant 64 : i32
    %mul3A_880 = arith.muli %min3A_852, %mul3A_879 : i32
    %add3A_881 = arith.constant 0 : i32
    %add3A_882 = arith.addi %mul3A_880, %add3A_881 : i32
    %get3A_883 = arith.index_cast %add3A_882 : i32 to index
    %get3A_884 = tpu.vector_load %arg7[%get3A_883] {strides = array<i32>} : memref<1280xf32, #tpu.memory_space<vmem>>, vector<16xf32>,
    %slice3A_885 = vector.extract_strided_slice %get3A_884 {offsets = [2], sizes = [1], strides = [1]} : vector<16xf32> to vector<1xf32>
    %squeeze3A_886 = vector.extract %slice3A_885[0] : f32 from vector<1xf32>
    %broadcast_in_dim3A_887 = vector.broadcast %squeeze3A_886 : f32 to vector<16xf32>
    %swap3A_888 = arith.constant 66 : i32
    %swap3A_889 = arith.index_cast %swap3A_888 : i32 to index
    %swap3A_890 = arith.constant 0 : index
    %swap3A_891 = tpu.vector_load %arg8[%swap3A_889, %swap3A_890] {strides = array<i32>} : memref<128x16xf32, #tpu.memory_space<vmem>>, vector<16xf32>,
    tpu.vector_store %arg8[%swap3A_889, %swap3A_890], %broadcast_in_dim3A_887 {strides = array<i32>} : memref<128x16xf32, #tpu.memory_space<vmem>>, vector<16xf32>,
    %mul3A_892 = arith.constant 64 : i32
    %mul3A_893 = arith.muli %min3A_852, %mul3A_892 : i32
    %add3A_894 = arith.constant 0 : i32
    %add3A_895 = arith.addi %mul3A_893, %add3A_894 : i32
    %get3A_896 = arith.index_cast %add3A_895 : i32 to index
    %get3A_897 = tpu.vector_load %arg7[%get3A_896] {strides = array<i32>} : memref<1280xf32, #tpu.memory_space<vmem>>, vector<16xf32>,
    %slice3A_898 = vector.extract_strided_slice %get3A_897 {offsets = [3], sizes = [1], strides = [1]} : vector<16xf32> to vector<1xf32>
    %squeeze3A_899 = vector.extract %slice3A_898[0] : f32 from vector<1xf32>
    %broadcast_in_dim3A_900 = vector.broadcast %squeeze3A_899 : f32 to vector<16xf32>
    %swap3A_901 = arith.constant 67 : i32
    %swap3A_902 = arith.index_cast %swap3A_901 : i32 to index
    %swap3A_903 = arith.constant 0 : index
    %swap3A_904 = tpu.vector_load %arg8[%swap3A_902, %swap3A_903] {strides = array<i32>} : memref<128x16xf32, #tpu.memory_space<vmem>>, vector<16xf32>,
    tpu.vector_store %arg8[%swap3A_902, %swap3A_903], %broadcast_in_dim3A_900 {strides = array<i32>} : memref<128x16xf32, #tpu.memory_space<vmem>>, vector<16xf32>,
    %mul3A_905 = arith.constant 64 : i32
    %mul3A_906 = arith.muli %min3A_852, %mul3A_905 : i32
    %add3A_907 = arith.constant 0 : i32
    %add3A_908 = arith.addi %mul3A_906, %add3A_907 : i32
    %get3A_909 = arith.index_cast %add3A_908 : i32 to index
    %get3A_910 = tpu.vector_load %arg7[%get3A_909] {strides = array<i32>} : memref<1280xf32, #tpu.memory_space<vmem>>, vector<16xf32>,
    %slice3A_911 = vector.extract_strided_slice %get3A_910 {offsets = [4], sizes = [1], strides = [1]} : vector<16xf32> to vector<1xf32>
    %squeeze3A_912 = vector.extract %slice3A_911[0] : f32 from vector<1xf32>
    %broadcast_in_dim3A_913 = vector.broadcast %squeeze3A_912 : f32 to vector<16xf32>
    %swap3A_914 = arith.constant 68 : i32
    %swap3A_915 = arith.index_cast %swap3A_914 : i32 to index
    %swap3A_916 = arith.constant 0 : index
    %swap3A_917 = tpu.vector_load %arg8[%swap3A_915, %swap3A_916] {strides = array<i32>} : memref<128x16xf32, #tpu.memory_space<vmem>>, vector<16xf32>,
    tpu.vector_store %arg8[%swap3A_915, %swap3A_916], %broadcast_in_dim3A_913 {strides = array<i32>} : memref<128x16xf32, #tpu.memory_space<vmem>>, vector<16xf32>,
    %mul3A_918 = arith.constant 64 : i32
    %mul3A_919 = arith.muli %min3A_852, %mul3A_918 : i32
    %add3A_920 = arith.constant 0 : i32
    %add3A_921 = arith.addi %mul3A_919, %add3A_920 : i32
    %get3A_922 = arith.index_cast %add3A_921 : i32 to index
    %get3A_923 = tpu.vector_load %arg7[%get3A_922] {strides = array<i32>} : memref<1280xf32, #tpu.memory_space<vmem>>, vector<16xf32>,
    %slice3A_924 = vector.extract_strided_slice %get3A_923 {offsets = [5], sizes = [1], strides = [1]} : vector<16xf32> to vector<1xf32>
    %squeeze3A_925 = vector.extract %slice3A_924[0] : f32 from vector<1xf32>
    %broadcast_in_dim3A_926 = vector.broadcast %squeeze3A_925 : f32 to vector<16xf32>
    %swap3A_927 = arith.constant 69 : i32
    %swap3A_928 = arith.index_cast %swap3A_927 : i32 to index
    %swap3A_929 = arith.constant 0 : index
    %swap3A_930 = tpu.vector_load %arg8[%swap3A_928, %swap3A_929] {strides = array<i32>} : memref<128x16xf32, #tpu.memory_space<vmem>>, vector<16xf32>,
    tpu.vector_store %arg8[%swap3A_928, %swap3A_929], %broadcast_in_dim3A_926 {strides = array<i32>} : memref<128x16xf32, #tpu.memory_space<vmem>>, vector<16xf32>,
    %mul3A_931 = arith.constant 64 : i32
    %mul3A_932 = arith.muli %min3A_852, %mul3A_931 : i32
    %add3A_933 = arith.constant 0 : i32
    %add3A_934 = arith.addi %mul3A_932, %add3A_933 : i32
    %get3A_935 = arith.index_cast %add3A_934 : i32 to index
    %get3A_936 = tpu.vector_load %arg7[%get3A_935] {strides = array<i32>} : memref<1280xf32, #tpu.memory_space<vmem>>, vector<16xf32>,
    %slice3A_937 = vector.extract_strided_slice %get3A_936 {offsets = [6], sizes = [1], strides = [1]} : vector<16xf32> to vector<1xf32>
    %squeeze3A_938 = vector.extract %slice3A_937[0] : f32 from vector<1xf32>
    %broadcast_in_dim3A_939 = vector.broadcast %squeeze3A_938 : f32 to vector<16xf32>
    %swap3A_940 = arith.constant 70 : i32
    %swap3A_941 = arith.index_cast %swap3A_940 : i32 to index
    %swap3A_942 = arith.constant 0 : index
    %swap3A_943 = tpu.vector_load %arg8[%swap3A_941, %swap3A_942] {strides = array<i32>} : memref<128x16xf32, #tpu.memory_space<vmem>>, vector<16xf32>,
    tpu.vector_store %arg8[%swap3A_941, %swap3A_942], %broadcast_in_dim3A_939 {strides = array<i32>} : memref<128x16xf32, #tpu.memory_space<vmem>>, vector<16xf32>,
    %mul3A_944 = arith.constant 64 : i32
    %mul3A_945 = arith.muli %min3A_852, %mul3A_944 : i32
    %add3A_946 = arith.constant 0 : i32
    %add3A_947 = arith.addi %mul3A_945, %add3A_946 : i32
    %get3A_948 = arith.index_cast %add3A_947 : i32 to index
    %get3A_949 = tpu.vector_load %arg7[%get3A_948] {strides = array<i32>} : memref<1280xf32, #tpu.memory_space<vmem>>, vector<16xf32>,
    %slice3A_950 = vector.extract_strided_slice %get3A_949 {offsets = [7], sizes = [1], strides = [1]} : vector<16xf32> to vector<1xf32>
    %squeeze3A_951 = vector.extract %slice3A_950[0] : f32 from vector<1xf32>
    %broadcast_in_dim3A_952 = vector.broadcast %squeeze3A_951 : f32 to vector<16xf32>
    %swap3A_953 = arith.constant 71 : i32
    %swap3A_954 = arith.index_cast %swap3A_953 : i32 to index
    %swap3A_955 = arith.constant 0 : index
    %swap3A_956 = tpu.vector_load %arg8[%swap3A_954, %swap3A_955] {strides = array<i32>} : memref<128x16xf32, #tpu.memory_space<vmem>>, vector<16xf32>,
    tpu.vector_store %arg8[%swap3A_954, %swap3A_955], %broadcast_in_dim3A_952 {strides = array<i32>} : memref<128x16xf32, #tpu.memory_space<vmem>>, vector<16xf32>,
    %mul3A_957 = arith.constant 64 : i32
    %mul3A_958 = arith.muli %min3A_852, %mul3A_957 : i32
    %add3A_959 = arith.constant 0 : i32
    %add3A_960 = arith.addi %mul3A_958, %add3A_959 : i32
    %get3A_961 = arith.index_cast %add3A_960 : i32 to index
    %get3A_962 = tpu.vector_load %arg7[%get3A_961] {strides = array<i32>} : memref<1280xf32, #tpu.memory_space<vmem>>, vector<16xf32>,
    %slice3A_963 = vector.extract_strided_slice %get3A_962 {offsets = [8], sizes = [1], strides = [1]} : vector<16xf32> to vector<1xf32>
    %squeeze3A_964 = vector.extract %slice3A_963[0] : f32 from vector<1xf32>
    %broadcast_in_dim3A_965 = vector.broadcast %squeeze3A_964 : f32 to vector<16xf32>
    %swap3A_966 = arith.constant 72 : i32
    %swap3A_967 = arith.index_cast %swap3A_966 : i32 to index
    %swap3A_968 = arith.constant 0 : index
    %swap3A_969 = tpu.vector_load %arg8[%swap3A_967, %swap3A_968] {strides = array<i32>} : memref<128x16xf32, #tpu.memory_space<vmem>>, vector<16xf32>,
    tpu.vector_store %arg8[%swap3A_967, %swap3A_968], %broadcast_in_dim3A_965 {strides = array<i32>} : memref<128x16xf32, #tpu.memory_space<vmem>>, vector<16xf32>,
    %mul3A_970 = arith.constant 64 : i32
    %mul3A_971 = arith.muli %min3A_852, %mul3A_970 : i32
    %add3A_972 = arith.constant 0 : i32
    %add3A_973 = arith.addi %mul3A_971, %add3A_972 : i32
    %get3A_974 = arith.index_cast %add3A_973 : i32 to index
    %get3A_975 = tpu.vector_load %arg7[%get3A_974] {strides = array<i32>} : memref<1280xf32, #tpu.memory_space<vmem>>, vector<16xf32>,
    %slice3A_976 = vector.extract_strided_slice %get3A_975 {offsets = [9], sizes = [1], strides = [1]} : vector<16xf32> to vector<1xf32>
    %squeeze3A_977 = vector.extract %slice3A_976[0] : f32 from vector<1xf32>
    %broadcast_in_dim3A_978 = vector.broadcast %squeeze3A_977 : f32 to vector<16xf32>
    %swap3A_979 = arith.constant 73 : i32
    %swap3A_980 = arith.index_cast %swap3A_979 : i32 to index
    %swap3A_981 = arith.constant 0 : index
    %swap3A_982 = tpu.vector_load %arg8[%swap3A_980, %swap3A_981] {strides = array<i32>} : memref<128x16xf32, #tpu.memory_space<vmem>>, vector<16xf32>,
    tpu.vector_store %arg8[%swap3A_980, %swap3A_981], %broadcast_in_dim3A_978 {strides = array<i32>} : memref<128x16xf32, #tpu.memory_space<vmem>>, vector<16xf32>,
    %mul3A_983 = arith.constant 64 : i32
    %mul3A_984 = arith.muli %min3A_852, %mul3A_983 : i32
    %add3A_985 = arith.constant 0 : i32
    %add3A_986 = arith.addi %mul3A_984, %add3A_985 : i32
    %get3A_987 = arith.index_cast %add3A_986 : i32 to index
    %get3A_988 = tpu.vector_load %arg7[%get3A_987] {strides = array<i32>} : memref<1280xf32, #tpu.memory_space<vmem>>, vector<16xf32>,
    %slice3A_989 = vector.extract_strided_slice %get3A_988 {offsets = [10], sizes = [1], strides = [1]} : vector<16xf32> to vector<1xf32>
    %squeeze3A_990 = vector.extract %slice3A_989[0] : f32 from vector<1xf32>
    %broadcast_in_dim3A_991 = vector.broadcast %squeeze3A_990 : f32 to vector<16xf32>
    %swap3A_992 = arith.constant 74 : i32
    %swap3A_993 = arith.index_cast %swap3A_992 : i32 to index
    %swap3A_994 = arith.constant 0 : index
    %swap3A_995 = tpu.vector_load %arg8[%swap3A_993, %swap3A_994] {strides = array<i32>} : memref<128x16xf32, #tpu.memory_space<vmem>>, vector<16xf32>,
    tpu.vector_store %arg8[%swap3A_993, %swap3A_994], %broadcast_in_dim3A_991 {strides = array<i32>} : memref<128x16xf32, #tpu.memory_space<vmem>>, vector<16xf32>,
    %mul3A_996 = arith.constant 64 : i32
    %mul3A_997 = arith.muli %min3A_852, %mul3A_996 : i32
    %add3A_998 = arith.constant 0 : i32
    %add3A_999 = arith.addi %mul3A_997, %add3A_998 : i32
    %get3A_1000 = arith.index_cast %add3A_999 : i32 to index
    %get3A_1001 = tpu.vector_load %arg7[%get3A_1000] {strides = array<i32>} : memref<1280xf32, #tpu.memory_space<vmem>>, vector<16xf32>,
    %slice3A_1002 = vector.extract_strided_slice %get3A_1001 {offsets = [11], sizes = [1], strides = [1]} : vector<16xf32> to vector<1xf32>
    %squeeze3A_1003 = vector.extract %slice3A_1002[0] : f32 from vector<1xf32>
    %broadcast_in_dim3A_1004 = vector.broadcast %squeeze3A_1003 : f32 to vector<16xf32>
    %swap3A_1005 = arith.constant 75 : i32
    %swap3A_1006 = arith.index_cast %swap3A_1005 : i32 to index
    %swap3A_1007 = arith.constant 0 : index
    %swap3A_1008 = tpu.vector_load %arg8[%swap3A_1006, %swap3A_1007] {strides = array<i32>} : memref<128x16xf32, #tpu.memory_space<vmem>>, vector<16xf32>,
    tpu.vector_store %arg8[%swap3A_1006, %swap3A_1007], %broadcast_in_dim3A_1004 {strides = array<i32>} : memref<128x16xf32, #tpu.memory_space<vmem>>, vector<16xf32>,
    %mul3A_1009 = arith.constant 64 : i32
    %mul3A_1010 = arith.muli %min3A_852, %mul3A_1009 : i32
    %add3A_1011 = arith.constant 0 : i32
    %add3A_1012 = arith.addi %mul3A_1010, %add3A_1011 : i32
    %get3A_1013 = arith.index_cast %add3A_1012 : i32 to index
    %get3A_1014 = tpu.vector_load %arg7[%get3A_1013] {strides = array<i32>} : memref<1280xf32, #tpu.memory_space<vmem>>, vector<16xf32>,
    %slice3A_1015 = vector.extract_strided_slice %get3A_1014 {offsets = [12], sizes = [1], strides = [1]} : vector<16xf32> to vector<1xf32>
    %squeeze3A_1016 = vector.extract %slice3A_1015[0] : f32 from vector<1xf32>
    %broadcast_in_dim3A_1017 = vector.broadcast %squeeze3A_1016 : f32 to vector<16xf32>
    %swap3A_1018 = arith.constant 76 : i32
    %swap3A_1019 = arith.index_cast %swap3A_1018 : i32 to index
    %swap3A_1020 = arith.constant 0 : index
    %swap3A_1021 = tpu.vector_load %arg8[%swap3A_1019, %swap3A_1020] {strides = array<i32>} : memref<128x16xf32, #tpu.memory_space<vmem>>, vector<16xf32>,
    tpu.vector_store %arg8[%swap3A_1019, %swap3A_1020], %broadcast_in_dim3A_1017 {strides = array<i32>} : memref<128x16xf32, #tpu.memory_space<vmem>>, vector<16xf32>,
    %mul3A_1022 = arith.constant 64 : i32
    %mul3A_1023 = arith.muli %min3A_852, %mul3A_1022 : i32
    %add3A_1024 = arith.constant 0 : i32
    %add3A_1025 = arith.addi %mul3A_1023, %add3A_1024 : i32
    %get3A_1026 = arith.index_cast %add3A_1025 : i32 to index
    %get3A_1027 = tpu.vector_load %arg7[%get3A_1026] {strides = array<i32>} : memref<1280xf32, #tpu.memory_space<vmem>>, vector<16xf32>,
    %slice3A_1028 = vector.extract_strided_slice %get3A_1027 {offsets = [13], sizes = [1], strides = [1]} : vector<16xf32> to vector<1xf32>
    %squeeze3A_1029 = vector.extract %slice3A_1028[0] : f32 from vector<1xf32>
    %broadcast_in_dim3A_1030 = vector.broadcast %squeeze3A_1029 : f32 to vector<16xf32>
    %swap3A_1031 = arith.constant 77 : i32
    %swap3A_1032 = arith.index_cast %swap3A_1031 : i32 to index
    %swap3A_1033 = arith.constant 0 : index
    %swap3A_1034 = tpu.vector_load %arg8[%swap3A_1032, %swap3A_1033] {strides = array<i32>} : memref<128x16xf32, #tpu.memory_space<vmem>>, vector<16xf32>,
    tpu.vector_store %arg8[%swap3A_1032, %swap3A_1033], %broadcast_in_dim3A_1030 {strides = array<i32>} : memref<128x16xf32, #tpu.memory_space<vmem>>, vector<16xf32>,
    %mul3A_1035 = arith.constant 64 : i32
    %mul3A_1036 = arith.muli %min3A_852, %mul3A_1035 : i32
    %add3A_1037 = arith.constant 0 : i32
    %add3A_1038 = arith.addi %mul3A_1036, %add3A_1037 : i32
    %get3A_1039 = arith.index_cast %add3A_1038 : i32 to index
    %get3A_1040 = tpu.vector_load %arg7[%get3A_1039] {strides = array<i32>} : memref<1280xf32, #tpu.memory_space<vmem>>, vector<16xf32>,
    %slice3A_1041 = vector.extract_strided_slice %get3A_1040 {offsets = [14], sizes = [1], strides = [1]} : vector<16xf32> to vector<1xf32>
    %squeeze3A_1042 = vector.extract %slice3A_1041[0] : f32 from vector<1xf32>
    %broadcast_in_dim3A_1043 = vector.broadcast %squeeze3A_1042 : f32 to vector<16xf32>
    %swap3A_1044 = arith.constant 78 : i32
    %swap3A_1045 = arith.index_cast %swap3A_1044 : i32 to index
    %swap3A_1046 = arith.constant 0 : index
    %swap3A_1047 = tpu.vector_load %arg8[%swap3A_1045, %swap3A_1046] {strides = array<i32>} : memref<128x16xf32, #tpu.memory_space<vmem>>, vector<16xf32>,
    tpu.vector_store %arg8[%swap3A_1045, %swap3A_1046], %broadcast_in_dim3A_1043 {strides = array<i32>} : memref<128x16xf32, #tpu.memory_space<vmem>>, vector<16xf32>,
    %mul3A_1048 = arith.constant 64 : i32
    %mul3A_1049 = arith.muli %min3A_852, %mul3A_1048 : i32
    %add3A_1050 = arith.constant 0 : i32
    %add3A_1051 = arith.addi %mul3A_1049, %add3A_1050 : i32
    %get3A_1052 = arith.index_cast %add3A_1051 : i32 to index
    %get3A_1053 = tpu.vector_load %arg7[%get3A_1052] {strides = array<i32>} : memref<1280xf32, #tpu.memory_space<vmem>>, vector<16xf32>,
    %slice3A_1054 = vector.extract_strided_slice %get3A_1053 {offsets = [15], sizes = [1], strides = [1]} : vector<16xf32> to vector<1xf32>
    %squeeze3A_1055 = vector.extract %slice3A_1054[0] : f32 from vector<1xf32>
    %broadcast_in_dim3A_1056 = vector.broadcast %squeeze3A_1055 : f32 to vector<16xf32>
    %swap3A_1057 = arith.constant 79 : i32
    %swap3A_1058 = arith.index_cast %swap3A_1057 : i32 to index
    %swap3A_1059 = arith.constant 0 : index
    %swap3A_1060 = tpu.vector_load %arg8[%swap3A_1058, %swap3A_1059] {strides = array<i32>} : memref<128x16xf32, #tpu.memory_space<vmem>>, vector<16xf32>,
    tpu.vector_store %arg8[%swap3A_1058, %swap3A_1059], %broadcast_in_dim3A_1056 {strides = array<i32>} : memref<128x16xf32, #tpu.memory_space<vmem>>, vector<16xf32>,
    %mul3A_1061 = arith.constant 64 : i32
    %mul3A_1062 = arith.muli %min3A_852, %mul3A_1061 : i32
    %add3A_1063 = arith.constant 16 : i32
    %add3A_1064 = arith.addi %mul3A_1062, %add3A_1063 : i32
    %get3A_1065 = arith.index_cast %add3A_1064 : i32 to index
    %get3A_1066 = tpu.vector_load %arg7[%get3A_1065] {strides = array<i32>} : memref<1280xf32, #tpu.memory_space<vmem>>, vector<16xf32>,
    %slice3A_1067 = vector.extract_strided_slice %get3A_1066 {offsets = [0], sizes = [1], strides = [1]} : vector<16xf32> to vector<1xf32>
    %squeeze3A_1068 = vector.extract %slice3A_1067[0] : f32 from vector<1xf32>
    %broadcast_in_dim3A_1069 = vector.broadcast %squeeze3A_1068 : f32 to vector<16xf32>
    %swap3A_1070 = arith.constant 80 : i32
    %swap3A_1071 = arith.index_cast %swap3A_1070 : i32 to index
    %swap3A_1072 = arith.constant 0 : index
    %swap3A_1073 = tpu.vector_load %arg8[%swap3A_1071, %swap3A_1072] {strides = array<i32>} : memref<128x16xf32, #tpu.memory_space<vmem>>, vector<16xf32>,
    tpu.vector_store %arg8[%swap3A_1071, %swap3A_1072], %broadcast_in_dim3A_1069 {strides = array<i32>} : memref<128x16xf32, #tpu.memory_space<vmem>>, vector<16xf32>,
    %mul3A_1074 = arith.constant 64 : i32
    %mul3A_1075 = arith.muli %min3A_852, %mul3A_1074 : i32
    %add3A_1076 = arith.constant 16 : i32
    %add3A_1077 = arith.addi %mul3A_1075, %add3A_1076 : i32
    %get3A_1078 = arith.index_cast %add3A_1077 : i32 to index
    %get3A_1079 = tpu.vector_load %arg7[%get3A_1078] {strides = array<i32>} : memref<1280xf32, #tpu.memory_space<vmem>>, vector<16xf32>,
    %slice3A_1080 = vector.extract_strided_slice %get3A_1079 {offsets = [1], sizes = [1], strides = [1]} : vector<16xf32> to vector<1xf32>
    %squeeze3A_1081 = vector.extract %slice3A_1080[0] : f32 from vector<1xf32>
    %broadcast_in_dim3A_1082 = vector.broadcast %squeeze3A_1081 : f32 to vector<16xf32>
    %swap3A_1083 = arith.constant 81 : i32
    %swap3A_1084 = arith.index_cast %swap3A_1083 : i32 to index
    %swap3A_1085 = arith.constant 0 : index
    %swap3A_1086 = tpu.vector_load %arg8[%swap3A_1084, %swap3A_1085] {strides = array<i32>} : memref<128x16xf32, #tpu.memory_space<vmem>>, vector<16xf32>,
    tpu.vector_store %arg8[%swap3A_1084, %swap3A_1085], %broadcast_in_dim3A_1082 {strides = array<i32>} : memref<128x16xf32, #tpu.memory_space<vmem>>, vector<16xf32>,
    %mul3A_1087 = arith.constant 64 : i32
    %mul3A_1088 = arith.muli %min3A_852, %mul3A_1087 : i32
    %add3A_1089 = arith.constant 16 : i32
    %add3A_1090 = arith.addi %mul3A_1088, %add3A_1089 : i32
    %get3A_1091 = arith.index_cast %add3A_1090 : i32 to index
    %get3A_1092 = tpu.vector_load %arg7[%get3A_1091] {strides = array<i32>} : memref<1280xf32, #tpu.memory_space<vmem>>, vector<16xf32>,
    %slice3A_1093 = vector.extract_strided_slice %get3A_1092 {offsets = [2], sizes = [1], strides = [1]} : vector<16xf32> to vector<1xf32>
    %squeeze3A_1094 = vector.extract %slice3A_1093[0] : f32 from vector<1xf32>
    %broadcast_in_dim3A_1095 = vector.broadcast %squeeze3A_1094 : f32 to vector<16xf32>
    %swap3A_1096 = arith.constant 82 : i32
    %swap3A_1097 = arith.index_cast %swap3A_1096 : i32 to index
    %swap3A_1098 = arith.constant 0 : index
    %swap3A_1099 = tpu.vector_load %arg8[%swap3A_1097, %swap3A_1098] {strides = array<i32>} : memref<128x16xf32, #tpu.memory_space<vmem>>, vector<16xf32>,
    tpu.vector_store %arg8[%swap3A_1097, %swap3A_1098], %broadcast_in_dim3A_1095 {strides = array<i32>} : memref<128x16xf32, #tpu.memory_space<vmem>>, vector<16xf32>,
    %mul3A_1100 = arith.constant 64 : i32
    %mul3A_1101 = arith.muli %min3A_852, %mul3A_1100 : i32
    %add3A_1102 = arith.constant 16 : i32
    %add3A_1103 = arith.addi %mul3A_1101, %add3A_1102 : i32
    %get3A_1104 = arith.index_cast %add3A_1103 : i32 to index
    %get3A_1105 = tpu.vector_load %arg7[%get3A_1104] {strides = array<i32>} : memref<1280xf32, #tpu.memory_space<vmem>>, vector<16xf32>,
    %slice3A_1106 = vector.extract_strided_slice %get3A_1105 {offsets = [3], sizes = [1], strides = [1]} : vector<16xf32> to vector<1xf32>
    %squeeze3A_1107 = vector.extract %slice3A_1106[0] : f32 from vector<1xf32>
    %broadcast_in_dim3A_1108 = vector.broadcast %squeeze3A_1107 : f32 to vector<16xf32>
    %swap3A_1109 = arith.constant 83 : i32
    %swap3A_1110 = arith.index_cast %swap3A_1109 : i32 to index
    %swap3A_1111 = arith.constant 0 : index
    %swap3A_1112 = tpu.vector_load %arg8[%swap3A_1110, %swap3A_1111] {strides = array<i32>} : memref<128x16xf32, #tpu.memory_space<vmem>>, vector<16xf32>,
    tpu.vector_store %arg8[%swap3A_1110, %swap3A_1111], %broadcast_in_dim3A_1108 {strides = array<i32>} : memref<128x16xf32, #tpu.memory_space<vmem>>, vector<16xf32>,
    %mul3A_1113 = arith.constant 64 : i32
    %mul3A_1114 = arith.muli %min3A_852, %mul3A_1113 : i32
    %add3A_1115 = arith.constant 16 : i32
    %add3A_1116 = arith.addi %mul3A_1114, %add3A_1115 : i32
    %get3A_1117 = arith.index_cast %add3A_1116 : i32 to index
    %get3A_1118 = tpu.vector_load %arg7[%get3A_1117] {strides = array<i32>} : memref<1280xf32, #tpu.memory_space<vmem>>, vector<16xf32>,
    %slice3A_1119 = vector.extract_strided_slice %get3A_1118 {offsets = [4], sizes = [1], strides = [1]} : vector<16xf32> to vector<1xf32>
    %squeeze3A_1120 = vector.extract %slice3A_1119[0] : f32 from vector<1xf32>
    %broadcast_in_dim3A_1121 = vector.broadcast %squeeze3A_1120 : f32 to vector<16xf32>
    %swap3A_1122 = arith.constant 84 : i32
    %swap3A_1123 = arith.index_cast %swap3A_1122 : i32 to index
    %swap3A_1124 = arith.constant 0 : index
    %swap3A_1125 = tpu.vector_load %arg8[%swap3A_1123, %swap3A_1124] {strides = array<i32>} : memref<128x16xf32, #tpu.memory_space<vmem>>, vector<16xf32>,
    tpu.vector_store %arg8[%swap3A_1123, %swap3A_1124], %broadcast_in_dim3A_1121 {strides = array<i32>} : memref<128x16xf32, #tpu.memory_space<vmem>>, vector<16xf32>,
    %mul3A_1126 = arith.constant 64 : i32
    %mul3A_1127 = arith.muli %min3A_852, %mul3A_1126 : i32
    %add3A_1128 = arith.constant 16 : i32
    %add3A_1129 = arith.addi %mul3A_1127, %add3A_1128 : i32
    %get3A_1130 = arith.index_cast %add3A_1129 : i32 to index
    %get3A_1131 = tpu.vector_load %arg7[%get3A_1130] {strides = array<i32>} : memref<1280xf32, #tpu.memory_space<vmem>>, vector<16xf32>,
    %slice3A_1132 = vector.extract_strided_slice %get3A_1131 {offsets = [5], sizes = [1], strides = [1]} : vector<16xf32> to vector<1xf32>
    %squeeze3A_1133 = vector.extract %slice3A_1132[0] : f32 from vector<1xf32>
    %broadcast_in_dim3A_1134 = vector.broadcast %squeeze3A_1133 : f32 to vector<16xf32>
    %swap3A_1135 = arith.constant 85 : i32
    %swap3A_1136 = arith.index_cast %swap3A_1135 : i32 to index
    %swap3A_1137 = arith.constant 0 : index
    %swap3A_1138 = tpu.vector_load %arg8[%swap3A_1136, %swap3A_1137] {strides = array<i32>} : memref<128x16xf32, #tpu.memory_space<vmem>>, vector<16xf32>,
    tpu.vector_store %arg8[%swap3A_1136, %swap3A_1137], %broadcast_in_dim3A_1134 {strides = array<i32>} : memref<128x16xf32, #tpu.memory_space<vmem>>, vector<16xf32>,
    %mul3A_1139 = arith.constant 64 : i32
    %mul3A_1140 = arith.muli %min3A_852, %mul3A_1139 : i32
    %add3A_1141 = arith.constant 16 : i32
    %add3A_1142 = arith.addi %mul3A_1140, %add3A_1141 : i32
    %get3A_1143 = arith.index_cast %add3A_1142 : i32 to index
    %get3A_1144 = tpu.vector_load %arg7[%get3A_1143] {strides = array<i32>} : memref<1280xf32, #tpu.memory_space<vmem>>, vector<16xf32>,
    %slice3A_1145 = vector.extract_strided_slice %get3A_1144 {offsets = [6], sizes = [1], strides = [1]} : vector<16xf32> to vector<1xf32>
    %squeeze3A_1146 = vector.extract %slice3A_1145[0] : f32 from vector<1xf32>
    %broadcast_in_dim3A_1147 = vector.broadcast %squeeze3A_1146 : f32 to vector<16xf32>
    %swap3A_1148 = arith.constant 86 : i32
    %swap3A_1149 = arith.index_cast %swap3A_1148 : i32 to index
    %swap3A_1150 = arith.constant 0 : index
    %swap3A_1151 = tpu.vector_load %arg8[%swap3A_1149, %swap3A_1150] {strides = array<i32>} : memref<128x16xf32, #tpu.memory_space<vmem>>, vector<16xf32>,
    tpu.vector_store %arg8[%swap3A_1149, %swap3A_1150], %broadcast_in_dim3A_1147 {strides = array<i32>} : memref<128x16xf32, #tpu.memory_space<vmem>>, vector<16xf32>,
    %mul3A_1152 = arith.constant 64 : i32
    %mul3A_1153 = arith.muli %min3A_852, %mul3A_1152 : i32
    %add3A_1154 = arith.constant 16 : i32
    %add3A_1155 = arith.addi %mul3A_1153, %add3A_1154 : i32
    %get3A_1156 = arith.index_cast %add3A_1155 : i32 to index
    %get3A_1157 = tpu.vector_load %arg7[%get3A_1156] {strides = array<i32>} : memref<1280xf32, #tpu.memory_space<vmem>>, vector<16xf32>,
    %slice3A_1158 = vector.extract_strided_slice %get3A_1157 {offsets = [7], sizes = [1], strides = [1]} : vector<16xf32> to vector<1xf32>
    %squeeze3A_1159 = vector.extract %slice3A_1158[0] : f32 from vector<1xf32>
    %broadcast_in_dim3A_1160 = vector.broadcast %squeeze3A_1159 : f32 to vector<16xf32>
    %swap3A_1161 = arith.constant 87 : i32
    %swap3A_1162 = arith.index_cast %swap3A_1161 : i32 to index
    %swap3A_1163 = arith.constant 0 : index
    %swap3A_1164 = tpu.vector_load %arg8[%swap3A_1162, %swap3A_1163] {strides = array<i32>} : memref<128x16xf32, #tpu.memory_space<vmem>>, vector<16xf32>,
    tpu.vector_store %arg8[%swap3A_1162, %swap3A_1163], %broadcast_in_dim3A_1160 {strides = array<i32>} : memref<128x16xf32, #tpu.memory_space<vmem>>, vector<16xf32>,
    %mul3A_1165 = arith.constant 64 : i32
    %mul3A_1166 = arith.muli %min3A_852, %mul3A_1165 : i32
    %add3A_1167 = arith.constant 16 : i32
    %add3A_1168 = arith.addi %mul3A_1166, %add3A_1167 : i32
    %get3A_1169 = arith.index_cast %add3A_1168 : i32 to index
    %get3A_1170 = tpu.vector_load %arg7[%get3A_1169] {strides = array<i32>} : memref<1280xf32, #tpu.memory_space<vmem>>, vector<16xf32>,
    %slice3A_1171 = vector.extract_strided_slice %get3A_1170 {offsets = [8], sizes = [1], strides = [1]} : vector<16xf32> to vector<1xf32>
    %squeeze3A_1172 = vector.extract %slice3A_1171[0] : f32 from vector<1xf32>
    %broadcast_in_dim3A_1173 = vector.broadcast %squeeze3A_1172 : f32 to vector<16xf32>
    %swap3A_1174 = arith.constant 88 : i32
    %swap3A_1175 = arith.index_cast %swap3A_1174 : i32 to index
    %swap3A_1176 = arith.constant 0 : index
    %swap3A_1177 = tpu.vector_load %arg8[%swap3A_1175, %swap3A_1176] {strides = array<i32>} : memref<128x16xf32, #tpu.memory_space<vmem>>, vector<16xf32>,
    tpu.vector_store %arg8[%swap3A_1175, %swap3A_1176], %broadcast_in_dim3A_1173 {strides = array<i32>} : memref<128x16xf32, #tpu.memory_space<vmem>>, vector<16xf32>,
    %mul3A_1178 = arith.constant 64 : i32
    %mul3A_1179 = arith.muli %min3A_852, %mul3A_1178 : i32
    %add3A_1180 = arith.constant 16 : i32
    %add3A_1181 = arith.addi %mul3A_1179, %add3A_1180 : i32
    %get3A_1182 = arith.index_cast %add3A_1181 : i32 to index
    %get3A_1183 = tpu.vector_load %arg7[%get3A_1182] {strides = array<i32>} : memref<1280xf32, #tpu.memory_space<vmem>>, vector<16xf32>,
    %slice3A_1184 = vector.extract_strided_slice %get3A_1183 {offsets = [9], sizes = [1], strides = [1]} : vector<16xf32> to vector<1xf32>
    %squeeze3A_1185 = vector.extract %slice3A_1184[0] : f32 from vector<1xf32>
    %broadcast_in_dim3A_1186 = vector.broadcast %squeeze3A_1185 : f32 to vector<16xf32>
    %swap3A_1187 = arith.constant 89 : i32
    %swap3A_1188 = arith.index_cast %swap3A_1187 : i32 to index
    %swap3A_1189 = arith.constant 0 : index
    %swap3A_1190 = tpu.vector_load %arg8[%swap3A_1188, %swap3A_1189] {strides = array<i32>} : memref<128x16xf32, #tpu.memory_space<vmem>>, vector<16xf32>,
    tpu.vector_store %arg8[%swap3A_1188, %swap3A_1189], %broadcast_in_dim3A_1186 {strides = array<i32>} : memref<128x16xf32, #tpu.memory_space<vmem>>, vector<16xf32>,
    %mul3A_1191 = arith.constant 64 : i32
    %mul3A_1192 = arith.muli %min3A_852, %mul3A_1191 : i32
    %add3A_1193 = arith.constant 16 : i32
    %add3A_1194 = arith.addi %mul3A_1192, %add3A_1193 : i32
    %get3A_1195 = arith.index_cast %add3A_1194 : i32 to index
    %get3A_1196 = tpu.vector_load %arg7[%get3A_1195] {strides = array<i32>} : memref<1280xf32, #tpu.memory_space<vmem>>, vector<16xf32>,
    %slice3A_1197 = vector.extract_strided_slice %get3A_1196 {offsets = [10], sizes = [1], strides = [1]} : vector<16xf32> to vector<1xf32>
    %squeeze3A_1198 = vector.extract %slice3A_1197[0] : f32 from vector<1xf32>
    %broadcast_in_dim3A_1199 = vector.broadcast %squeeze3A_1198 : f32 to vector<16xf32>
    %swap3A_1200 = arith.constant 90 : i32
    %swap3A_1201 = arith.index_cast %swap3A_1200 : i32 to index
    %swap3A_1202 = arith.constant 0 : index
    %swap3A_1203 = tpu.vector_load %arg8[%swap3A_1201, %swap3A_1202] {strides = array<i32>} : memref<128x16xf32, #tpu.memory_space<vmem>>, vector<16xf32>,
    tpu.vector_store %arg8[%swap3A_1201, %swap3A_1202], %broadcast_in_dim3A_1199 {strides = array<i32>} : memref<128x16xf32, #tpu.memory_space<vmem>>, vector<16xf32>,
    %mul3A_1204 = arith.constant 64 : i32
    %mul3A_1205 = arith.muli %min3A_852, %mul3A_1204 : i32
    %add3A_1206 = arith.constant 16 : i32
    %add3A_1207 = arith.addi %mul3A_1205, %add3A_1206 : i32
    %get3A_1208 = arith.index_cast %add3A_1207 : i32 to index
    %get3A_1209 = tpu.vector_load %arg7[%get3A_1208] {strides = array<i32>} : memref<1280xf32, #tpu.memory_space<vmem>>, vector<16xf32>,
    %slice3A_1210 = vector.extract_strided_slice %get3A_1209 {offsets = [11], sizes = [1], strides = [1]} : vector<16xf32> to vector<1xf32>
    %squeeze3A_1211 = vector.extract %slice3A_1210[0] : f32 from vector<1xf32>
    %broadcast_in_dim3A_1212 = vector.broadcast %squeeze3A_1211 : f32 to vector<16xf32>
    %swap3A_1213 = arith.constant 91 : i32
    %swap3A_1214 = arith.index_cast %swap3A_1213 : i32 to index
    %swap3A_1215 = arith.constant 0 : index
    %swap3A_1216 = tpu.vector_load %arg8[%swap3A_1214, %swap3A_1215] {strides = array<i32>} : memref<128x16xf32, #tpu.memory_space<vmem>>, vector<16xf32>,
    tpu.vector_store %arg8[%swap3A_1214, %swap3A_1215], %broadcast_in_dim3A_1212 {strides = array<i32>} : memref<128x16xf32, #tpu.memory_space<vmem>>, vector<16xf32>,
    %mul3A_1217 = arith.constant 64 : i32
    %mul3A_1218 = arith.muli %min3A_852, %mul3A_1217 : i32
    %add3A_1219 = arith.constant 16 : i32
    %add3A_1220 = arith.addi %mul3A_1218, %add3A_1219 : i32
    %get3A_1221 = arith.index_cast %add3A_1220 : i32 to index
    %get3A_1222 = tpu.vector_load %arg7[%get3A_1221] {strides = array<i32>} : memref<1280xf32, #tpu.memory_space<vmem>>, vector<16xf32>,
    %slice3A_1223 = vector.extract_strided_slice %get3A_1222 {offsets = [12], sizes = [1], strides = [1]} : vector<16xf32> to vector<1xf32>
    %squeeze3A_1224 = vector.extract %slice3A_1223[0] : f32 from vector<1xf32>
    %broadcast_in_dim3A_1225 = vector.broadcast %squeeze3A_1224 : f32 to vector<16xf32>
    %swap3A_1226 = arith.constant 92 : i32
    %swap3A_1227 = arith.index_cast %swap3A_1226 : i32 to index
    %swap3A_1228 = arith.constant 0 : index
    %swap3A_1229 = tpu.vector_load %arg8[%swap3A_1227, %swap3A_1228] {strides = array<i32>} : memref<128x16xf32, #tpu.memory_space<vmem>>, vector<16xf32>,
    tpu.vector_store %arg8[%swap3A_1227, %swap3A_1228], %broadcast_in_dim3A_1225 {strides = array<i32>} : memref<128x16xf32, #tpu.memory_space<vmem>>, vector<16xf32>,
    %mul3A_1230 = arith.constant 64 : i32
    %mul3A_1231 = arith.muli %min3A_852, %mul3A_1230 : i32
    %add3A_1232 = arith.constant 16 : i32
    %add3A_1233 = arith.addi %mul3A_1231, %add3A_1232 : i32
    %get3A_1234 = arith.index_cast %add3A_1233 : i32 to index
    %get3A_1235 = tpu.vector_load %arg7[%get3A_1234] {strides = array<i32>} : memref<1280xf32, #tpu.memory_space<vmem>>, vector<16xf32>,
    %slice3A_1236 = vector.extract_strided_slice %get3A_1235 {offsets = [13], sizes = [1], strides = [1]} : vector<16xf32> to vector<1xf32>
    %squeeze3A_1237 = vector.extract %slice3A_1236[0] : f32 from vector<1xf32>
    %broadcast_in_dim3A_1238 = vector.broadcast %squeeze3A_1237 : f32 to vector<16xf32>
    %swap3A_1239 = arith.constant 93 : i32
    %swap3A_1240 = arith.index_cast %swap3A_1239 : i32 to index
    %swap3A_1241 = arith.constant 0 : index
    %swap3A_1242 = tpu.vector_load %arg8[%swap3A_1240, %swap3A_1241] {strides = array<i32>} : memref<128x16xf32, #tpu.memory_space<vmem>>, vector<16xf32>,
    tpu.vector_store %arg8[%swap3A_1240, %swap3A_1241], %broadcast_in_dim3A_1238 {strides = array<i32>} : memref<128x16xf32, #tpu.memory_space<vmem>>, vector<16xf32>,
    %mul3A_1243 = arith.constant 64 : i32
    %mul3A_1244 = arith.muli %min3A_852, %mul3A_1243 : i32
    %add3A_1245 = arith.constant 16 : i32
    %add3A_1246 = arith.addi %mul3A_1244, %add3A_1245 : i32
    %get3A_1247 = arith.index_cast %add3A_1246 : i32 to index
    %get3A_1248 = tpu.vector_load %arg7[%get3A_1247] {strides = array<i32>} : memref<1280xf32, #tpu.memory_space<vmem>>, vector<16xf32>,
    %slice3A_1249 = vector.extract_strided_slice %get3A_1248 {offsets = [14], sizes = [1], strides = [1]} : vector<16xf32> to vector<1xf32>
    %squeeze3A_1250 = vector.extract %slice3A_1249[0] : f32 from vector<1xf32>
    %broadcast_in_dim3A_1251 = vector.broadcast %squeeze3A_1250 : f32 to vector<16xf32>
    %swap3A_1252 = arith.constant 94 : i32
    %swap3A_1253 = arith.index_cast %swap3A_1252 : i32 to index
    %swap3A_1254 = arith.constant 0 : index
    %swap3A_1255 = tpu.vector_load %arg8[%swap3A_1253, %swap3A_1254] {strides = array<i32>} : memref<128x16xf32, #tpu.memory_space<vmem>>, vector<16xf32>,
    tpu.vector_store %arg8[%swap3A_1253, %swap3A_1254], %broadcast_in_dim3A_1251 {strides = array<i32>} : memref<128x16xf32, #tpu.memory_space<vmem>>, vector<16xf32>,
    %mul3A_1256 = arith.constant 64 : i32
    %mul3A_1257 = arith.muli %min3A_852, %mul3A_1256 : i32
    %add3A_1258 = arith.constant 16 : i32
    %add3A_1259 = arith.addi %mul3A_1257, %add3A_1258 : i32
    %get3A_1260 = arith.index_cast %add3A_1259 : i32 to index
    %get3A_1261 = tpu.vector_load %arg7[%get3A_1260] {strides = array<i32>} : memref<1280xf32, #tpu.memory_space<vmem>>, vector<16xf32>,
    %slice3A_1262 = vector.extract_strided_slice %get3A_1261 {offsets = [15], sizes = [1], strides = [1]} : vector<16xf32> to vector<1xf32>
    %squeeze3A_1263 = vector.extract %slice3A_1262[0] : f32 from vector<1xf32>
    %broadcast_in_dim3A_1264 = vector.broadcast %squeeze3A_1263 : f32 to vector<16xf32>
    %swap3A_1265 = arith.constant 95 : i32
    %swap3A_1266 = arith.index_cast %swap3A_1265 : i32 to index
    %swap3A_1267 = arith.constant 0 : index
    %swap3A_1268 = tpu.vector_load %arg8[%swap3A_1266, %swap3A_1267] {strides = array<i32>} : memref<128x16xf32, #tpu.memory_space<vmem>>, vector<16xf32>,
    tpu.vector_store %arg8[%swap3A_1266, %swap3A_1267], %broadcast_in_dim3A_1264 {strides = array<i32>} : memref<128x16xf32, #tpu.memory_space<vmem>>, vector<16xf32>,
    %mul3A_1269 = arith.constant 64 : i32
    %mul3A_1270 = arith.muli %min3A_852, %mul3A_1269 : i32
    %add3A_1271 = arith.constant 32 : i32
    %add3A_1272 = arith.addi %mul3A_1270, %add3A_1271 : i32
    %get3A_1273 = arith.index_cast %add3A_1272 : i32 to index
    %get3A_1274 = tpu.vector_load %arg7[%get3A_1273] {strides = array<i32>} : memref<1280xf32, #tpu.memory_space<vmem>>, vector<16xf32>,
    %slice3A_1275 = vector.extract_strided_slice %get3A_1274 {offsets = [0], sizes = [1], strides = [1]} : vector<16xf32> to vector<1xf32>
    %squeeze3A_1276 = vector.extract %slice3A_1275[0] : f32 from vector<1xf32>
    %broadcast_in_dim3A_1277 = vector.broadcast %squeeze3A_1276 : f32 to vector<16xf32>
    %swap3A_1278 = arith.constant 96 : i32
    %swap3A_1279 = arith.index_cast %swap3A_1278 : i32 to index
    %swap3A_1280 = arith.constant 0 : index
    %swap3A_1281 = tpu.vector_load %arg8[%swap3A_1279, %swap3A_1280] {strides = array<i32>} : memref<128x16xf32, #tpu.memory_space<vmem>>, vector<16xf32>,
    tpu.vector_store %arg8[%swap3A_1279, %swap3A_1280], %broadcast_in_dim3A_1277 {strides = array<i32>} : memref<128x16xf32, #tpu.memory_space<vmem>>, vector<16xf32>,
    %mul3A_1282 = arith.constant 64 : i32
    %mul3A_1283 = arith.muli %min3A_852, %mul3A_1282 : i32
    %add3A_1284 = arith.constant 32 : i32
    %add3A_1285 = arith.addi %mul3A_1283, %add3A_1284 : i32
    %get3A_1286 = arith.index_cast %add3A_1285 : i32 to index
    %get3A_1287 = tpu.vector_load %arg7[%get3A_1286] {strides = array<i32>} : memref<1280xf32, #tpu.memory_space<vmem>>, vector<16xf32>,
    %slice3A_1288 = vector.extract_strided_slice %get3A_1287 {offsets = [1], sizes = [1], strides = [1]} : vector<16xf32> to vector<1xf32>
    %squeeze3A_1289 = vector.extract %slice3A_1288[0] : f32 from vector<1xf32>
    %broadcast_in_dim3A_1290 = vector.broadcast %squeeze3A_1289 : f32 to vector<16xf32>
    %swap3A_1291 = arith.constant 97 : i32
    %swap3A_1292 = arith.index_cast %swap3A_1291 : i32 to index
    %swap3A_1293 = arith.constant 0 : index
    %swap3A_1294 = tpu.vector_load %arg8[%swap3A_1292, %swap3A_1293] {strides = array<i32>} : memref<128x16xf32, #tpu.memory_space<vmem>>, vector<16xf32>,
    tpu.vector_store %arg8[%swap3A_1292, %swap3A_1293], %broadcast_in_dim3A_1290 {strides = array<i32>} : memref<128x16xf32, #tpu.memory_space<vmem>>, vector<16xf32>,
    %mul3A_1295 = arith.constant 64 : i32
    %mul3A_1296 = arith.muli %min3A_852, %mul3A_1295 : i32
    %add3A_1297 = arith.constant 32 : i32
    %add3A_1298 = arith.addi %mul3A_1296, %add3A_1297 : i32
    %get3A_1299 = arith.index_cast %add3A_1298 : i32 to index
    %get3A_1300 = tpu.vector_load %arg7[%get3A_1299] {strides = array<i32>} : memref<1280xf32, #tpu.memory_space<vmem>>, vector<16xf32>,
    %slice3A_1301 = vector.extract_strided_slice %get3A_1300 {offsets = [2], sizes = [1], strides = [1]} : vector<16xf32> to vector<1xf32>
    %squeeze3A_1302 = vector.extract %slice3A_1301[0] : f32 from vector<1xf32>
    %broadcast_in_dim3A_1303 = vector.broadcast %squeeze3A_1302 : f32 to vector<16xf32>
    %swap3A_1304 = arith.constant 98 : i32
    %swap3A_1305 = arith.index_cast %swap3A_1304 : i32 to index
    %swap3A_1306 = arith.constant 0 : index
    %swap3A_1307 = tpu.vector_load %arg8[%swap3A_1305, %swap3A_1306] {strides = array<i32>} : memref<128x16xf32, #tpu.memory_space<vmem>>, vector<16xf32>,
    tpu.vector_store %arg8[%swap3A_1305, %swap3A_1306], %broadcast_in_dim3A_1303 {strides = array<i32>} : memref<128x16xf32, #tpu.memory_space<vmem>>, vector<16xf32>,
    %mul3A_1308 = arith.constant 64 : i32
    %mul3A_1309 = arith.muli %min3A_852, %mul3A_1308 : i32
    %add3A_1310 = arith.constant 32 : i32
    %add3A_1311 = arith.addi %mul3A_1309, %add3A_1310 : i32
    %get3A_1312 = arith.index_cast %add3A_1311 : i32 to index
    %get3A_1313 = tpu.vector_load %arg7[%get3A_1312] {strides = array<i32>} : memref<1280xf32, #tpu.memory_space<vmem>>, vector<16xf32>,
    %slice3A_1314 = vector.extract_strided_slice %get3A_1313 {offsets = [3], sizes = [1], strides = [1]} : vector<16xf32> to vector<1xf32>
    %squeeze3A_1315 = vector.extract %slice3A_1314[0] : f32 from vector<1xf32>
    %broadcast_in_dim3A_1316 = vector.broadcast %squeeze3A_1315 : f32 to vector<16xf32>
    %swap3A_1317 = arith.constant 99 : i32
    %swap3A_1318 = arith.index_cast %swap3A_1317 : i32 to index
    %swap3A_1319 = arith.constant 0 : index
    %swap3A_1320 = tpu.vector_load %arg8[%swap3A_1318, %swap3A_1319] {strides = array<i32>} : memref<128x16xf32, #tpu.memory_space<vmem>>, vector<16xf32>,
    tpu.vector_store %arg8[%swap3A_1318, %swap3A_1319], %broadcast_in_dim3A_1316 {strides = array<i32>} : memref<128x16xf32, #tpu.memory_space<vmem>>, vector<16xf32>,
    %mul3A_1321 = arith.constant 64 : i32
    %mul3A_1322 = arith.muli %min3A_852, %mul3A_1321 : i32
    %add3A_1323 = arith.constant 32 : i32
    %add3A_1324 = arith.addi %mul3A_1322, %add3A_1323 : i32
    %get3A_1325 = arith.index_cast %add3A_1324 : i32 to index
    %get3A_1326 = tpu.vector_load %arg7[%get3A_1325] {strides = array<i32>} : memref<1280xf32, #tpu.memory_space<vmem>>, vector<16xf32>,
    %slice3A_1327 = vector.extract_strided_slice %get3A_1326 {offsets = [4], sizes = [1], strides = [1]} : vector<16xf32> to vector<1xf32>
    %squeeze3A_1328 = vector.extract %slice3A_1327[0] : f32 from vector<1xf32>
    %broadcast_in_dim3A_1329 = vector.broadcast %squeeze3A_1328 : f32 to vector<16xf32>
    %swap3A_1330 = arith.constant 100 : i32
    %swap3A_1331 = arith.index_cast %swap3A_1330 : i32 to index
    %swap3A_1332 = arith.constant 0 : index
    %swap3A_1333 = tpu.vector_load %arg8[%swap3A_1331, %swap3A_1332] {strides = array<i32>} : memref<128x16xf32, #tpu.memory_space<vmem>>, vector<16xf32>,
    tpu.vector_store %arg8[%swap3A_1331, %swap3A_1332], %broadcast_in_dim3A_1329 {strides = array<i32>} : memref<128x16xf32, #tpu.memory_space<vmem>>, vector<16xf32>,
    %mul3A_1334 = arith.constant 64 : i32
    %mul3A_1335 = arith.muli %min3A_852, %mul3A_1334 : i32
    %add3A_1336 = arith.constant 32 : i32
    %add3A_1337 = arith.addi %mul3A_1335, %add3A_1336 : i32
    %get3A_1338 = arith.index_cast %add3A_1337 : i32 to index
    %get3A_1339 = tpu.vector_load %arg7[%get3A_1338] {strides = array<i32>} : memref<1280xf32, #tpu.memory_space<vmem>>, vector<16xf32>,
    %slice3A_1340 = vector.extract_strided_slice %get3A_1339 {offsets = [5], sizes = [1], strides = [1]} : vector<16xf32> to vector<1xf32>
    %squeeze3A_1341 = vector.extract %slice3A_1340[0] : f32 from vector<1xf32>
    %broadcast_in_dim3A_1342 = vector.broadcast %squeeze3A_1341 : f32 to vector<16xf32>
    %swap3A_1343 = arith.constant 101 : i32
    %swap3A_1344 = arith.index_cast %swap3A_1343 : i32 to index
    %swap3A_1345 = arith.constant 0 : index
    %swap3A_1346 = tpu.vector_load %arg8[%swap3A_1344, %swap3A_1345] {strides = array<i32>} : memref<128x16xf32, #tpu.memory_space<vmem>>, vector<16xf32>,
    tpu.vector_store %arg8[%swap3A_1344, %swap3A_1345], %broadcast_in_dim3A_1342 {strides = array<i32>} : memref<128x16xf32, #tpu.memory_space<vmem>>, vector<16xf32>,
    %mul3A_1347 = arith.constant 64 : i32
    %mul3A_1348 = arith.muli %min3A_852, %mul3A_1347 : i32
    %add3A_1349 = arith.constant 32 : i32
    %add3A_1350 = arith.addi %mul3A_1348, %add3A_1349 : i32
    %get3A_1351 = arith.index_cast %add3A_1350 : i32 to index
    %get3A_1352 = tpu.vector_load %arg7[%get3A_1351] {strides = array<i32>} : memref<1280xf32, #tpu.memory_space<vmem>>, vector<16xf32>,
    %slice3A_1353 = vector.extract_strided_slice %get3A_1352 {offsets = [6], sizes = [1], strides = [1]} : vector<16xf32> to vector<1xf32>
    %squeeze3A_1354 = vector.extract %slice3A_1353[0] : f32 from vector<1xf32>
    %broadcast_in_dim3A_1355 = vector.broadcast %squeeze3A_1354 : f32 to vector<16xf32>
    %swap3A_1356 = arith.constant 102 : i32
    %swap3A_1357 = arith.index_cast %swap3A_1356 : i32 to index
    %swap3A_1358 = arith.constant 0 : index
    %swap3A_1359 = tpu.vector_load %arg8[%swap3A_1357, %swap3A_1358] {strides = array<i32>} : memref<128x16xf32, #tpu.memory_space<vmem>>, vector<16xf32>,
    tpu.vector_store %arg8[%swap3A_1357, %swap3A_1358], %broadcast_in_dim3A_1355 {strides = array<i32>} : memref<128x16xf32, #tpu.memory_space<vmem>>, vector<16xf32>,
    %mul3A_1360 = arith.constant 64 : i32
    %mul3A_1361 = arith.muli %min3A_852, %mul3A_1360 : i32
    %add3A_1362 = arith.constant 32 : i32
    %add3A_1363 = arith.addi %mul3A_1361, %add3A_1362 : i32
    %get3A_1364 = arith.index_cast %add3A_1363 : i32 to index
    %get3A_1365 = tpu.vector_load %arg7[%get3A_1364] {strides = array<i32>} : memref<1280xf32, #tpu.memory_space<vmem>>, vector<16xf32>,
    %slice3A_1366 = vector.extract_strided_slice %get3A_1365 {offsets = [7], sizes = [1], strides = [1]} : vector<16xf32> to vector<1xf32>
    %squeeze3A_1367 = vector.extract %slice3A_1366[0] : f32 from vector<1xf32>
    %broadcast_in_dim3A_1368 = vector.broadcast %squeeze3A_1367 : f32 to vector<16xf32>
    %swap3A_1369 = arith.constant 103 : i32
    %swap3A_1370 = arith.index_cast %swap3A_1369 : i32 to index
    %swap3A_1371 = arith.constant 0 : index
    %swap3A_1372 = tpu.vector_load %arg8[%swap3A_1370, %swap3A_1371] {strides = array<i32>} : memref<128x16xf32, #tpu.memory_space<vmem>>, vector<16xf32>,
    tpu.vector_store %arg8[%swap3A_1370, %swap3A_1371], %broadcast_in_dim3A_1368 {strides = array<i32>} : memref<128x16xf32, #tpu.memory_space<vmem>>, vector<16xf32>,
    %mul3A_1373 = arith.constant 64 : i32
    %mul3A_1374 = arith.muli %min3A_852, %mul3A_1373 : i32
    %add3A_1375 = arith.constant 32 : i32
    %add3A_1376 = arith.addi %mul3A_1374, %add3A_1375 : i32
    %get3A_1377 = arith.index_cast %add3A_1376 : i32 to index
    %get3A_1378 = tpu.vector_load %arg7[%get3A_1377] {strides = array<i32>} : memref<1280xf32, #tpu.memory_space<vmem>>, vector<16xf32>,
    %slice3A_1379 = vector.extract_strided_slice %get3A_1378 {offsets = [8], sizes = [1], strides = [1]} : vector<16xf32> to vector<1xf32>
    %squeeze3A_1380 = vector.extract %slice3A_1379[0] : f32 from vector<1xf32>
    %broadcast_in_dim3A_1381 = vector.broadcast %squeeze3A_1380 : f32 to vector<16xf32>
    %swap3A_1382 = arith.constant 104 : i32
    %swap3A_1383 = arith.index_cast %swap3A_1382 : i32 to index
    %swap3A_1384 = arith.constant 0 : index
    %swap3A_1385 = tpu.vector_load %arg8[%swap3A_1383, %swap3A_1384] {strides = array<i32>} : memref<128x16xf32, #tpu.memory_space<vmem>>, vector<16xf32>,
    tpu.vector_store %arg8[%swap3A_1383, %swap3A_1384], %broadcast_in_dim3A_1381 {strides = array<i32>} : memref<128x16xf32, #tpu.memory_space<vmem>>, vector<16xf32>,
    %mul3A_1386 = arith.constant 64 : i32
    %mul3A_1387 = arith.muli %min3A_852, %mul3A_1386 : i32
    %add3A_1388 = arith.constant 32 : i32
    %add3A_1389 = arith.addi %mul3A_1387, %add3A_1388 : i32
    %get3A_1390 = arith.index_cast %add3A_1389 : i32 to index
    %get3A_1391 = tpu.vector_load %arg7[%get3A_1390] {strides = array<i32>} : memref<1280xf32, #tpu.memory_space<vmem>>, vector<16xf32>,
    %slice3A_1392 = vector.extract_strided_slice %get3A_1391 {offsets = [9], sizes = [1], strides = [1]} : vector<16xf32> to vector<1xf32>
    %squeeze3A_1393 = vector.extract %slice3A_1392[0] : f32 from vector<1xf32>
    %broadcast_in_dim3A_1394 = vector.broadcast %squeeze3A_1393 : f32 to vector<16xf32>
    %swap3A_1395 = arith.constant 105 : i32
    %swap3A_1396 = arith.index_cast %swap3A_1395 : i32 to index
    %swap3A_1397 = arith.constant 0 : index
    %swap3A_1398 = tpu.vector_load %arg8[%swap3A_1396, %swap3A_1397] {strides = array<i32>} : memref<128x16xf32, #tpu.memory_space<vmem>>, vector<16xf32>,
    tpu.vector_store %arg8[%swap3A_1396, %swap3A_1397], %broadcast_in_dim3A_1394 {strides = array<i32>} : memref<128x16xf32, #tpu.memory_space<vmem>>, vector<16xf32>,
    %mul3A_1399 = arith.constant 64 : i32
    %mul3A_1400 = arith.muli %min3A_852, %mul3A_1399 : i32
    %add3A_1401 = arith.constant 32 : i32
    %add3A_1402 = arith.addi %mul3A_1400, %add3A_1401 : i32
    %get3A_1403 = arith.index_cast %add3A_1402 : i32 to index
    %get3A_1404 = tpu.vector_load %arg7[%get3A_1403] {strides = array<i32>} : memref<1280xf32, #tpu.memory_space<vmem>>, vector<16xf32>,
    %slice3A_1405 = vector.extract_strided_slice %get3A_1404 {offsets = [10], sizes = [1], strides = [1]} : vector<16xf32> to vector<1xf32>
    %squeeze3A_1406 = vector.extract %slice3A_1405[0] : f32 from vector<1xf32>
    %broadcast_in_dim3A_1407 = vector.broadcast %squeeze3A_1406 : f32 to vector<16xf32>
    %swap3A_1408 = arith.constant 106 : i32
    %swap3A_1409 = arith.index_cast %swap3A_1408 : i32 to index
    %swap3A_1410 = arith.constant 0 : index
    %swap3A_1411 = tpu.vector_load %arg8[%swap3A_1409, %swap3A_1410] {strides = array<i32>} : memref<128x16xf32, #tpu.memory_space<vmem>>, vector<16xf32>,
    tpu.vector_store %arg8[%swap3A_1409, %swap3A_1410], %broadcast_in_dim3A_1407 {strides = array<i32>} : memref<128x16xf32, #tpu.memory_space<vmem>>, vector<16xf32>,
    %mul3A_1412 = arith.constant 64 : i32
    %mul3A_1413 = arith.muli %min3A_852, %mul3A_1412 : i32
    %add3A_1414 = arith.constant 32 : i32
    %add3A_1415 = arith.addi %mul3A_1413, %add3A_1414 : i32
    %get3A_1416 = arith.index_cast %add3A_1415 : i32 to index
    %get3A_1417 = tpu.vector_load %arg7[%get3A_1416] {strides = array<i32>} : memref<1280xf32, #tpu.memory_space<vmem>>, vector<16xf32>,
    %slice3A_1418 = vector.extract_strided_slice %get3A_1417 {offsets = [11], sizes = [1], strides = [1]} : vector<16xf32> to vector<1xf32>
    %squeeze3A_1419 = vector.extract %slice3A_1418[0] : f32 from vector<1xf32>
    %broadcast_in_dim3A_1420 = vector.broadcast %squeeze3A_1419 : f32 to vector<16xf32>
    %swap3A_1421 = arith.constant 107 : i32
    %swap3A_1422 = arith.index_cast %swap3A_1421 : i32 to index
    %swap3A_1423 = arith.constant 0 : index
    %swap3A_1424 = tpu.vector_load %arg8[%swap3A_1422, %swap3A_1423] {strides = array<i32>} : memref<128x16xf32, #tpu.memory_space<vmem>>, vector<16xf32>,
    tpu.vector_store %arg8[%swap3A_1422, %swap3A_1423], %broadcast_in_dim3A_1420 {strides = array<i32>} : memref<128x16xf32, #tpu.memory_space<vmem>>, vector<16xf32>,
    %mul3A_1425 = arith.constant 64 : i32
    %mul3A_1426 = arith.muli %min3A_852, %mul3A_1425 : i32
    %add3A_1427 = arith.constant 32 : i32
    %add3A_1428 = arith.addi %mul3A_1426, %add3A_1427 : i32
    %get3A_1429 = arith.index_cast %add3A_1428 : i32 to index
    %get3A_1430 = tpu.vector_load %arg7[%get3A_1429] {strides = array<i32>} : memref<1280xf32, #tpu.memory_space<vmem>>, vector<16xf32>,
    %slice3A_1431 = vector.extract_strided_slice %get3A_1430 {offsets = [12], sizes = [1], strides = [1]} : vector<16xf32> to vector<1xf32>
    %squeeze3A_1432 = vector.extract %slice3A_1431[0] : f32 from vector<1xf32>
    %broadcast_in_dim3A_1433 = vector.broadcast %squeeze3A_1432 : f32 to vector<16xf32>
    %swap3A_1434 = arith.constant 108 : i32
    %swap3A_1435 = arith.index_cast %swap3A_1434 : i32 to index
    %swap3A_1436 = arith.constant 0 : index
    %swap3A_1437 = tpu.vector_load %arg8[%swap3A_1435, %swap3A_1436] {strides = array<i32>} : memref<128x16xf32, #tpu.memory_space<vmem>>, vector<16xf32>,
    tpu.vector_store %arg8[%swap3A_1435, %swap3A_1436], %broadcast_in_dim3A_1433 {strides = array<i32>} : memref<128x16xf32, #tpu.memory_space<vmem>>, vector<16xf32>,
    %mul3A_1438 = arith.constant 64 : i32
    %mul3A_1439 = arith.muli %min3A_852, %mul3A_1438 : i32
    %add3A_1440 = arith.constant 32 : i32
    %add3A_1441 = arith.addi %mul3A_1439, %add3A_1440 : i32
    %get3A_1442 = arith.index_cast %add3A_1441 : i32 to index
    %get3A_1443 = tpu.vector_load %arg7[%get3A_1442] {strides = array<i32>} : memref<1280xf32, #tpu.memory_space<vmem>>, vector<16xf32>,
    %slice3A_1444 = vector.extract_strided_slice %get3A_1443 {offsets = [13], sizes = [1], strides = [1]} : vector<16xf32> to vector<1xf32>
    %squeeze3A_1445 = vector.extract %slice3A_1444[0] : f32 from vector<1xf32>
    %broadcast_in_dim3A_1446 = vector.broadcast %squeeze3A_1445 : f32 to vector<16xf32>
    %swap3A_1447 = arith.constant 109 : i32
    %swap3A_1448 = arith.index_cast %swap3A_1447 : i32 to index
    %swap3A_1449 = arith.constant 0 : index
    %swap3A_1450 = tpu.vector_load %arg8[%swap3A_1448, %swap3A_1449] {strides = array<i32>} : memref<128x16xf32, #tpu.memory_space<vmem>>, vector<16xf32>,
    tpu.vector_store %arg8[%swap3A_1448, %swap3A_1449], %broadcast_in_dim3A_1446 {strides = array<i32>} : memref<128x16xf32, #tpu.memory_space<vmem>>, vector<16xf32>,
    %mul3A_1451 = arith.constant 64 : i32
    %mul3A_1452 = arith.muli %min3A_852, %mul3A_1451 : i32
    %add3A_1453 = arith.constant 32 : i32
    %add3A_1454 = arith.addi %mul3A_1452, %add3A_1453 : i32
    %get3A_1455 = arith.index_cast %add3A_1454 : i32 to index
    %get3A_1456 = tpu.vector_load %arg7[%get3A_1455] {strides = array<i32>} : memref<1280xf32, #tpu.memory_space<vmem>>, vector<16xf32>,
    %slice3A_1457 = vector.extract_strided_slice %get3A_1456 {offsets = [14], sizes = [1], strides = [1]} : vector<16xf32> to vector<1xf32>
    %squeeze3A_1458 = vector.extract %slice3A_1457[0] : f32 from vector<1xf32>
    %broadcast_in_dim3A_1459 = vector.broadcast %squeeze3A_1458 : f32 to vector<16xf32>
    %swap3A_1460 = arith.constant 110 : i32
    %swap3A_1461 = arith.index_cast %swap3A_1460 : i32 to index
    %swap3A_1462 = arith.constant 0 : index
    %swap3A_1463 = tpu.vector_load %arg8[%swap3A_1461, %swap3A_1462] {strides = array<i32>} : memref<128x16xf32, #tpu.memory_space<vmem>>, vector<16xf32>,
    tpu.vector_store %arg8[%swap3A_1461, %swap3A_1462], %broadcast_in_dim3A_1459 {strides = array<i32>} : memref<128x16xf32, #tpu.memory_space<vmem>>, vector<16xf32>,
    %mul3A_1464 = arith.constant 64 : i32
    %mul3A_1465 = arith.muli %min3A_852, %mul3A_1464 : i32
    %add3A_1466 = arith.constant 32 : i32
    %add3A_1467 = arith.addi %mul3A_1465, %add3A_1466 : i32
    %get3A_1468 = arith.index_cast %add3A_1467 : i32 to index
    %get3A_1469 = tpu.vector_load %arg7[%get3A_1468] {strides = array<i32>} : memref<1280xf32, #tpu.memory_space<vmem>>, vector<16xf32>,
    %slice3A_1470 = vector.extract_strided_slice %get3A_1469 {offsets = [15], sizes = [1], strides = [1]} : vector<16xf32> to vector<1xf32>
    %squeeze3A_1471 = vector.extract %slice3A_1470[0] : f32 from vector<1xf32>
    %broadcast_in_dim3A_1472 = vector.broadcast %squeeze3A_1471 : f32 to vector<16xf32>
    %swap3A_1473 = arith.constant 111 : i32
    %swap3A_1474 = arith.index_cast %swap3A_1473 : i32 to index
    %swap3A_1475 = arith.constant 0 : index
    %swap3A_1476 = tpu.vector_load %arg8[%swap3A_1474, %swap3A_1475] {strides = array<i32>} : memref<128x16xf32, #tpu.memory_space<vmem>>, vector<16xf32>,
    tpu.vector_store %arg8[%swap3A_1474, %swap3A_1475], %broadcast_in_dim3A_1472 {strides = array<i32>} : memref<128x16xf32, #tpu.memory_space<vmem>>, vector<16xf32>,
    %mul3A_1477 = arith.constant 64 : i32
    %mul3A_1478 = arith.muli %min3A_852, %mul3A_1477 : i32
    %add3A_1479 = arith.constant 48 : i32
    %add3A_1480 = arith.addi %mul3A_1478, %add3A_1479 : i32
    %get3A_1481 = arith.index_cast %add3A_1480 : i32 to index
    %get3A_1482 = tpu.vector_load %arg7[%get3A_1481] {strides = array<i32>} : memref<1280xf32, #tpu.memory_space<vmem>>, vector<16xf32>,
    %slice3A_1483 = vector.extract_strided_slice %get3A_1482 {offsets = [0], sizes = [1], strides = [1]} : vector<16xf32> to vector<1xf32>
    %squeeze3A_1484 = vector.extract %slice3A_1483[0] : f32 from vector<1xf32>
    %broadcast_in_dim3A_1485 = vector.broadcast %squeeze3A_1484 : f32 to vector<16xf32>
    %swap3A_1486 = arith.constant 112 : i32
    %swap3A_1487 = arith.index_cast %swap3A_1486 : i32 to index
    %swap3A_1488 = arith.constant 0 : index
    %swap3A_1489 = tpu.vector_load %arg8[%swap3A_1487, %swap3A_1488] {strides = array<i32>} : memref<128x16xf32, #tpu.memory_space<vmem>>, vector<16xf32>,
    tpu.vector_store %arg8[%swap3A_1487, %swap3A_1488], %broadcast_in_dim3A_1485 {strides = array<i32>} : memref<128x16xf32, #tpu.memory_space<vmem>>, vector<16xf32>,
    %mul3A_1490 = arith.constant 64 : i32
    %mul3A_1491 = arith.muli %min3A_852, %mul3A_1490 : i32
    %add3A_1492 = arith.constant 48 : i32
    %add3A_1493 = arith.addi %mul3A_1491, %add3A_1492 : i32
    %get3A_1494 = arith.index_cast %add3A_1493 : i32 to index
    %get3A_1495 = tpu.vector_load %arg7[%get3A_1494] {strides = array<i32>} : memref<1280xf32, #tpu.memory_space<vmem>>, vector<16xf32>,
    %slice3A_1496 = vector.extract_strided_slice %get3A_1495 {offsets = [1], sizes = [1], strides = [1]} : vector<16xf32> to vector<1xf32>
    %squeeze3A_1497 = vector.extract %slice3A_1496[0] : f32 from vector<1xf32>
    %broadcast_in_dim3A_1498 = vector.broadcast %squeeze3A_1497 : f32 to vector<16xf32>
    %swap3A_1499 = arith.constant 113 : i32
    %swap3A_1500 = arith.index_cast %swap3A_1499 : i32 to index
    %swap3A_1501 = arith.constant 0 : index
    %swap3A_1502 = tpu.vector_load %arg8[%swap3A_1500, %swap3A_1501] {strides = array<i32>} : memref<128x16xf32, #tpu.memory_space<vmem>>, vector<16xf32>,
    tpu.vector_store %arg8[%swap3A_1500, %swap3A_1501], %broadcast_in_dim3A_1498 {strides = array<i32>} : memref<128x16xf32, #tpu.memory_space<vmem>>, vector<16xf32>,
    %mul3A_1503 = arith.constant 64 : i32
    %mul3A_1504 = arith.muli %min3A_852, %mul3A_1503 : i32
    %add3A_1505 = arith.constant 48 : i32
    %add3A_1506 = arith.addi %mul3A_1504, %add3A_1505 : i32
    %get3A_1507 = arith.index_cast %add3A_1506 : i32 to index
    %get3A_1508 = tpu.vector_load %arg7[%get3A_1507] {strides = array<i32>} : memref<1280xf32, #tpu.memory_space<vmem>>, vector<16xf32>,
    %slice3A_1509 = vector.extract_strided_slice %get3A_1508 {offsets = [2], sizes = [1], strides = [1]} : vector<16xf32> to vector<1xf32>
    %squeeze3A_1510 = vector.extract %slice3A_1509[0] : f32 from vector<1xf32>
    %broadcast_in_dim3A_1511 = vector.broadcast %squeeze3A_1510 : f32 to vector<16xf32>
    %swap3A_1512 = arith.constant 114 : i32
    %swap3A_1513 = arith.index_cast %swap3A_1512 : i32 to index
    %swap3A_1514 = arith.constant 0 : index
    %swap3A_1515 = tpu.vector_load %arg8[%swap3A_1513, %swap3A_1514] {strides = array<i32>} : memref<128x16xf32, #tpu.memory_space<vmem>>, vector<16xf32>,
    tpu.vector_store %arg8[%swap3A_1513, %swap3A_1514], %broadcast_in_dim3A_1511 {strides = array<i32>} : memref<128x16xf32, #tpu.memory_space<vmem>>, vector<16xf32>,
    %mul3A_1516 = arith.constant 64 : i32
    %mul3A_1517 = arith.muli %min3A_852, %mul3A_1516 : i32
    %add3A_1518 = arith.constant 48 : i32
    %add3A_1519 = arith.addi %mul3A_1517, %add3A_1518 : i32
    %get3A_1520 = arith.index_cast %add3A_1519 : i32 to index
    %get3A_1521 = tpu.vector_load %arg7[%get3A_1520] {strides = array<i32>} : memref<1280xf32, #tpu.memory_space<vmem>>, vector<16xf32>,
    %slice3A_1522 = vector.extract_strided_slice %get3A_1521 {offsets = [3], sizes = [1], strides = [1]} : vector<16xf32> to vector<1xf32>
    %squeeze3A_1523 = vector.extract %slice3A_1522[0] : f32 from vector<1xf32>
    %broadcast_in_dim3A_1524 = vector.broadcast %squeeze3A_1523 : f32 to vector<16xf32>
    %swap3A_1525 = arith.constant 115 : i32
    %swap3A_1526 = arith.index_cast %swap3A_1525 : i32 to index
    %swap3A_1527 = arith.constant 0 : index
    %swap3A_1528 = tpu.vector_load %arg8[%swap3A_1526, %swap3A_1527] {strides = array<i32>} : memref<128x16xf32, #tpu.memory_space<vmem>>, vector<16xf32>,
    tpu.vector_store %arg8[%swap3A_1526, %swap3A_1527], %broadcast_in_dim3A_1524 {strides = array<i32>} : memref<128x16xf32, #tpu.memory_space<vmem>>, vector<16xf32>,
    %mul3A_1529 = arith.constant 64 : i32
    %mul3A_1530 = arith.muli %min3A_852, %mul3A_1529 : i32
    %add3A_1531 = arith.constant 48 : i32
    %add3A_1532 = arith.addi %mul3A_1530, %add3A_1531 : i32
    %get3A_1533 = arith.index_cast %add3A_1532 : i32 to index
    %get3A_1534 = tpu.vector_load %arg7[%get3A_1533] {strides = array<i32>} : memref<1280xf32, #tpu.memory_space<vmem>>, vector<16xf32>,
    %slice3A_1535 = vector.extract_strided_slice %get3A_1534 {offsets = [4], sizes = [1], strides = [1]} : vector<16xf32> to vector<1xf32>
    %squeeze3A_1536 = vector.extract %slice3A_1535[0] : f32 from vector<1xf32>
    %broadcast_in_dim3A_1537 = vector.broadcast %squeeze3A_1536 : f32 to vector<16xf32>
    %swap3A_1538 = arith.constant 116 : i32
    %swap3A_1539 = arith.index_cast %swap3A_1538 : i32 to index
    %swap3A_1540 = arith.constant 0 : index
    %swap3A_1541 = tpu.vector_load %arg8[%swap3A_1539, %swap3A_1540] {strides = array<i32>} : memref<128x16xf32, #tpu.memory_space<vmem>>, vector<16xf32>,
    tpu.vector_store %arg8[%swap3A_1539, %swap3A_1540], %broadcast_in_dim3A_1537 {strides = array<i32>} : memref<128x16xf32, #tpu.memory_space<vmem>>, vector<16xf32>,
    %mul3A_1542 = arith.constant 64 : i32
    %mul3A_1543 = arith.muli %min3A_852, %mul3A_1542 : i32
    %add3A_1544 = arith.constant 48 : i32
    %add3A_1545 = arith.addi %mul3A_1543, %add3A_1544 : i32
    %get3A_1546 = arith.index_cast %add3A_1545 : i32 to index
    %get3A_1547 = tpu.vector_load %arg7[%get3A_1546] {strides = array<i32>} : memref<1280xf32, #tpu.memory_space<vmem>>, vector<16xf32>,
    %slice3A_1548 = vector.extract_strided_slice %get3A_1547 {offsets = [5], sizes = [1], strides = [1]} : vector<16xf32> to vector<1xf32>
    %squeeze3A_1549 = vector.extract %slice3A_1548[0] : f32 from vector<1xf32>
    %broadcast_in_dim3A_1550 = vector.broadcast %squeeze3A_1549 : f32 to vector<16xf32>
    %swap3A_1551 = arith.constant 117 : i32
    %swap3A_1552 = arith.index_cast %swap3A_1551 : i32 to index
    %swap3A_1553 = arith.constant 0 : index
    %swap3A_1554 = tpu.vector_load %arg8[%swap3A_1552, %swap3A_1553] {strides = array<i32>} : memref<128x16xf32, #tpu.memory_space<vmem>>, vector<16xf32>,
    tpu.vector_store %arg8[%swap3A_1552, %swap3A_1553], %broadcast_in_dim3A_1550 {strides = array<i32>} : memref<128x16xf32, #tpu.memory_space<vmem>>, vector<16xf32>,
    %mul3A_1555 = arith.constant 64 : i32
    %mul3A_1556 = arith.muli %min3A_852, %mul3A_1555 : i32
    %add3A_1557 = arith.constant 48 : i32
    %add3A_1558 = arith.addi %mul3A_1556, %add3A_1557 : i32
    %get3A_1559 = arith.index_cast %add3A_1558 : i32 to index
    %get3A_1560 = tpu.vector_load %arg7[%get3A_1559] {strides = array<i32>} : memref<1280xf32, #tpu.memory_space<vmem>>, vector<16xf32>,
    %slice3A_1561 = vector.extract_strided_slice %get3A_1560 {offsets = [6], sizes = [1], strides = [1]} : vector<16xf32> to vector<1xf32>
    %squeeze3A_1562 = vector.extract %slice3A_1561[0] : f32 from vector<1xf32>
    %broadcast_in_dim3A_1563 = vector.broadcast %squeeze3A_1562 : f32 to vector<16xf32>
    %swap3A_1564 = arith.constant 118 : i32
    %swap3A_1565 = arith.index_cast %swap3A_1564 : i32 to index
    %swap3A_1566 = arith.constant 0 : index
    %swap3A_1567 = tpu.vector_load %arg8[%swap3A_1565, %swap3A_1566] {strides = array<i32>} : memref<128x16xf32, #tpu.memory_space<vmem>>, vector<16xf32>,
    tpu.vector_store %arg8[%swap3A_1565, %swap3A_1566], %broadcast_in_dim3A_1563 {strides = array<i32>} : memref<128x16xf32, #tpu.memory_space<vmem>>, vector<16xf32>,
    %mul3A_1568 = arith.constant 64 : i32
    %mul3A_1569 = arith.muli %min3A_852, %mul3A_1568 : i32
    %add3A_1570 = arith.constant 48 : i32
    %add3A_1571 = arith.addi %mul3A_1569, %add3A_1570 : i32
    %get3A_1572 = arith.index_cast %add3A_1571 : i32 to index
    %get3A_1573 = tpu.vector_load %arg7[%get3A_1572] {strides = array<i32>} : memref<1280xf32, #tpu.memory_space<vmem>>, vector<16xf32>,
    %slice3A_1574 = vector.extract_strided_slice %get3A_1573 {offsets = [7], sizes = [1], strides = [1]} : vector<16xf32> to vector<1xf32>
    %squeeze3A_1575 = vector.extract %slice3A_1574[0] : f32 from vector<1xf32>
    %broadcast_in_dim3A_1576 = vector.broadcast %squeeze3A_1575 : f32 to vector<16xf32>
    %swap3A_1577 = arith.constant 119 : i32
    %swap3A_1578 = arith.index_cast %swap3A_1577 : i32 to index
    %swap3A_1579 = arith.constant 0 : index
    %swap3A_1580 = tpu.vector_load %arg8[%swap3A_1578, %swap3A_1579] {strides = array<i32>} : memref<128x16xf32, #tpu.memory_space<vmem>>, vector<16xf32>,
    tpu.vector_store %arg8[%swap3A_1578, %swap3A_1579], %broadcast_in_dim3A_1576 {strides = array<i32>} : memref<128x16xf32, #tpu.memory_space<vmem>>, vector<16xf32>,
    %mul3A_1581 = arith.constant 64 : i32
    %mul3A_1582 = arith.muli %min3A_852, %mul3A_1581 : i32
    %add3A_1583 = arith.constant 48 : i32
    %add3A_1584 = arith.addi %mul3A_1582, %add3A_1583 : i32
    %get3A_1585 = arith.index_cast %add3A_1584 : i32 to index
    %get3A_1586 = tpu.vector_load %arg7[%get3A_1585] {strides = array<i32>} : memref<1280xf32, #tpu.memory_space<vmem>>, vector<16xf32>,
    %slice3A_1587 = vector.extract_strided_slice %get3A_1586 {offsets = [8], sizes = [1], strides = [1]} : vector<16xf32> to vector<1xf32>
    %squeeze3A_1588 = vector.extract %slice3A_1587[0] : f32 from vector<1xf32>
    %broadcast_in_dim3A_1589 = vector.broadcast %squeeze3A_1588 : f32 to vector<16xf32>
    %swap3A_1590 = arith.constant 120 : i32
    %swap3A_1591 = arith.index_cast %swap3A_1590 : i32 to index
    %swap3A_1592 = arith.constant 0 : index
    %swap3A_1593 = tpu.vector_load %arg8[%swap3A_1591, %swap3A_1592] {strides = array<i32>} : memref<128x16xf32, #tpu.memory_space<vmem>>, vector<16xf32>,
    tpu.vector_store %arg8[%swap3A_1591, %swap3A_1592], %broadcast_in_dim3A_1589 {strides = array<i32>} : memref<128x16xf32, #tpu.memory_space<vmem>>, vector<16xf32>,
    %mul3A_1594 = arith.constant 64 : i32
    %mul3A_1595 = arith.muli %min3A_852, %mul3A_1594 : i32
    %add3A_1596 = arith.constant 48 : i32
    %add3A_1597 = arith.addi %mul3A_1595, %add3A_1596 : i32
    %get3A_1598 = arith.index_cast %add3A_1597 : i32 to index
    %get3A_1599 = tpu.vector_load %arg7[%get3A_1598] {strides = array<i32>} : memref<1280xf32, #tpu.memory_space<vmem>>, vector<16xf32>,
    %slice3A_1600 = vector.extract_strided_slice %get3A_1599 {offsets = [9], sizes = [1], strides = [1]} : vector<16xf32> to vector<1xf32>
    %squeeze3A_1601 = vector.extract %slice3A_1600[0] : f32 from vector<1xf32>
    %broadcast_in_dim3A_1602 = vector.broadcast %squeeze3A_1601 : f32 to vector<16xf32>
    %swap3A_1603 = arith.constant 121 : i32
    %swap3A_1604 = arith.index_cast %swap3A_1603 : i32 to index
    %swap3A_1605 = arith.constant 0 : index
    %swap3A_1606 = tpu.vector_load %arg8[%swap3A_1604, %swap3A_1605] {strides = array<i32>} : memref<128x16xf32, #tpu.memory_space<vmem>>, vector<16xf32>,
    tpu.vector_store %arg8[%swap3A_1604, %swap3A_1605], %broadcast_in_dim3A_1602 {strides = array<i32>} : memref<128x16xf32, #tpu.memory_space<vmem>>, vector<16xf32>,
    %mul3A_1607 = arith.constant 64 : i32
    %mul3A_1608 = arith.muli %min3A_852, %mul3A_1607 : i32
    %add3A_1609 = arith.constant 48 : i32
    %add3A_1610 = arith.addi %mul3A_1608, %add3A_1609 : i32
    %get3A_1611 = arith.index_cast %add3A_1610 : i32 to index
    %get3A_1612 = tpu.vector_load %arg7[%get3A_1611] {strides = array<i32>} : memref<1280xf32, #tpu.memory_space<vmem>>, vector<16xf32>,
    %slice3A_1613 = vector.extract_strided_slice %get3A_1612 {offsets = [10], sizes = [1], strides = [1]} : vector<16xf32> to vector<1xf32>
    %squeeze3A_1614 = vector.extract %slice3A_1613[0] : f32 from vector<1xf32>
    %broadcast_in_dim3A_1615 = vector.broadcast %squeeze3A_1614 : f32 to vector<16xf32>
    %swap3A_1616 = arith.constant 122 : i32
    %swap3A_1617 = arith.index_cast %swap3A_1616 : i32 to index
    %swap3A_1618 = arith.constant 0 : index
    %swap3A_1619 = tpu.vector_load %arg8[%swap3A_1617, %swap3A_1618] {strides = array<i32>} : memref<128x16xf32, #tpu.memory_space<vmem>>, vector<16xf32>,
    tpu.vector_store %arg8[%swap3A_1617, %swap3A_1618], %broadcast_in_dim3A_1615 {strides = array<i32>} : memref<128x16xf32, #tpu.memory_space<vmem>>, vector<16xf32>,
    %mul3A_1620 = arith.constant 64 : i32
    %mul3A_1621 = arith.muli %min3A_852, %mul3A_1620 : i32
    %add3A_1622 = arith.constant 48 : i32
    %add3A_1623 = arith.addi %mul3A_1621, %add3A_1622 : i32
    %get3A_1624 = arith.index_cast %add3A_1623 : i32 to index
    %get3A_1625 = tpu.vector_load %arg7[%get3A_1624] {strides = array<i32>} : memref<1280xf32, #tpu.memory_space<vmem>>, vector<16xf32>,
    %slice3A_1626 = vector.extract_strided_slice %get3A_1625 {offsets = [11], sizes = [1], strides = [1]} : vector<16xf32> to vector<1xf32>
    %squeeze3A_1627 = vector.extract %slice3A_1626[0] : f32 from vector<1xf32>
    %broadcast_in_dim3A_1628 = vector.broadcast %squeeze3A_1627 : f32 to vector<16xf32>
    %swap3A_1629 = arith.constant 123 : i32
    %swap3A_1630 = arith.index_cast %swap3A_1629 : i32 to index
    %swap3A_1631 = arith.constant 0 : index
    %swap3A_1632 = tpu.vector_load %arg8[%swap3A_1630, %swap3A_1631] {strides = array<i32>} : memref<128x16xf32, #tpu.memory_space<vmem>>, vector<16xf32>,
    tpu.vector_store %arg8[%swap3A_1630, %swap3A_1631], %broadcast_in_dim3A_1628 {strides = array<i32>} : memref<128x16xf32, #tpu.memory_space<vmem>>, vector<16xf32>,
    %mul3A_1633 = arith.constant 64 : i32
    %mul3A_1634 = arith.muli %min3A_852, %mul3A_1633 : i32
    %add3A_1635 = arith.constant 48 : i32
    %add3A_1636 = arith.addi %mul3A_1634, %add3A_1635 : i32
    %get3A_1637 = arith.index_cast %add3A_1636 : i32 to index
    %get3A_1638 = tpu.vector_load %arg7[%get3A_1637] {strides = array<i32>} : memref<1280xf32, #tpu.memory_space<vmem>>, vector<16xf32>,
    %slice3A_1639 = vector.extract_strided_slice %get3A_1638 {offsets = [12], sizes = [1], strides = [1]} : vector<16xf32> to vector<1xf32>
    %squeeze3A_1640 = vector.extract %slice3A_1639[0] : f32 from vector<1xf32>
    %broadcast_in_dim3A_1641 = vector.broadcast %squeeze3A_1640 : f32 to vector<16xf32>
    %swap3A_1642 = arith.constant 124 : i32
    %swap3A_1643 = arith.index_cast %swap3A_1642 : i32 to index
    %swap3A_1644 = arith.constant 0 : index
    %swap3A_1645 = tpu.vector_load %arg8[%swap3A_1643, %swap3A_1644] {strides = array<i32>} : memref<128x16xf32, #tpu.memory_space<vmem>>, vector<16xf32>,
    tpu.vector_store %arg8[%swap3A_1643, %swap3A_1644], %broadcast_in_dim3A_1641 {strides = array<i32>} : memref<128x16xf32, #tpu.memory_space<vmem>>, vector<16xf32>,
    %mul3A_1646 = arith.constant 64 : i32
    %mul3A_1647 = arith.muli %min3A_852, %mul3A_1646 : i32
    %add3A_1648 = arith.constant 48 : i32
    %add3A_1649 = arith.addi %mul3A_1647, %add3A_1648 : i32
    %get3A_1650 = arith.index_cast %add3A_1649 : i32 to index
    %get3A_1651 = tpu.vector_load %arg7[%get3A_1650] {strides = array<i32>} : memref<1280xf32, #tpu.memory_space<vmem>>, vector<16xf32>,
    %slice3A_1652 = vector.extract_strided_slice %get3A_1651 {offsets = [13], sizes = [1], strides = [1]} : vector<16xf32> to vector<1xf32>
    %squeeze3A_1653 = vector.extract %slice3A_1652[0] : f32 from vector<1xf32>
    %broadcast_in_dim3A_1654 = vector.broadcast %squeeze3A_1653 : f32 to vector<16xf32>
    %swap3A_1655 = arith.constant 125 : i32
    %swap3A_1656 = arith.index_cast %swap3A_1655 : i32 to index
    %swap3A_1657 = arith.constant 0 : index
    %swap3A_1658 = tpu.vector_load %arg8[%swap3A_1656, %swap3A_1657] {strides = array<i32>} : memref<128x16xf32, #tpu.memory_space<vmem>>, vector<16xf32>,
    tpu.vector_store %arg8[%swap3A_1656, %swap3A_1657], %broadcast_in_dim3A_1654 {strides = array<i32>} : memref<128x16xf32, #tpu.memory_space<vmem>>, vector<16xf32>,
    %mul3A_1659 = arith.constant 64 : i32
    %mul3A_1660 = arith.muli %min3A_852, %mul3A_1659 : i32
    %add3A_1661 = arith.constant 48 : i32
    %add3A_1662 = arith.addi %mul3A_1660, %add3A_1661 : i32
    %get3A_1663 = arith.index_cast %add3A_1662 : i32 to index
    %get3A_1664 = tpu.vector_load %arg7[%get3A_1663] {strides = array<i32>} : memref<1280xf32, #tpu.memory_space<vmem>>, vector<16xf32>,
    %slice3A_1665 = vector.extract_strided_slice %get3A_1664 {offsets = [14], sizes = [1], strides = [1]} : vector<16xf32> to vector<1xf32>
    %squeeze3A_1666 = vector.extract %slice3A_1665[0] : f32 from vector<1xf32>
    %broadcast_in_dim3A_1667 = vector.broadcast %squeeze3A_1666 : f32 to vector<16xf32>
    %swap3A_1668 = arith.constant 126 : i32
    %swap3A_1669 = arith.index_cast %swap3A_1668 : i32 to index
    %swap3A_1670 = arith.constant 0 : index
    %swap3A_1671 = tpu.vector_load %arg8[%swap3A_1669, %swap3A_1670] {strides = array<i32>} : memref<128x16xf32, #tpu.memory_space<vmem>>, vector<16xf32>,
    tpu.vector_store %arg8[%swap3A_1669, %swap3A_1670], %broadcast_in_dim3A_1667 {strides = array<i32>} : memref<128x16xf32, #tpu.memory_space<vmem>>, vector<16xf32>,
    %mul3A_1672 = arith.constant 64 : i32
    %mul3A_1673 = arith.muli %min3A_852, %mul3A_1672 : i32
    %add3A_1674 = arith.constant 48 : i32
    %add3A_1675 = arith.addi %mul3A_1673, %add3A_1674 : i32
    %get3A_1676 = arith.index_cast %add3A_1675 : i32 to index
    %get3A_1677 = tpu.vector_load %arg7[%get3A_1676] {strides = array<i32>} : memref<1280xf32, #tpu.memory_space<vmem>>, vector<16xf32>,
    %slice3A_1678 = vector.extract_strided_slice %get3A_1677 {offsets = [15], sizes = [1], strides = [1]} : vector<16xf32> to vector<1xf32>
    %squeeze3A_1679 = vector.extract %slice3A_1678[0] : f32 from vector<1xf32>
    %broadcast_in_dim3A_1680 = vector.broadcast %squeeze3A_1679 : f32 to vector<16xf32>
    %swap3A_1681 = arith.constant 127 : i32
    %swap3A_1682 = arith.index_cast %swap3A_1681 : i32 to index
    %swap3A_1683 = arith.constant 0 : index
    %swap3A_1684 = tpu.vector_load %arg8[%swap3A_1682, %swap3A_1683] {strides = array<i32>} : memref<128x16xf32, #tpu.memory_space<vmem>>, vector<16xf32>,
    tpu.vector_store %arg8[%swap3A_1682, %swap3A_1683], %broadcast_in_dim3A_1680 {strides = array<i32>} : memref<128x16xf32, #tpu.memory_space<vmem>>, vector<16xf32>,
    %add3A_1685 = arith.constant 0 : i32
    %add3A_1686 = arith.addi %mul3A_2, %add3A_1685 : i32
    %mul3A_1687 = arith.constant 256 : i32
    %mul3A_1688 = arith.muli %add3A_1686, %mul3A_1687 : i32
    %dma_start3A = arith.constant 0 : i32
    %dma_start3A_1689 = arith.constant 0 : i32
    %dma_start3A_1690 = tpu.memref_slice %arg6[%dma_start3A, %dma_start3A_1689] : memref<2x256xi32, #tpu.memory_space<vmem>> -> memref<1x256xi32, #tpu.memory_space<vmem>>
    %dma_start3A_1691 = tpu.memref_squeeze %dma_start3A_1690 : memref<1x256xi32, #tpu.memory_space<vmem>> -> memref<256xi32, #tpu.memory_space<vmem>>
    %dma_start3A_1692 = tpu.memref_slice %arg3[%mul3A_1688] : memref<327680xi32, #tpu.memory_space<hbm>> -> memref<256xi32, #tpu.memory_space<hbm>>
    %dma_start3A_1693 = arith.constant 0 : i32
    %dma_start3A_1694 = tpu.memref_slice %arg6[%dma_start3A, %dma_start3A_1693] : memref<2x256xi32, #tpu.memory_space<vmem>> -> memref<1x256xi32, #tpu.memory_space<vmem>>
    %dma_start3A_1695 = tpu.memref_squeeze %dma_start3A_1694 : memref<1x256xi32, #tpu.memory_space<vmem>> -> memref<256xi32, #tpu.memory_space<vmem>>
    %dma_start3A_1696 = tpu.memref_slice %arg3[%mul3A_1688] : memref<327680xi32, #tpu.memory_space<hbm>> -> memref<256xi32, #tpu.memory_space<hbm>>
    tpu.enqueue_dma source(%dma_start3A_1696 : memref<256xi32, #tpu.memory_space<hbm>>) target(%dma_start3A_1695 : memref<256xi32, #tpu.memory_space<vmem>>) target_semaphore(%arg11 : memref<!tpu.dma_semaphore, #tpu.memory_space<semaphore_mem>>)
    %add3A_1697 = arith.constant 1 : i32
    %add3A_1698 = arith.addi %mul3A_2, %add3A_1697 : i32
    %mul3A_1699 = arith.constant 256 : i32
    %mul3A_1700 = arith.muli %add3A_1698, %mul3A_1699 : i32
    %dma_start3A_1701 = arith.constant 1 : i32
    %dma_start3A_1702 = arith.constant 0 : i32
    %dma_start3A_1703 = tpu.memref_slice %arg6[%dma_start3A_1701, %dma_start3A_1702] : memref<2x256xi32, #tpu.memory_space<vmem>> -> memref<1x256xi32, #tpu.memory_space<vmem>>
    %dma_start3A_1704 = tpu.memref_squeeze %dma_start3A_1703 : memref<1x256xi32, #tpu.memory_space<vmem>> -> memref<256xi32, #tpu.memory_space<vmem>>
    %dma_start3A_1705 = tpu.memref_slice %arg3[%mul3A_1700] : memref<327680xi32, #tpu.memory_space<hbm>> -> memref<256xi32, #tpu.memory_space<hbm>>
    %dma_start3A_1706 = arith.constant 0 : i32
    %dma_start3A_1707 = tpu.memref_slice %arg6[%dma_start3A_1701, %dma_start3A_1706] : memref<2x256xi32, #tpu.memory_space<vmem>> -> memref<1x256xi32, #tpu.memory_space<vmem>>
    %dma_start3A_1708 = tpu.memref_squeeze %dma_start3A_1707 : memref<1x256xi32, #tpu.memory_space<vmem>> -> memref<256xi32, #tpu.memory_space<vmem>>
    %dma_start3A_1709 = tpu.memref_slice %arg3[%mul3A_1700] : memref<327680xi32, #tpu.memory_space<hbm>> -> memref<256xi32, #tpu.memory_space<hbm>>
    tpu.enqueue_dma source(%dma_start3A_1709 : memref<256xi32, #tpu.memory_space<hbm>>) target(%dma_start3A_1708 : memref<256xi32, #tpu.memory_space<vmem>>) target_semaphore(%arg12 : memref<!tpu.dma_semaphore, #tpu.memory_space<semaphore_mem>>)
    %dma_wait3A = arith.constant 0 : i32
    %dma_wait3A_1710 = arith.constant 0 : i32
    %dma_wait3A_1711 = tpu.memref_slice %arg6[%dma_wait3A, %dma_wait3A_1710] : memref<2x256xi32, #tpu.memory_space<vmem>> -> memref<1x256xi32, #tpu.memory_space<vmem>>
    %dma_wait3A_1712 = tpu.memref_squeeze %dma_wait3A_1711 : memref<1x256xi32, #tpu.memory_space<vmem>> -> memref<256xi32, #tpu.memory_space<vmem>>
    %dma_wait3A_1713 = arith.constant 0 : i32
    %dma_wait3A_1714 = tpu.memref_slice %arg3[%dma_wait3A_1713] : memref<327680xi32, #tpu.memory_space<hbm>> -> memref<256xi32, #tpu.memory_space<hbm>>
    %dma_wait3A_1715 = arith.constant 0 : i32
    %dma_wait3A_1716 = tpu.memref_slice %arg6[%dma_wait3A, %dma_wait3A_1715] : memref<2x256xi32, #tpu.memory_space<vmem>> -> memref<1x256xi32, #tpu.memory_space<vmem>>
    %dma_wait3A_1717 = tpu.memref_squeeze %dma_wait3A_1716 : memref<1x256xi32, #tpu.memory_space<vmem>> -> memref<256xi32, #tpu.memory_space<vmem>>
    %dma_wait3A_1718 = arith.constant 0 : i32
    %dma_wait3A_1719 = tpu.memref_slice %arg3[%dma_wait3A_1718] : memref<327680xi32, #tpu.memory_space<hbm>> -> memref<256xi32, #tpu.memory_space<hbm>>
    tpu.wait_dma2 semaphore(%arg11 : memref<!tpu.dma_semaphore, #tpu.memory_space<semaphore_mem>>) src(%dma_wait3A_1719 : memref<256xi32, #tpu.memory_space<hbm>>) dst(%dma_wait3A_1717 : memref<256xi32, #tpu.memory_space<vmem>>)
    %dma_start3A_1720 = arith.constant 0 : i32
    %dma_start3A_1721 = arith.constant 0 : i32
    %dma_start3A_1722 = arith.constant 0 : i32
    %dma_start3A_1723 = arith.constant 0 : i32
    %dma_start3A_1724 = tpu.memref_slice %arg9[%dma_start3A_1721, %dma_start3A_1722, %dma_start3A_1723] : memref<2x256x128xf32, #tpu.memory_space<vmem>> -> memref<1x128x128xf32, #tpu.memory_space<vmem>>
    %dma_start3A_1725 = tpu.memref_squeeze %dma_start3A_1724 : memref<1x128x128xf32, #tpu.memory_space<vmem>> -> memref<128x128xf32, #tpu.memory_space<vmem>>
    %dma_start3A_1726 = arith.constant 0 : i32
    %dma_start3A_1727 = tpu.memref_slice %arg6[%dma_start3A_1720, %dma_start3A_1726] : memref<2x256xi32, #tpu.memory_space<vmem>> -> memref<1x128xi32, #tpu.memory_space<vmem>>
    %dma_start3A_1728 = tpu.memref_squeeze %dma_start3A_1727 : memref<1x128xi32, #tpu.memory_space<vmem>> -> memref<128xi32, #tpu.memory_space<vmem>>
    %dma_start3A_1729 = arith.constant 0 : i32
    %dma_start3A_1730 = arith.constant 0 : i32
    %dma_start3A_1731 = tpu.memref_slice %arg2[%dma_start3A_1729, %dma_start3A_1730] : memref<1000000x128xf32, #tpu.memory_space<hbm>> -> memref<1000000x128xf32, #tpu.memory_space<hbm>>
    tpu.enqueue_indirect_dma source(%dma_start3A_1731 : memref<1000000x128xf32, #tpu.memory_space<hbm>>) target(%dma_start3A_1725 : memref<128x128xf32, #tpu.memory_space<vmem>>) offsets(%dma_start3A_1728 : memref<128xi32, #tpu.memory_space<vmem>>) semaphore(%arg13 : memref<!tpu.dma_semaphore, #tpu.memory_space<semaphore_mem>>)
    %dma_start3A_1732 = arith.constant 0 : i32
    %dma_start3A_1733 = arith.constant 0 : i32
    %dma_start3A_1734 = arith.constant 128 : i32
    %dma_start3A_1735 = arith.constant 0 : i32
    %dma_start3A_1736 = tpu.memref_slice %arg9[%dma_start3A_1733, %dma_start3A_1734, %dma_start3A_1735] : memref<2x256x128xf32, #tpu.memory_space<vmem>> -> memref<1x128x128xf32, #tpu.memory_space<vmem>>
    %dma_start3A_1737 = tpu.memref_squeeze %dma_start3A_1736 : memref<1x128x128xf32, #tpu.memory_space<vmem>> -> memref<128x128xf32, #tpu.memory_space<vmem>>
    %dma_start3A_1738 = arith.constant 128 : i32
    %dma_start3A_1739 = tpu.memref_slice %arg6[%dma_start3A_1732, %dma_start3A_1738] : memref<2x256xi32, #tpu.memory_space<vmem>> -> memref<1x128xi32, #tpu.memory_space<vmem>>
    %dma_start3A_1740 = tpu.memref_squeeze %dma_start3A_1739 : memref<1x128xi32, #tpu.memory_space<vmem>> -> memref<128xi32, #tpu.memory_space<vmem>>
    %dma_start3A_1741 = arith.constant 0 : i32
    %dma_start3A_1742 = arith.constant 0 : i32
    %dma_start3A_1743 = tpu.memref_slice %arg2[%dma_start3A_1741, %dma_start3A_1742] : memref<1000000x128xf32, #tpu.memory_space<hbm>> -> memref<1000000x128xf32, #tpu.memory_space<hbm>>
    tpu.enqueue_indirect_dma source(%dma_start3A_1743 : memref<1000000x128xf32, #tpu.memory_space<hbm>>) target(%dma_start3A_1737 : memref<128x128xf32, #tpu.memory_space<vmem>>) offsets(%dma_start3A_1740 : memref<128xi32, #tpu.memory_space<vmem>>) semaphore(%arg13 : memref<!tpu.dma_semaphore, #tpu.memory_space<semaphore_mem>>)
    %scan3A = arith.constant 0 : i32
    %scan3A_1744 = arith.constant 20 : i32
    %scan3A_1745 = arith.addi %scan3A, %scan3A_1744 : i32
    %scan3A_1746 = arith.constant 1 : i32
    scf.for %scan3A_1784 = %scan3A to %scan3A_1745 step %scan3A_1746  : i32 {
      %mul3A_1785 = arith.constant 2 : i32
      %mul3A_1786 = arith.muli %scan3A_1784, %mul3A_1785 : i32
      %add3A_1787 = arith.constant 0 : i32
      %add3A_1788 = arith.addi %add3A_1787, %mul3A_1786 : i32
      %add3A_1789 = arith.constant 0 : i32
      %add3A_1790 = arith.addi %add3A_1788, %add3A_1789 : i32
      %add3A_1791 = arith.constant 1 : i32
      %add3A_1792 = arith.addi %add3A_1790, %add3A_1791 : i32
      %lt3A = arith.constant 40 : i32
      %lt3A_1793 = arith.cmpi slt, %add3A_1792, %lt3A : i32
      %convert_element_type3A = arith.extui %lt3A_1793 : i1 to i32
      %cond3A = arith.constant 0 : i32
      %cond3A_1794 = arith.cmpi ne, %convert_element_type3A, %cond3A : i32
      scf.if %cond3A_1794 {
        %dma_wait3A_2061 = arith.constant 1 : i32
        %dma_wait3A_2062 = arith.constant 0 : i32
        %dma_wait3A_2063 = tpu.memref_slice %arg6[%dma_wait3A_2061, %dma_wait3A_2062] : memref<2x256xi32, #tpu.memory_space<vmem>> -> memref<1x256xi32, #tpu.memory_space<vmem>>
        %dma_wait3A_2064 = tpu.memref_squeeze %dma_wait3A_2063 : memref<1x256xi32, #tpu.memory_space<vmem>> -> memref<256xi32, #tpu.memory_space<vmem>>
        %dma_wait3A_2065 = arith.constant 0 : i32
        %dma_wait3A_2066 = tpu.memref_slice %arg3[%dma_wait3A_2065] : memref<327680xi32, #tpu.memory_space<hbm>> -> memref<256xi32, #tpu.memory_space<hbm>>
        %dma_wait3A_2067 = arith.constant 0 : i32
        %dma_wait3A_2068 = tpu.memref_slice %arg6[%dma_wait3A_2061, %dma_wait3A_2067] : memref<2x256xi32, #tpu.memory_space<vmem>> -> memref<1x256xi32, #tpu.memory_space<vmem>>
        %dma_wait3A_2069 = tpu.memref_squeeze %dma_wait3A_2068 : memref<1x256xi32, #tpu.memory_space<vmem>> -> memref<256xi32, #tpu.memory_space<vmem>>
        %dma_wait3A_2070 = arith.constant 0 : i32
        %dma_wait3A_2071 = tpu.memref_slice %arg3[%dma_wait3A_2070] : memref<327680xi32, #tpu.memory_space<hbm>> -> memref<256xi32, #tpu.memory_space<hbm>>
        tpu.wait_dma2 semaphore(%arg12 : memref<!tpu.dma_semaphore, #tpu.memory_space<semaphore_mem>>) src(%dma_wait3A_2071 : memref<256xi32, #tpu.memory_space<hbm>>) dst(%dma_wait3A_2069 : memref<256xi32, #tpu.memory_space<vmem>>)
      } else {
      }
      %dma_wait3A_1795 = arith.constant 0 : i32
      %dma_wait3A_1796 = arith.constant 0 : i32
      %dma_wait3A_1797 = arith.constant 0 : i32
      %dma_wait3A_1798 = arith.constant 0 : i32
      %dma_wait3A_1799 = tpu.memref_slice %arg9[%dma_wait3A_1796, %dma_wait3A_1797, %dma_wait3A_1798] : memref<2x256x128xf32, #tpu.memory_space<vmem>> -> memref<1x128x128xf32, #tpu.memory_space<vmem>>
      %dma_wait3A_1800 = tpu.memref_squeeze %dma_wait3A_1799 : memref<1x128x128xf32, #tpu.memory_space<vmem>> -> memref<128x128xf32, #tpu.memory_space<vmem>>
      %dma_wait3A_1801 = arith.constant 0 : i32
      %dma_wait3A_1802 = tpu.memref_slice %arg6[%dma_wait3A_1795, %dma_wait3A_1801] : memref<2x256xi32, #tpu.memory_space<vmem>> -> memref<1x128xi32, #tpu.memory_space<vmem>>
      %dma_wait3A_1803 = tpu.memref_squeeze %dma_wait3A_1802 : memref<1x128xi32, #tpu.memory_space<vmem>> -> memref<128xi32, #tpu.memory_space<vmem>>
      %dma_wait3A_1804 = arith.constant 0 : i32
      %dma_wait3A_1805 = arith.constant 0 : i32
      %dma_wait3A_1806 = tpu.memref_slice %arg2[%dma_wait3A_1804, %dma_wait3A_1805] : memref<1000000x128xf32, #tpu.memory_space<hbm>> -> memref<1000000x128xf32, #tpu.memory_space<hbm>>
      tpu.wait_indirect_dma semaphore(%arg13 : memref<!tpu.dma_semaphore, #tpu.memory_space<semaphore_mem>>) src(%dma_wait3A_1806 : memref<1000000x128xf32, #tpu.memory_space<hbm>>) dst(%dma_wait3A_1800 : memref<128x128xf32, #tpu.memory_space<vmem>>)
      %dma_wait3A_1807 = arith.constant 0 : i32
      %dma_wait3A_1808 = arith.constant 0 : i32
      %dma_wait3A_1809 = arith.constant 128 : i32
      %dma_wait3A_1810 = arith.constant 0 : i32
      %dma_wait3A_1811 = tpu.memref_slice %arg9[%dma_wait3A_1808, %dma_wait3A_1809, %dma_wait3A_1810] : memref<2x256x128xf32, #tpu.memory_space<vmem>> -> memref<1x128x128xf32, #tpu.memory_space<vmem>>
      %dma_wait3A_1812 = tpu.memref_squeeze %dma_wait3A_1811 : memref<1x128x128xf32, #tpu.memory_space<vmem>> -> memref<128x128xf32, #tpu.memory_space<vmem>>
      %dma_wait3A_1813 = arith.constant 128 : i32
      %dma_wait3A_1814 = tpu.memref_slice %arg6[%dma_wait3A_1807, %dma_wait3A_1813] : memref<2x256xi32, #tpu.memory_space<vmem>> -> memref<1x128xi32, #tpu.memory_space<vmem>>
      %dma_wait3A_1815 = tpu.memref_squeeze %dma_wait3A_1814 : memref<1x128xi32, #tpu.memory_space<vmem>> -> memref<128xi32, #tpu.memory_space<vmem>>
      %dma_wait3A_1816 = arith.constant 0 : i32
      %dma_wait3A_1817 = arith.constant 0 : i32
      %dma_wait3A_1818 = tpu.memref_slice %arg2[%dma_wait3A_1816, %dma_wait3A_1817] : memref<1000000x128xf32, #tpu.memory_space<hbm>> -> memref<1000000x128xf32, #tpu.memory_space<hbm>>
      tpu.wait_indirect_dma semaphore(%arg13 : memref<!tpu.dma_semaphore, #tpu.memory_space<semaphore_mem>>) src(%dma_wait3A_1818 : memref<1000000x128xf32, #tpu.memory_space<hbm>>) dst(%dma_wait3A_1812 : memref<128x128xf32, #tpu.memory_space<vmem>>)
      %add3A_1819 = arith.constant 1 : i32
      %add3A_1820 = arith.addi %add3A_1790, %add3A_1819 : i32
      %lt3A_1821 = arith.constant 40 : i32
      %lt3A_1822 = arith.cmpi slt, %add3A_1820, %lt3A_1821 : i32
      %convert_element_type3A_1823 = arith.extui %lt3A_1822 : i1 to i32
      %cond3A_1824 = arith.constant 0 : i32
      %cond3A_1825 = arith.cmpi ne, %convert_element_type3A_1823, %cond3A_1824 : i32
      scf.if %cond3A_1825 {
        %dma_start3A_2061 = arith.constant 1 : i32
        %dma_start3A_2062 = arith.constant 1 : i32
        %dma_start3A_2063 = arith.constant 0 : i32
        %dma_start3A_2064 = arith.constant 0 : i32
        %dma_start3A_2065 = tpu.memref_slice %arg9[%dma_start3A_2062, %dma_start3A_2063, %dma_start3A_2064] : memref<2x256x128xf32, #tpu.memory_space<vmem>> -> memref<1x128x128xf32, #tpu.memory_space<vmem>>
        %dma_start3A_2066 = tpu.memref_squeeze %dma_start3A_2065 : memref<1x128x128xf32, #tpu.memory_space<vmem>> -> memref<128x128xf32, #tpu.memory_space<vmem>>
        %dma_start3A_2067 = arith.constant 0 : i32
        %dma_start3A_2068 = tpu.memref_slice %arg6[%dma_start3A_2061, %dma_start3A_2067] : memref<2x256xi32, #tpu.memory_space<vmem>> -> memref<1x128xi32, #tpu.memory_space<vmem>>
        %dma_start3A_2069 = tpu.memref_squeeze %dma_start3A_2068 : memref<1x128xi32, #tpu.memory_space<vmem>> -> memref<128xi32, #tpu.memory_space<vmem>>
        %dma_start3A_2070 = arith.constant 0 : i32
        %dma_start3A_2071 = arith.constant 0 : i32
        %dma_start3A_2072 = tpu.memref_slice %arg2[%dma_start3A_2070, %dma_start3A_2071] : memref<1000000x128xf32, #tpu.memory_space<hbm>> -> memref<1000000x128xf32, #tpu.memory_space<hbm>>
        tpu.enqueue_indirect_dma source(%dma_start3A_2072 : memref<1000000x128xf32, #tpu.memory_space<hbm>>) target(%dma_start3A_2066 : memref<128x128xf32, #tpu.memory_space<vmem>>) offsets(%dma_start3A_2069 : memref<128xi32, #tpu.memory_space<vmem>>) semaphore(%arg14 : memref<!tpu.dma_semaphore, #tpu.memory_space<semaphore_mem>>)
        %dma_start3A_2073 = arith.constant 1 : i32
        %dma_start3A_2074 = arith.constant 1 : i32
        %dma_start3A_2075 = arith.constant 128 : i32
        %dma_start3A_2076 = arith.constant 0 : i32
        %dma_start3A_2077 = tpu.memref_slice %arg9[%dma_start3A_2074, %dma_start3A_2075, %dma_start3A_2076] : memref<2x256x128xf32, #tpu.memory_space<vmem>> -> memref<1x128x128xf32, #tpu.memory_space<vmem>>
        %dma_start3A_2078 = tpu.memref_squeeze %dma_start3A_2077 : memref<1x128x128xf32, #tpu.memory_space<vmem>> -> memref<128x128xf32, #tpu.memory_space<vmem>>
        %dma_start3A_2079 = arith.constant 128 : i32
        %dma_start3A_2080 = tpu.memref_slice %arg6[%dma_start3A_2073, %dma_start3A_2079] : memref<2x256xi32, #tpu.memory_space<vmem>> -> memref<1x128xi32, #tpu.memory_space<vmem>>
        %dma_start3A_2081 = tpu.memref_squeeze %dma_start3A_2080 : memref<1x128xi32, #tpu.memory_space<vmem>> -> memref<128xi32, #tpu.memory_space<vmem>>
        %dma_start3A_2082 = arith.constant 0 : i32
        %dma_start3A_2083 = arith.constant 0 : i32
        %dma_start3A_2084 = tpu.memref_slice %arg2[%dma_start3A_2082, %dma_start3A_2083] : memref<1000000x128xf32, #tpu.memory_space<hbm>> -> memref<1000000x128xf32, #tpu.memory_space<hbm>>
        tpu.enqueue_indirect_dma source(%dma_start3A_2084 : memref<1000000x128xf32, #tpu.memory_space<hbm>>) target(%dma_start3A_2078 : memref<128x128xf32, #tpu.memory_space<vmem>>) offsets(%dma_start3A_2081 : memref<128xi32, #tpu.memory_space<vmem>>) semaphore(%arg14 : memref<!tpu.dma_semaphore, #tpu.memory_space<semaphore_mem>>)
      } else {
      }
      %ge3A = arith.constant 2 : i32
      %ge3A_1826 = arith.cmpi sge, %add3A_1790, %ge3A : i32
      %convert_element_type3A_1827 = arith.extui %ge3A_1826 : i1 to i32
      %cond3A_1828 = arith.constant 0 : i32
      %cond3A_1829 = arith.cmpi ne, %convert_element_type3A_1827, %cond3A_1828 : i32
      scf.if %cond3A_1829 {
        %dma_wait3A_2061 = arith.constant 0 : i32
        %dma_wait3A_2062 = arith.constant 0 : i32
        %dma_wait3A_2063 = arith.constant 0 : i32
        %dma_wait3A_2064 = arith.constant 0 : i32
        %dma_wait3A_2065 = tpu.memref_slice %arg10[%dma_wait3A_2061, %dma_wait3A_2063, %dma_wait3A_2064] : memref<2x64x256xf32, #tpu.memory_space<vmem>> -> memref<1x64x256xf32, #tpu.memory_space<vmem>>
        %dma_wait3A_2066 = tpu.memref_squeeze %dma_wait3A_2065 : memref<1x64x256xf32, #tpu.memory_space<vmem>> -> memref<64x256xf32, #tpu.memory_space<vmem>>
        %dma_wait3A_2067 = arith.constant 0 : i32
        %dma_wait3A_2068 = arith.constant 0 : i32
        %dma_wait3A_2069 = tpu.memref_slice %arg5[%dma_wait3A_2062, %dma_wait3A_2067, %dma_wait3A_2068] : memref<20x64x16384xf32, #tpu.memory_space<hbm>> -> memref<1x64x256xf32, #tpu.memory_space<hbm>>
        %dma_wait3A_2070 = tpu.memref_squeeze %dma_wait3A_2069 : memref<1x64x256xf32, #tpu.memory_space<hbm>> -> memref<64x256xf32, #tpu.memory_space<hbm>>
        %dma_wait3A_2071 = arith.constant 0 : i32
        %dma_wait3A_2072 = arith.constant 0 : i32
        %dma_wait3A_2073 = tpu.memref_slice %arg5[%dma_wait3A_2062, %dma_wait3A_2071, %dma_wait3A_2072] : memref<20x64x16384xf32, #tpu.memory_space<hbm>> -> memref<1x64x256xf32, #tpu.memory_space<hbm>>
        %dma_wait3A_2074 = tpu.memref_squeeze %dma_wait3A_2073 : memref<1x64x256xf32, #tpu.memory_space<hbm>> -> memref<64x256xf32, #tpu.memory_space<hbm>>
        %dma_wait3A_2075 = arith.constant 0 : i32
        %dma_wait3A_2076 = arith.constant 0 : i32
        %dma_wait3A_2077 = tpu.memref_slice %arg10[%dma_wait3A_2061, %dma_wait3A_2075, %dma_wait3A_2076] : memref<2x64x256xf32, #tpu.memory_space<vmem>> -> memref<1x64x256xf32, #tpu.memory_space<vmem>>
        %dma_wait3A_2078 = tpu.memref_squeeze %dma_wait3A_2077 : memref<1x64x256xf32, #tpu.memory_space<vmem>> -> memref<64x256xf32, #tpu.memory_space<vmem>>
        tpu.wait_dma2 semaphore(%arg15 : memref<!tpu.dma_semaphore, #tpu.memory_space<semaphore_mem>>) src(%dma_wait3A_2078 : memref<64x256xf32, #tpu.memory_space<vmem>>) dst(%dma_wait3A_2074 : memref<64x256xf32, #tpu.memory_space<hbm>>)
      } else {
      }
      %add3A_1830 = arith.addi %mul3A_2, %add3A_1790 : i32
      %jit3A_1831 = arith.constant 64 : i32
      %div3A_1832 = arith.divsi %add3A_1830, %jit3A_1831 : i32
      %sign3A_1833 = arith.constant 0 : i32
      %sign3A_1834 = arith.cmpi sgt, %add3A_1830, %sign3A_1833 : i32
      %sign3A_1835 = arith.extui %sign3A_1834 : i1 to i32
      %sign3A_1836 = arith.constant 0 : i32
      %sign3A_1837 = arith.cmpi slt, %add3A_1830, %sign3A_1836 : i32
      %sign3A_1838 = arith.extui %sign3A_1837 : i1 to i32
      %sign3A_1839 = arith.subi %sign3A_1835, %sign3A_1838 : i32
      %sign3A_1840 = arith.constant 0 : i32
      %sign3A_1841 = arith.cmpi sgt, %jit3A_1831, %sign3A_1840 : i32
      %sign3A_1842 = arith.extui %sign3A_1841 : i1 to i32
      %sign3A_1843 = arith.constant 0 : i32
      %sign3A_1844 = arith.cmpi slt, %jit3A_1831, %sign3A_1843 : i32
      %sign3A_1845 = arith.extui %sign3A_1844 : i1 to i32
      %sign3A_1846 = arith.subi %sign3A_1842, %sign3A_1845 : i32
      %ne3A_1847 = arith.cmpi ne, %sign3A_1839, %sign3A_1846 : i32
      %rem3A_1848 = arith.remsi %add3A_1830, %jit3A_1831 : i32
      %ne3A_1849 = arith.constant 0 : i32
      %ne3A_1850 = arith.cmpi ne, %rem3A_1848, %ne3A_1849 : i32
      %and3A_1851 = arith.andi %ne3A_1847, %ne3A_1850 : i1
      %sub3A_1852 = arith.constant 1 : i32
      %sub3A_1853 = arith.subi %div3A_1832, %sub3A_1852 : i32
      %select_n3A_1854 = arith.select %and3A_1851, %sub3A_1853, %div3A_1832 : i32
      %sub3A_1855 = arith.subi %select_n3A_1854, %select_n3A : i32
      %parallel_loop3A = arith.constant 0 : i32
      %parallel_loop3A_1856 = arith.constant 64 : i32
      %parallel_loop3A_1857 = arith.constant 1 : i32
      scf.for %parallel_loop3A_2061 = %parallel_loop3A to %parallel_loop3A_1856 step %parallel_loop3A_1857  : i32 {
        %parallel_loop3A_2062 = arith.constant 64 : i32
        %parallel_loop3A_2063 = arith.muli %sub3A_1855, %parallel_loop3A_2062 : i32
        %parallel_loop3A_2064 = arith.addi %parallel_loop3A_2063, %parallel_loop3A_2061 : i32
        %parallel_loop3A_2065 = arith.index_cast %parallel_loop3A_2064 : i32 to index
        %parallel_loop3A_2066 = arith.constant 0 : index
        %parallel_loop3A_2067 = tpu.vector_load %arg8[%parallel_loop3A_2065, %parallel_loop3A_2066] {strides = array<i32>} : memref<128x16xf32, #tpu.memory_space<vmem>>, vector<16xf32>,
        %parallel_loop3A_2068 = vector.broadcast %parallel_loop3A_2061 : i32 to vector<16xi32>
        %parallel_loop3A_2069 = arith.constant 0 : i32
        %parallel_loop3A_2070 = vector.broadcast %parallel_loop3A_2069 : i32 to vector<16xi32>
        %parallel_loop3A_2071 = arith.addi %iota3A, %parallel_loop3A_2070 : vector<16xi32>
        %parallel_loop3A_2072 = arith.constant 0 : i32
        %parallel_loop3A_2073 = arith.constant 0 : i32
        %parallel_loop3A_2074 = arith.constant 0 : i32
        %parallel_loop3A_2075 = tpu.memref_slice %arg9[%parallel_loop3A_2072, %parallel_loop3A_2073, %parallel_loop3A_2074] : memref<2x256x128xf32, #tpu.memory_space<vmem>> -> memref<1x256x128xf32, #tpu.memory_space<vmem>>
        %parallel_loop3A_2076 = tpu.memref_squeeze %parallel_loop3A_2075 : memref<1x256x128xf32, #tpu.memory_space<vmem>> -> memref<256x128xf32, #tpu.memory_space<vmem>>
        %parallel_loop3A_2077 = tpu.vector_load_idx %parallel_loop3A_2076[%parallel_loop3A_2071, %parallel_loop3A_2068] : memref<256x128xf32, #tpu.memory_space<vmem>>[vector<16xi32>, vector<16xi32>], vector<16xf32>,
        %parallel_loop3A_2078 = arith.addf %parallel_loop3A_2077, %parallel_loop3A_2067 : vector<16xf32>
        %parallel_loop3A_2079 = arith.constant 0 : i32
        %parallel_loop3A_2080 = arith.index_cast %parallel_loop3A_2079 : i32 to index
        %parallel_loop3A_2081 = arith.index_cast %parallel_loop3A_2061 : i32 to index
        %parallel_loop3A_2082 = arith.constant 0 : index
        %parallel_loop3A_2083 = tpu.vector_load %arg10[%parallel_loop3A_2080, %parallel_loop3A_2081, %parallel_loop3A_2082] {strides = array<i32>} : memref<2x64x256xf32, #tpu.memory_space<vmem>>, vector<16xf32>,
        tpu.vector_store %arg10[%parallel_loop3A_2080, %parallel_loop3A_2081, %parallel_loop3A_2082], %parallel_loop3A_2078 {strides = array<i32>} : memref<2x64x256xf32, #tpu.memory_space<vmem>>, vector<16xf32>,
        %parallel_loop3A_2084 = arith.constant 16 : i32
        %parallel_loop3A_2085 = vector.broadcast %parallel_loop3A_2084 : i32 to vector<16xi32>
        %parallel_loop3A_2086 = arith.addi %iota3A, %parallel_loop3A_2085 : vector<16xi32>
        %parallel_loop3A_2087 = arith.constant 0 : i32
        %parallel_loop3A_2088 = arith.constant 0 : i32
        %parallel_loop3A_2089 = arith.constant 0 : i32
        %parallel_loop3A_2090 = tpu.memref_slice %arg9[%parallel_loop3A_2087, %parallel_loop3A_2088, %parallel_loop3A_2089] : memref<2x256x128xf32, #tpu.memory_space<vmem>> -> memref<1x256x128xf32, #tpu.memory_space<vmem>>
        %parallel_loop3A_2091 = tpu.memref_squeeze %parallel_loop3A_2090 : memref<1x256x128xf32, #tpu.memory_space<vmem>> -> memref<256x128xf32, #tpu.memory_space<vmem>>
        %parallel_loop3A_2092 = tpu.vector_load_idx %parallel_loop3A_2091[%parallel_loop3A_2086, %parallel_loop3A_2068] : memref<256x128xf32, #tpu.memory_space<vmem>>[vector<16xi32>, vector<16xi32>], vector<16xf32>,
        %parallel_loop3A_2093 = arith.addf %parallel_loop3A_2092, %parallel_loop3A_2067 : vector<16xf32>
        %parallel_loop3A_2094 = arith.constant 0 : i32
        %parallel_loop3A_2095 = arith.index_cast %parallel_loop3A_2094 : i32 to index
        %parallel_loop3A_2096 = arith.index_cast %parallel_loop3A_2061 : i32 to index
        %parallel_loop3A_2097 = arith.constant 16 : index
        %parallel_loop3A_2098 = tpu.vector_load %arg10[%parallel_loop3A_2095, %parallel_loop3A_2096, %parallel_loop3A_2097] {strides = array<i32>} : memref<2x64x256xf32, #tpu.memory_space<vmem>>, vector<16xf32>,
        tpu.vector_store %arg10[%parallel_loop3A_2095, %parallel_loop3A_2096, %parallel_loop3A_2097], %parallel_loop3A_2093 {strides = array<i32>} : memref<2x64x256xf32, #tpu.memory_space<vmem>>, vector<16xf32>,
        %parallel_loop3A_2099 = arith.constant 32 : i32
        %parallel_loop3A_2100 = vector.broadcast %parallel_loop3A_2099 : i32 to vector<16xi32>
        %parallel_loop3A_2101 = arith.addi %iota3A, %parallel_loop3A_2100 : vector<16xi32>
        %parallel_loop3A_2102 = arith.constant 0 : i32
        %parallel_loop3A_2103 = arith.constant 0 : i32
        %parallel_loop3A_2104 = arith.constant 0 : i32
        %parallel_loop3A_2105 = tpu.memref_slice %arg9[%parallel_loop3A_2102, %parallel_loop3A_2103, %parallel_loop3A_2104] : memref<2x256x128xf32, #tpu.memory_space<vmem>> -> memref<1x256x128xf32, #tpu.memory_space<vmem>>
        %parallel_loop3A_2106 = tpu.memref_squeeze %parallel_loop3A_2105 : memref<1x256x128xf32, #tpu.memory_space<vmem>> -> memref<256x128xf32, #tpu.memory_space<vmem>>
        %parallel_loop3A_2107 = tpu.vector_load_idx %parallel_loop3A_2106[%parallel_loop3A_2101, %parallel_loop3A_2068] : memref<256x128xf32, #tpu.memory_space<vmem>>[vector<16xi32>, vector<16xi32>], vector<16xf32>,
        %parallel_loop3A_2108 = arith.addf %parallel_loop3A_2107, %parallel_loop3A_2067 : vector<16xf32>
        %parallel_loop3A_2109 = arith.constant 0 : i32
        %parallel_loop3A_2110 = arith.index_cast %parallel_loop3A_2109 : i32 to index
        %parallel_loop3A_2111 = arith.index_cast %parallel_loop3A_2061 : i32 to index
        %parallel_loop3A_2112 = arith.constant 32 : index
        %parallel_loop3A_2113 = tpu.vector_load %arg10[%parallel_loop3A_2110, %parallel_loop3A_2111, %parallel_loop3A_2112] {strides = array<i32>} : memref<2x64x256xf32, #tpu.memory_space<vmem>>, vector<16xf32>,
        tpu.vector_store %arg10[%parallel_loop3A_2110, %parallel_loop3A_2111, %parallel_loop3A_2112], %parallel_loop3A_2108 {strides = array<i32>} : memref<2x64x256xf32, #tpu.memory_space<vmem>>, vector<16xf32>,
        %parallel_loop3A_2114 = arith.constant 48 : i32
        %parallel_loop3A_2115 = vector.broadcast %parallel_loop3A_2114 : i32 to vector<16xi32>
        %parallel_loop3A_2116 = arith.addi %iota3A, %parallel_loop3A_2115 : vector<16xi32>
        %parallel_loop3A_2117 = arith.constant 0 : i32
        %parallel_loop3A_2118 = arith.constant 0 : i32
        %parallel_loop3A_2119 = arith.constant 0 : i32
        %parallel_loop3A_2120 = tpu.memref_slice %arg9[%parallel_loop3A_2117, %parallel_loop3A_2118, %parallel_loop3A_2119] : memref<2x256x128xf32, #tpu.memory_space<vmem>> -> memref<1x256x128xf32, #tpu.memory_space<vmem>>
        %parallel_loop3A_2121 = tpu.memref_squeeze %parallel_loop3A_2120 : memref<1x256x128xf32, #tpu.memory_space<vmem>> -> memref<256x128xf32, #tpu.memory_space<vmem>>
        %parallel_loop3A_2122 = tpu.vector_load_idx %parallel_loop3A_2121[%parallel_loop3A_2116, %parallel_loop3A_2068] : memref<256x128xf32, #tpu.memory_space<vmem>>[vector<16xi32>, vector<16xi32>], vector<16xf32>,
        %parallel_loop3A_2123 = arith.addf %parallel_loop3A_2122, %parallel_loop3A_2067 : vector<16xf32>
        %parallel_loop3A_2124 = arith.constant 0 : i32
        %parallel_loop3A_2125 = arith.index_cast %parallel_loop3A_2124 : i32 to index
        %parallel_loop3A_2126 = arith.index_cast %parallel_loop3A_2061 : i32 to index
        %parallel_loop3A_2127 = arith.constant 48 : index
        %parallel_loop3A_2128 = tpu.vector_load %arg10[%parallel_loop3A_2125, %parallel_loop3A_2126, %parallel_loop3A_2127] {strides = array<i32>} : memref<2x64x256xf32, #tpu.memory_space<vmem>>, vector<16xf32>,
        tpu.vector_store %arg10[%parallel_loop3A_2125, %parallel_loop3A_2126, %parallel_loop3A_2127], %parallel_loop3A_2123 {strides = array<i32>} : memref<2x64x256xf32, #tpu.memory_space<vmem>>, vector<16xf32>,
        %parallel_loop3A_2129 = arith.constant 64 : i32
        %parallel_loop3A_2130 = vector.broadcast %parallel_loop3A_2129 : i32 to vector<16xi32>
        %parallel_loop3A_2131 = arith.addi %iota3A, %parallel_loop3A_2130 : vector<16xi32>
        %parallel_loop3A_2132 = arith.constant 0 : i32
        %parallel_loop3A_2133 = arith.constant 0 : i32
        %parallel_loop3A_2134 = arith.constant 0 : i32
        %parallel_loop3A_2135 = tpu.memref_slice %arg9[%parallel_loop3A_2132, %parallel_loop3A_2133, %parallel_loop3A_2134] : memref<2x256x128xf32, #tpu.memory_space<vmem>> -> memref<1x256x128xf32, #tpu.memory_space<vmem>>
        %parallel_loop3A_2136 = tpu.memref_squeeze %parallel_loop3A_2135 : memref<1x256x128xf32, #tpu.memory_space<vmem>> -> memref<256x128xf32, #tpu.memory_space<vmem>>
        %parallel_loop3A_2137 = tpu.vector_load_idx %parallel_loop3A_2136[%parallel_loop3A_2131, %parallel_loop3A_2068] : memref<256x128xf32, #tpu.memory_space<vmem>>[vector<16xi32>, vector<16xi32>], vector<16xf32>,
        %parallel_loop3A_2138 = arith.addf %parallel_loop3A_2137, %parallel_loop3A_2067 : vector<16xf32>
        %parallel_loop3A_2139 = arith.constant 0 : i32
        %parallel_loop3A_2140 = arith.index_cast %parallel_loop3A_2139 : i32 to index
        %parallel_loop3A_2141 = arith.index_cast %parallel_loop3A_2061 : i32 to index
        %parallel_loop3A_2142 = arith.constant 64 : index
        %parallel_loop3A_2143 = tpu.vector_load %arg10[%parallel_loop3A_2140, %parallel_loop3A_2141, %parallel_loop3A_2142] {strides = array<i32>} : memref<2x64x256xf32, #tpu.memory_space<vmem>>, vector<16xf32>,
        tpu.vector_store %arg10[%parallel_loop3A_2140, %parallel_loop3A_2141, %parallel_loop3A_2142], %parallel_loop3A_2138 {strides = array<i32>} : memref<2x64x256xf32, #tpu.memory_space<vmem>>, vector<16xf32>,
        %parallel_loop3A_2144 = arith.constant 80 : i32
        %parallel_loop3A_2145 = vector.broadcast %parallel_loop3A_2144 : i32 to vector<16xi32>
        %parallel_loop3A_2146 = arith.addi %iota3A, %parallel_loop3A_2145 : vector<16xi32>
        %parallel_loop3A_2147 = arith.constant 0 : i32
        %parallel_loop3A_2148 = arith.constant 0 : i32
        %parallel_loop3A_2149 = arith.constant 0 : i32
        %parallel_loop3A_2150 = tpu.memref_slice %arg9[%parallel_loop3A_2147, %parallel_loop3A_2148, %parallel_loop3A_2149] : memref<2x256x128xf32, #tpu.memory_space<vmem>> -> memref<1x256x128xf32, #tpu.memory_space<vmem>>
        %parallel_loop3A_2151 = tpu.memref_squeeze %parallel_loop3A_2150 : memref<1x256x128xf32, #tpu.memory_space<vmem>> -> memref<256x128xf32, #tpu.memory_space<vmem>>
        %parallel_loop3A_2152 = tpu.vector_load_idx %parallel_loop3A_2151[%parallel_loop3A_2146, %parallel_loop3A_2068] : memref<256x128xf32, #tpu.memory_space<vmem>>[vector<16xi32>, vector<16xi32>], vector<16xf32>,
        %parallel_loop3A_2153 = arith.addf %parallel_loop3A_2152, %parallel_loop3A_2067 : vector<16xf32>
        %parallel_loop3A_2154 = arith.constant 0 : i32
        %parallel_loop3A_2155 = arith.index_cast %parallel_loop3A_2154 : i32 to index
        %parallel_loop3A_2156 = arith.index_cast %parallel_loop3A_2061 : i32 to index
        %parallel_loop3A_2157 = arith.constant 80 : index
        %parallel_loop3A_2158 = tpu.vector_load %arg10[%parallel_loop3A_2155, %parallel_loop3A_2156, %parallel_loop3A_2157] {strides = array<i32>} : memref<2x64x256xf32, #tpu.memory_space<vmem>>, vector<16xf32>,
        tpu.vector_store %arg10[%parallel_loop3A_2155, %parallel_loop3A_2156, %parallel_loop3A_2157], %parallel_loop3A_2153 {strides = array<i32>} : memref<2x64x256xf32, #tpu.memory_space<vmem>>, vector<16xf32>,
        %parallel_loop3A_2159 = arith.constant 96 : i32
        %parallel_loop3A_2160 = vector.broadcast %parallel_loop3A_2159 : i32 to vector<16xi32>
        %parallel_loop3A_2161 = arith.addi %iota3A, %parallel_loop3A_2160 : vector<16xi32>
        %parallel_loop3A_2162 = arith.constant 0 : i32
        %parallel_loop3A_2163 = arith.constant 0 : i32
        %parallel_loop3A_2164 = arith.constant 0 : i32
        %parallel_loop3A_2165 = tpu.memref_slice %arg9[%parallel_loop3A_2162, %parallel_loop3A_2163, %parallel_loop3A_2164] : memref<2x256x128xf32, #tpu.memory_space<vmem>> -> memref<1x256x128xf32, #tpu.memory_space<vmem>>
        %parallel_loop3A_2166 = tpu.memref_squeeze %parallel_loop3A_2165 : memref<1x256x128xf32, #tpu.memory_space<vmem>> -> memref<256x128xf32, #tpu.memory_space<vmem>>
        %parallel_loop3A_2167 = tpu.vector_load_idx %parallel_loop3A_2166[%parallel_loop3A_2161, %parallel_loop3A_2068] : memref<256x128xf32, #tpu.memory_space<vmem>>[vector<16xi32>, vector<16xi32>], vector<16xf32>,
        %parallel_loop3A_2168 = arith.addf %parallel_loop3A_2167, %parallel_loop3A_2067 : vector<16xf32>
        %parallel_loop3A_2169 = arith.constant 0 : i32
        %parallel_loop3A_2170 = arith.index_cast %parallel_loop3A_2169 : i32 to index
        %parallel_loop3A_2171 = arith.index_cast %parallel_loop3A_2061 : i32 to index
        %parallel_loop3A_2172 = arith.constant 96 : index
        %parallel_loop3A_2173 = tpu.vector_load %arg10[%parallel_loop3A_2170, %parallel_loop3A_2171, %parallel_loop3A_2172] {strides = array<i32>} : memref<2x64x256xf32, #tpu.memory_space<vmem>>, vector<16xf32>,
        tpu.vector_store %arg10[%parallel_loop3A_2170, %parallel_loop3A_2171, %parallel_loop3A_2172], %parallel_loop3A_2168 {strides = array<i32>} : memref<2x64x256xf32, #tpu.memory_space<vmem>>, vector<16xf32>,
        %parallel_loop3A_2174 = arith.constant 112 : i32
        %parallel_loop3A_2175 = vector.broadcast %parallel_loop3A_2174 : i32 to vector<16xi32>
        %parallel_loop3A_2176 = arith.addi %iota3A, %parallel_loop3A_2175 : vector<16xi32>
        %parallel_loop3A_2177 = arith.constant 0 : i32
        %parallel_loop3A_2178 = arith.constant 0 : i32
        %parallel_loop3A_2179 = arith.constant 0 : i32
        %parallel_loop3A_2180 = tpu.memref_slice %arg9[%parallel_loop3A_2177, %parallel_loop3A_2178, %parallel_loop3A_2179] : memref<2x256x128xf32, #tpu.memory_space<vmem>> -> memref<1x256x128xf32, #tpu.memory_space<vmem>>
        %parallel_loop3A_2181 = tpu.memref_squeeze %parallel_loop3A_2180 : memref<1x256x128xf32, #tpu.memory_space<vmem>> -> memref<256x128xf32, #tpu.memory_space<vmem>>
        %parallel_loop3A_2182 = tpu.vector_load_idx %parallel_loop3A_2181[%parallel_loop3A_2176, %parallel_loop3A_2068] : memref<256x128xf32, #tpu.memory_space<vmem>>[vector<16xi32>, vector<16xi32>], vector<16xf32>,
        %parallel_loop3A_2183 = arith.addf %parallel_loop3A_2182, %parallel_loop3A_2067 : vector<16xf32>
        %parallel_loop3A_2184 = arith.constant 0 : i32
        %parallel_loop3A_2185 = arith.index_cast %parallel_loop3A_2184 : i32 to index
        %parallel_loop3A_2186 = arith.index_cast %parallel_loop3A_2061 : i32 to index
        %parallel_loop3A_2187 = arith.constant 112 : index
        %parallel_loop3A_2188 = tpu.vector_load %arg10[%parallel_loop3A_2185, %parallel_loop3A_2186, %parallel_loop3A_2187] {strides = array<i32>} : memref<2x64x256xf32, #tpu.memory_space<vmem>>, vector<16xf32>,
        tpu.vector_store %arg10[%parallel_loop3A_2185, %parallel_loop3A_2186, %parallel_loop3A_2187], %parallel_loop3A_2183 {strides = array<i32>} : memref<2x64x256xf32, #tpu.memory_space<vmem>>, vector<16xf32>,
        %parallel_loop3A_2189 = arith.constant 128 : i32
        %parallel_loop3A_2190 = vector.broadcast %parallel_loop3A_2189 : i32 to vector<16xi32>
        %parallel_loop3A_2191 = arith.addi %iota3A, %parallel_loop3A_2190 : vector<16xi32>
        %parallel_loop3A_2192 = arith.constant 0 : i32
        %parallel_loop3A_2193 = arith.constant 0 : i32
        %parallel_loop3A_2194 = arith.constant 0 : i32
        %parallel_loop3A_2195 = tpu.memref_slice %arg9[%parallel_loop3A_2192, %parallel_loop3A_2193, %parallel_loop3A_2194] : memref<2x256x128xf32, #tpu.memory_space<vmem>> -> memref<1x256x128xf32, #tpu.memory_space<vmem>>
        %parallel_loop3A_2196 = tpu.memref_squeeze %parallel_loop3A_2195 : memref<1x256x128xf32, #tpu.memory_space<vmem>> -> memref<256x128xf32, #tpu.memory_space<vmem>>
        %parallel_loop3A_2197 = tpu.vector_load_idx %parallel_loop3A_2196[%parallel_loop3A_2191, %parallel_loop3A_2068] : memref<256x128xf32, #tpu.memory_space<vmem>>[vector<16xi32>, vector<16xi32>], vector<16xf32>,
        %parallel_loop3A_2198 = arith.addf %parallel_loop3A_2197, %parallel_loop3A_2067 : vector<16xf32>
        %parallel_loop3A_2199 = arith.constant 0 : i32
        %parallel_loop3A_2200 = arith.index_cast %parallel_loop3A_2199 : i32 to index
        %parallel_loop3A_2201 = arith.index_cast %parallel_loop3A_2061 : i32 to index
        %parallel_loop3A_2202 = arith.constant 128 : index
        %parallel_loop3A_2203 = tpu.vector_load %arg10[%parallel_loop3A_2200, %parallel_loop3A_2201, %parallel_loop3A_2202] {strides = array<i32>} : memref<2x64x256xf32, #tpu.memory_space<vmem>>, vector<16xf32>,
        tpu.vector_store %arg10[%parallel_loop3A_2200, %parallel_loop3A_2201, %parallel_loop3A_2202], %parallel_loop3A_2198 {strides = array<i32>} : memref<2x64x256xf32, #tpu.memory_space<vmem>>, vector<16xf32>,
        %parallel_loop3A_2204 = arith.constant 144 : i32
        %parallel_loop3A_2205 = vector.broadcast %parallel_loop3A_2204 : i32 to vector<16xi32>
        %parallel_loop3A_2206 = arith.addi %iota3A, %parallel_loop3A_2205 : vector<16xi32>
        %parallel_loop3A_2207 = arith.constant 0 : i32
        %parallel_loop3A_2208 = arith.constant 0 : i32
        %parallel_loop3A_2209 = arith.constant 0 : i32
        %parallel_loop3A_2210 = tpu.memref_slice %arg9[%parallel_loop3A_2207, %parallel_loop3A_2208, %parallel_loop3A_2209] : memref<2x256x128xf32, #tpu.memory_space<vmem>> -> memref<1x256x128xf32, #tpu.memory_space<vmem>>
        %parallel_loop3A_2211 = tpu.memref_squeeze %parallel_loop3A_2210 : memref<1x256x128xf32, #tpu.memory_space<vmem>> -> memref<256x128xf32, #tpu.memory_space<vmem>>
        %parallel_loop3A_2212 = tpu.vector_load_idx %parallel_loop3A_2211[%parallel_loop3A_2206, %parallel_loop3A_2068] : memref<256x128xf32, #tpu.memory_space<vmem>>[vector<16xi32>, vector<16xi32>], vector<16xf32>,
        %parallel_loop3A_2213 = arith.addf %parallel_loop3A_2212, %parallel_loop3A_2067 : vector<16xf32>
        %parallel_loop3A_2214 = arith.constant 0 : i32
        %parallel_loop3A_2215 = arith.index_cast %parallel_loop3A_2214 : i32 to index
        %parallel_loop3A_2216 = arith.index_cast %parallel_loop3A_2061 : i32 to index
        %parallel_loop3A_2217 = arith.constant 144 : index
        %parallel_loop3A_2218 = tpu.vector_load %arg10[%parallel_loop3A_2215, %parallel_loop3A_2216, %parallel_loop3A_2217] {strides = array<i32>} : memref<2x64x256xf32, #tpu.memory_space<vmem>>, vector<16xf32>,
        tpu.vector_store %arg10[%parallel_loop3A_2215, %parallel_loop3A_2216, %parallel_loop3A_2217], %parallel_loop3A_2213 {strides = array<i32>} : memref<2x64x256xf32, #tpu.memory_space<vmem>>, vector<16xf32>,
        %parallel_loop3A_2219 = arith.constant 160 : i32
        %parallel_loop3A_2220 = vector.broadcast %parallel_loop3A_2219 : i32 to vector<16xi32>
        %parallel_loop3A_2221 = arith.addi %iota3A, %parallel_loop3A_2220 : vector<16xi32>
        %parallel_loop3A_2222 = arith.constant 0 : i32
        %parallel_loop3A_2223 = arith.constant 0 : i32
        %parallel_loop3A_2224 = arith.constant 0 : i32
        %parallel_loop3A_2225 = tpu.memref_slice %arg9[%parallel_loop3A_2222, %parallel_loop3A_2223, %parallel_loop3A_2224] : memref<2x256x128xf32, #tpu.memory_space<vmem>> -> memref<1x256x128xf32, #tpu.memory_space<vmem>>
        %parallel_loop3A_2226 = tpu.memref_squeeze %parallel_loop3A_2225 : memref<1x256x128xf32, #tpu.memory_space<vmem>> -> memref<256x128xf32, #tpu.memory_space<vmem>>
        %parallel_loop3A_2227 = tpu.vector_load_idx %parallel_loop3A_2226[%parallel_loop3A_2221, %parallel_loop3A_2068] : memref<256x128xf32, #tpu.memory_space<vmem>>[vector<16xi32>, vector<16xi32>], vector<16xf32>,
        %parallel_loop3A_2228 = arith.addf %parallel_loop3A_2227, %parallel_loop3A_2067 : vector<16xf32>
        %parallel_loop3A_2229 = arith.constant 0 : i32
        %parallel_loop3A_2230 = arith.index_cast %parallel_loop3A_2229 : i32 to index
        %parallel_loop3A_2231 = arith.index_cast %parallel_loop3A_2061 : i32 to index
        %parallel_loop3A_2232 = arith.constant 160 : index
        %parallel_loop3A_2233 = tpu.vector_load %arg10[%parallel_loop3A_2230, %parallel_loop3A_2231, %parallel_loop3A_2232] {strides = array<i32>} : memref<2x64x256xf32, #tpu.memory_space<vmem>>, vector<16xf32>,
        tpu.vector_store %arg10[%parallel_loop3A_2230, %parallel_loop3A_2231, %parallel_loop3A_2232], %parallel_loop3A_2228 {strides = array<i32>} : memref<2x64x256xf32, #tpu.memory_space<vmem>>, vector<16xf32>,
        %parallel_loop3A_2234 = arith.constant 176 : i32
        %parallel_loop3A_2235 = vector.broadcast %parallel_loop3A_2234 : i32 to vector<16xi32>
        %parallel_loop3A_2236 = arith.addi %iota3A, %parallel_loop3A_2235 : vector<16xi32>
        %parallel_loop3A_2237 = arith.constant 0 : i32
        %parallel_loop3A_2238 = arith.constant 0 : i32
        %parallel_loop3A_2239 = arith.constant 0 : i32
        %parallel_loop3A_2240 = tpu.memref_slice %arg9[%parallel_loop3A_2237, %parallel_loop3A_2238, %parallel_loop3A_2239] : memref<2x256x128xf32, #tpu.memory_space<vmem>> -> memref<1x256x128xf32, #tpu.memory_space<vmem>>
        %parallel_loop3A_2241 = tpu.memref_squeeze %parallel_loop3A_2240 : memref<1x256x128xf32, #tpu.memory_space<vmem>> -> memref<256x128xf32, #tpu.memory_space<vmem>>
        %parallel_loop3A_2242 = tpu.vector_load_idx %parallel_loop3A_2241[%parallel_loop3A_2236, %parallel_loop3A_2068] : memref<256x128xf32, #tpu.memory_space<vmem>>[vector<16xi32>, vector<16xi32>], vector<16xf32>,
        %parallel_loop3A_2243 = arith.addf %parallel_loop3A_2242, %parallel_loop3A_2067 : vector<16xf32>
        %parallel_loop3A_2244 = arith.constant 0 : i32
        %parallel_loop3A_2245 = arith.index_cast %parallel_loop3A_2244 : i32 to index
        %parallel_loop3A_2246 = arith.index_cast %parallel_loop3A_2061 : i32 to index
        %parallel_loop3A_2247 = arith.constant 176 : index
        %parallel_loop3A_2248 = tpu.vector_load %arg10[%parallel_loop3A_2245, %parallel_loop3A_2246, %parallel_loop3A_2247] {strides = array<i32>} : memref<2x64x256xf32, #tpu.memory_space<vmem>>, vector<16xf32>,
        tpu.vector_store %arg10[%parallel_loop3A_2245, %parallel_loop3A_2246, %parallel_loop3A_2247], %parallel_loop3A_2243 {strides = array<i32>} : memref<2x64x256xf32, #tpu.memory_space<vmem>>, vector<16xf32>,
        %parallel_loop3A_2249 = arith.constant 192 : i32
        %parallel_loop3A_2250 = vector.broadcast %parallel_loop3A_2249 : i32 to vector<16xi32>
        %parallel_loop3A_2251 = arith.addi %iota3A, %parallel_loop3A_2250 : vector<16xi32>
        %parallel_loop3A_2252 = arith.constant 0 : i32
        %parallel_loop3A_2253 = arith.constant 0 : i32
        %parallel_loop3A_2254 = arith.constant 0 : i32
        %parallel_loop3A_2255 = tpu.memref_slice %arg9[%parallel_loop3A_2252, %parallel_loop3A_2253, %parallel_loop3A_2254] : memref<2x256x128xf32, #tpu.memory_space<vmem>> -> memref<1x256x128xf32, #tpu.memory_space<vmem>>
        %parallel_loop3A_2256 = tpu.memref_squeeze %parallel_loop3A_2255 : memref<1x256x128xf32, #tpu.memory_space<vmem>> -> memref<256x128xf32, #tpu.memory_space<vmem>>
        %parallel_loop3A_2257 = tpu.vector_load_idx %parallel_loop3A_2256[%parallel_loop3A_2251, %parallel_loop3A_2068] : memref<256x128xf32, #tpu.memory_space<vmem>>[vector<16xi32>, vector<16xi32>], vector<16xf32>,
        %parallel_loop3A_2258 = arith.addf %parallel_loop3A_2257, %parallel_loop3A_2067 : vector<16xf32>
        %parallel_loop3A_2259 = arith.constant 0 : i32
        %parallel_loop3A_2260 = arith.index_cast %parallel_loop3A_2259 : i32 to index
        %parallel_loop3A_2261 = arith.index_cast %parallel_loop3A_2061 : i32 to index
        %parallel_loop3A_2262 = arith.constant 192 : index
        %parallel_loop3A_2263 = tpu.vector_load %arg10[%parallel_loop3A_2260, %parallel_loop3A_2261, %parallel_loop3A_2262] {strides = array<i32>} : memref<2x64x256xf32, #tpu.memory_space<vmem>>, vector<16xf32>,
        tpu.vector_store %arg10[%parallel_loop3A_2260, %parallel_loop3A_2261, %parallel_loop3A_2262], %parallel_loop3A_2258 {strides = array<i32>} : memref<2x64x256xf32, #tpu.memory_space<vmem>>, vector<16xf32>,
        %parallel_loop3A_2264 = arith.constant 208 : i32
        %parallel_loop3A_2265 = vector.broadcast %parallel_loop3A_2264 : i32 to vector<16xi32>
        %parallel_loop3A_2266 = arith.addi %iota3A, %parallel_loop3A_2265 : vector<16xi32>
        %parallel_loop3A_2267 = arith.constant 0 : i32
        %parallel_loop3A_2268 = arith.constant 0 : i32
        %parallel_loop3A_2269 = arith.constant 0 : i32
        %parallel_loop3A_2270 = tpu.memref_slice %arg9[%parallel_loop3A_2267, %parallel_loop3A_2268, %parallel_loop3A_2269] : memref<2x256x128xf32, #tpu.memory_space<vmem>> -> memref<1x256x128xf32, #tpu.memory_space<vmem>>
        %parallel_loop3A_2271 = tpu.memref_squeeze %parallel_loop3A_2270 : memref<1x256x128xf32, #tpu.memory_space<vmem>> -> memref<256x128xf32, #tpu.memory_space<vmem>>
        %parallel_loop3A_2272 = tpu.vector_load_idx %parallel_loop3A_2271[%parallel_loop3A_2266, %parallel_loop3A_2068] : memref<256x128xf32, #tpu.memory_space<vmem>>[vector<16xi32>, vector<16xi32>], vector<16xf32>,
        %parallel_loop3A_2273 = arith.addf %parallel_loop3A_2272, %parallel_loop3A_2067 : vector<16xf32>
        %parallel_loop3A_2274 = arith.constant 0 : i32
        %parallel_loop3A_2275 = arith.index_cast %parallel_loop3A_2274 : i32 to index
        %parallel_loop3A_2276 = arith.index_cast %parallel_loop3A_2061 : i32 to index
        %parallel_loop3A_2277 = arith.constant 208 : index
        %parallel_loop3A_2278 = tpu.vector_load %arg10[%parallel_loop3A_2275, %parallel_loop3A_2276, %parallel_loop3A_2277] {strides = array<i32>} : memref<2x64x256xf32, #tpu.memory_space<vmem>>, vector<16xf32>,
        tpu.vector_store %arg10[%parallel_loop3A_2275, %parallel_loop3A_2276, %parallel_loop3A_2277], %parallel_loop3A_2273 {strides = array<i32>} : memref<2x64x256xf32, #tpu.memory_space<vmem>>, vector<16xf32>,
        %parallel_loop3A_2279 = arith.constant 224 : i32
        %parallel_loop3A_2280 = vector.broadcast %parallel_loop3A_2279 : i32 to vector<16xi32>
        %parallel_loop3A_2281 = arith.addi %iota3A, %parallel_loop3A_2280 : vector<16xi32>
        %parallel_loop3A_2282 = arith.constant 0 : i32
        %parallel_loop3A_2283 = arith.constant 0 : i32
        %parallel_loop3A_2284 = arith.constant 0 : i32
        %parallel_loop3A_2285 = tpu.memref_slice %arg9[%parallel_loop3A_2282, %parallel_loop3A_2283, %parallel_loop3A_2284] : memref<2x256x128xf32, #tpu.memory_space<vmem>> -> memref<1x256x128xf32, #tpu.memory_space<vmem>>
        %parallel_loop3A_2286 = tpu.memref_squeeze %parallel_loop3A_2285 : memref<1x256x128xf32, #tpu.memory_space<vmem>> -> memref<256x128xf32, #tpu.memory_space<vmem>>
        %parallel_loop3A_2287 = tpu.vector_load_idx %parallel_loop3A_2286[%parallel_loop3A_2281, %parallel_loop3A_2068] : memref<256x128xf32, #tpu.memory_space<vmem>>[vector<16xi32>, vector<16xi32>], vector<16xf32>,
        %parallel_loop3A_2288 = arith.addf %parallel_loop3A_2287, %parallel_loop3A_2067 : vector<16xf32>
        %parallel_loop3A_2289 = arith.constant 0 : i32
        %parallel_loop3A_2290 = arith.index_cast %parallel_loop3A_2289 : i32 to index
        %parallel_loop3A_2291 = arith.index_cast %parallel_loop3A_2061 : i32 to index
        %parallel_loop3A_2292 = arith.constant 224 : index
        %parallel_loop3A_2293 = tpu.vector_load %arg10[%parallel_loop3A_2290, %parallel_loop3A_2291, %parallel_loop3A_2292] {strides = array<i32>} : memref<2x64x256xf32, #tpu.memory_space<vmem>>, vector<16xf32>,
        tpu.vector_store %arg10[%parallel_loop3A_2290, %parallel_loop3A_2291, %parallel_loop3A_2292], %parallel_loop3A_2288 {strides = array<i32>} : memref<2x64x256xf32, #tpu.memory_space<vmem>>, vector<16xf32>,
        %parallel_loop3A_2294 = arith.constant 240 : i32
        %parallel_loop3A_2295 = vector.broadcast %parallel_loop3A_2294 : i32 to vector<16xi32>
        %parallel_loop3A_2296 = arith.addi %iota3A, %parallel_loop3A_2295 : vector<16xi32>
        %parallel_loop3A_2297 = arith.constant 0 : i32
        %parallel_loop3A_2298 = arith.constant 0 : i32
        %parallel_loop3A_2299 = arith.constant 0 : i32
        %parallel_loop3A_2300 = tpu.memref_slice %arg9[%parallel_loop3A_2297, %parallel_loop3A_2298, %parallel_loop3A_2299] : memref<2x256x128xf32, #tpu.memory_space<vmem>> -> memref<1x256x128xf32, #tpu.memory_space<vmem>>
        %parallel_loop3A_2301 = tpu.memref_squeeze %parallel_loop3A_2300 : memref<1x256x128xf32, #tpu.memory_space<vmem>> -> memref<256x128xf32, #tpu.memory_space<vmem>>
        %parallel_loop3A_2302 = tpu.vector_load_idx %parallel_loop3A_2301[%parallel_loop3A_2296, %parallel_loop3A_2068] : memref<256x128xf32, #tpu.memory_space<vmem>>[vector<16xi32>, vector<16xi32>], vector<16xf32>,
        %parallel_loop3A_2303 = arith.addf %parallel_loop3A_2302, %parallel_loop3A_2067 : vector<16xf32>
        %parallel_loop3A_2304 = arith.constant 0 : i32
        %parallel_loop3A_2305 = arith.index_cast %parallel_loop3A_2304 : i32 to index
        %parallel_loop3A_2306 = arith.index_cast %parallel_loop3A_2061 : i32 to index
        %parallel_loop3A_2307 = arith.constant 240 : index
        %parallel_loop3A_2308 = tpu.vector_load %arg10[%parallel_loop3A_2305, %parallel_loop3A_2306, %parallel_loop3A_2307] {strides = array<i32>} : memref<2x64x256xf32, #tpu.memory_space<vmem>>, vector<16xf32>,
        tpu.vector_store %arg10[%parallel_loop3A_2305, %parallel_loop3A_2306, %parallel_loop3A_2307], %parallel_loop3A_2303 {strides = array<i32>} : memref<2x64x256xf32, #tpu.memory_space<vmem>>, vector<16xf32>,
      } {sc.loop_unroll_factor = 4 : i64, sc.parallel_access}
      %add3A_1858 = arith.addi %mul3A_2, %add3A_1790 : i32
      %jit3A_1859 = arith.constant 64 : i32
      %div3A_1860 = arith.divsi %add3A_1858, %jit3A_1859 : i32
      %sign3A_1861 = arith.constant 0 : i32
      %sign3A_1862 = arith.cmpi sgt, %add3A_1858, %sign3A_1861 : i32
      %sign3A_1863 = arith.extui %sign3A_1862 : i1 to i32
      %sign3A_1864 = arith.constant 0 : i32
      %sign3A_1865 = arith.cmpi slt, %add3A_1858, %sign3A_1864 : i32
      %sign3A_1866 = arith.extui %sign3A_1865 : i1 to i32
      %sign3A_1867 = arith.subi %sign3A_1863, %sign3A_1866 : i32
      %sign3A_1868 = arith.constant 0 : i32
      %sign3A_1869 = arith.cmpi sgt, %jit3A_1859, %sign3A_1868 : i32
      %sign3A_1870 = arith.extui %sign3A_1869 : i1 to i32
      %sign3A_1871 = arith.constant 0 : i32
      %sign3A_1872 = arith.cmpi slt, %jit3A_1859, %sign3A_1871 : i32
      %sign3A_1873 = arith.extui %sign3A_1872 : i1 to i32
      %sign3A_1874 = arith.subi %sign3A_1870, %sign3A_1873 : i32
      %ne3A_1875 = arith.cmpi ne, %sign3A_1867, %sign3A_1874 : i32
      %rem3A_1876 = arith.remsi %add3A_1858, %jit3A_1859 : i32
      %ne3A_1877 = arith.constant 0 : i32
      %ne3A_1878 = arith.cmpi ne, %rem3A_1876, %ne3A_1877 : i32
      %and3A_1879 = arith.andi %ne3A_1875, %ne3A_1878 : i1
      %sub3A_1880 = arith.constant 1 : i32
      %sub3A_1881 = arith.subi %div3A_1860, %sub3A_1880 : i32
      %select_n3A_1882 = arith.select %and3A_1879, %sub3A_1881, %div3A_1860 : i32
      %jit3A_1883 = arith.constant 64 : i32
      %eq3A = arith.constant 0 : i32
      %eq3A_1884 = arith.cmpi eq, %jit3A_1883, %eq3A : i32
      %jit3A_1885 = arith.constant 1 : i32
      %select_n3A_1886 = arith.select %eq3A_1884, %jit3A_1885, %jit3A_1883 : i32
      %rem3A_1887 = arith.remsi %add3A_1858, %select_n3A_1886 : i32
      %ne3A_1888 = arith.constant 0 : i32
      %ne3A_1889 = arith.cmpi ne, %rem3A_1887, %ne3A_1888 : i32
      %lt3A_1890 = arith.constant 0 : i32
      %lt3A_1891 = arith.cmpi slt, %rem3A_1887, %lt3A_1890 : i32
      %lt3A_1892 = arith.constant 0 : i32
      %lt3A_1893 = arith.cmpi slt, %select_n3A_1886, %lt3A_1892 : i32
      %ne3A_1894 = arith.xori %lt3A_1891, %lt3A_1893 : i1
      %and3A_1895 = arith.andi %ne3A_1894, %ne3A_1889 : i1
      %add3A_1896 = arith.addi %rem3A_1887, %select_n3A_1886 : i32
      %select_n3A_1897 = arith.select %and3A_1895, %add3A_1896, %rem3A_1887 : i32
      %mul3A_1898 = arith.constant 256 : i32
      %mul3A_1899 = arith.muli %select_n3A_1897, %mul3A_1898 : i32
      %dma_start3A_1900 = arith.constant 0 : i32
      %dma_start3A_1901 = arith.constant 0 : i32
      %dma_start3A_1902 = arith.constant 0 : i32
      %dma_start3A_1903 = tpu.memref_slice %arg10[%dma_start3A_1900, %dma_start3A_1901, %dma_start3A_1902] : memref<2x64x256xf32, #tpu.memory_space<vmem>> -> memref<1x64x256xf32, #tpu.memory_space<vmem>>
      %dma_start3A_1904 = tpu.memref_squeeze %dma_start3A_1903 : memref<1x64x256xf32, #tpu.memory_space<vmem>> -> memref<64x256xf32, #tpu.memory_space<vmem>>
      %dma_start3A_1905 = arith.constant 0 : i32
      %dma_start3A_1906 = tpu.memref_slice %arg5[%select_n3A_1882, %dma_start3A_1905, %mul3A_1899] : memref<20x64x16384xf32, #tpu.memory_space<hbm>> -> memref<1x64x256xf32, #tpu.memory_space<hbm>>
      %dma_start3A_1907 = tpu.memref_squeeze %dma_start3A_1906 : memref<1x64x256xf32, #tpu.memory_space<hbm>> -> memref<64x256xf32, #tpu.memory_space<hbm>>
      %dma_start3A_1908 = arith.constant 0 : i32
      %dma_start3A_1909 = tpu.memref_slice %arg5[%select_n3A_1882, %dma_start3A_1908, %mul3A_1899] : memref<20x64x16384xf32, #tpu.memory_space<hbm>> -> memref<1x64x256xf32, #tpu.memory_space<hbm>>
      %dma_start3A_1910 = tpu.memref_squeeze %dma_start3A_1909 : memref<1x64x256xf32, #tpu.memory_space<hbm>> -> memref<64x256xf32, #tpu.memory_space<hbm>>
      %dma_start3A_1911 = arith.constant 0 : i32
      %dma_start3A_1912 = arith.constant 0 : i32
      %dma_start3A_1913 = tpu.memref_slice %arg10[%dma_start3A_1900, %dma_start3A_1911, %dma_start3A_1912] : memref<2x64x256xf32, #tpu.memory_space<vmem>> -> memref<1x64x256xf32, #tpu.memory_space<vmem>>
      %dma_start3A_1914 = tpu.memref_squeeze %dma_start3A_1913 : memref<1x64x256xf32, #tpu.memory_space<vmem>> -> memref<64x256xf32, #tpu.memory_space<vmem>>
      tpu.enqueue_dma source(%dma_start3A_1914 : memref<64x256xf32, #tpu.memory_space<vmem>>) target(%dma_start3A_1910 : memref<64x256xf32, #tpu.memory_space<hbm>>) target_semaphore(%arg15 : memref<!tpu.dma_semaphore, #tpu.memory_space<semaphore_mem>>)
      %add3A_1915 = arith.constant 2 : i32
      %add3A_1916 = arith.addi %add3A_1790, %add3A_1915 : i32
      %lt3A_1917 = arith.constant 40 : i32
      %lt3A_1918 = arith.cmpi slt, %add3A_1916, %lt3A_1917 : i32
      %convert_element_type3A_1919 = arith.extui %lt3A_1918 : i1 to i32
      %cond3A_1920 = arith.constant 0 : i32
      %cond3A_1921 = arith.cmpi ne, %convert_element_type3A_1919, %cond3A_1920 : i32
      scf.if %cond3A_1921 {
        %add3A_2061 = arith.constant 2 : i32
        %add3A_2062 = arith.addi %add3A_1790, %add3A_2061 : i32
        %add3A_2063 = arith.addi %mul3A_2, %add3A_2062 : i32
        %mul3A_2064 = arith.constant 256 : i32
        %mul3A_2065 = arith.muli %add3A_2063, %mul3A_2064 : i32
        %dma_start3A_2066 = arith.constant 0 : i32
        %dma_start3A_2067 = arith.constant 0 : i32
        %dma_start3A_2068 = tpu.memref_slice %arg6[%dma_start3A_2066, %dma_start3A_2067] : memref<2x256xi32, #tpu.memory_space<vmem>> -> memref<1x256xi32, #tpu.memory_space<vmem>>
        %dma_start3A_2069 = tpu.memref_squeeze %dma_start3A_2068 : memref<1x256xi32, #tpu.memory_space<vmem>> -> memref<256xi32, #tpu.memory_space<vmem>>
        %dma_start3A_2070 = tpu.memref_slice %arg3[%mul3A_2065] : memref<327680xi32, #tpu.memory_space<hbm>> -> memref<256xi32, #tpu.memory_space<hbm>>
        %dma_start3A_2071 = arith.constant 0 : i32
        %dma_start3A_2072 = tpu.memref_slice %arg6[%dma_start3A_2066, %dma_start3A_2071] : memref<2x256xi32, #tpu.memory_space<vmem>> -> memref<1x256xi32, #tpu.memory_space<vmem>>
        %dma_start3A_2073 = tpu.memref_squeeze %dma_start3A_2072 : memref<1x256xi32, #tpu.memory_space<vmem>> -> memref<256xi32, #tpu.memory_space<vmem>>
        %dma_start3A_2074 = tpu.memref_slice %arg3[%mul3A_2065] : memref<327680xi32, #tpu.memory_space<hbm>> -> memref<256xi32, #tpu.memory_space<hbm>>
        tpu.enqueue_dma source(%dma_start3A_2074 : memref<256xi32, #tpu.memory_space<hbm>>) target(%dma_start3A_2073 : memref<256xi32, #tpu.memory_space<vmem>>) target_semaphore(%arg11 : memref<!tpu.dma_semaphore, #tpu.memory_space<semaphore_mem>>)
      } else {
      }
      %add3A_1922 = arith.constant 1 : i32
      %add3A_1923 = arith.addi %add3A_1788, %add3A_1922 : i32
      %add3A_1924 = arith.constant 1 : i32
      %add3A_1925 = arith.addi %add3A_1923, %add3A_1924 : i32
      %lt3A_1926 = arith.constant 40 : i32
      %lt3A_1927 = arith.cmpi slt, %add3A_1925, %lt3A_1926 : i32
      %convert_element_type3A_1928 = arith.extui %lt3A_1927 : i1 to i32
      %cond3A_1929 = arith.constant 0 : i32
      %cond3A_1930 = arith.cmpi ne, %convert_element_type3A_1928, %cond3A_1929 : i32
      scf.if %cond3A_1930 {
        %dma_wait3A_2061 = arith.constant 0 : i32
        %dma_wait3A_2062 = arith.constant 0 : i32
        %dma_wait3A_2063 = tpu.memref_slice %arg6[%dma_wait3A_2061, %dma_wait3A_2062] : memref<2x256xi32, #tpu.memory_space<vmem>> -> memref<1x256xi32, #tpu.memory_space<vmem>>
        %dma_wait3A_2064 = tpu.memref_squeeze %dma_wait3A_2063 : memref<1x256xi32, #tpu.memory_space<vmem>> -> memref<256xi32, #tpu.memory_space<vmem>>
        %dma_wait3A_2065 = arith.constant 0 : i32
        %dma_wait3A_2066 = tpu.memref_slice %arg3[%dma_wait3A_2065] : memref<327680xi32, #tpu.memory_space<hbm>> -> memref<256xi32, #tpu.memory_space<hbm>>
        %dma_wait3A_2067 = arith.constant 0 : i32
        %dma_wait3A_2068 = tpu.memref_slice %arg6[%dma_wait3A_2061, %dma_wait3A_2067] : memref<2x256xi32, #tpu.memory_space<vmem>> -> memref<1x256xi32, #tpu.memory_space<vmem>>
        %dma_wait3A_2069 = tpu.memref_squeeze %dma_wait3A_2068 : memref<1x256xi32, #tpu.memory_space<vmem>> -> memref<256xi32, #tpu.memory_space<vmem>>
        %dma_wait3A_2070 = arith.constant 0 : i32
        %dma_wait3A_2071 = tpu.memref_slice %arg3[%dma_wait3A_2070] : memref<327680xi32, #tpu.memory_space<hbm>> -> memref<256xi32, #tpu.memory_space<hbm>>
        tpu.wait_dma2 semaphore(%arg11 : memref<!tpu.dma_semaphore, #tpu.memory_space<semaphore_mem>>) src(%dma_wait3A_2071 : memref<256xi32, #tpu.memory_space<hbm>>) dst(%dma_wait3A_2069 : memref<256xi32, #tpu.memory_space<vmem>>)
      } else {
      }
      %dma_wait3A_1931 = arith.constant 1 : i32
      %dma_wait3A_1932 = arith.constant 1 : i32
      %dma_wait3A_1933 = arith.constant 0 : i32
      %dma_wait3A_1934 = arith.constant 0 : i32
      %dma_wait3A_1935 = tpu.memref_slice %arg9[%dma_wait3A_1932, %dma_wait3A_1933, %dma_wait3A_1934] : memref<2x256x128xf32, #tpu.memory_space<vmem>> -> memref<1x128x128xf32, #tpu.memory_space<vmem>>
      %dma_wait3A_1936 = tpu.memref_squeeze %dma_wait3A_1935 : memref<1x128x128xf32, #tpu.memory_space<vmem>> -> memref<128x128xf32, #tpu.memory_space<vmem>>
      %dma_wait3A_1937 = arith.constant 0 : i32
      %dma_wait3A_1938 = tpu.memref_slice %arg6[%dma_wait3A_1931, %dma_wait3A_1937] : memref<2x256xi32, #tpu.memory_space<vmem>> -> memref<1x128xi32, #tpu.memory_space<vmem>>
      %dma_wait3A_1939 = tpu.memref_squeeze %dma_wait3A_1938 : memref<1x128xi32, #tpu.memory_space<vmem>> -> memref<128xi32, #tpu.memory_space<vmem>>
      %dma_wait3A_1940 = arith.constant 0 : i32
      %dma_wait3A_1941 = arith.constant 0 : i32
      %dma_wait3A_1942 = tpu.memref_slice %arg2[%dma_wait3A_1940, %dma_wait3A_1941] : memref<1000000x128xf32, #tpu.memory_space<hbm>> -> memref<1000000x128xf32, #tpu.memory_space<hbm>>
      tpu.wait_indirect_dma semaphore(%arg14 : memref<!tpu.dma_semaphore, #tpu.memory_space<semaphore_mem>>) src(%dma_wait3A_1942 : memref<1000000x128xf32, #tpu.memory_space<hbm>>) dst(%dma_wait3A_1936 : memref<128x128xf32, #tpu.memory_space<vmem>>)
      %dma_wait3A_1943 = arith.constant 1 : i32
      %dma_wait3A_1944 = arith.constant 1 : i32
      %dma_wait3A_1945 = arith.constant 128 : i32
      %dma_wait3A_1946 = arith.constant 0 : i32
      %dma_wait3A_1947 = tpu.memref_slice %arg9[%dma_wait3A_1944, %dma_wait3A_1945, %dma_wait3A_1946] : memref<2x256x128xf32, #tpu.memory_space<vmem>> -> memref<1x128x128xf32, #tpu.memory_space<vmem>>
      %dma_wait3A_1948 = tpu.memref_squeeze %dma_wait3A_1947 : memref<1x128x128xf32, #tpu.memory_space<vmem>> -> memref<128x128xf32, #tpu.memory_space<vmem>>
      %dma_wait3A_1949 = arith.constant 128 : i32
      %dma_wait3A_1950 = tpu.memref_slice %arg6[%dma_wait3A_1943, %dma_wait3A_1949] : memref<2x256xi32, #tpu.memory_space<vmem>> -> memref<1x128xi32, #tpu.memory_space<vmem>>
      %dma_wait3A_1951 = tpu.memref_squeeze %dma_wait3A_1950 : memref<1x128xi32, #tpu.memory_space<vmem>> -> memref<128xi32, #tpu.memory_space<vmem>>
      %dma_wait3A_1952 = arith.constant 0 : i32
      %dma_wait3A_1953 = arith.constant 0 : i32
      %dma_wait3A_1954 = tpu.memref_slice %arg2[%dma_wait3A_1952, %dma_wait3A_1953] : memref<1000000x128xf32, #tpu.memory_space<hbm>> -> memref<1000000x128xf32, #tpu.memory_space<hbm>>
      tpu.wait_indirect_dma semaphore(%arg14 : memref<!tpu.dma_semaphore, #tpu.memory_space<semaphore_mem>>) src(%dma_wait3A_1954 : memref<1000000x128xf32, #tpu.memory_space<hbm>>) dst(%dma_wait3A_1948 : memref<128x128xf32, #tpu.memory_space<vmem>>)
      %add3A_1955 = arith.constant 1 : i32
      %add3A_1956 = arith.addi %add3A_1923, %add3A_1955 : i32
      %lt3A_1957 = arith.constant 40 : i32
      %lt3A_1958 = arith.cmpi slt, %add3A_1956, %lt3A_1957 : i32
      %convert_element_type3A_1959 = arith.extui %lt3A_1958 : i1 to i32
      %cond3A_1960 = arith.constant 0 : i32
      %cond3A_1961 = arith.cmpi ne, %convert_element_type3A_1959, %cond3A_1960 : i32
      scf.if %cond3A_1961 {
        %dma_start3A_2061 = arith.constant 0 : i32
        %dma_start3A_2062 = arith.constant 0 : i32
        %dma_start3A_2063 = arith.constant 0 : i32
        %dma_start3A_2064 = arith.constant 0 : i32
        %dma_start3A_2065 = tpu.memref_slice %arg9[%dma_start3A_2062, %dma_start3A_2063, %dma_start3A_2064] : memref<2x256x128xf32, #tpu.memory_space<vmem>> -> memref<1x128x128xf32, #tpu.memory_space<vmem>>
        %dma_start3A_2066 = tpu.memref_squeeze %dma_start3A_2065 : memref<1x128x128xf32, #tpu.memory_space<vmem>> -> memref<128x128xf32, #tpu.memory_space<vmem>>
        %dma_start3A_2067 = arith.constant 0 : i32
        %dma_start3A_2068 = tpu.memref_slice %arg6[%dma_start3A_2061, %dma_start3A_2067] : memref<2x256xi32, #tpu.memory_space<vmem>> -> memref<1x128xi32, #tpu.memory_space<vmem>>
        %dma_start3A_2069 = tpu.memref_squeeze %dma_start3A_2068 : memref<1x128xi32, #tpu.memory_space<vmem>> -> memref<128xi32, #tpu.memory_space<vmem>>
        %dma_start3A_2070 = arith.constant 0 : i32
        %dma_start3A_2071 = arith.constant 0 : i32
        %dma_start3A_2072 = tpu.memref_slice %arg2[%dma_start3A_2070, %dma_start3A_2071] : memref<1000000x128xf32, #tpu.memory_space<hbm>> -> memref<1000000x128xf32, #tpu.memory_space<hbm>>
        tpu.enqueue_indirect_dma source(%dma_start3A_2072 : memref<1000000x128xf32, #tpu.memory_space<hbm>>) target(%dma_start3A_2066 : memref<128x128xf32, #tpu.memory_space<vmem>>) offsets(%dma_start3A_2069 : memref<128xi32, #tpu.memory_space<vmem>>) semaphore(%arg13 : memref<!tpu.dma_semaphore, #tpu.memory_space<semaphore_mem>>)
        %dma_start3A_2073 = arith.constant 0 : i32
        %dma_start3A_2074 = arith.constant 0 : i32
        %dma_start3A_2075 = arith.constant 128 : i32
        %dma_start3A_2076 = arith.constant 0 : i32
        %dma_start3A_2077 = tpu.memref_slice %arg9[%dma_start3A_2074, %dma_start3A_2075, %dma_start3A_2076] : memref<2x256x128xf32, #tpu.memory_space<vmem>> -> memref<1x128x128xf32, #tpu.memory_space<vmem>>
        %dma_start3A_2078 = tpu.memref_squeeze %dma_start3A_2077 : memref<1x128x128xf32, #tpu.memory_space<vmem>> -> memref<128x128xf32, #tpu.memory_space<vmem>>
        %dma_start3A_2079 = arith.constant 128 : i32
        %dma_start3A_2080 = tpu.memref_slice %arg6[%dma_start3A_2073, %dma_start3A_2079] : memref<2x256xi32, #tpu.memory_space<vmem>> -> memref<1x128xi32, #tpu.memory_space<vmem>>
        %dma_start3A_2081 = tpu.memref_squeeze %dma_start3A_2080 : memref<1x128xi32, #tpu.memory_space<vmem>> -> memref<128xi32, #tpu.memory_space<vmem>>
        %dma_start3A_2082 = arith.constant 0 : i32
        %dma_start3A_2083 = arith.constant 0 : i32
        %dma_start3A_2084 = tpu.memref_slice %arg2[%dma_start3A_2082, %dma_start3A_2083] : memref<1000000x128xf32, #tpu.memory_space<hbm>> -> memref<1000000x128xf32, #tpu.memory_space<hbm>>
        tpu.enqueue_indirect_dma source(%dma_start3A_2084 : memref<1000000x128xf32, #tpu.memory_space<hbm>>) target(%dma_start3A_2078 : memref<128x128xf32, #tpu.memory_space<vmem>>) offsets(%dma_start3A_2081 : memref<128xi32, #tpu.memory_space<vmem>>) semaphore(%arg13 : memref<!tpu.dma_semaphore, #tpu.memory_space<semaphore_mem>>)
      } else {
      }
      %ge3A_1962 = arith.constant 2 : i32
      %ge3A_1963 = arith.cmpi sge, %add3A_1923, %ge3A_1962 : i32
      %convert_element_type3A_1964 = arith.extui %ge3A_1963 : i1 to i32
      %cond3A_1965 = arith.constant 0 : i32
      %cond3A_1966 = arith.cmpi ne, %convert_element_type3A_1964, %cond3A_1965 : i32
      scf.if %cond3A_1966 {
        %dma_wait3A_2061 = arith.constant 1 : i32
        %dma_wait3A_2062 = arith.constant 0 : i32
        %dma_wait3A_2063 = arith.constant 0 : i32
        %dma_wait3A_2064 = arith.constant 0 : i32
        %dma_wait3A_2065 = tpu.memref_slice %arg10[%dma_wait3A_2061, %dma_wait3A_2063, %dma_wait3A_2064] : memref<2x64x256xf32, #tpu.memory_space<vmem>> -> memref<1x64x256xf32, #tpu.memory_space<vmem>>
        %dma_wait3A_2066 = tpu.memref_squeeze %dma_wait3A_2065 : memref<1x64x256xf32, #tpu.memory_space<vmem>> -> memref<64x256xf32, #tpu.memory_space<vmem>>
        %dma_wait3A_2067 = arith.constant 0 : i32
        %dma_wait3A_2068 = arith.constant 0 : i32
        %dma_wait3A_2069 = tpu.memref_slice %arg5[%dma_wait3A_2062, %dma_wait3A_2067, %dma_wait3A_2068] : memref<20x64x16384xf32, #tpu.memory_space<hbm>> -> memref<1x64x256xf32, #tpu.memory_space<hbm>>
        %dma_wait3A_2070 = tpu.memref_squeeze %dma_wait3A_2069 : memref<1x64x256xf32, #tpu.memory_space<hbm>> -> memref<64x256xf32, #tpu.memory_space<hbm>>
        %dma_wait3A_2071 = arith.constant 0 : i32
        %dma_wait3A_2072 = arith.constant 0 : i32
        %dma_wait3A_2073 = tpu.memref_slice %arg5[%dma_wait3A_2062, %dma_wait3A_2071, %dma_wait3A_2072] : memref<20x64x16384xf32, #tpu.memory_space<hbm>> -> memref<1x64x256xf32, #tpu.memory_space<hbm>>
        %dma_wait3A_2074 = tpu.memref_squeeze %dma_wait3A_2073 : memref<1x64x256xf32, #tpu.memory_space<hbm>> -> memref<64x256xf32, #tpu.memory_space<hbm>>
        %dma_wait3A_2075 = arith.constant 0 : i32
        %dma_wait3A_2076 = arith.constant 0 : i32
        %dma_wait3A_2077 = tpu.memref_slice %arg10[%dma_wait3A_2061, %dma_wait3A_2075, %dma_wait3A_2076] : memref<2x64x256xf32, #tpu.memory_space<vmem>> -> memref<1x64x256xf32, #tpu.memory_space<vmem>>
        %dma_wait3A_2078 = tpu.memref_squeeze %dma_wait3A_2077 : memref<1x64x256xf32, #tpu.memory_space<vmem>> -> memref<64x256xf32, #tpu.memory_space<vmem>>
        tpu.wait_dma2 semaphore(%arg16 : memref<!tpu.dma_semaphore, #tpu.memory_space<semaphore_mem>>) src(%dma_wait3A_2078 : memref<64x256xf32, #tpu.memory_space<vmem>>) dst(%dma_wait3A_2074 : memref<64x256xf32, #tpu.memory_space<hbm>>)
      } else {
      }
      %add3A_1967 = arith.addi %mul3A_2, %add3A_1923 : i32
      %jit3A_1968 = arith.constant 64 : i32
      %div3A_1969 = arith.divsi %add3A_1967, %jit3A_1968 : i32
      %sign3A_1970 = arith.constant 0 : i32
      %sign3A_1971 = arith.cmpi sgt, %add3A_1967, %sign3A_1970 : i32
      %sign3A_1972 = arith.extui %sign3A_1971 : i1 to i32
      %sign3A_1973 = arith.constant 0 : i32
      %sign3A_1974 = arith.cmpi slt, %add3A_1967, %sign3A_1973 : i32
      %sign3A_1975 = arith.extui %sign3A_1974 : i1 to i32
      %sign3A_1976 = arith.subi %sign3A_1972, %sign3A_1975 : i32
      %sign3A_1977 = arith.constant 0 : i32
      %sign3A_1978 = arith.cmpi sgt, %jit3A_1968, %sign3A_1977 : i32
      %sign3A_1979 = arith.extui %sign3A_1978 : i1 to i32
      %sign3A_1980 = arith.constant 0 : i32
      %sign3A_1981 = arith.cmpi slt, %jit3A_1968, %sign3A_1980 : i32
      %sign3A_1982 = arith.extui %sign3A_1981 : i1 to i32
      %sign3A_1983 = arith.subi %sign3A_1979, %sign3A_1982 : i32
      %ne3A_1984 = arith.cmpi ne, %sign3A_1976, %sign3A_1983 : i32
      %rem3A_1985 = arith.remsi %add3A_1967, %jit3A_1968 : i32
      %ne3A_1986 = arith.constant 0 : i32
      %ne3A_1987 = arith.cmpi ne, %rem3A_1985, %ne3A_1986 : i32
      %and3A_1988 = arith.andi %ne3A_1984, %ne3A_1987 : i1
      %sub3A_1989 = arith.constant 1 : i32
      %sub3A_1990 = arith.subi %div3A_1969, %sub3A_1989 : i32
      %select_n3A_1991 = arith.select %and3A_1988, %sub3A_1990, %div3A_1969 : i32
      %sub3A_1992 = arith.subi %select_n3A_1991, %select_n3A : i32
      %parallel_loop3A_1993 = arith.constant 0 : i32
      %parallel_loop3A_1994 = arith.constant 64 : i32
      %parallel_loop3A_1995 = arith.constant 1 : i32
      scf.for %parallel_loop3A_2061 = %parallel_loop3A_1993 to %parallel_loop3A_1994 step %parallel_loop3A_1995  : i32 {
        %parallel_loop3A_2062 = arith.constant 64 : i32
        %parallel_loop3A_2063 = arith.muli %sub3A_1992, %parallel_loop3A_2062 : i32
        %parallel_loop3A_2064 = arith.addi %parallel_loop3A_2063, %parallel_loop3A_2061 : i32
        %parallel_loop3A_2065 = arith.index_cast %parallel_loop3A_2064 : i32 to index
        %parallel_loop3A_2066 = arith.constant 0 : index
        %parallel_loop3A_2067 = tpu.vector_load %arg8[%parallel_loop3A_2065, %parallel_loop3A_2066] {strides = array<i32>} : memref<128x16xf32, #tpu.memory_space<vmem>>, vector<16xf32>,
        %parallel_loop3A_2068 = vector.broadcast %parallel_loop3A_2061 : i32 to vector<16xi32>
        %parallel_loop3A_2069 = arith.constant 0 : i32
        %parallel_loop3A_2070 = vector.broadcast %parallel_loop3A_2069 : i32 to vector<16xi32>
        %parallel_loop3A_2071 = arith.addi %iota3A, %parallel_loop3A_2070 : vector<16xi32>
        %parallel_loop3A_2072 = arith.constant 1 : i32
        %parallel_loop3A_2073 = arith.constant 0 : i32
        %parallel_loop3A_2074 = arith.constant 0 : i32
        %parallel_loop3A_2075 = tpu.memref_slice %arg9[%parallel_loop3A_2072, %parallel_loop3A_2073, %parallel_loop3A_2074] : memref<2x256x128xf32, #tpu.memory_space<vmem>> -> memref<1x256x128xf32, #tpu.memory_space<vmem>>
        %parallel_loop3A_2076 = tpu.memref_squeeze %parallel_loop3A_2075 : memref<1x256x128xf32, #tpu.memory_space<vmem>> -> memref<256x128xf32, #tpu.memory_space<vmem>>
        %parallel_loop3A_2077 = tpu.vector_load_idx %parallel_loop3A_2076[%parallel_loop3A_2071, %parallel_loop3A_2068] : memref<256x128xf32, #tpu.memory_space<vmem>>[vector<16xi32>, vector<16xi32>], vector<16xf32>,
        %parallel_loop3A_2078 = arith.addf %parallel_loop3A_2077, %parallel_loop3A_2067 : vector<16xf32>
        %parallel_loop3A_2079 = arith.constant 1 : i32
        %parallel_loop3A_2080 = arith.index_cast %parallel_loop3A_2079 : i32 to index
        %parallel_loop3A_2081 = arith.index_cast %parallel_loop3A_2061 : i32 to index
        %parallel_loop3A_2082 = arith.constant 0 : index
        %parallel_loop3A_2083 = tpu.vector_load %arg10[%parallel_loop3A_2080, %parallel_loop3A_2081, %parallel_loop3A_2082] {strides = array<i32>} : memref<2x64x256xf32, #tpu.memory_space<vmem>>, vector<16xf32>,
        tpu.vector_store %arg10[%parallel_loop3A_2080, %parallel_loop3A_2081, %parallel_loop3A_2082], %parallel_loop3A_2078 {strides = array<i32>} : memref<2x64x256xf32, #tpu.memory_space<vmem>>, vector<16xf32>,
        %parallel_loop3A_2084 = arith.constant 16 : i32
        %parallel_loop3A_2085 = vector.broadcast %parallel_loop3A_2084 : i32 to vector<16xi32>
        %parallel_loop3A_2086 = arith.addi %iota3A, %parallel_loop3A_2085 : vector<16xi32>
        %parallel_loop3A_2087 = arith.constant 1 : i32
        %parallel_loop3A_2088 = arith.constant 0 : i32
        %parallel_loop3A_2089 = arith.constant 0 : i32
        %parallel_loop3A_2090 = tpu.memref_slice %arg9[%parallel_loop3A_2087, %parallel_loop3A_2088, %parallel_loop3A_2089] : memref<2x256x128xf32, #tpu.memory_space<vmem>> -> memref<1x256x128xf32, #tpu.memory_space<vmem>>
        %parallel_loop3A_2091 = tpu.memref_squeeze %parallel_loop3A_2090 : memref<1x256x128xf32, #tpu.memory_space<vmem>> -> memref<256x128xf32, #tpu.memory_space<vmem>>
        %parallel_loop3A_2092 = tpu.vector_load_idx %parallel_loop3A_2091[%parallel_loop3A_2086, %parallel_loop3A_2068] : memref<256x128xf32, #tpu.memory_space<vmem>>[vector<16xi32>, vector<16xi32>], vector<16xf32>,
        %parallel_loop3A_2093 = arith.addf %parallel_loop3A_2092, %parallel_loop3A_2067 : vector<16xf32>
        %parallel_loop3A_2094 = arith.constant 1 : i32
        %parallel_loop3A_2095 = arith.index_cast %parallel_loop3A_2094 : i32 to index
        %parallel_loop3A_2096 = arith.index_cast %parallel_loop3A_2061 : i32 to index
        %parallel_loop3A_2097 = arith.constant 16 : index
        %parallel_loop3A_2098 = tpu.vector_load %arg10[%parallel_loop3A_2095, %parallel_loop3A_2096, %parallel_loop3A_2097] {strides = array<i32>} : memref<2x64x256xf32, #tpu.memory_space<vmem>>, vector<16xf32>,
        tpu.vector_store %arg10[%parallel_loop3A_2095, %parallel_loop3A_2096, %parallel_loop3A_2097], %parallel_loop3A_2093 {strides = array<i32>} : memref<2x64x256xf32, #tpu.memory_space<vmem>>, vector<16xf32>,
        %parallel_loop3A_2099 = arith.constant 32 : i32
        %parallel_loop3A_2100 = vector.broadcast %parallel_loop3A_2099 : i32 to vector<16xi32>
        %parallel_loop3A_2101 = arith.addi %iota3A, %parallel_loop3A_2100 : vector<16xi32>
        %parallel_loop3A_2102 = arith.constant 1 : i32
        %parallel_loop3A_2103 = arith.constant 0 : i32
        %parallel_loop3A_2104 = arith.constant 0 : i32
        %parallel_loop3A_2105 = tpu.memref_slice %arg9[%parallel_loop3A_2102, %parallel_loop3A_2103, %parallel_loop3A_2104] : memref<2x256x128xf32, #tpu.memory_space<vmem>> -> memref<1x256x128xf32, #tpu.memory_space<vmem>>
        %parallel_loop3A_2106 = tpu.memref_squeeze %parallel_loop3A_2105 : memref<1x256x128xf32, #tpu.memory_space<vmem>> -> memref<256x128xf32, #tpu.memory_space<vmem>>
        %parallel_loop3A_2107 = tpu.vector_load_idx %parallel_loop3A_2106[%parallel_loop3A_2101, %parallel_loop3A_2068] : memref<256x128xf32, #tpu.memory_space<vmem>>[vector<16xi32>, vector<16xi32>], vector<16xf32>,
        %parallel_loop3A_2108 = arith.addf %parallel_loop3A_2107, %parallel_loop3A_2067 : vector<16xf32>
        %parallel_loop3A_2109 = arith.constant 1 : i32
        %parallel_loop3A_2110 = arith.index_cast %parallel_loop3A_2109 : i32 to index
        %parallel_loop3A_2111 = arith.index_cast %parallel_loop3A_2061 : i32 to index
        %parallel_loop3A_2112 = arith.constant 32 : index
        %parallel_loop3A_2113 = tpu.vector_load %arg10[%parallel_loop3A_2110, %parallel_loop3A_2111, %parallel_loop3A_2112] {strides = array<i32>} : memref<2x64x256xf32, #tpu.memory_space<vmem>>, vector<16xf32>,
        tpu.vector_store %arg10[%parallel_loop3A_2110, %parallel_loop3A_2111, %parallel_loop3A_2112], %parallel_loop3A_2108 {strides = array<i32>} : memref<2x64x256xf32, #tpu.memory_space<vmem>>, vector<16xf32>,
        %parallel_loop3A_2114 = arith.constant 48 : i32
        %parallel_loop3A_2115 = vector.broadcast %parallel_loop3A_2114 : i32 to vector<16xi32>
        %parallel_loop3A_2116 = arith.addi %iota3A, %parallel_loop3A_2115 : vector<16xi32>
        %parallel_loop3A_2117 = arith.constant 1 : i32
        %parallel_loop3A_2118 = arith.constant 0 : i32
        %parallel_loop3A_2119 = arith.constant 0 : i32
        %parallel_loop3A_2120 = tpu.memref_slice %arg9[%parallel_loop3A_2117, %parallel_loop3A_2118, %parallel_loop3A_2119] : memref<2x256x128xf32, #tpu.memory_space<vmem>> -> memref<1x256x128xf32, #tpu.memory_space<vmem>>
        %parallel_loop3A_2121 = tpu.memref_squeeze %parallel_loop3A_2120 : memref<1x256x128xf32, #tpu.memory_space<vmem>> -> memref<256x128xf32, #tpu.memory_space<vmem>>
        %parallel_loop3A_2122 = tpu.vector_load_idx %parallel_loop3A_2121[%parallel_loop3A_2116, %parallel_loop3A_2068] : memref<256x128xf32, #tpu.memory_space<vmem>>[vector<16xi32>, vector<16xi32>], vector<16xf32>,
        %parallel_loop3A_2123 = arith.addf %parallel_loop3A_2122, %parallel_loop3A_2067 : vector<16xf32>
        %parallel_loop3A_2124 = arith.constant 1 : i32
        %parallel_loop3A_2125 = arith.index_cast %parallel_loop3A_2124 : i32 to index
        %parallel_loop3A_2126 = arith.index_cast %parallel_loop3A_2061 : i32 to index
        %parallel_loop3A_2127 = arith.constant 48 : index
        %parallel_loop3A_2128 = tpu.vector_load %arg10[%parallel_loop3A_2125, %parallel_loop3A_2126, %parallel_loop3A_2127] {strides = array<i32>} : memref<2x64x256xf32, #tpu.memory_space<vmem>>, vector<16xf32>,
        tpu.vector_store %arg10[%parallel_loop3A_2125, %parallel_loop3A_2126, %parallel_loop3A_2127], %parallel_loop3A_2123 {strides = array<i32>} : memref<2x64x256xf32, #tpu.memory_space<vmem>>, vector<16xf32>,
        %parallel_loop3A_2129 = arith.constant 64 : i32
        %parallel_loop3A_2130 = vector.broadcast %parallel_loop3A_2129 : i32 to vector<16xi32>
        %parallel_loop3A_2131 = arith.addi %iota3A, %parallel_loop3A_2130 : vector<16xi32>
        %parallel_loop3A_2132 = arith.constant 1 : i32
        %parallel_loop3A_2133 = arith.constant 0 : i32
        %parallel_loop3A_2134 = arith.constant 0 : i32
        %parallel_loop3A_2135 = tpu.memref_slice %arg9[%parallel_loop3A_2132, %parallel_loop3A_2133, %parallel_loop3A_2134] : memref<2x256x128xf32, #tpu.memory_space<vmem>> -> memref<1x256x128xf32, #tpu.memory_space<vmem>>
        %parallel_loop3A_2136 = tpu.memref_squeeze %parallel_loop3A_2135 : memref<1x256x128xf32, #tpu.memory_space<vmem>> -> memref<256x128xf32, #tpu.memory_space<vmem>>
        %parallel_loop3A_2137 = tpu.vector_load_idx %parallel_loop3A_2136[%parallel_loop3A_2131, %parallel_loop3A_2068] : memref<256x128xf32, #tpu.memory_space<vmem>>[vector<16xi32>, vector<16xi32>], vector<16xf32>,
        %parallel_loop3A_2138 = arith.addf %parallel_loop3A_2137, %parallel_loop3A_2067 : vector<16xf32>
        %parallel_loop3A_2139 = arith.constant 1 : i32
        %parallel_loop3A_2140 = arith.index_cast %parallel_loop3A_2139 : i32 to index
        %parallel_loop3A_2141 = arith.index_cast %parallel_loop3A_2061 : i32 to index
        %parallel_loop3A_2142 = arith.constant 64 : index
        %parallel_loop3A_2143 = tpu.vector_load %arg10[%parallel_loop3A_2140, %parallel_loop3A_2141, %parallel_loop3A_2142] {strides = array<i32>} : memref<2x64x256xf32, #tpu.memory_space<vmem>>, vector<16xf32>,
        tpu.vector_store %arg10[%parallel_loop3A_2140, %parallel_loop3A_2141, %parallel_loop3A_2142], %parallel_loop3A_2138 {strides = array<i32>} : memref<2x64x256xf32, #tpu.memory_space<vmem>>, vector<16xf32>,
        %parallel_loop3A_2144 = arith.constant 80 : i32
        %parallel_loop3A_2145 = vector.broadcast %parallel_loop3A_2144 : i32 to vector<16xi32>
        %parallel_loop3A_2146 = arith.addi %iota3A, %parallel_loop3A_2145 : vector<16xi32>
        %parallel_loop3A_2147 = arith.constant 1 : i32
        %parallel_loop3A_2148 = arith.constant 0 : i32
        %parallel_loop3A_2149 = arith.constant 0 : i32
        %parallel_loop3A_2150 = tpu.memref_slice %arg9[%parallel_loop3A_2147, %parallel_loop3A_2148, %parallel_loop3A_2149] : memref<2x256x128xf32, #tpu.memory_space<vmem>> -> memref<1x256x128xf32, #tpu.memory_space<vmem>>
        %parallel_loop3A_2151 = tpu.memref_squeeze %parallel_loop3A_2150 : memref<1x256x128xf32, #tpu.memory_space<vmem>> -> memref<256x128xf32, #tpu.memory_space<vmem>>
        %parallel_loop3A_2152 = tpu.vector_load_idx %parallel_loop3A_2151[%parallel_loop3A_2146, %parallel_loop3A_2068] : memref<256x128xf32, #tpu.memory_space<vmem>>[vector<16xi32>, vector<16xi32>], vector<16xf32>,
        %parallel_loop3A_2153 = arith.addf %parallel_loop3A_2152, %parallel_loop3A_2067 : vector<16xf32>
        %parallel_loop3A_2154 = arith.constant 1 : i32
        %parallel_loop3A_2155 = arith.index_cast %parallel_loop3A_2154 : i32 to index
        %parallel_loop3A_2156 = arith.index_cast %parallel_loop3A_2061 : i32 to index
        %parallel_loop3A_2157 = arith.constant 80 : index
        %parallel_loop3A_2158 = tpu.vector_load %arg10[%parallel_loop3A_2155, %parallel_loop3A_2156, %parallel_loop3A_2157] {strides = array<i32>} : memref<2x64x256xf32, #tpu.memory_space<vmem>>, vector<16xf32>,
        tpu.vector_store %arg10[%parallel_loop3A_2155, %parallel_loop3A_2156, %parallel_loop3A_2157], %parallel_loop3A_2153 {strides = array<i32>} : memref<2x64x256xf32, #tpu.memory_space<vmem>>, vector<16xf32>,
        %parallel_loop3A_2159 = arith.constant 96 : i32
        %parallel_loop3A_2160 = vector.broadcast %parallel_loop3A_2159 : i32 to vector<16xi32>
        %parallel_loop3A_2161 = arith.addi %iota3A, %parallel_loop3A_2160 : vector<16xi32>
        %parallel_loop3A_2162 = arith.constant 1 : i32
        %parallel_loop3A_2163 = arith.constant 0 : i32
        %parallel_loop3A_2164 = arith.constant 0 : i32
        %parallel_loop3A_2165 = tpu.memref_slice %arg9[%parallel_loop3A_2162, %parallel_loop3A_2163, %parallel_loop3A_2164] : memref<2x256x128xf32, #tpu.memory_space<vmem>> -> memref<1x256x128xf32, #tpu.memory_space<vmem>>
        %parallel_loop3A_2166 = tpu.memref_squeeze %parallel_loop3A_2165 : memref<1x256x128xf32, #tpu.memory_space<vmem>> -> memref<256x128xf32, #tpu.memory_space<vmem>>
        %parallel_loop3A_2167 = tpu.vector_load_idx %parallel_loop3A_2166[%parallel_loop3A_2161, %parallel_loop3A_2068] : memref<256x128xf32, #tpu.memory_space<vmem>>[vector<16xi32>, vector<16xi32>], vector<16xf32>,
        %parallel_loop3A_2168 = arith.addf %parallel_loop3A_2167, %parallel_loop3A_2067 : vector<16xf32>
        %parallel_loop3A_2169 = arith.constant 1 : i32
        %parallel_loop3A_2170 = arith.index_cast %parallel_loop3A_2169 : i32 to index
        %parallel_loop3A_2171 = arith.index_cast %parallel_loop3A_2061 : i32 to index
        %parallel_loop3A_2172 = arith.constant 96 : index
        %parallel_loop3A_2173 = tpu.vector_load %arg10[%parallel_loop3A_2170, %parallel_loop3A_2171, %parallel_loop3A_2172] {strides = array<i32>} : memref<2x64x256xf32, #tpu.memory_space<vmem>>, vector<16xf32>,
        tpu.vector_store %arg10[%parallel_loop3A_2170, %parallel_loop3A_2171, %parallel_loop3A_2172], %parallel_loop3A_2168 {strides = array<i32>} : memref<2x64x256xf32, #tpu.memory_space<vmem>>, vector<16xf32>,
        %parallel_loop3A_2174 = arith.constant 112 : i32
        %parallel_loop3A_2175 = vector.broadcast %parallel_loop3A_2174 : i32 to vector<16xi32>
        %parallel_loop3A_2176 = arith.addi %iota3A, %parallel_loop3A_2175 : vector<16xi32>
        %parallel_loop3A_2177 = arith.constant 1 : i32
        %parallel_loop3A_2178 = arith.constant 0 : i32
        %parallel_loop3A_2179 = arith.constant 0 : i32
        %parallel_loop3A_2180 = tpu.memref_slice %arg9[%parallel_loop3A_2177, %parallel_loop3A_2178, %parallel_loop3A_2179] : memref<2x256x128xf32, #tpu.memory_space<vmem>> -> memref<1x256x128xf32, #tpu.memory_space<vmem>>
        %parallel_loop3A_2181 = tpu.memref_squeeze %parallel_loop3A_2180 : memref<1x256x128xf32, #tpu.memory_space<vmem>> -> memref<256x128xf32, #tpu.memory_space<vmem>>
        %parallel_loop3A_2182 = tpu.vector_load_idx %parallel_loop3A_2181[%parallel_loop3A_2176, %parallel_loop3A_2068] : memref<256x128xf32, #tpu.memory_space<vmem>>[vector<16xi32>, vector<16xi32>], vector<16xf32>,
        %parallel_loop3A_2183 = arith.addf %parallel_loop3A_2182, %parallel_loop3A_2067 : vector<16xf32>
        %parallel_loop3A_2184 = arith.constant 1 : i32
        %parallel_loop3A_2185 = arith.index_cast %parallel_loop3A_2184 : i32 to index
        %parallel_loop3A_2186 = arith.index_cast %parallel_loop3A_2061 : i32 to index
        %parallel_loop3A_2187 = arith.constant 112 : index
        %parallel_loop3A_2188 = tpu.vector_load %arg10[%parallel_loop3A_2185, %parallel_loop3A_2186, %parallel_loop3A_2187] {strides = array<i32>} : memref<2x64x256xf32, #tpu.memory_space<vmem>>, vector<16xf32>,
        tpu.vector_store %arg10[%parallel_loop3A_2185, %parallel_loop3A_2186, %parallel_loop3A_2187], %parallel_loop3A_2183 {strides = array<i32>} : memref<2x64x256xf32, #tpu.memory_space<vmem>>, vector<16xf32>,
        %parallel_loop3A_2189 = arith.constant 128 : i32
        %parallel_loop3A_2190 = vector.broadcast %parallel_loop3A_2189 : i32 to vector<16xi32>
        %parallel_loop3A_2191 = arith.addi %iota3A, %parallel_loop3A_2190 : vector<16xi32>
        %parallel_loop3A_2192 = arith.constant 1 : i32
        %parallel_loop3A_2193 = arith.constant 0 : i32
        %parallel_loop3A_2194 = arith.constant 0 : i32
        %parallel_loop3A_2195 = tpu.memref_slice %arg9[%parallel_loop3A_2192, %parallel_loop3A_2193, %parallel_loop3A_2194] : memref<2x256x128xf32, #tpu.memory_space<vmem>> -> memref<1x256x128xf32, #tpu.memory_space<vmem>>
        %parallel_loop3A_2196 = tpu.memref_squeeze %parallel_loop3A_2195 : memref<1x256x128xf32, #tpu.memory_space<vmem>> -> memref<256x128xf32, #tpu.memory_space<vmem>>
        %parallel_loop3A_2197 = tpu.vector_load_idx %parallel_loop3A_2196[%parallel_loop3A_2191, %parallel_loop3A_2068] : memref<256x128xf32, #tpu.memory_space<vmem>>[vector<16xi32>, vector<16xi32>], vector<16xf32>,
        %parallel_loop3A_2198 = arith.addf %parallel_loop3A_2197, %parallel_loop3A_2067 : vector<16xf32>
        %parallel_loop3A_2199 = arith.constant 1 : i32
        %parallel_loop3A_2200 = arith.index_cast %parallel_loop3A_2199 : i32 to index
        %parallel_loop3A_2201 = arith.index_cast %parallel_loop3A_2061 : i32 to index
        %parallel_loop3A_2202 = arith.constant 128 : index
        %parallel_loop3A_2203 = tpu.vector_load %arg10[%parallel_loop3A_2200, %parallel_loop3A_2201, %parallel_loop3A_2202] {strides = array<i32>} : memref<2x64x256xf32, #tpu.memory_space<vmem>>, vector<16xf32>,
        tpu.vector_store %arg10[%parallel_loop3A_2200, %parallel_loop3A_2201, %parallel_loop3A_2202], %parallel_loop3A_2198 {strides = array<i32>} : memref<2x64x256xf32, #tpu.memory_space<vmem>>, vector<16xf32>,
        %parallel_loop3A_2204 = arith.constant 144 : i32
        %parallel_loop3A_2205 = vector.broadcast %parallel_loop3A_2204 : i32 to vector<16xi32>
        %parallel_loop3A_2206 = arith.addi %iota3A, %parallel_loop3A_2205 : vector<16xi32>
        %parallel_loop3A_2207 = arith.constant 1 : i32
        %parallel_loop3A_2208 = arith.constant 0 : i32
        %parallel_loop3A_2209 = arith.constant 0 : i32
        %parallel_loop3A_2210 = tpu.memref_slice %arg9[%parallel_loop3A_2207, %parallel_loop3A_2208, %parallel_loop3A_2209] : memref<2x256x128xf32, #tpu.memory_space<vmem>> -> memref<1x256x128xf32, #tpu.memory_space<vmem>>
        %parallel_loop3A_2211 = tpu.memref_squeeze %parallel_loop3A_2210 : memref<1x256x128xf32, #tpu.memory_space<vmem>> -> memref<256x128xf32, #tpu.memory_space<vmem>>
        %parallel_loop3A_2212 = tpu.vector_load_idx %parallel_loop3A_2211[%parallel_loop3A_2206, %parallel_loop3A_2068] : memref<256x128xf32, #tpu.memory_space<vmem>>[vector<16xi32>, vector<16xi32>], vector<16xf32>,
        %parallel_loop3A_2213 = arith.addf %parallel_loop3A_2212, %parallel_loop3A_2067 : vector<16xf32>
        %parallel_loop3A_2214 = arith.constant 1 : i32
        %parallel_loop3A_2215 = arith.index_cast %parallel_loop3A_2214 : i32 to index
        %parallel_loop3A_2216 = arith.index_cast %parallel_loop3A_2061 : i32 to index
        %parallel_loop3A_2217 = arith.constant 144 : index
        %parallel_loop3A_2218 = tpu.vector_load %arg10[%parallel_loop3A_2215, %parallel_loop3A_2216, %parallel_loop3A_2217] {strides = array<i32>} : memref<2x64x256xf32, #tpu.memory_space<vmem>>, vector<16xf32>,
        tpu.vector_store %arg10[%parallel_loop3A_2215, %parallel_loop3A_2216, %parallel_loop3A_2217], %parallel_loop3A_2213 {strides = array<i32>} : memref<2x64x256xf32, #tpu.memory_space<vmem>>, vector<16xf32>,
        %parallel_loop3A_2219 = arith.constant 160 : i32
        %parallel_loop3A_2220 = vector.broadcast %parallel_loop3A_2219 : i32 to vector<16xi32>
        %parallel_loop3A_2221 = arith.addi %iota3A, %parallel_loop3A_2220 : vector<16xi32>
        %parallel_loop3A_2222 = arith.constant 1 : i32
        %parallel_loop3A_2223 = arith.constant 0 : i32
        %parallel_loop3A_2224 = arith.constant 0 : i32
        %parallel_loop3A_2225 = tpu.memref_slice %arg9[%parallel_loop3A_2222, %parallel_loop3A_2223, %parallel_loop3A_2224] : memref<2x256x128xf32, #tpu.memory_space<vmem>> -> memref<1x256x128xf32, #tpu.memory_space<vmem>>
        %parallel_loop3A_2226 = tpu.memref_squeeze %parallel_loop3A_2225 : memref<1x256x128xf32, #tpu.memory_space<vmem>> -> memref<256x128xf32, #tpu.memory_space<vmem>>
        %parallel_loop3A_2227 = tpu.vector_load_idx %parallel_loop3A_2226[%parallel_loop3A_2221, %parallel_loop3A_2068] : memref<256x128xf32, #tpu.memory_space<vmem>>[vector<16xi32>, vector<16xi32>], vector<16xf32>,
        %parallel_loop3A_2228 = arith.addf %parallel_loop3A_2227, %parallel_loop3A_2067 : vector<16xf32>
        %parallel_loop3A_2229 = arith.constant 1 : i32
        %parallel_loop3A_2230 = arith.index_cast %parallel_loop3A_2229 : i32 to index
        %parallel_loop3A_2231 = arith.index_cast %parallel_loop3A_2061 : i32 to index
        %parallel_loop3A_2232 = arith.constant 160 : index
        %parallel_loop3A_2233 = tpu.vector_load %arg10[%parallel_loop3A_2230, %parallel_loop3A_2231, %parallel_loop3A_2232] {strides = array<i32>} : memref<2x64x256xf32, #tpu.memory_space<vmem>>, vector<16xf32>,
        tpu.vector_store %arg10[%parallel_loop3A_2230, %parallel_loop3A_2231, %parallel_loop3A_2232], %parallel_loop3A_2228 {strides = array<i32>} : memref<2x64x256xf32, #tpu.memory_space<vmem>>, vector<16xf32>,
        %parallel_loop3A_2234 = arith.constant 176 : i32
        %parallel_loop3A_2235 = vector.broadcast %parallel_loop3A_2234 : i32 to vector<16xi32>
        %parallel_loop3A_2236 = arith.addi %iota3A, %parallel_loop3A_2235 : vector<16xi32>
        %parallel_loop3A_2237 = arith.constant 1 : i32
        %parallel_loop3A_2238 = arith.constant 0 : i32
        %parallel_loop3A_2239 = arith.constant 0 : i32
        %parallel_loop3A_2240 = tpu.memref_slice %arg9[%parallel_loop3A_2237, %parallel_loop3A_2238, %parallel_loop3A_2239] : memref<2x256x128xf32, #tpu.memory_space<vmem>> -> memref<1x256x128xf32, #tpu.memory_space<vmem>>
        %parallel_loop3A_2241 = tpu.memref_squeeze %parallel_loop3A_2240 : memref<1x256x128xf32, #tpu.memory_space<vmem>> -> memref<256x128xf32, #tpu.memory_space<vmem>>
        %parallel_loop3A_2242 = tpu.vector_load_idx %parallel_loop3A_2241[%parallel_loop3A_2236, %parallel_loop3A_2068] : memref<256x128xf32, #tpu.memory_space<vmem>>[vector<16xi32>, vector<16xi32>], vector<16xf32>,
        %parallel_loop3A_2243 = arith.addf %parallel_loop3A_2242, %parallel_loop3A_2067 : vector<16xf32>
        %parallel_loop3A_2244 = arith.constant 1 : i32
        %parallel_loop3A_2245 = arith.index_cast %parallel_loop3A_2244 : i32 to index
        %parallel_loop3A_2246 = arith.index_cast %parallel_loop3A_2061 : i32 to index
        %parallel_loop3A_2247 = arith.constant 176 : index
        %parallel_loop3A_2248 = tpu.vector_load %arg10[%parallel_loop3A_2245, %parallel_loop3A_2246, %parallel_loop3A_2247] {strides = array<i32>} : memref<2x64x256xf32, #tpu.memory_space<vmem>>, vector<16xf32>,
        tpu.vector_store %arg10[%parallel_loop3A_2245, %parallel_loop3A_2246, %parallel_loop3A_2247], %parallel_loop3A_2243 {strides = array<i32>} : memref<2x64x256xf32, #tpu.memory_space<vmem>>, vector<16xf32>,
        %parallel_loop3A_2249 = arith.constant 192 : i32
        %parallel_loop3A_2250 = vector.broadcast %parallel_loop3A_2249 : i32 to vector<16xi32>
        %parallel_loop3A_2251 = arith.addi %iota3A, %parallel_loop3A_2250 : vector<16xi32>
        %parallel_loop3A_2252 = arith.constant 1 : i32
        %parallel_loop3A_2253 = arith.constant 0 : i32
        %parallel_loop3A_2254 = arith.constant 0 : i32
        %parallel_loop3A_2255 = tpu.memref_slice %arg9[%parallel_loop3A_2252, %parallel_loop3A_2253, %parallel_loop3A_2254] : memref<2x256x128xf32, #tpu.memory_space<vmem>> -> memref<1x256x128xf32, #tpu.memory_space<vmem>>
        %parallel_loop3A_2256 = tpu.memref_squeeze %parallel_loop3A_2255 : memref<1x256x128xf32, #tpu.memory_space<vmem>> -> memref<256x128xf32, #tpu.memory_space<vmem>>
        %parallel_loop3A_2257 = tpu.vector_load_idx %parallel_loop3A_2256[%parallel_loop3A_2251, %parallel_loop3A_2068] : memref<256x128xf32, #tpu.memory_space<vmem>>[vector<16xi32>, vector<16xi32>], vector<16xf32>,
        %parallel_loop3A_2258 = arith.addf %parallel_loop3A_2257, %parallel_loop3A_2067 : vector<16xf32>
        %parallel_loop3A_2259 = arith.constant 1 : i32
        %parallel_loop3A_2260 = arith.index_cast %parallel_loop3A_2259 : i32 to index
        %parallel_loop3A_2261 = arith.index_cast %parallel_loop3A_2061 : i32 to index
        %parallel_loop3A_2262 = arith.constant 192 : index
        %parallel_loop3A_2263 = tpu.vector_load %arg10[%parallel_loop3A_2260, %parallel_loop3A_2261, %parallel_loop3A_2262] {strides = array<i32>} : memref<2x64x256xf32, #tpu.memory_space<vmem>>, vector<16xf32>,
        tpu.vector_store %arg10[%parallel_loop3A_2260, %parallel_loop3A_2261, %parallel_loop3A_2262], %parallel_loop3A_2258 {strides = array<i32>} : memref<2x64x256xf32, #tpu.memory_space<vmem>>, vector<16xf32>,
        %parallel_loop3A_2264 = arith.constant 208 : i32
        %parallel_loop3A_2265 = vector.broadcast %parallel_loop3A_2264 : i32 to vector<16xi32>
        %parallel_loop3A_2266 = arith.addi %iota3A, %parallel_loop3A_2265 : vector<16xi32>
        %parallel_loop3A_2267 = arith.constant 1 : i32
        %parallel_loop3A_2268 = arith.constant 0 : i32
        %parallel_loop3A_2269 = arith.constant 0 : i32
        %parallel_loop3A_2270 = tpu.memref_slice %arg9[%parallel_loop3A_2267, %parallel_loop3A_2268, %parallel_loop3A_2269] : memref<2x256x128xf32, #tpu.memory_space<vmem>> -> memref<1x256x128xf32, #tpu.memory_space<vmem>>
        %parallel_loop3A_2271 = tpu.memref_squeeze %parallel_loop3A_2270 : memref<1x256x128xf32, #tpu.memory_space<vmem>> -> memref<256x128xf32, #tpu.memory_space<vmem>>
        %parallel_loop3A_2272 = tpu.vector_load_idx %parallel_loop3A_2271[%parallel_loop3A_2266, %parallel_loop3A_2068] : memref<256x128xf32, #tpu.memory_space<vmem>>[vector<16xi32>, vector<16xi32>], vector<16xf32>,
        %parallel_loop3A_2273 = arith.addf %parallel_loop3A_2272, %parallel_loop3A_2067 : vector<16xf32>
        %parallel_loop3A_2274 = arith.constant 1 : i32
        %parallel_loop3A_2275 = arith.index_cast %parallel_loop3A_2274 : i32 to index
        %parallel_loop3A_2276 = arith.index_cast %parallel_loop3A_2061 : i32 to index
        %parallel_loop3A_2277 = arith.constant 208 : index
        %parallel_loop3A_2278 = tpu.vector_load %arg10[%parallel_loop3A_2275, %parallel_loop3A_2276, %parallel_loop3A_2277] {strides = array<i32>} : memref<2x64x256xf32, #tpu.memory_space<vmem>>, vector<16xf32>,
        tpu.vector_store %arg10[%parallel_loop3A_2275, %parallel_loop3A_2276, %parallel_loop3A_2277], %parallel_loop3A_2273 {strides = array<i32>} : memref<2x64x256xf32, #tpu.memory_space<vmem>>, vector<16xf32>,
        %parallel_loop3A_2279 = arith.constant 224 : i32
        %parallel_loop3A_2280 = vector.broadcast %parallel_loop3A_2279 : i32 to vector<16xi32>
        %parallel_loop3A_2281 = arith.addi %iota3A, %parallel_loop3A_2280 : vector<16xi32>
        %parallel_loop3A_2282 = arith.constant 1 : i32
        %parallel_loop3A_2283 = arith.constant 0 : i32
        %parallel_loop3A_2284 = arith.constant 0 : i32
        %parallel_loop3A_2285 = tpu.memref_slice %arg9[%parallel_loop3A_2282, %parallel_loop3A_2283, %parallel_loop3A_2284] : memref<2x256x128xf32, #tpu.memory_space<vmem>> -> memref<1x256x128xf32, #tpu.memory_space<vmem>>
        %parallel_loop3A_2286 = tpu.memref_squeeze %parallel_loop3A_2285 : memref<1x256x128xf32, #tpu.memory_space<vmem>> -> memref<256x128xf32, #tpu.memory_space<vmem>>
        %parallel_loop3A_2287 = tpu.vector_load_idx %parallel_loop3A_2286[%parallel_loop3A_2281, %parallel_loop3A_2068] : memref<256x128xf32, #tpu.memory_space<vmem>>[vector<16xi32>, vector<16xi32>], vector<16xf32>,
        %parallel_loop3A_2288 = arith.addf %parallel_loop3A_2287, %parallel_loop3A_2067 : vector<16xf32>
        %parallel_loop3A_2289 = arith.constant 1 : i32
        %parallel_loop3A_2290 = arith.index_cast %parallel_loop3A_2289 : i32 to index
        %parallel_loop3A_2291 = arith.index_cast %parallel_loop3A_2061 : i32 to index
        %parallel_loop3A_2292 = arith.constant 224 : index
        %parallel_loop3A_2293 = tpu.vector_load %arg10[%parallel_loop3A_2290, %parallel_loop3A_2291, %parallel_loop3A_2292] {strides = array<i32>} : memref<2x64x256xf32, #tpu.memory_space<vmem>>, vector<16xf32>,
        tpu.vector_store %arg10[%parallel_loop3A_2290, %parallel_loop3A_2291, %parallel_loop3A_2292], %parallel_loop3A_2288 {strides = array<i32>} : memref<2x64x256xf32, #tpu.memory_space<vmem>>, vector<16xf32>,
        %parallel_loop3A_2294 = arith.constant 240 : i32
        %parallel_loop3A_2295 = vector.broadcast %parallel_loop3A_2294 : i32 to vector<16xi32>
        %parallel_loop3A_2296 = arith.addi %iota3A, %parallel_loop3A_2295 : vector<16xi32>
        %parallel_loop3A_2297 = arith.constant 1 : i32
        %parallel_loop3A_2298 = arith.constant 0 : i32
        %parallel_loop3A_2299 = arith.constant 0 : i32
        %parallel_loop3A_2300 = tpu.memref_slice %arg9[%parallel_loop3A_2297, %parallel_loop3A_2298, %parallel_loop3A_2299] : memref<2x256x128xf32, #tpu.memory_space<vmem>> -> memref<1x256x128xf32, #tpu.memory_space<vmem>>
        %parallel_loop3A_2301 = tpu.memref_squeeze %parallel_loop3A_2300 : memref<1x256x128xf32, #tpu.memory_space<vmem>> -> memref<256x128xf32, #tpu.memory_space<vmem>>
        %parallel_loop3A_2302 = tpu.vector_load_idx %parallel_loop3A_2301[%parallel_loop3A_2296, %parallel_loop3A_2068] : memref<256x128xf32, #tpu.memory_space<vmem>>[vector<16xi32>, vector<16xi32>], vector<16xf32>,
        %parallel_loop3A_2303 = arith.addf %parallel_loop3A_2302, %parallel_loop3A_2067 : vector<16xf32>
        %parallel_loop3A_2304 = arith.constant 1 : i32
        %parallel_loop3A_2305 = arith.index_cast %parallel_loop3A_2304 : i32 to index
        %parallel_loop3A_2306 = arith.index_cast %parallel_loop3A_2061 : i32 to index
        %parallel_loop3A_2307 = arith.constant 240 : index
        %parallel_loop3A_2308 = tpu.vector_load %arg10[%parallel_loop3A_2305, %parallel_loop3A_2306, %parallel_loop3A_2307] {strides = array<i32>} : memref<2x64x256xf32, #tpu.memory_space<vmem>>, vector<16xf32>,
        tpu.vector_store %arg10[%parallel_loop3A_2305, %parallel_loop3A_2306, %parallel_loop3A_2307], %parallel_loop3A_2303 {strides = array<i32>} : memref<2x64x256xf32, #tpu.memory_space<vmem>>, vector<16xf32>,
      } {sc.loop_unroll_factor = 4 : i64, sc.parallel_access}
      %add3A_1996 = arith.addi %mul3A_2, %add3A_1923 : i32
      %jit3A_1997 = arith.constant 64 : i32
      %div3A_1998 = arith.divsi %add3A_1996, %jit3A_1997 : i32
      %sign3A_1999 = arith.constant 0 : i32
      %sign3A_2000 = arith.cmpi sgt, %add3A_1996, %sign3A_1999 : i32
      %sign3A_2001 = arith.extui %sign3A_2000 : i1 to i32
      %sign3A_2002 = arith.constant 0 : i32
      %sign3A_2003 = arith.cmpi slt, %add3A_1996, %sign3A_2002 : i32
      %sign3A_2004 = arith.extui %sign3A_2003 : i1 to i32
      %sign3A_2005 = arith.subi %sign3A_2001, %sign3A_2004 : i32
      %sign3A_2006 = arith.constant 0 : i32
      %sign3A_2007 = arith.cmpi sgt, %jit3A_1997, %sign3A_2006 : i32
      %sign3A_2008 = arith.extui %sign3A_2007 : i1 to i32
      %sign3A_2009 = arith.constant 0 : i32
      %sign3A_2010 = arith.cmpi slt, %jit3A_1997, %sign3A_2009 : i32
      %sign3A_2011 = arith.extui %sign3A_2010 : i1 to i32
      %sign3A_2012 = arith.subi %sign3A_2008, %sign3A_2011 : i32
      %ne3A_2013 = arith.cmpi ne, %sign3A_2005, %sign3A_2012 : i32
      %rem3A_2014 = arith.remsi %add3A_1996, %jit3A_1997 : i32
      %ne3A_2015 = arith.constant 0 : i32
      %ne3A_2016 = arith.cmpi ne, %rem3A_2014, %ne3A_2015 : i32
      %and3A_2017 = arith.andi %ne3A_2013, %ne3A_2016 : i1
      %sub3A_2018 = arith.constant 1 : i32
      %sub3A_2019 = arith.subi %div3A_1998, %sub3A_2018 : i32
      %select_n3A_2020 = arith.select %and3A_2017, %sub3A_2019, %div3A_1998 : i32
      %jit3A_2021 = arith.constant 64 : i32
      %eq3A_2022 = arith.constant 0 : i32
      %eq3A_2023 = arith.cmpi eq, %jit3A_2021, %eq3A_2022 : i32
      %jit3A_2024 = arith.constant 1 : i32
      %select_n3A_2025 = arith.select %eq3A_2023, %jit3A_2024, %jit3A_2021 : i32
      %rem3A_2026 = arith.remsi %add3A_1996, %select_n3A_2025 : i32
      %ne3A_2027 = arith.constant 0 : i32
      %ne3A_2028 = arith.cmpi ne, %rem3A_2026, %ne3A_2027 : i32
      %lt3A_2029 = arith.constant 0 : i32
      %lt3A_2030 = arith.cmpi slt, %rem3A_2026, %lt3A_2029 : i32
      %lt3A_2031 = arith.constant 0 : i32
      %lt3A_2032 = arith.cmpi slt, %select_n3A_2025, %lt3A_2031 : i32
      %ne3A_2033 = arith.xori %lt3A_2030, %lt3A_2032 : i1
      %and3A_2034 = arith.andi %ne3A_2033, %ne3A_2028 : i1
      %add3A_2035 = arith.addi %rem3A_2026, %select_n3A_2025 : i32
      %select_n3A_2036 = arith.select %and3A_2034, %add3A_2035, %rem3A_2026 : i32
      %mul3A_2037 = arith.constant 256 : i32
      %mul3A_2038 = arith.muli %select_n3A_2036, %mul3A_2037 : i32
      %dma_start3A_2039 = arith.constant 1 : i32
      %dma_start3A_2040 = arith.constant 0 : i32
      %dma_start3A_2041 = arith.constant 0 : i32
      %dma_start3A_2042 = tpu.memref_slice %arg10[%dma_start3A_2039, %dma_start3A_2040, %dma_start3A_2041] : memref<2x64x256xf32, #tpu.memory_space<vmem>> -> memref<1x64x256xf32, #tpu.memory_space<vmem>>
      %dma_start3A_2043 = tpu.memref_squeeze %dma_start3A_2042 : memref<1x64x256xf32, #tpu.memory_space<vmem>> -> memref<64x256xf32, #tpu.memory_space<vmem>>
      %dma_start3A_2044 = arith.constant 0 : i32
      %dma_start3A_2045 = tpu.memref_slice %arg5[%select_n3A_2020, %dma_start3A_2044, %mul3A_2038] : memref<20x64x16384xf32, #tpu.memory_space<hbm>> -> memref<1x64x256xf32, #tpu.memory_space<hbm>>
      %dma_start3A_2046 = tpu.memref_squeeze %dma_start3A_2045 : memref<1x64x256xf32, #tpu.memory_space<hbm>> -> memref<64x256xf32, #tpu.memory_space<hbm>>
      %dma_start3A_2047 = arith.constant 0 : i32
      %dma_start3A_2048 = tpu.memref_slice %arg5[%select_n3A_2020, %dma_start3A_2047, %mul3A_2038] : memref<20x64x16384xf32, #tpu.memory_space<hbm>> -> memref<1x64x256xf32, #tpu.memory_space<hbm>>
      %dma_start3A_2049 = tpu.memref_squeeze %dma_start3A_2048 : memref<1x64x256xf32, #tpu.memory_space<hbm>> -> memref<64x256xf32, #tpu.memory_space<hbm>>
      %dma_start3A_2050 = arith.constant 0 : i32
      %dma_start3A_2051 = arith.constant 0 : i32
      %dma_start3A_2052 = tpu.memref_slice %arg10[%dma_start3A_2039, %dma_start3A_2050, %dma_start3A_2051] : memref<2x64x256xf32, #tpu.memory_space<vmem>> -> memref<1x64x256xf32, #tpu.memory_space<vmem>>
      %dma_start3A_2053 = tpu.memref_squeeze %dma_start3A_2052 : memref<1x64x256xf32, #tpu.memory_space<vmem>> -> memref<64x256xf32, #tpu.memory_space<vmem>>
      tpu.enqueue_dma source(%dma_start3A_2053 : memref<64x256xf32, #tpu.memory_space<vmem>>) target(%dma_start3A_2049 : memref<64x256xf32, #tpu.memory_space<hbm>>) target_semaphore(%arg16 : memref<!tpu.dma_semaphore, #tpu.memory_space<semaphore_mem>>)
      %add3A_2054 = arith.constant 2 : i32
      %add3A_2055 = arith.addi %add3A_1923, %add3A_2054 : i32
      %lt3A_2056 = arith.constant 40 : i32
      %lt3A_2057 = arith.cmpi slt, %add3A_2055, %lt3A_2056 : i32
      %convert_element_type3A_2058 = arith.extui %lt3A_2057 : i1 to i32
      %cond3A_2059 = arith.constant 0 : i32
      %cond3A_2060 = arith.cmpi ne, %convert_element_type3A_2058, %cond3A_2059 : i32
      scf.if %cond3A_2060 {
        %add3A_2061 = arith.constant 2 : i32
        %add3A_2062 = arith.addi %add3A_1923, %add3A_2061 : i32
        %add3A_2063 = arith.addi %mul3A_2, %add3A_2062 : i32
        %mul3A_2064 = arith.constant 256 : i32
        %mul3A_2065 = arith.muli %add3A_2063, %mul3A_2064 : i32
        %dma_start3A_2066 = arith.constant 1 : i32
        %dma_start3A_2067 = arith.constant 0 : i32
        %dma_start3A_2068 = tpu.memref_slice %arg6[%dma_start3A_2066, %dma_start3A_2067] : memref<2x256xi32, #tpu.memory_space<vmem>> -> memref<1x256xi32, #tpu.memory_space<vmem>>
        %dma_start3A_2069 = tpu.memref_squeeze %dma_start3A_2068 : memref<1x256xi32, #tpu.memory_space<vmem>> -> memref<256xi32, #tpu.memory_space<vmem>>
        %dma_start3A_2070 = tpu.memref_slice %arg3[%mul3A_2065] : memref<327680xi32, #tpu.memory_space<hbm>> -> memref<256xi32, #tpu.memory_space<hbm>>
        %dma_start3A_2071 = arith.constant 0 : i32
        %dma_start3A_2072 = tpu.memref_slice %arg6[%dma_start3A_2066, %dma_start3A_2071] : memref<2x256xi32, #tpu.memory_space<vmem>> -> memref<1x256xi32, #tpu.memory_space<vmem>>
        %dma_start3A_2073 = tpu.memref_squeeze %dma_start3A_2072 : memref<1x256xi32, #tpu.memory_space<vmem>> -> memref<256xi32, #tpu.memory_space<vmem>>
        %dma_start3A_2074 = tpu.memref_slice %arg3[%mul3A_2065] : memref<327680xi32, #tpu.memory_space<hbm>> -> memref<256xi32, #tpu.memory_space<hbm>>
        tpu.enqueue_dma source(%dma_start3A_2074 : memref<256xi32, #tpu.memory_space<hbm>>) target(%dma_start3A_2073 : memref<256xi32, #tpu.memory_space<vmem>>) target_semaphore(%arg12 : memref<!tpu.dma_semaphore, #tpu.memory_space<semaphore_mem>>)
      } else {
      }
    }
    %scan3A_1747 = arith.constant 20 : i32
    %dma_wait3A_1748 = arith.constant 0 : i32
    %dma_wait3A_1749 = arith.constant 0 : i32
    %dma_wait3A_1750 = arith.constant 0 : i32
    %dma_wait3A_1751 = arith.constant 0 : i32
    %dma_wait3A_1752 = tpu.memref_slice %arg10[%dma_wait3A_1748, %dma_wait3A_1750, %dma_wait3A_1751] : memref<2x64x256xf32, #tpu.memory_space<vmem>> -> memref<1x64x256xf32, #tpu.memory_space<vmem>>
    %dma_wait3A_1753 = tpu.memref_squeeze %dma_wait3A_1752 : memref<1x64x256xf32, #tpu.memory_space<vmem>> -> memref<64x256xf32, #tpu.memory_space<vmem>>
    %dma_wait3A_1754 = arith.constant 0 : i32
    %dma_wait3A_1755 = arith.constant 0 : i32
    %dma_wait3A_1756 = tpu.memref_slice %arg5[%dma_wait3A_1749, %dma_wait3A_1754, %dma_wait3A_1755] : memref<20x64x16384xf32, #tpu.memory_space<hbm>> -> memref<1x64x256xf32, #tpu.memory_space<hbm>>
    %dma_wait3A_1757 = tpu.memref_squeeze %dma_wait3A_1756 : memref<1x64x256xf32, #tpu.memory_space<hbm>> -> memref<64x256xf32, #tpu.memory_space<hbm>>
    %dma_wait3A_1758 = arith.constant 0 : i32
    %dma_wait3A_1759 = arith.constant 0 : i32
    %dma_wait3A_1760 = tpu.memref_slice %arg5[%dma_wait3A_1749, %dma_wait3A_1758, %dma_wait3A_1759] : memref<20x64x16384xf32, #tpu.memory_space<hbm>> -> memref<1x64x256xf32, #tpu.memory_space<hbm>>
    %dma_wait3A_1761 = tpu.memref_squeeze %dma_wait3A_1760 : memref<1x64x256xf32, #tpu.memory_space<hbm>> -> memref<64x256xf32, #tpu.memory_space<hbm>>
    %dma_wait3A_1762 = arith.constant 0 : i32
    %dma_wait3A_1763 = arith.constant 0 : i32
    %dma_wait3A_1764 = tpu.memref_slice %arg10[%dma_wait3A_1748, %dma_wait3A_1762, %dma_wait3A_1763] : memref<2x64x256xf32, #tpu.memory_space<vmem>> -> memref<1x64x256xf32, #tpu.memory_space<vmem>>
    %dma_wait3A_1765 = tpu.memref_squeeze %dma_wait3A_1764 : memref<1x64x256xf32, #tpu.memory_space<vmem>> -> memref<64x256xf32, #tpu.memory_space<vmem>>
    tpu.wait_dma2 semaphore(%arg15 : memref<!tpu.dma_semaphore, #tpu.memory_space<semaphore_mem>>) src(%dma_wait3A_1765 : memref<64x256xf32, #tpu.memory_space<vmem>>) dst(%dma_wait3A_1761 : memref<64x256xf32, #tpu.memory_space<hbm>>)
    %dma_wait3A_1766 = arith.constant 1 : i32
    %dma_wait3A_1767 = arith.constant 0 : i32
    %dma_wait3A_1768 = arith.constant 0 : i32
    %dma_wait3A_1769 = arith.constant 0 : i32
    %dma_wait3A_1770 = tpu.memref_slice %arg10[%dma_wait3A_1766, %dma_wait3A_1768, %dma_wait3A_1769] : memref<2x64x256xf32, #tpu.memory_space<vmem>> -> memref<1x64x256xf32, #tpu.memory_space<vmem>>
    %dma_wait3A_1771 = tpu.memref_squeeze %dma_wait3A_1770 : memref<1x64x256xf32, #tpu.memory_space<vmem>> -> memref<64x256xf32, #tpu.memory_space<vmem>>
    %dma_wait3A_1772 = arith.constant 0 : i32
    %dma_wait3A_1773 = arith.constant 0 : i32
    %dma_wait3A_1774 = tpu.memref_slice %arg5[%dma_wait3A_1767, %dma_wait3A_1772, %dma_wait3A_1773] : memref<20x64x16384xf32, #tpu.memory_space<hbm>> -> memref<1x64x256xf32, #tpu.memory_space<hbm>>
    %dma_wait3A_1775 = tpu.memref_squeeze %dma_wait3A_1774 : memref<1x64x256xf32, #tpu.memory_space<hbm>> -> memref<64x256xf32, #tpu.memory_space<hbm>>
    %dma_wait3A_1776 = arith.constant 0 : i32
    %dma_wait3A_1777 = arith.constant 0 : i32
    %dma_wait3A_1778 = tpu.memref_slice %arg5[%dma_wait3A_1767, %dma_wait3A_1776, %dma_wait3A_1777] : memref<20x64x16384xf32, #tpu.memory_space<hbm>> -> memref<1x64x256xf32, #tpu.memory_space<hbm>>
    %dma_wait3A_1779 = tpu.memref_squeeze %dma_wait3A_1778 : memref<1x64x256xf32, #tpu.memory_space<hbm>> -> memref<64x256xf32, #tpu.memory_space<hbm>>
    %dma_wait3A_1780 = arith.constant 0 : i32
    %dma_wait3A_1781 = arith.constant 0 : i32
    %dma_wait3A_1782 = tpu.memref_slice %arg10[%dma_wait3A_1766, %dma_wait3A_1780, %dma_wait3A_1781] : memref<2x64x256xf32, #tpu.memory_space<vmem>> -> memref<1x64x256xf32, #tpu.memory_space<vmem>>
    %dma_wait3A_1783 = tpu.memref_squeeze %dma_wait3A_1782 : memref<1x64x256xf32, #tpu.memory_space<vmem>> -> memref<64x256xf32, #tpu.memory_space<vmem>>
    tpu.wait_dma2 semaphore(%arg16 : memref<!tpu.dma_semaphore, #tpu.memory_space<semaphore_mem>>) src(%dma_wait3A_1783 : memref<64x256xf32, #tpu.memory_space<vmem>>) dst(%dma_wait3A_1779 : memref<64x256xf32, #tpu.memory_space<hbm>>)
    return
  }
}

module attributes {stable_mosaic.version = 14 : i64} {
  func.func @_adap_body(%arg0: memref<20xi32, #tpu.memory_space<smem>>, %arg1: memref<64x16xf32, #tpu.memory_space<vmem>>, %arg2: memref<1x16xf32, #tpu.memory_space<vmem>>, %arg3: memref<16x64xf32, #tpu.memory_space<vmem>>, %arg4: memref<1x64xf32, #tpu.memory_space<vmem>>, %arg5: memref<1000000x64xf32, #tpu.memory_space<hbm>>, %arg6: memref<20x64xf32, #tpu.memory_space<vmem>>, %arg7: memref<20x64xf32, #tpu.memory_space<vmem>>, %arg8: memref<!tpu.dma_semaphore, #tpu.memory_space<semaphore_mem>>) attributes {dimension_semantics = [], scalar_prefetch = 0 : i64, scratch_operands = 2 : i64, tpu.core_type = #tpu.core_type<tc>} {
    %get3A = arith.constant 0 : index
    %get3A_0 = memref.load %arg0[%get3A] : memref<20xi32, #tpu.memory_space<smem>>
    %dma_start3A = arith.constant 0 : i32
    %dma_start3A_1 = arith.constant 0 : i32
    %dma_start3A_2 = tpu.memref_slice %arg7[%dma_start3A, %dma_start3A_1] : memref<20x64xf32, #tpu.memory_space<vmem>> -> memref<1x64xf32, #tpu.memory_space<vmem>>
    %dma_start3A_3 = arith.constant 0 : i32
    %dma_start3A_4 = tpu.memref_slice %arg5[%get3A_0, %dma_start3A_3] : memref<1000000x64xf32, #tpu.memory_space<hbm>> -> memref<1x64xf32, #tpu.memory_space<hbm>>
    tpu.enqueue_dma source(%dma_start3A_4 : memref<1x64xf32, #tpu.memory_space<hbm>>) target(%dma_start3A_2 : memref<1x64xf32, #tpu.memory_space<vmem>>) target_semaphore(%arg8 : memref<!tpu.dma_semaphore, #tpu.memory_space<semaphore_mem>>)
    %get3A_5 = arith.constant 1 : index
    %get3A_6 = memref.load %arg0[%get3A_5] : memref<20xi32, #tpu.memory_space<smem>>
    %dma_start3A_7 = arith.constant 1 : i32
    %dma_start3A_8 = arith.constant 0 : i32
    %dma_start3A_9 = tpu.memref_slice %arg7[%dma_start3A_7, %dma_start3A_8] : memref<20x64xf32, #tpu.memory_space<vmem>> -> memref<1x64xf32, #tpu.memory_space<vmem>>
    %dma_start3A_10 = arith.constant 0 : i32
    %dma_start3A_11 = tpu.memref_slice %arg5[%get3A_6, %dma_start3A_10] : memref<1000000x64xf32, #tpu.memory_space<hbm>> -> memref<1x64xf32, #tpu.memory_space<hbm>>
    tpu.enqueue_dma source(%dma_start3A_11 : memref<1x64xf32, #tpu.memory_space<hbm>>) target(%dma_start3A_9 : memref<1x64xf32, #tpu.memory_space<vmem>>) target_semaphore(%arg8 : memref<!tpu.dma_semaphore, #tpu.memory_space<semaphore_mem>>)
    %get3A_12 = arith.constant 2 : index
    %get3A_13 = memref.load %arg0[%get3A_12] : memref<20xi32, #tpu.memory_space<smem>>
    %dma_start3A_14 = arith.constant 2 : i32
    %dma_start3A_15 = arith.constant 0 : i32
    %dma_start3A_16 = tpu.memref_slice %arg7[%dma_start3A_14, %dma_start3A_15] : memref<20x64xf32, #tpu.memory_space<vmem>> -> memref<1x64xf32, #tpu.memory_space<vmem>>
    %dma_start3A_17 = arith.constant 0 : i32
    %dma_start3A_18 = tpu.memref_slice %arg5[%get3A_13, %dma_start3A_17] : memref<1000000x64xf32, #tpu.memory_space<hbm>> -> memref<1x64xf32, #tpu.memory_space<hbm>>
    tpu.enqueue_dma source(%dma_start3A_18 : memref<1x64xf32, #tpu.memory_space<hbm>>) target(%dma_start3A_16 : memref<1x64xf32, #tpu.memory_space<vmem>>) target_semaphore(%arg8 : memref<!tpu.dma_semaphore, #tpu.memory_space<semaphore_mem>>)
    %get3A_19 = arith.constant 3 : index
    %get3A_20 = memref.load %arg0[%get3A_19] : memref<20xi32, #tpu.memory_space<smem>>
    %dma_start3A_21 = arith.constant 3 : i32
    %dma_start3A_22 = arith.constant 0 : i32
    %dma_start3A_23 = tpu.memref_slice %arg7[%dma_start3A_21, %dma_start3A_22] : memref<20x64xf32, #tpu.memory_space<vmem>> -> memref<1x64xf32, #tpu.memory_space<vmem>>
    %dma_start3A_24 = arith.constant 0 : i32
    %dma_start3A_25 = tpu.memref_slice %arg5[%get3A_20, %dma_start3A_24] : memref<1000000x64xf32, #tpu.memory_space<hbm>> -> memref<1x64xf32, #tpu.memory_space<hbm>>
    tpu.enqueue_dma source(%dma_start3A_25 : memref<1x64xf32, #tpu.memory_space<hbm>>) target(%dma_start3A_23 : memref<1x64xf32, #tpu.memory_space<vmem>>) target_semaphore(%arg8 : memref<!tpu.dma_semaphore, #tpu.memory_space<semaphore_mem>>)
    %get3A_26 = arith.constant 4 : index
    %get3A_27 = memref.load %arg0[%get3A_26] : memref<20xi32, #tpu.memory_space<smem>>
    %dma_start3A_28 = arith.constant 4 : i32
    %dma_start3A_29 = arith.constant 0 : i32
    %dma_start3A_30 = tpu.memref_slice %arg7[%dma_start3A_28, %dma_start3A_29] : memref<20x64xf32, #tpu.memory_space<vmem>> -> memref<1x64xf32, #tpu.memory_space<vmem>>
    %dma_start3A_31 = arith.constant 0 : i32
    %dma_start3A_32 = tpu.memref_slice %arg5[%get3A_27, %dma_start3A_31] : memref<1000000x64xf32, #tpu.memory_space<hbm>> -> memref<1x64xf32, #tpu.memory_space<hbm>>
    tpu.enqueue_dma source(%dma_start3A_32 : memref<1x64xf32, #tpu.memory_space<hbm>>) target(%dma_start3A_30 : memref<1x64xf32, #tpu.memory_space<vmem>>) target_semaphore(%arg8 : memref<!tpu.dma_semaphore, #tpu.memory_space<semaphore_mem>>)
    %get3A_33 = arith.constant 5 : index
    %get3A_34 = memref.load %arg0[%get3A_33] : memref<20xi32, #tpu.memory_space<smem>>
    %dma_start3A_35 = arith.constant 5 : i32
    %dma_start3A_36 = arith.constant 0 : i32
    %dma_start3A_37 = tpu.memref_slice %arg7[%dma_start3A_35, %dma_start3A_36] : memref<20x64xf32, #tpu.memory_space<vmem>> -> memref<1x64xf32, #tpu.memory_space<vmem>>
    %dma_start3A_38 = arith.constant 0 : i32
    %dma_start3A_39 = tpu.memref_slice %arg5[%get3A_34, %dma_start3A_38] : memref<1000000x64xf32, #tpu.memory_space<hbm>> -> memref<1x64xf32, #tpu.memory_space<hbm>>
    tpu.enqueue_dma source(%dma_start3A_39 : memref<1x64xf32, #tpu.memory_space<hbm>>) target(%dma_start3A_37 : memref<1x64xf32, #tpu.memory_space<vmem>>) target_semaphore(%arg8 : memref<!tpu.dma_semaphore, #tpu.memory_space<semaphore_mem>>)
    %get3A_40 = arith.constant 6 : index
    %get3A_41 = memref.load %arg0[%get3A_40] : memref<20xi32, #tpu.memory_space<smem>>
    %dma_start3A_42 = arith.constant 6 : i32
    %dma_start3A_43 = arith.constant 0 : i32
    %dma_start3A_44 = tpu.memref_slice %arg7[%dma_start3A_42, %dma_start3A_43] : memref<20x64xf32, #tpu.memory_space<vmem>> -> memref<1x64xf32, #tpu.memory_space<vmem>>
    %dma_start3A_45 = arith.constant 0 : i32
    %dma_start3A_46 = tpu.memref_slice %arg5[%get3A_41, %dma_start3A_45] : memref<1000000x64xf32, #tpu.memory_space<hbm>> -> memref<1x64xf32, #tpu.memory_space<hbm>>
    tpu.enqueue_dma source(%dma_start3A_46 : memref<1x64xf32, #tpu.memory_space<hbm>>) target(%dma_start3A_44 : memref<1x64xf32, #tpu.memory_space<vmem>>) target_semaphore(%arg8 : memref<!tpu.dma_semaphore, #tpu.memory_space<semaphore_mem>>)
    %get3A_47 = arith.constant 7 : index
    %get3A_48 = memref.load %arg0[%get3A_47] : memref<20xi32, #tpu.memory_space<smem>>
    %dma_start3A_49 = arith.constant 7 : i32
    %dma_start3A_50 = arith.constant 0 : i32
    %dma_start3A_51 = tpu.memref_slice %arg7[%dma_start3A_49, %dma_start3A_50] : memref<20x64xf32, #tpu.memory_space<vmem>> -> memref<1x64xf32, #tpu.memory_space<vmem>>
    %dma_start3A_52 = arith.constant 0 : i32
    %dma_start3A_53 = tpu.memref_slice %arg5[%get3A_48, %dma_start3A_52] : memref<1000000x64xf32, #tpu.memory_space<hbm>> -> memref<1x64xf32, #tpu.memory_space<hbm>>
    tpu.enqueue_dma source(%dma_start3A_53 : memref<1x64xf32, #tpu.memory_space<hbm>>) target(%dma_start3A_51 : memref<1x64xf32, #tpu.memory_space<vmem>>) target_semaphore(%arg8 : memref<!tpu.dma_semaphore, #tpu.memory_space<semaphore_mem>>)
    %get3A_54 = arith.constant 8 : index
    %get3A_55 = memref.load %arg0[%get3A_54] : memref<20xi32, #tpu.memory_space<smem>>
    %dma_start3A_56 = arith.constant 8 : i32
    %dma_start3A_57 = arith.constant 0 : i32
    %dma_start3A_58 = tpu.memref_slice %arg7[%dma_start3A_56, %dma_start3A_57] : memref<20x64xf32, #tpu.memory_space<vmem>> -> memref<1x64xf32, #tpu.memory_space<vmem>>
    %dma_start3A_59 = arith.constant 0 : i32
    %dma_start3A_60 = tpu.memref_slice %arg5[%get3A_55, %dma_start3A_59] : memref<1000000x64xf32, #tpu.memory_space<hbm>> -> memref<1x64xf32, #tpu.memory_space<hbm>>
    tpu.enqueue_dma source(%dma_start3A_60 : memref<1x64xf32, #tpu.memory_space<hbm>>) target(%dma_start3A_58 : memref<1x64xf32, #tpu.memory_space<vmem>>) target_semaphore(%arg8 : memref<!tpu.dma_semaphore, #tpu.memory_space<semaphore_mem>>)
    %get3A_61 = arith.constant 9 : index
    %get3A_62 = memref.load %arg0[%get3A_61] : memref<20xi32, #tpu.memory_space<smem>>
    %dma_start3A_63 = arith.constant 9 : i32
    %dma_start3A_64 = arith.constant 0 : i32
    %dma_start3A_65 = tpu.memref_slice %arg7[%dma_start3A_63, %dma_start3A_64] : memref<20x64xf32, #tpu.memory_space<vmem>> -> memref<1x64xf32, #tpu.memory_space<vmem>>
    %dma_start3A_66 = arith.constant 0 : i32
    %dma_start3A_67 = tpu.memref_slice %arg5[%get3A_62, %dma_start3A_66] : memref<1000000x64xf32, #tpu.memory_space<hbm>> -> memref<1x64xf32, #tpu.memory_space<hbm>>
    tpu.enqueue_dma source(%dma_start3A_67 : memref<1x64xf32, #tpu.memory_space<hbm>>) target(%dma_start3A_65 : memref<1x64xf32, #tpu.memory_space<vmem>>) target_semaphore(%arg8 : memref<!tpu.dma_semaphore, #tpu.memory_space<semaphore_mem>>)
    %get3A_68 = arith.constant 10 : index
    %get3A_69 = memref.load %arg0[%get3A_68] : memref<20xi32, #tpu.memory_space<smem>>
    %dma_start3A_70 = arith.constant 10 : i32
    %dma_start3A_71 = arith.constant 0 : i32
    %dma_start3A_72 = tpu.memref_slice %arg7[%dma_start3A_70, %dma_start3A_71] : memref<20x64xf32, #tpu.memory_space<vmem>> -> memref<1x64xf32, #tpu.memory_space<vmem>>
    %dma_start3A_73 = arith.constant 0 : i32
    %dma_start3A_74 = tpu.memref_slice %arg5[%get3A_69, %dma_start3A_73] : memref<1000000x64xf32, #tpu.memory_space<hbm>> -> memref<1x64xf32, #tpu.memory_space<hbm>>
    tpu.enqueue_dma source(%dma_start3A_74 : memref<1x64xf32, #tpu.memory_space<hbm>>) target(%dma_start3A_72 : memref<1x64xf32, #tpu.memory_space<vmem>>) target_semaphore(%arg8 : memref<!tpu.dma_semaphore, #tpu.memory_space<semaphore_mem>>)
    %get3A_75 = arith.constant 11 : index
    %get3A_76 = memref.load %arg0[%get3A_75] : memref<20xi32, #tpu.memory_space<smem>>
    %dma_start3A_77 = arith.constant 11 : i32
    %dma_start3A_78 = arith.constant 0 : i32
    %dma_start3A_79 = tpu.memref_slice %arg7[%dma_start3A_77, %dma_start3A_78] : memref<20x64xf32, #tpu.memory_space<vmem>> -> memref<1x64xf32, #tpu.memory_space<vmem>>
    %dma_start3A_80 = arith.constant 0 : i32
    %dma_start3A_81 = tpu.memref_slice %arg5[%get3A_76, %dma_start3A_80] : memref<1000000x64xf32, #tpu.memory_space<hbm>> -> memref<1x64xf32, #tpu.memory_space<hbm>>
    tpu.enqueue_dma source(%dma_start3A_81 : memref<1x64xf32, #tpu.memory_space<hbm>>) target(%dma_start3A_79 : memref<1x64xf32, #tpu.memory_space<vmem>>) target_semaphore(%arg8 : memref<!tpu.dma_semaphore, #tpu.memory_space<semaphore_mem>>)
    %get3A_82 = arith.constant 12 : index
    %get3A_83 = memref.load %arg0[%get3A_82] : memref<20xi32, #tpu.memory_space<smem>>
    %dma_start3A_84 = arith.constant 12 : i32
    %dma_start3A_85 = arith.constant 0 : i32
    %dma_start3A_86 = tpu.memref_slice %arg7[%dma_start3A_84, %dma_start3A_85] : memref<20x64xf32, #tpu.memory_space<vmem>> -> memref<1x64xf32, #tpu.memory_space<vmem>>
    %dma_start3A_87 = arith.constant 0 : i32
    %dma_start3A_88 = tpu.memref_slice %arg5[%get3A_83, %dma_start3A_87] : memref<1000000x64xf32, #tpu.memory_space<hbm>> -> memref<1x64xf32, #tpu.memory_space<hbm>>
    tpu.enqueue_dma source(%dma_start3A_88 : memref<1x64xf32, #tpu.memory_space<hbm>>) target(%dma_start3A_86 : memref<1x64xf32, #tpu.memory_space<vmem>>) target_semaphore(%arg8 : memref<!tpu.dma_semaphore, #tpu.memory_space<semaphore_mem>>)
    %get3A_89 = arith.constant 13 : index
    %get3A_90 = memref.load %arg0[%get3A_89] : memref<20xi32, #tpu.memory_space<smem>>
    %dma_start3A_91 = arith.constant 13 : i32
    %dma_start3A_92 = arith.constant 0 : i32
    %dma_start3A_93 = tpu.memref_slice %arg7[%dma_start3A_91, %dma_start3A_92] : memref<20x64xf32, #tpu.memory_space<vmem>> -> memref<1x64xf32, #tpu.memory_space<vmem>>
    %dma_start3A_94 = arith.constant 0 : i32
    %dma_start3A_95 = tpu.memref_slice %arg5[%get3A_90, %dma_start3A_94] : memref<1000000x64xf32, #tpu.memory_space<hbm>> -> memref<1x64xf32, #tpu.memory_space<hbm>>
    tpu.enqueue_dma source(%dma_start3A_95 : memref<1x64xf32, #tpu.memory_space<hbm>>) target(%dma_start3A_93 : memref<1x64xf32, #tpu.memory_space<vmem>>) target_semaphore(%arg8 : memref<!tpu.dma_semaphore, #tpu.memory_space<semaphore_mem>>)
    %get3A_96 = arith.constant 14 : index
    %get3A_97 = memref.load %arg0[%get3A_96] : memref<20xi32, #tpu.memory_space<smem>>
    %dma_start3A_98 = arith.constant 14 : i32
    %dma_start3A_99 = arith.constant 0 : i32
    %dma_start3A_100 = tpu.memref_slice %arg7[%dma_start3A_98, %dma_start3A_99] : memref<20x64xf32, #tpu.memory_space<vmem>> -> memref<1x64xf32, #tpu.memory_space<vmem>>
    %dma_start3A_101 = arith.constant 0 : i32
    %dma_start3A_102 = tpu.memref_slice %arg5[%get3A_97, %dma_start3A_101] : memref<1000000x64xf32, #tpu.memory_space<hbm>> -> memref<1x64xf32, #tpu.memory_space<hbm>>
    tpu.enqueue_dma source(%dma_start3A_102 : memref<1x64xf32, #tpu.memory_space<hbm>>) target(%dma_start3A_100 : memref<1x64xf32, #tpu.memory_space<vmem>>) target_semaphore(%arg8 : memref<!tpu.dma_semaphore, #tpu.memory_space<semaphore_mem>>)
    %get3A_103 = arith.constant 15 : index
    %get3A_104 = memref.load %arg0[%get3A_103] : memref<20xi32, #tpu.memory_space<smem>>
    %dma_start3A_105 = arith.constant 15 : i32
    %dma_start3A_106 = arith.constant 0 : i32
    %dma_start3A_107 = tpu.memref_slice %arg7[%dma_start3A_105, %dma_start3A_106] : memref<20x64xf32, #tpu.memory_space<vmem>> -> memref<1x64xf32, #tpu.memory_space<vmem>>
    %dma_start3A_108 = arith.constant 0 : i32
    %dma_start3A_109 = tpu.memref_slice %arg5[%get3A_104, %dma_start3A_108] : memref<1000000x64xf32, #tpu.memory_space<hbm>> -> memref<1x64xf32, #tpu.memory_space<hbm>>
    tpu.enqueue_dma source(%dma_start3A_109 : memref<1x64xf32, #tpu.memory_space<hbm>>) target(%dma_start3A_107 : memref<1x64xf32, #tpu.memory_space<vmem>>) target_semaphore(%arg8 : memref<!tpu.dma_semaphore, #tpu.memory_space<semaphore_mem>>)
    %get3A_110 = arith.constant 16 : index
    %get3A_111 = memref.load %arg0[%get3A_110] : memref<20xi32, #tpu.memory_space<smem>>
    %dma_start3A_112 = arith.constant 16 : i32
    %dma_start3A_113 = arith.constant 0 : i32
    %dma_start3A_114 = tpu.memref_slice %arg7[%dma_start3A_112, %dma_start3A_113] : memref<20x64xf32, #tpu.memory_space<vmem>> -> memref<1x64xf32, #tpu.memory_space<vmem>>
    %dma_start3A_115 = arith.constant 0 : i32
    %dma_start3A_116 = tpu.memref_slice %arg5[%get3A_111, %dma_start3A_115] : memref<1000000x64xf32, #tpu.memory_space<hbm>> -> memref<1x64xf32, #tpu.memory_space<hbm>>
    tpu.enqueue_dma source(%dma_start3A_116 : memref<1x64xf32, #tpu.memory_space<hbm>>) target(%dma_start3A_114 : memref<1x64xf32, #tpu.memory_space<vmem>>) target_semaphore(%arg8 : memref<!tpu.dma_semaphore, #tpu.memory_space<semaphore_mem>>)
    %get3A_117 = arith.constant 17 : index
    %get3A_118 = memref.load %arg0[%get3A_117] : memref<20xi32, #tpu.memory_space<smem>>
    %dma_start3A_119 = arith.constant 17 : i32
    %dma_start3A_120 = arith.constant 0 : i32
    %dma_start3A_121 = tpu.memref_slice %arg7[%dma_start3A_119, %dma_start3A_120] : memref<20x64xf32, #tpu.memory_space<vmem>> -> memref<1x64xf32, #tpu.memory_space<vmem>>
    %dma_start3A_122 = arith.constant 0 : i32
    %dma_start3A_123 = tpu.memref_slice %arg5[%get3A_118, %dma_start3A_122] : memref<1000000x64xf32, #tpu.memory_space<hbm>> -> memref<1x64xf32, #tpu.memory_space<hbm>>
    tpu.enqueue_dma source(%dma_start3A_123 : memref<1x64xf32, #tpu.memory_space<hbm>>) target(%dma_start3A_121 : memref<1x64xf32, #tpu.memory_space<vmem>>) target_semaphore(%arg8 : memref<!tpu.dma_semaphore, #tpu.memory_space<semaphore_mem>>)
    %get3A_124 = arith.constant 18 : index
    %get3A_125 = memref.load %arg0[%get3A_124] : memref<20xi32, #tpu.memory_space<smem>>
    %dma_start3A_126 = arith.constant 18 : i32
    %dma_start3A_127 = arith.constant 0 : i32
    %dma_start3A_128 = tpu.memref_slice %arg7[%dma_start3A_126, %dma_start3A_127] : memref<20x64xf32, #tpu.memory_space<vmem>> -> memref<1x64xf32, #tpu.memory_space<vmem>>
    %dma_start3A_129 = arith.constant 0 : i32
    %dma_start3A_130 = tpu.memref_slice %arg5[%get3A_125, %dma_start3A_129] : memref<1000000x64xf32, #tpu.memory_space<hbm>> -> memref<1x64xf32, #tpu.memory_space<hbm>>
    tpu.enqueue_dma source(%dma_start3A_130 : memref<1x64xf32, #tpu.memory_space<hbm>>) target(%dma_start3A_128 : memref<1x64xf32, #tpu.memory_space<vmem>>) target_semaphore(%arg8 : memref<!tpu.dma_semaphore, #tpu.memory_space<semaphore_mem>>)
    %get3A_131 = arith.constant 19 : index
    %get3A_132 = memref.load %arg0[%get3A_131] : memref<20xi32, #tpu.memory_space<smem>>
    %dma_start3A_133 = arith.constant 19 : i32
    %dma_start3A_134 = arith.constant 0 : i32
    %dma_start3A_135 = tpu.memref_slice %arg7[%dma_start3A_133, %dma_start3A_134] : memref<20x64xf32, #tpu.memory_space<vmem>> -> memref<1x64xf32, #tpu.memory_space<vmem>>
    %dma_start3A_136 = arith.constant 0 : i32
    %dma_start3A_137 = tpu.memref_slice %arg5[%get3A_132, %dma_start3A_136] : memref<1000000x64xf32, #tpu.memory_space<hbm>> -> memref<1x64xf32, #tpu.memory_space<hbm>>
    tpu.enqueue_dma source(%dma_start3A_137 : memref<1x64xf32, #tpu.memory_space<hbm>>) target(%dma_start3A_135 : memref<1x64xf32, #tpu.memory_space<vmem>>) target_semaphore(%arg8 : memref<!tpu.dma_semaphore, #tpu.memory_space<semaphore_mem>>)
    %get3A_138 = arith.constant 0 : index
    %get3A_139 = memref.load %arg0[%get3A_138] : memref<20xi32, #tpu.memory_space<smem>>
    %dma_wait3A = arith.constant 0 : i32
    %dma_wait3A_140 = arith.constant 0 : i32
    %dma_wait3A_141 = tpu.memref_slice %arg7[%dma_wait3A, %dma_wait3A_140] : memref<20x64xf32, #tpu.memory_space<vmem>> -> memref<1x64xf32, #tpu.memory_space<vmem>>
    %dma_wait3A_142 = arith.constant 0 : i32
    %dma_wait3A_143 = tpu.memref_slice %arg5[%get3A_139, %dma_wait3A_142] : memref<1000000x64xf32, #tpu.memory_space<hbm>> -> memref<1x64xf32, #tpu.memory_space<hbm>>
    tpu.wait_dma2 semaphore(%arg8 : memref<!tpu.dma_semaphore, #tpu.memory_space<semaphore_mem>>) src(%dma_wait3A_143 : memref<1x64xf32, #tpu.memory_space<hbm>>) dst(%dma_wait3A_141 : memref<1x64xf32, #tpu.memory_space<vmem>>)
    %get3A_144 = arith.constant 1 : index
    %get3A_145 = memref.load %arg0[%get3A_144] : memref<20xi32, #tpu.memory_space<smem>>
    %dma_wait3A_146 = arith.constant 1 : i32
    %dma_wait3A_147 = arith.constant 0 : i32
    %dma_wait3A_148 = tpu.memref_slice %arg7[%dma_wait3A_146, %dma_wait3A_147] : memref<20x64xf32, #tpu.memory_space<vmem>> -> memref<1x64xf32, #tpu.memory_space<vmem>>
    %dma_wait3A_149 = arith.constant 0 : i32
    %dma_wait3A_150 = tpu.memref_slice %arg5[%get3A_145, %dma_wait3A_149] : memref<1000000x64xf32, #tpu.memory_space<hbm>> -> memref<1x64xf32, #tpu.memory_space<hbm>>
    tpu.wait_dma2 semaphore(%arg8 : memref<!tpu.dma_semaphore, #tpu.memory_space<semaphore_mem>>) src(%dma_wait3A_150 : memref<1x64xf32, #tpu.memory_space<hbm>>) dst(%dma_wait3A_148 : memref<1x64xf32, #tpu.memory_space<vmem>>)
    %get3A_151 = arith.constant 2 : index
    %get3A_152 = memref.load %arg0[%get3A_151] : memref<20xi32, #tpu.memory_space<smem>>
    %dma_wait3A_153 = arith.constant 2 : i32
    %dma_wait3A_154 = arith.constant 0 : i32
    %dma_wait3A_155 = tpu.memref_slice %arg7[%dma_wait3A_153, %dma_wait3A_154] : memref<20x64xf32, #tpu.memory_space<vmem>> -> memref<1x64xf32, #tpu.memory_space<vmem>>
    %dma_wait3A_156 = arith.constant 0 : i32
    %dma_wait3A_157 = tpu.memref_slice %arg5[%get3A_152, %dma_wait3A_156] : memref<1000000x64xf32, #tpu.memory_space<hbm>> -> memref<1x64xf32, #tpu.memory_space<hbm>>
    tpu.wait_dma2 semaphore(%arg8 : memref<!tpu.dma_semaphore, #tpu.memory_space<semaphore_mem>>) src(%dma_wait3A_157 : memref<1x64xf32, #tpu.memory_space<hbm>>) dst(%dma_wait3A_155 : memref<1x64xf32, #tpu.memory_space<vmem>>)
    %get3A_158 = arith.constant 3 : index
    %get3A_159 = memref.load %arg0[%get3A_158] : memref<20xi32, #tpu.memory_space<smem>>
    %dma_wait3A_160 = arith.constant 3 : i32
    %dma_wait3A_161 = arith.constant 0 : i32
    %dma_wait3A_162 = tpu.memref_slice %arg7[%dma_wait3A_160, %dma_wait3A_161] : memref<20x64xf32, #tpu.memory_space<vmem>> -> memref<1x64xf32, #tpu.memory_space<vmem>>
    %dma_wait3A_163 = arith.constant 0 : i32
    %dma_wait3A_164 = tpu.memref_slice %arg5[%get3A_159, %dma_wait3A_163] : memref<1000000x64xf32, #tpu.memory_space<hbm>> -> memref<1x64xf32, #tpu.memory_space<hbm>>
    tpu.wait_dma2 semaphore(%arg8 : memref<!tpu.dma_semaphore, #tpu.memory_space<semaphore_mem>>) src(%dma_wait3A_164 : memref<1x64xf32, #tpu.memory_space<hbm>>) dst(%dma_wait3A_162 : memref<1x64xf32, #tpu.memory_space<vmem>>)
    %get3A_165 = arith.constant 4 : index
    %get3A_166 = memref.load %arg0[%get3A_165] : memref<20xi32, #tpu.memory_space<smem>>
    %dma_wait3A_167 = arith.constant 4 : i32
    %dma_wait3A_168 = arith.constant 0 : i32
    %dma_wait3A_169 = tpu.memref_slice %arg7[%dma_wait3A_167, %dma_wait3A_168] : memref<20x64xf32, #tpu.memory_space<vmem>> -> memref<1x64xf32, #tpu.memory_space<vmem>>
    %dma_wait3A_170 = arith.constant 0 : i32
    %dma_wait3A_171 = tpu.memref_slice %arg5[%get3A_166, %dma_wait3A_170] : memref<1000000x64xf32, #tpu.memory_space<hbm>> -> memref<1x64xf32, #tpu.memory_space<hbm>>
    tpu.wait_dma2 semaphore(%arg8 : memref<!tpu.dma_semaphore, #tpu.memory_space<semaphore_mem>>) src(%dma_wait3A_171 : memref<1x64xf32, #tpu.memory_space<hbm>>) dst(%dma_wait3A_169 : memref<1x64xf32, #tpu.memory_space<vmem>>)
    %get3A_172 = arith.constant 5 : index
    %get3A_173 = memref.load %arg0[%get3A_172] : memref<20xi32, #tpu.memory_space<smem>>
    %dma_wait3A_174 = arith.constant 5 : i32
    %dma_wait3A_175 = arith.constant 0 : i32
    %dma_wait3A_176 = tpu.memref_slice %arg7[%dma_wait3A_174, %dma_wait3A_175] : memref<20x64xf32, #tpu.memory_space<vmem>> -> memref<1x64xf32, #tpu.memory_space<vmem>>
    %dma_wait3A_177 = arith.constant 0 : i32
    %dma_wait3A_178 = tpu.memref_slice %arg5[%get3A_173, %dma_wait3A_177] : memref<1000000x64xf32, #tpu.memory_space<hbm>> -> memref<1x64xf32, #tpu.memory_space<hbm>>
    tpu.wait_dma2 semaphore(%arg8 : memref<!tpu.dma_semaphore, #tpu.memory_space<semaphore_mem>>) src(%dma_wait3A_178 : memref<1x64xf32, #tpu.memory_space<hbm>>) dst(%dma_wait3A_176 : memref<1x64xf32, #tpu.memory_space<vmem>>)
    %get3A_179 = arith.constant 6 : index
    %get3A_180 = memref.load %arg0[%get3A_179] : memref<20xi32, #tpu.memory_space<smem>>
    %dma_wait3A_181 = arith.constant 6 : i32
    %dma_wait3A_182 = arith.constant 0 : i32
    %dma_wait3A_183 = tpu.memref_slice %arg7[%dma_wait3A_181, %dma_wait3A_182] : memref<20x64xf32, #tpu.memory_space<vmem>> -> memref<1x64xf32, #tpu.memory_space<vmem>>
    %dma_wait3A_184 = arith.constant 0 : i32
    %dma_wait3A_185 = tpu.memref_slice %arg5[%get3A_180, %dma_wait3A_184] : memref<1000000x64xf32, #tpu.memory_space<hbm>> -> memref<1x64xf32, #tpu.memory_space<hbm>>
    tpu.wait_dma2 semaphore(%arg8 : memref<!tpu.dma_semaphore, #tpu.memory_space<semaphore_mem>>) src(%dma_wait3A_185 : memref<1x64xf32, #tpu.memory_space<hbm>>) dst(%dma_wait3A_183 : memref<1x64xf32, #tpu.memory_space<vmem>>)
    %get3A_186 = arith.constant 7 : index
    %get3A_187 = memref.load %arg0[%get3A_186] : memref<20xi32, #tpu.memory_space<smem>>
    %dma_wait3A_188 = arith.constant 7 : i32
    %dma_wait3A_189 = arith.constant 0 : i32
    %dma_wait3A_190 = tpu.memref_slice %arg7[%dma_wait3A_188, %dma_wait3A_189] : memref<20x64xf32, #tpu.memory_space<vmem>> -> memref<1x64xf32, #tpu.memory_space<vmem>>
    %dma_wait3A_191 = arith.constant 0 : i32
    %dma_wait3A_192 = tpu.memref_slice %arg5[%get3A_187, %dma_wait3A_191] : memref<1000000x64xf32, #tpu.memory_space<hbm>> -> memref<1x64xf32, #tpu.memory_space<hbm>>
    tpu.wait_dma2 semaphore(%arg8 : memref<!tpu.dma_semaphore, #tpu.memory_space<semaphore_mem>>) src(%dma_wait3A_192 : memref<1x64xf32, #tpu.memory_space<hbm>>) dst(%dma_wait3A_190 : memref<1x64xf32, #tpu.memory_space<vmem>>)
    %get3A_193 = arith.constant 8 : index
    %get3A_194 = memref.load %arg0[%get3A_193] : memref<20xi32, #tpu.memory_space<smem>>
    %dma_wait3A_195 = arith.constant 8 : i32
    %dma_wait3A_196 = arith.constant 0 : i32
    %dma_wait3A_197 = tpu.memref_slice %arg7[%dma_wait3A_195, %dma_wait3A_196] : memref<20x64xf32, #tpu.memory_space<vmem>> -> memref<1x64xf32, #tpu.memory_space<vmem>>
    %dma_wait3A_198 = arith.constant 0 : i32
    %dma_wait3A_199 = tpu.memref_slice %arg5[%get3A_194, %dma_wait3A_198] : memref<1000000x64xf32, #tpu.memory_space<hbm>> -> memref<1x64xf32, #tpu.memory_space<hbm>>
    tpu.wait_dma2 semaphore(%arg8 : memref<!tpu.dma_semaphore, #tpu.memory_space<semaphore_mem>>) src(%dma_wait3A_199 : memref<1x64xf32, #tpu.memory_space<hbm>>) dst(%dma_wait3A_197 : memref<1x64xf32, #tpu.memory_space<vmem>>)
    %get3A_200 = arith.constant 9 : index
    %get3A_201 = memref.load %arg0[%get3A_200] : memref<20xi32, #tpu.memory_space<smem>>
    %dma_wait3A_202 = arith.constant 9 : i32
    %dma_wait3A_203 = arith.constant 0 : i32
    %dma_wait3A_204 = tpu.memref_slice %arg7[%dma_wait3A_202, %dma_wait3A_203] : memref<20x64xf32, #tpu.memory_space<vmem>> -> memref<1x64xf32, #tpu.memory_space<vmem>>
    %dma_wait3A_205 = arith.constant 0 : i32
    %dma_wait3A_206 = tpu.memref_slice %arg5[%get3A_201, %dma_wait3A_205] : memref<1000000x64xf32, #tpu.memory_space<hbm>> -> memref<1x64xf32, #tpu.memory_space<hbm>>
    tpu.wait_dma2 semaphore(%arg8 : memref<!tpu.dma_semaphore, #tpu.memory_space<semaphore_mem>>) src(%dma_wait3A_206 : memref<1x64xf32, #tpu.memory_space<hbm>>) dst(%dma_wait3A_204 : memref<1x64xf32, #tpu.memory_space<vmem>>)
    %get3A_207 = arith.constant 10 : index
    %get3A_208 = memref.load %arg0[%get3A_207] : memref<20xi32, #tpu.memory_space<smem>>
    %dma_wait3A_209 = arith.constant 10 : i32
    %dma_wait3A_210 = arith.constant 0 : i32
    %dma_wait3A_211 = tpu.memref_slice %arg7[%dma_wait3A_209, %dma_wait3A_210] : memref<20x64xf32, #tpu.memory_space<vmem>> -> memref<1x64xf32, #tpu.memory_space<vmem>>
    %dma_wait3A_212 = arith.constant 0 : i32
    %dma_wait3A_213 = tpu.memref_slice %arg5[%get3A_208, %dma_wait3A_212] : memref<1000000x64xf32, #tpu.memory_space<hbm>> -> memref<1x64xf32, #tpu.memory_space<hbm>>
    tpu.wait_dma2 semaphore(%arg8 : memref<!tpu.dma_semaphore, #tpu.memory_space<semaphore_mem>>) src(%dma_wait3A_213 : memref<1x64xf32, #tpu.memory_space<hbm>>) dst(%dma_wait3A_211 : memref<1x64xf32, #tpu.memory_space<vmem>>)
    %get3A_214 = arith.constant 11 : index
    %get3A_215 = memref.load %arg0[%get3A_214] : memref<20xi32, #tpu.memory_space<smem>>
    %dma_wait3A_216 = arith.constant 11 : i32
    %dma_wait3A_217 = arith.constant 0 : i32
    %dma_wait3A_218 = tpu.memref_slice %arg7[%dma_wait3A_216, %dma_wait3A_217] : memref<20x64xf32, #tpu.memory_space<vmem>> -> memref<1x64xf32, #tpu.memory_space<vmem>>
    %dma_wait3A_219 = arith.constant 0 : i32
    %dma_wait3A_220 = tpu.memref_slice %arg5[%get3A_215, %dma_wait3A_219] : memref<1000000x64xf32, #tpu.memory_space<hbm>> -> memref<1x64xf32, #tpu.memory_space<hbm>>
    tpu.wait_dma2 semaphore(%arg8 : memref<!tpu.dma_semaphore, #tpu.memory_space<semaphore_mem>>) src(%dma_wait3A_220 : memref<1x64xf32, #tpu.memory_space<hbm>>) dst(%dma_wait3A_218 : memref<1x64xf32, #tpu.memory_space<vmem>>)
    %get3A_221 = arith.constant 12 : index
    %get3A_222 = memref.load %arg0[%get3A_221] : memref<20xi32, #tpu.memory_space<smem>>
    %dma_wait3A_223 = arith.constant 12 : i32
    %dma_wait3A_224 = arith.constant 0 : i32
    %dma_wait3A_225 = tpu.memref_slice %arg7[%dma_wait3A_223, %dma_wait3A_224] : memref<20x64xf32, #tpu.memory_space<vmem>> -> memref<1x64xf32, #tpu.memory_space<vmem>>
    %dma_wait3A_226 = arith.constant 0 : i32
    %dma_wait3A_227 = tpu.memref_slice %arg5[%get3A_222, %dma_wait3A_226] : memref<1000000x64xf32, #tpu.memory_space<hbm>> -> memref<1x64xf32, #tpu.memory_space<hbm>>
    tpu.wait_dma2 semaphore(%arg8 : memref<!tpu.dma_semaphore, #tpu.memory_space<semaphore_mem>>) src(%dma_wait3A_227 : memref<1x64xf32, #tpu.memory_space<hbm>>) dst(%dma_wait3A_225 : memref<1x64xf32, #tpu.memory_space<vmem>>)
    %get3A_228 = arith.constant 13 : index
    %get3A_229 = memref.load %arg0[%get3A_228] : memref<20xi32, #tpu.memory_space<smem>>
    %dma_wait3A_230 = arith.constant 13 : i32
    %dma_wait3A_231 = arith.constant 0 : i32
    %dma_wait3A_232 = tpu.memref_slice %arg7[%dma_wait3A_230, %dma_wait3A_231] : memref<20x64xf32, #tpu.memory_space<vmem>> -> memref<1x64xf32, #tpu.memory_space<vmem>>
    %dma_wait3A_233 = arith.constant 0 : i32
    %dma_wait3A_234 = tpu.memref_slice %arg5[%get3A_229, %dma_wait3A_233] : memref<1000000x64xf32, #tpu.memory_space<hbm>> -> memref<1x64xf32, #tpu.memory_space<hbm>>
    tpu.wait_dma2 semaphore(%arg8 : memref<!tpu.dma_semaphore, #tpu.memory_space<semaphore_mem>>) src(%dma_wait3A_234 : memref<1x64xf32, #tpu.memory_space<hbm>>) dst(%dma_wait3A_232 : memref<1x64xf32, #tpu.memory_space<vmem>>)
    %get3A_235 = arith.constant 14 : index
    %get3A_236 = memref.load %arg0[%get3A_235] : memref<20xi32, #tpu.memory_space<smem>>
    %dma_wait3A_237 = arith.constant 14 : i32
    %dma_wait3A_238 = arith.constant 0 : i32
    %dma_wait3A_239 = tpu.memref_slice %arg7[%dma_wait3A_237, %dma_wait3A_238] : memref<20x64xf32, #tpu.memory_space<vmem>> -> memref<1x64xf32, #tpu.memory_space<vmem>>
    %dma_wait3A_240 = arith.constant 0 : i32
    %dma_wait3A_241 = tpu.memref_slice %arg5[%get3A_236, %dma_wait3A_240] : memref<1000000x64xf32, #tpu.memory_space<hbm>> -> memref<1x64xf32, #tpu.memory_space<hbm>>
    tpu.wait_dma2 semaphore(%arg8 : memref<!tpu.dma_semaphore, #tpu.memory_space<semaphore_mem>>) src(%dma_wait3A_241 : memref<1x64xf32, #tpu.memory_space<hbm>>) dst(%dma_wait3A_239 : memref<1x64xf32, #tpu.memory_space<vmem>>)
    %get3A_242 = arith.constant 15 : index
    %get3A_243 = memref.load %arg0[%get3A_242] : memref<20xi32, #tpu.memory_space<smem>>
    %dma_wait3A_244 = arith.constant 15 : i32
    %dma_wait3A_245 = arith.constant 0 : i32
    %dma_wait3A_246 = tpu.memref_slice %arg7[%dma_wait3A_244, %dma_wait3A_245] : memref<20x64xf32, #tpu.memory_space<vmem>> -> memref<1x64xf32, #tpu.memory_space<vmem>>
    %dma_wait3A_247 = arith.constant 0 : i32
    %dma_wait3A_248 = tpu.memref_slice %arg5[%get3A_243, %dma_wait3A_247] : memref<1000000x64xf32, #tpu.memory_space<hbm>> -> memref<1x64xf32, #tpu.memory_space<hbm>>
    tpu.wait_dma2 semaphore(%arg8 : memref<!tpu.dma_semaphore, #tpu.memory_space<semaphore_mem>>) src(%dma_wait3A_248 : memref<1x64xf32, #tpu.memory_space<hbm>>) dst(%dma_wait3A_246 : memref<1x64xf32, #tpu.memory_space<vmem>>)
    %get3A_249 = arith.constant 16 : index
    %get3A_250 = memref.load %arg0[%get3A_249] : memref<20xi32, #tpu.memory_space<smem>>
    %dma_wait3A_251 = arith.constant 16 : i32
    %dma_wait3A_252 = arith.constant 0 : i32
    %dma_wait3A_253 = tpu.memref_slice %arg7[%dma_wait3A_251, %dma_wait3A_252] : memref<20x64xf32, #tpu.memory_space<vmem>> -> memref<1x64xf32, #tpu.memory_space<vmem>>
    %dma_wait3A_254 = arith.constant 0 : i32
    %dma_wait3A_255 = tpu.memref_slice %arg5[%get3A_250, %dma_wait3A_254] : memref<1000000x64xf32, #tpu.memory_space<hbm>> -> memref<1x64xf32, #tpu.memory_space<hbm>>
    tpu.wait_dma2 semaphore(%arg8 : memref<!tpu.dma_semaphore, #tpu.memory_space<semaphore_mem>>) src(%dma_wait3A_255 : memref<1x64xf32, #tpu.memory_space<hbm>>) dst(%dma_wait3A_253 : memref<1x64xf32, #tpu.memory_space<vmem>>)
    %get3A_256 = arith.constant 17 : index
    %get3A_257 = memref.load %arg0[%get3A_256] : memref<20xi32, #tpu.memory_space<smem>>
    %dma_wait3A_258 = arith.constant 17 : i32
    %dma_wait3A_259 = arith.constant 0 : i32
    %dma_wait3A_260 = tpu.memref_slice %arg7[%dma_wait3A_258, %dma_wait3A_259] : memref<20x64xf32, #tpu.memory_space<vmem>> -> memref<1x64xf32, #tpu.memory_space<vmem>>
    %dma_wait3A_261 = arith.constant 0 : i32
    %dma_wait3A_262 = tpu.memref_slice %arg5[%get3A_257, %dma_wait3A_261] : memref<1000000x64xf32, #tpu.memory_space<hbm>> -> memref<1x64xf32, #tpu.memory_space<hbm>>
    tpu.wait_dma2 semaphore(%arg8 : memref<!tpu.dma_semaphore, #tpu.memory_space<semaphore_mem>>) src(%dma_wait3A_262 : memref<1x64xf32, #tpu.memory_space<hbm>>) dst(%dma_wait3A_260 : memref<1x64xf32, #tpu.memory_space<vmem>>)
    %get3A_263 = arith.constant 18 : index
    %get3A_264 = memref.load %arg0[%get3A_263] : memref<20xi32, #tpu.memory_space<smem>>
    %dma_wait3A_265 = arith.constant 18 : i32
    %dma_wait3A_266 = arith.constant 0 : i32
    %dma_wait3A_267 = tpu.memref_slice %arg7[%dma_wait3A_265, %dma_wait3A_266] : memref<20x64xf32, #tpu.memory_space<vmem>> -> memref<1x64xf32, #tpu.memory_space<vmem>>
    %dma_wait3A_268 = arith.constant 0 : i32
    %dma_wait3A_269 = tpu.memref_slice %arg5[%get3A_264, %dma_wait3A_268] : memref<1000000x64xf32, #tpu.memory_space<hbm>> -> memref<1x64xf32, #tpu.memory_space<hbm>>
    tpu.wait_dma2 semaphore(%arg8 : memref<!tpu.dma_semaphore, #tpu.memory_space<semaphore_mem>>) src(%dma_wait3A_269 : memref<1x64xf32, #tpu.memory_space<hbm>>) dst(%dma_wait3A_267 : memref<1x64xf32, #tpu.memory_space<vmem>>)
    %get3A_270 = arith.constant 19 : index
    %get3A_271 = memref.load %arg0[%get3A_270] : memref<20xi32, #tpu.memory_space<smem>>
    %dma_wait3A_272 = arith.constant 19 : i32
    %dma_wait3A_273 = arith.constant 0 : i32
    %dma_wait3A_274 = tpu.memref_slice %arg7[%dma_wait3A_272, %dma_wait3A_273] : memref<20x64xf32, #tpu.memory_space<vmem>> -> memref<1x64xf32, #tpu.memory_space<vmem>>
    %dma_wait3A_275 = arith.constant 0 : i32
    %dma_wait3A_276 = tpu.memref_slice %arg5[%get3A_271, %dma_wait3A_275] : memref<1000000x64xf32, #tpu.memory_space<hbm>> -> memref<1x64xf32, #tpu.memory_space<hbm>>
    tpu.wait_dma2 semaphore(%arg8 : memref<!tpu.dma_semaphore, #tpu.memory_space<semaphore_mem>>) src(%dma_wait3A_276 : memref<1x64xf32, #tpu.memory_space<hbm>>) dst(%dma_wait3A_274 : memref<1x64xf32, #tpu.memory_space<vmem>>)
    %get3A_277 = arith.constant 0 : index
    %get3A_278 = arith.constant 0 : index
    %get3A_279 = vector.load %arg7[%get3A_277, %get3A_278] : memref<20x64xf32, #tpu.memory_space<vmem>>, vector<20x64xf32>
    %get3A_280 = arith.constant 0 : index
    %get3A_281 = arith.constant 0 : index
    %get3A_282 = vector.load %arg1[%get3A_280, %get3A_281] : memref<64x16xf32, #tpu.memory_space<vmem>>, vector<64x16xf32>
    %dot_general3A = arith.constant dense<0.000000e+00> : vector<20x16xf32>
    %dot_general3A_283 = tpu.matmul %get3A_279, %get3A_282, %dot_general3A {dimension_numbers = #tpu.dot_dimension_numbers<[1], [0], [0], [1], [0, 0, 1, 1], [], []>, transpose_lhs_hint = false} : vector<20x64xf32>, vector<64x16xf32>, vector<20x16xf32> -> vector<20x16xf32>
    %get3A_284 = arith.constant 0 : index
    %get3A_285 = arith.constant 0 : index
    %get3A_286 = vector.load %arg2[%get3A_284, %get3A_285] : memref<1x16xf32, #tpu.memory_space<vmem>>, vector<1x16xf32>
    %add3A = vector.broadcast %get3A_286 : vector<1x16xf32> to vector<20x16xf32>
    %add3A_287 = arith.addf %dot_general3A_283, %add3A : vector<20x16xf32>
    %max3A = arith.constant 0.000000e+00 : f32
    %max3A_288 = vector.broadcast %max3A : f32 to vector<20x16xf32>
    %max3A_289 = arith.maximumf %add3A_287, %max3A_288 : vector<20x16xf32>
    %get3A_290 = arith.constant 0 : index
    %get3A_291 = arith.constant 0 : index
    %get3A_292 = vector.load %arg3[%get3A_290, %get3A_291] : memref<16x64xf32, #tpu.memory_space<vmem>>, vector<16x64xf32>
    %dot_general3A_293 = arith.constant dense<0.000000e+00> : vector<20x64xf32>
    %dot_general3A_294 = tpu.matmul %max3A_289, %get3A_292, %dot_general3A_293 {dimension_numbers = #tpu.dot_dimension_numbers<[1], [0], [0], [1], [0, 0, 1, 1], [], []>, transpose_lhs_hint = false} : vector<20x16xf32>, vector<16x64xf32>, vector<20x64xf32> -> vector<20x64xf32>
    %add3A_295 = arith.addf %get3A_279, %dot_general3A_294 : vector<20x64xf32>
    %get3A_296 = arith.constant 0 : index
    %get3A_297 = arith.constant 0 : index
    %get3A_298 = vector.load %arg4[%get3A_296, %get3A_297] : memref<1x64xf32, #tpu.memory_space<vmem>>, vector<1x64xf32>
    %add3A_299 = vector.broadcast %get3A_298 : vector<1x64xf32> to vector<20x64xf32>
    %add3A_300 = arith.addf %add3A_295, %add3A_299 : vector<20x64xf32>
    %swap3A = arith.constant 0 : index
    %swap3A_301 = arith.constant 0 : index
    %swap3A_302 = vector.load %arg6[%swap3A, %swap3A_301] : memref<20x64xf32, #tpu.memory_space<vmem>>, vector<20x64xf32>
    tpu.vector_store %arg6[%swap3A, %swap3A_301], %add3A_300 {strides = array<i32>} : memref<20x64xf32, #tpu.memory_space<vmem>>, vector<20x64xf32>,
    return
  }
}

</mosaic_0001>

<sc_bundles>
// kernel: kernel.4.cloned.1.call-start
scs
__scs_entry_jumppad:
0x0: {  	(pc) =	sbr.rel $0x88, $3  }
0x1: {  	(tag) =	ssettag $0x0;
	lr =	simm.s32 $0x1  }
0x2: {  	[smem:$0x3F9B] =	sst lr;
	_ =	strace $0xD0000000  }
0x3: {  	_ = 	snop  }
0x4: {  	_ = 	snop  }
0x5: {  	_ = 	snop  }
0x6: {  	_ = 	snop  }
0x7: {  	_ = 	snop  }
__scs_overlays_trampoline_lowered:
0x8: {  	[smem:$0x3FAA] =	sst s0  }
0x9: {  	[smem:$0x3FAB] =	sst s1  }
0xa: {  	[smem:$0x3FAC] =	sst s2  }
0xb: {  	[smem:$0x3FAD] =	sst s3  }
0xc: {  	[smem:$0x3FAE] =	sst s4  }
0xd: {  	[smem:$0x3FAF] =	sst s5  }
0xe: {  	[smem:$0x3FB0] =	sst s6  }
0xf: {  	[smem:$0x3FB1] =	sst s7  }
0x10: {  	[smem:$0x3FB2] =	sst s8  }
0x11: {  	[smem:$0x3FB3] =	sst s9;
	s0 =	simm.s32 @!p0 $0x0  }
0x12: {  	s1 =	sld [smem:$0x3F99];
	s0 =	simm.s32 @p0 $0x1  }
0x13: {  	[smem:$0x3FB4] =	sst s0;
	s0 =	simm.s32 @!p1 $0x0  }
0x14: {  	s2 =	sld [smem:$0x3F98];
	s0 =	simm.s32 @p1 $0x1  }
0x15: {  	[smem:$0x3FB5] =	sst s0;
	s0 =	simm.s32 @!p2 $0x0  }
0x16: {  	s3 =	sld [smem:$0x3FDB];
	s0 =	simm.s32 @p2 $0x1  }
0x17: {  	s4 =	simm.s32 $0x1BF5;
	[smem:$0x3FB7] =	sst s0  }
0x18: {  	s0 =	sld [smem:$0x3F9A];
	_ =	swait.ge [sflag:s4], $0x0  }
0x19: {  	s7 =	sld [smem:$0x3F9B]  }
0x1a: {  	s8 =	sadd.s32 $0xFFFFE003, lr  }
0x1b: {  	s9 =	sadd.s32 $0xFFFFFEF7, lr;
	s5 =	simm.s32 $0xFFFFFFFF;
	p2 =	slt.u32 s8, $0xFFFFF086  }
0x1c: {  	p1 =	slt.u32 s9, $0xF7A;
	s5 =	simm.s32 @!p2 $0x0  }
0x1d: {  	s5 =	simm.s32 @p1 $0x1;
	p0 =	seq.s32 s7, s2  }
0x1e: {  	s7 =	smul.u32 @!p0 $0xF7A, s2;
	p2 =	seq.s32 @!p0 s5, $0x0  }
0x1f: {  	s9 =	smul.u32 $0xF7A, s1;
	s8 =	simm.s32 @!p0 $0x1BF5;
	p2 =	por !p2, p0  }
0x20: {  	[sflag:s8] =	ssyncset.s32 @!p0 $0xFFFFF086;
	s6 =	sadd.s32 @!p0 s3, s7;
	s7 =	simm.s32 @!p0 $0x108  }
0x21: {  	s3 =	sadd.s32 s3, s9;
	s6 =	sadd.s32 @!p0 $0x88, s6;
	s7 =	simm.s32 @p2 $0x1082  }
0x22: {  	[simem:s7], [sflag:s8] =	dma.local @!p0 [hbm:s6], $0xF7A  }
0x23: {  	s9 =	sor.u32 $0xD0000000, s2;
	s6 =	simm.s32 $0x108;
	_ =	swait.ge @!p0 [sflag:s8], $0x0  }
0x24: {  	s3 =	sadd.s32 $0x88, s3;
	s6 =	simm.s32 @!p1 $0x1082;
	[sflag:s4] =	ssyncset.s32 $0xFFFFF086  }
0x25: {  	[simem:s6], [sflag:s4] =	dma.local [hbm:s3], $0xF7A  }
0x26: {  	[smem:$0x3F9B] =	sst s1;
	(tag) =	ssettag s2;
	_ =	strace s9  }
0x27: {  	s1 =	sld [smem:$0x3FAB]  }
0x28: {  	s2 =	sld [smem:$0x3FAC]  }
0x29: {  	s4 =	sld [smem:$0x3FAE]  }
0x2a: {  	p0 =	seq.s32 s5, $0x0;
	s5 =	sld [smem:$0x3FAF]  }
0x2b: {  	s6 =	sld [smem:$0x3FB0]  }
0x2c: {  	s7 =	sld [smem:$0x3FB1]  }
0x2d: {  	s3 =	simm.s32 $0x108;
	s8 =	sld [smem:$0x3FB2]  }
0x2e: {  	s3 =	simm.s32 @!p0 $0x1082;
	s9 =	sld [smem:$0x3FB3]  }
0x2f: {  	lr =	sadd.s32 s0, s3;
	s0 =	sld [smem:$0x3FAA]  }
0x30: {  	s3 =	sld [smem:$0x3FAD]  }
0x31: {  	[smem:$0x3FB6] =	sst s10  }
0x32: {  	s10 =	sld [smem:$0x3FB4];
	_ =	sdelay $0x3  }
0x33: {  	p0 =	seq.s32 s10, $0x1;
	s10 =	sld [smem:$0x3FB6];
	_ =	sdelay $0x3  }
0x34: {  	[smem:$0x3FB6] =	sst s10  }
0x35: {  	s10 =	sld [smem:$0x3FB5];
	_ =	sdelay $0x3  }
0x36: {  	p1 =	seq.s32 s10, $0x1;
	s10 =	sld [smem:$0x3FB6];
	_ =	sdelay $0x3  }
0x37: {  	[smem:$0x3FB6] =	sst s10  }
0x38: {  	s10 =	sld [smem:$0x3FB7]  }
0x39: {  	_ = 	snop;
	(pc) =	sbr.ind lr, $3  }
0x3a: {  	_ = 	snop  }
0x3b: {  	_ = 	snop  }
0x3c: {  	p2 =	seq.s32 s10, $0x1;
	s10 =	sld [smem:$0x3FB6]  }
0x3d: {  	_ =	shalt  }
0x3e: {  	_ =	shalt  }
0x3f: {  	_ =	shalt  }
0x40: {  	_ =	shalt  }
0x41: {  	_ =	shalt  }
0x42: {  	_ =	shalt  }
0x43: {  	_ =	shalt  }
0x44: {  	_ =	shalt  }
0x45: {  	_ =	shalt  }
0x46: {  	_ =	shalt  }
0x47: {  	_ =	shalt  }
0x48: {  	_ =	shalt  }
0x49: {  	_ =	shalt  }
0x4a: {  	_ =	shalt  }
0x4b: {  	_ =	shalt  }
0x4c: {  	_ =	shalt  }
0x4d: {  	_ =	shalt  }
0x4e: {  	_ =	shalt  }
0x4f: {  	_ =	shalt  }
0x50: {  	_ =	shalt  }
0x51: {  	_ =	shalt  }
0x52: {  	_ =	shalt  }
0x53: {  	_ =	shalt  }
0x54: {  	_ =	shalt  }
0x55: {  	_ =	shalt  }
0x56: {  	_ =	shalt  }
0x57: {  	_ =	shalt  }
0x58: {  	_ =	shalt  }
0x59: {  	_ =	shalt  }
0x5a: {  	_ =	shalt  }
0x5b: {  	_ =	shalt  }
0x5c: {  	_ =	shalt  }
0x5d: {  	_ =	shalt  }
0x5e: {  	_ =	shalt  }
0x5f: {  	_ =	shalt  }
0x60: {  	_ =	shalt  }
0x61: {  	_ =	shalt  }
0x62: {  	_ =	shalt  }
0x63: {  	_ =	shalt  }
0x64: {  	_ =	shalt  }
0x65: {  	_ =	shalt  }
0x66: {  	_ =	shalt  }
0x67: {  	_ =	shalt  }
0x68: {  	_ =	shalt  }
0x69: {  	_ =	shalt  }
0x6a: {  	_ =	shalt  }
0x6b: {  	_ =	shalt  }
0x6c: {  	_ =	shalt  }
0x6d: {  	_ =	shalt  }
0x6e: {  	_ =	shalt  }
0x6f: {  	_ =	shalt  }
0x70: {  	_ =	shalt  }
0x71: {  	_ =	shalt  }
0x72: {  	_ =	shalt  }
0x73: {  	_ =	shalt  }
0x74: {  	_ =	shalt  }
0x75: {  	_ =	shalt  }
0x76: {  	_ =	shalt  }
0x77: {  	_ =	shalt  }
0x78: {  	_ =	shalt  }
0x79: {  	_ =	shalt  }
0x7a: {  	_ =	shalt  }
0x7b: {  	_ =	shalt  }
0x7c: {  	_ =	shalt  }
0x7d: {  	_ =	shalt  }
0x7e: {  	_ =	shalt  }
0x7f: {  	_ =	shalt  }
0x80: {  	_ =	shalt  }
0x81: {  	_ =	shalt  }
0x82: {  	_ =	shalt  }
0x83: {  	_ =	shalt  }
0x84: {  	_ =	shalt  }
0x85: {  	_ =	shalt  }
0x86: {  	_ =	shalt  }
0x87: {  	_ =	shalt  }
.Lfunc_end0:
.L_simem_size_0:
called_computation_lowered:
.L_overlay_start_0:
0x88: {  	s2 =	sld [smem:$0x3FD9]  }
0x89: {  	s3 =	sld [smem:$0x3FFE];
	_ =	sdelay $0x1  }
0x8a: {  	s1 =	srdreg.scid  }
0x8b: {  	s0 =	sand.u32 $0x1, s1  }
0x8c: {  	s17 =	sshll.u32 s0, $0xA;
	s2 =	sadd.s32 s3, s2  }
0x8d: {  	s2 =	sadd.s32 s2, s17  }
0x8e: {  	[smem:$0x3FC2] =	sst s2  }
0x8f: {  	_ = 	snop  }
0x90: {  	s2 =	sld [smem:$0x3FD0];
	(tm) =	ssettm $0x1  }
0x91: {  	s18 =	sld [smem:$0x3FFB];
	_ =	sdelay $0x3  }
0x92: {  	_ =	strace s18  }
0x93: {  	s3 =	sld [smem:$0x3FFC];
	_ =	sdelay $0x3  }
0x94: {  	_ =	strace s3  }
0x95: {  	s3 =	sld [smem:$0x3FFD];
	_ =	sdelay $0x3  }
0x96: {  	_ =	strace s3  }
0x97: {  	_ =	strace $0x8FFFFFFF  }
0x98: {  	s19 =	sld [smem:$0x3FDB];
	_ =	sdelay $0x1  }
0x99: {  	s4 =	simm.s32 $_scs_section_size  }
0x9a: {  	s5 =	simm.s32 $_size__tile_overlayer_lowered;
	s6 =	simm.s32 $_tile_overlayer_lowered  }
0x9b: {  	s22 =	simm.s32 $0x1BFF;
	s21 =	sshll.u32 s6, $0x1;
	s3 =	sadd.s32 s4, s19  }
0x9c: {  	s7 =	simm.s32 $0x0;
	s20 =	sshll.u32 s5, $0x1;
	s5 =	sadd.s32 s21, s3  }
0x9d: {  	[timem:s7], [sflag:s22] =	dma.local [hbm:s5], s20  }
0x9e: {  	_ =	swait.ge [sflag:s22], s20  }
0x9f: {  	s4 =	ssub.s32 $0x0, s20;
	[sflag:s22] =	ssyncset.done $0x0  }
0xa0: {  	[sflag:s22] =	ssyncadd.s32 s4;
	_ =	sdelay $0x1  }
0xa1: {  	s23 =	simm.s32 $0x1B8B  }
0xa2: {  	_ =	swait.ge [sflag:s23], $0x1  }
0xa3: {  	[sflag:s23] =	ssyncset.done $0x0  }
0xa4: {  	s25 =	simm.s32 $0x1B8E;
	s24 =	sld [smem:$0x3FFE];
	[sflag:s23] =	ssyncadd.s32 $0xFFFFFFFF  }
0xa5: {  	s26 =	simm.s32 $execute0_lowered;
	[smem:$0x3FD2] =	sst s25  }
0xa6: {  	s5 =	sshll.u32 s26, $0x1;
	_ =	strace $0x80000046;
	[dreg:$0x1] =	wrdreg $0xFFFFFFFF  }
0xa7: {  	s28 =	simm.s32 $_size_execute0_lowered;
	s3 =	sadd.s32 s3, s5;
	[dreg:$0x0] =	wrdreg $0x0  }
0xa8: {  	s5 =	sshll.u32 s28, $0x1;
	[dreg:$0x2] =	wrdreg s3  }
0xa9: {  	[dreg:$0x3] =	wrdreg s5  }
0xaa: {  	[dreg:$0x4] =	wrdreg $0xC0  }
0xab: {  	_ =	task [dreg:s7], $0x5FFFF  }
0xac: {  	[dreg:$0x1] =	wrdreg $0xFFFFFFFF  }
0xad: {  	[dreg:$0x0] =	wrdreg $0x60  }
0xae: {  	[dreg:$0x2] =	wrdreg s24  }
0xaf: {  	[dreg:$0x3] =	wrdreg s2  }
0xb0: {  	[dreg:$0x4] =	wrdreg $0x9  }
0xb1: {  	_ =	task.clear_ibuf [dreg:s7], $0x5FFFF;
	_ =	strace $0x90000046  }
0xb2: {  	s29 =	simm.s32 $0x9;
	_ =	strace $0x80000048  }
0xb3: {  	_ =	swait.ge [sflag:s29], $0x1  }
0xb4: {  	[sflag:s29] =	ssyncadd.s32 $0xFFFFFFFF  }
0xb5: {  	_ =	strace $0x90000048  }
0xb6: {  	_ =	sfence  }
0xb7: {  	s30 =	sld [smem:$0x0];
	_ =	sdelay $0x2  }
0xb8: {  	s31 =	sshll.u32 s1, $0xD;
	s1 =	sshrl.u32 s1, $0x2  }
0xb9: {  	s3 =	sand.u32 $0x4000, s31;
	s1 =	sadd.s32 s1, s30  }
0xba: {  	s0 =	sor.u32 s3, s0;
	s1 =	sshll.u32 s1, $0x11  }
0xbb: {  	s0 =	sor.u32 s1, s0  }
0xbc: {  	s0 =	sadd.s32 $0x8F2B, s0  }
0xbd: {  	[sflag:s0] =	ssyncadd.remote.s32 $0x1  }
0xbe: {  	_ =	sfence.sel $0xFFFF  }
0xbf: {  	[dreg:$0x0] =	wrdreg $0xFFFFFFFF;
	(pc) =	sbr.abs _section_cstart, $3  }
0xc0: {  	[dreg:$0x1] =	wrdreg $0xFFFFFFFF  }
0xc1: {  	_ =	task.clear_ibuf [dreg:s7], $0x2FFFF;
	_ =	strace $0x9FFFFFFF  }
0xc2: {  	(tm) =	ssettm $0x7FFFFFFF  }
0xc3: {  	_ =	shalt  }
tec
execute0_lowered:
.L_overlay_start_1:
0x0: {  	(tag) =	ssettag $0x1  }
0x1: {  	s0 =	rddreg [dreg:$0x0]  }
0x2: {  	s1 =	srdreg.scid;
	s4 =	stileid.u32;
	s3 =	simm.s32 $0x0  }
0x3: {  	s1 =	sand.u32 $0x1, s1;
	s2 =	sshll.u32 s4, $0x1;
	[smem:$0x7FF] =	sst s3  }
0x4: {  	s4 =	smul.u32 $0x50, s4;
	s5 =	sadd.s32 $0xF43400, s0;
	s6 =	sadd.s32 $0x1000, s0  }
0x5: {  	s0 =	sadd.s32 $0xE00, s0;
	s2 =	sor.u32 s1, s2;
	_ =	strace $0x80000047  }
0x6: {  	s13 =	ssub.s32 $0x2, s1;
	[smem:$0x7EE] =	sst s5;
	s1 =	smul.u32 $0x28, s1  }
0x7: {  	[smem:$0x7EF] =	sst s0  }
0x8: {  	[smem:$0x7F2] =	sst s6;
	s28 =	smul.u32 $0x28, s2;
	s4 =	sadd.s32 s1, s4  }
0x9: {  	s29 =	simm.s32 $0x80;
	s31 =	simm.s32 $0xC700;
	[smem:$0x7F7] =	sst s4  }
0xa: {  	s14 =	sshrl.u32 s13, $0x1;
	s17 =	sand.u32 $0x7C0, s28;
	[smem:$0x7FD] =	sst s28  }
0xb: {  	s2 =	smul.u32 $0x500, s2;
	s22 =	sor.u32 $0x2, s28;
	[smem:$0x7F0] =	sst s17  }
0xc: {  	s15 =	ssub.s32 s13, s14;
	s23 =	sor.u32 $0x3, s28;
	[smem:$0x7F3] =	sst s22  }
0xd: {  	s16 =	sshrl.u32 s28, $0x6;
	s0 =	smax.u32 s15, $0x1;
	[smem:$0x7F4] =	sst s23  }
0xe: {  	v0 =	vlaneseq.u32;
	s19 =	sshll.u32 s4, $0x9;
	s25 =	sor.u32 $0x1, s4;
	[smem:$0x7F5] =	sst s0  }
0xf: {  	v0 =	vmul.u32 $0x80, v0;
	s2 =	sadd.s32 s6, s2;
	s18 =	smin.u32 s16, $0x12;
	[smem:$0x7F8] =	sst s25  }
0x10: {  	s20 =	sand.u32 $0x1F8000, s19;
	[smem:$0x7F9] =	sst s2;
	s26 =	sadd.s32 $0x10, s2  }
.Ltmp0:
0x11: {  	v1 =	vor.u32 $0x800, v0;
	v2 =	vor.u32 $0x1000, v0;
	v3 =	vor.u32 $0x1800, v0;
	s1 =	sshll.u32 s18, $0x6;
	[smem:$0x7FA] =	sst s26;
	(pc) =	sbr.rel .LBB2_1-.Ltmp0, $4  }
0x12: {  	v4 =	vor.u32 $0x2000, v0;
	v5 =	vor.u32 $0x2800, v0;
	v6 =	vor.u32 $0x3000, v0;
	s21 =	sadd.s32 $0x20, s2;
	[smem:$0x7F1] =	sst s1;
	s1 =	ssub.s32 $0x400, s20  }
0x13: {  	v7 =	vor.u32 $0x3800, v0;
	v8 =	vor.u32 $0x4000, v0;
	v9 =	vor.u32 $0x4800, v0;
	[smem:$0x7FB] =	sst s21;
	s30 =	sadd.s32 $0x10, s21;
	s24 =	sshra.s32 s1, $0x2  }
0x14: {  	s3 =	simm.s32 $0x180;
	v10 =	vor.u32 $0x5000, v0;
	v11 =	vor.u32 $0x5800, v0;
	v12 =	vor.u32 $0x6000, v0;
	[smem:$0x7FC] =	sst s30;
	s0 =	sadd.s32 $0x700, s24  }
0x15: {  	v13 =	vor.u32 $0x6800, v0;
	v14 =	vor.u32 $0x7000, v0;
	v15 =	vor.u32 $0x7800, v0;
	s2 =	simm.s32 $0x0;
	s26 =	simm.s32 $0x4700;
	[smem:$0x7F6] =	sst s0  }
.LBB2_12:
0x16: {  	s0 =	simm.s32 $0x5  }
0x17: {  	_ =	swait.ge [sflag:s0], $0x4000  }
0x18: {  	[sflag:s0] =	ssyncset.done $0x0  }
0x19: {  	s1 =	simm.s32 $0x6;
	[sflag:s0] =	ssyncadd.s32 $0xFFFFC000  }
0x1a: {  	_ =	swait.ge [sflag:s1], $0x4000  }
0x1b: {  	s2 =	sld [smem:$0x7ED]  }
0x1c: {  	s30 =	sld [smem:$0x7F5];
	_ =	sdelay $0x1  }
0x1d: {  	s2 =	sadd.s32 $0x1, s2  }
0x1e: {  	p0 =	sne.s32 s2, s30  }
.Ltmp1:
0x1f: {  	_ = 	snop;
	(pc) =	sbr.rel @!p0 .LBB2_13-.Ltmp1, $3  }
0x20: {  	_ =	sdelay $0x1  }
0x21: {  	[sflag:s1] =	ssyncset.done $0x0  }
0x22: {  	s3 =	simm.s32 $0x180;
	[sflag:s1] =	ssyncadd.s32 $0xFFFFC000  }
.LBB2_1:
0x23: {  	s1 =	sld [smem:$0x7EF]  }
0x24: {  	[smem:$0x7ED] =	sst s2  }
0x25: {  	s0 =	simm.s32 $0x0;
	s15 =	simm.s32 $0x200;
	s16 =	simm.s32 $0x7  }
0x26: {  	[tilespmem:s15], [sflag:$0x7] =	stream.linear.gather [hbm4b:s1+s0], $0x500, $0x38;
	[tilespmem:$0x1C700] =	vst v63  }
0x27: {  	_ =	swait.ge [sflag:s16], $0x500  }
0x28: {  	s17 =	sld [smem:$0x7F0]  }
0x29: {  	[sflag:s16] =	ssyncset.done $0x0  }
0x2a: {  	[sflag:s16] =	ssyncadd.s32 $0xFFFFFB00  }
0x2b: {  	v16 =	vld.msk [tilespmem:s17+$0x200 ss:$0x0], $0xffff;
	_ =	sdelay $0x4  }
0x2c: {  	[tilespmem:$0x700] =	vst v16  }
0x2d: {  	v16 =	vld [tilespmem:s17+$0x200];
	_ =	sdelay $0x4  }
0x2e: {  	v16 =	vbroadcast v16, $0x1;
	_ =	sdelay $0x1  }
0x2f: {  	[tilespmem:$0x780] =	vst v16  }
0x30: {  	v16 =	vld [tilespmem:s17+$0x200];
	_ =	sdelay $0x4  }
0x31: {  	v16 =	vbroadcast v16, $0x2;
	_ =	sdelay $0x1  }
0x32: {  	[tilespmem:$0x800] =	vst v16  }
0x33: {  	v16 =	vld [tilespmem:s17+$0x200];
	_ =	sdelay $0x4  }
0x34: {  	v16 =	vbroadcast v16, $0x3;
	_ =	sdelay $0x1  }
0x35: {  	[tilespmem:$0x880] =	vst v16  }
0x36: {  	v16 =	vld [tilespmem:s17+$0x200];
	_ =	sdelay $0x4  }
0x37: {  	v16 =	vbroadcast v16, $0x4;
	_ =	sdelay $0x1  }
0x38: {  	[tilespmem:$0x900] =	vst v16  }
0x39: {  	v16 =	vld [tilespmem:s17+$0x200];
	_ =	sdelay $0x4  }
0x3a: {  	v16 =	vbroadcast v16, $0x5;
	_ =	sdelay $0x1  }
0x3b: {  	[tilespmem:$0x980] =	vst v16  }
0x3c: {  	v16 =	vld [tilespmem:s17+$0x200];
	_ =	sdelay $0x4  }
0x3d: {  	v16 =	vbroadcast v16, $0x6;
	_ =	sdelay $0x1  }
0x3e: {  	[tilespmem:$0xA00] =	vst v16  }
0x3f: {  	v16 =	vld [tilespmem:s17+$0x200];
	_ =	sdelay $0x4  }
0x40: {  	v16 =	vbroadcast v16, $0x7;
	_ =	sdelay $0x1  }
0x41: {  	[tilespmem:$0xA80] =	vst v16  }
0x42: {  	v16 =	vld [tilespmem:s17+$0x200];
	_ =	sdelay $0x4  }
0x43: {  	v16 =	vbroadcast v16, $0x8;
	_ =	sdelay $0x1  }
0x44: {  	[tilespmem:$0xB00] =	vst v16  }
0x45: {  	v16 =	vld [tilespmem:s17+$0x200];
	_ =	sdelay $0x4  }
0x46: {  	v16 =	vbroadcast v16, $0x9;
	_ =	sdelay $0x1  }
0x47: {  	[tilespmem:$0xB80] =	vst v16  }
0x48: {  	v16 =	vld [tilespmem:s17+$0x200];
	_ =	sdelay $0x4  }
0x49: {  	v16 =	vbroadcast v16, $0xA;
	_ =	sdelay $0x1  }
0x4a: {  	[tilespmem:$0xC00] =	vst v16  }
0x4b: {  	v16 =	vld [tilespmem:s17+$0x200];
	_ =	sdelay $0x4  }
0x4c: {  	v16 =	vbroadcast v16, $0xB;
	_ =	sdelay $0x1  }
0x4d: {  	[tilespmem:$0xC80] =	vst v16  }
0x4e: {  	v16 =	vld [tilespmem:s17+$0x200];
	_ =	sdelay $0x4  }
0x4f: {  	v16 =	vbroadcast v16, $0xC;
	_ =	sdelay $0x1  }
0x50: {  	[tilespmem:$0xD00] =	vst v16  }
0x51: {  	v16 =	vld [tilespmem:s17+$0x200];
	_ =	sdelay $0x4  }
0x52: {  	v16 =	vbroadcast v16, $0xD;
	_ =	sdelay $0x1  }
0x53: {  	[tilespmem:$0xD80] =	vst v16  }
0x54: {  	v16 =	vld [tilespmem:s17+$0x200];
	_ =	sdelay $0x4  }
0x55: {  	v16 =	vbroadcast v16, $0xE;
	_ =	sdelay $0x1  }
0x56: {  	[tilespmem:$0xE00] =	vst v16  }
0x57: {  	v16 =	vld [tilespmem:s17+$0x200];
	_ =	sdelay $0x4  }
0x58: {  	v16 =	vbroadcast v16, $0xF;
	_ =	sdelay $0x1  }
0x59: {  	[tilespmem:$0xE80] =	vst v16  }
0x5a: {  	v16 =	vld.msk [tilespmem:s17+$0x210 ss:$0x0], $0xffff;
	_ =	sdelay $0x4  }
0x5b: {  	[tilespmem:$0xF00] =	vst v16  }
0x5c: {  	v16 =	vld [tilespmem:s17+$0x210];
	_ =	sdelay $0x4  }
0x5d: {  	v16 =	vbroadcast v16, $0x1;
	_ =	sdelay $0x1  }
0x5e: {  	[tilespmem:$0xF80] =	vst v16  }
0x5f: {  	v16 =	vld [tilespmem:s17+$0x210];
	_ =	sdelay $0x4  }
0x60: {  	v16 =	vbroadcast v16, $0x2;
	_ =	sdelay $0x1  }
0x61: {  	[tilespmem:$0x1000] =	vst v16  }
0x62: {  	v16 =	vld [tilespmem:s17+$0x210];
	_ =	sdelay $0x4  }
0x63: {  	v16 =	vbroadcast v16, $0x3;
	_ =	sdelay $0x1  }
0x64: {  	[tilespmem:$0x1080] =	vst v16  }
0x65: {  	v16 =	vld [tilespmem:s17+$0x210];
	_ =	sdelay $0x4  }
0x66: {  	v16 =	vbroadcast v16, $0x4;
	_ =	sdelay $0x1  }
0x67: {  	[tilespmem:$0x1100] =	vst v16  }
0x68: {  	v16 =	vld [tilespmem:s17+$0x210];
	_ =	sdelay $0x4  }
0x69: {  	v16 =	vbroadcast v16, $0x5;
	_ =	sdelay $0x1  }
0x6a: {  	[tilespmem:$0x1180] =	vst v16  }
0x6b: {  	v16 =	vld [tilespmem:s17+$0x210];
	_ =	sdelay $0x4  }
0x6c: {  	v16 =	vbroadcast v16, $0x6;
	_ =	sdelay $0x1  }
0x6d: {  	[tilespmem:$0x1200] =	vst v16  }
0x6e: {  	v16 =	vld [tilespmem:s17+$0x210];
	_ =	sdelay $0x4  }
0x6f: {  	v16 =	vbroadcast v16, $0x7;
	_ =	sdelay $0x1  }
0x70: {  	[tilespmem:$0x1280] =	vst v16  }
0x71: {  	v16 =	vld [tilespmem:s17+$0x210];
	_ =	sdelay $0x4  }
0x72: {  	v16 =	vbroadcast v16, $0x8;
	_ =	sdelay $0x1  }
0x73: {  	[tilespmem:$0x1300] =	vst v16  }
0x74: {  	v16 =	vld [tilespmem:s17+$0x210];
	_ =	sdelay $0x4  }
0x75: {  	v16 =	vbroadcast v16, $0x9;
	_ =	sdelay $0x1  }
0x76: {  	[tilespmem:$0x1380] =	vst v16  }
0x77: {  	v16 =	vld [tilespmem:s17+$0x210];
	_ =	sdelay $0x4  }
0x78: {  	v16 =	vbroadcast v16, $0xA;
	_ =	sdelay $0x1  }
0x79: {  	[tilespmem:$0x1400] =	vst v16  }
0x7a: {  	v16 =	vld [tilespmem:s17+$0x210];
	_ =	sdelay $0x4  }
0x7b: {  	v16 =	vbroadcast v16, $0xB;
	_ =	sdelay $0x1  }
0x7c: {  	[tilespmem:$0x1480] =	vst v16  }
0x7d: {  	v16 =	vld [tilespmem:s17+$0x210];
	_ =	sdelay $0x4  }
0x7e: {  	v16 =	vbroadcast v16, $0xC;
	_ =	sdelay $0x1  }
0x7f: {  	[tilespmem:$0x1500] =	vst v16  }
0x80: {  	v16 =	vld [tilespmem:s17+$0x210];
	_ =	sdelay $0x4  }
0x81: {  	v16 =	vbroadcast v16, $0xD;
	_ =	sdelay $0x1  }
0x82: {  	[tilespmem:$0x1580] =	vst v16  }
0x83: {  	v16 =	vld [tilespmem:s17+$0x210];
	_ =	sdelay $0x4  }
0x84: {  	v16 =	vbroadcast v16, $0xE;
	_ =	sdelay $0x1  }
0x85: {  	[tilespmem:$0x1600] =	vst v16  }
0x86: {  	v16 =	vld [tilespmem:s17+$0x210];
	_ =	sdelay $0x4  }
0x87: {  	v16 =	vbroadcast v16, $0xF;
	_ =	sdelay $0x1  }
0x88: {  	[tilespmem:$0x1680] =	vst v16  }
0x89: {  	v16 =	vld.msk [tilespmem:s17+$0x220 ss:$0x0], $0xffff;
	_ =	sdelay $0x4  }
0x8a: {  	[tilespmem:$0x1700] =	vst v16  }
0x8b: {  	v16 =	vld [tilespmem:s17+$0x220];
	_ =	sdelay $0x4  }
0x8c: {  	v16 =	vbroadcast v16, $0x1;
	_ =	sdelay $0x1  }
0x8d: {  	[tilespmem:$0x1780] =	vst v16  }
0x8e: {  	v16 =	vld [tilespmem:s17+$0x220];
	_ =	sdelay $0x4  }
0x8f: {  	v16 =	vbroadcast v16, $0x2;
	_ =	sdelay $0x1  }
0x90: {  	[tilespmem:$0x1800] =	vst v16  }
0x91: {  	v16 =	vld [tilespmem:s17+$0x220];
	_ =	sdelay $0x4  }
0x92: {  	v16 =	vbroadcast v16, $0x3;
	_ =	sdelay $0x1  }
0x93: {  	[tilespmem:$0x1880] =	vst v16  }
0x94: {  	v16 =	vld [tilespmem:s17+$0x220];
	_ =	sdelay $0x4  }
0x95: {  	v16 =	vbroadcast v16, $0x4;
	_ =	sdelay $0x1  }
0x96: {  	[tilespmem:$0x1900] =	vst v16  }
0x97: {  	v16 =	vld [tilespmem:s17+$0x220];
	_ =	sdelay $0x4  }
0x98: {  	v16 =	vbroadcast v16, $0x5;
	_ =	sdelay $0x1  }
0x99: {  	[tilespmem:$0x1980] =	vst v16  }
0x9a: {  	v16 =	vld [tilespmem:s17+$0x220];
	_ =	sdelay $0x4  }
0x9b: {  	v16 =	vbroadcast v16, $0x6;
	_ =	sdelay $0x1  }
0x9c: {  	[tilespmem:$0x1A00] =	vst v16  }
0x9d: {  	v16 =	vld [tilespmem:s17+$0x220];
	_ =	sdelay $0x4  }
0x9e: {  	v16 =	vbroadcast v16, $0x7;
	_ =	sdelay $0x1  }
0x9f: {  	[tilespmem:$0x1A80] =	vst v16  }
0xa0: {  	v16 =	vld [tilespmem:s17+$0x220];
	_ =	sdelay $0x4  }
0xa1: {  	v16 =	vbroadcast v16, $0x8;
	_ =	sdelay $0x1  }
0xa2: {  	[tilespmem:$0x1B00] =	vst v16  }
0xa3: {  	v16 =	vld [tilespmem:s17+$0x220];
	_ =	sdelay $0x4  }
0xa4: {  	v16 =	vbroadcast v16, $0x9;
	_ =	sdelay $0x1  }
0xa5: {  	[tilespmem:$0x1B80] =	vst v16  }
0xa6: {  	v16 =	vld [tilespmem:s17+$0x220];
	_ =	sdelay $0x4  }
0xa7: {  	v16 =	vbroadcast v16, $0xA;
	_ =	sdelay $0x1  }
0xa8: {  	[tilespmem:$0x1C00] =	vst v16  }
0xa9: {  	v16 =	vld [tilespmem:s17+$0x220];
	_ =	sdelay $0x4  }
0xaa: {  	v16 =	vbroadcast v16, $0xB;
	_ =	sdelay $0x1  }
0xab: {  	[tilespmem:$0x1C80] =	vst v16  }
0xac: {  	v16 =	vld [tilespmem:s17+$0x220];
	_ =	sdelay $0x4  }
0xad: {  	v16 =	vbroadcast v16, $0xC;
	_ =	sdelay $0x1  }
0xae: {  	[tilespmem:$0x1D00] =	vst v16  }
0xaf: {  	v16 =	vld [tilespmem:s17+$0x220];
	_ =	sdelay $0x4  }
0xb0: {  	v16 =	vbroadcast v16, $0xD;
	_ =	sdelay $0x1  }
0xb1: {  	[tilespmem:$0x1D80] =	vst v16  }
0xb2: {  	v16 =	vld [tilespmem:s17+$0x220];
	_ =	sdelay $0x4  }
0xb3: {  	v16 =	vbroadcast v16, $0xE;
	_ =	sdelay $0x1  }
0xb4: {  	[tilespmem:$0x1E00] =	vst v16  }
0xb5: {  	v16 =	vld [tilespmem:s17+$0x220];
	_ =	sdelay $0x4  }
0xb6: {  	v16 =	vbroadcast v16, $0xF;
	_ =	sdelay $0x1  }
0xb7: {  	[tilespmem:$0x1E80] =	vst v16  }
0xb8: {  	v16 =	vld.msk [tilespmem:s17+$0x230 ss:$0x0], $0xffff;
	_ =	sdelay $0x4  }
0xb9: {  	[tilespmem:$0x1F00] =	vst v16  }
0xba: {  	v16 =	vld [tilespmem:s17+$0x230];
	_ =	sdelay $0x4  }
0xbb: {  	v16 =	vbroadcast v16, $0x1;
	_ =	sdelay $0x1  }
0xbc: {  	[tilespmem:$0x1F80] =	vst v16  }
0xbd: {  	v16 =	vld [tilespmem:s17+$0x230];
	_ =	sdelay $0x4  }
0xbe: {  	v16 =	vbroadcast v16, $0x2;
	_ =	sdelay $0x1  }
0xbf: {  	[tilespmem:$0x2000] =	vst v16  }
0xc0: {  	v16 =	vld [tilespmem:s17+$0x230];
	_ =	sdelay $0x4  }
0xc1: {  	v16 =	vbroadcast v16, $0x3;
	_ =	sdelay $0x1  }
0xc2: {  	[tilespmem:$0x2080] =	vst v16  }
0xc3: {  	v16 =	vld [tilespmem:s17+$0x230];
	_ =	sdelay $0x4  }
0xc4: {  	v16 =	vbroadcast v16, $0x4;
	_ =	sdelay $0x1  }
0xc5: {  	[tilespmem:$0x2100] =	vst v16  }
0xc6: {  	v16 =	vld [tilespmem:s17+$0x230];
	_ =	sdelay $0x4  }
0xc7: {  	v16 =	vbroadcast v16, $0x5;
	_ =	sdelay $0x1  }
0xc8: {  	[tilespmem:$0x2180] =	vst v16  }
0xc9: {  	v16 =	vld [tilespmem:s17+$0x230];
	_ =	sdelay $0x4  }
0xca: {  	v16 =	vbroadcast v16, $0x6;
	_ =	sdelay $0x1  }
0xcb: {  	[tilespmem:$0x2200] =	vst v16  }
0xcc: {  	v16 =	vld [tilespmem:s17+$0x230];
	_ =	sdelay $0x4  }
0xcd: {  	v16 =	vbroadcast v16, $0x7;
	_ =	sdelay $0x1  }
0xce: {  	[tilespmem:$0x2280] =	vst v16  }
0xcf: {  	v16 =	vld [tilespmem:s17+$0x230];
	_ =	sdelay $0x4  }
0xd0: {  	v16 =	vbroadcast v16, $0x8;
	_ =	sdelay $0x1  }
0xd1: {  	[tilespmem:$0x2300] =	vst v16  }
0xd2: {  	v16 =	vld [tilespmem:s17+$0x230];
	_ =	sdelay $0x4  }
0xd3: {  	v16 =	vbroadcast v16, $0x9;
	_ =	sdelay $0x1  }
0xd4: {  	[tilespmem:$0x2380] =	vst v16  }
0xd5: {  	v16 =	vld [tilespmem:s17+$0x230];
	_ =	sdelay $0x4  }
0xd6: {  	v16 =	vbroadcast v16, $0xA;
	_ =	sdelay $0x1  }
0xd7: {  	[tilespmem:$0x2400] =	vst v16  }
0xd8: {  	v16 =	vld [tilespmem:s17+$0x230];
	_ =	sdelay $0x4  }
0xd9: {  	v16 =	vbroadcast v16, $0xB;
	_ =	sdelay $0x1  }
0xda: {  	[tilespmem:$0x2480] =	vst v16  }
0xdb: {  	v16 =	vld [tilespmem:s17+$0x230];
	_ =	sdelay $0x4  }
0xdc: {  	v16 =	vbroadcast v16, $0xC;
	_ =	sdelay $0x1  }
0xdd: {  	[tilespmem:$0x2500] =	vst v16  }
0xde: {  	v16 =	vld [tilespmem:s17+$0x230];
	_ =	sdelay $0x4  }
0xdf: {  	v16 =	vbroadcast v16, $0xD;
	_ =	sdelay $0x1  }
0xe0: {  	[tilespmem:$0x2580] =	vst v16  }
0xe1: {  	v16 =	vld [tilespmem:s17+$0x230];
	_ =	sdelay $0x4  }
0xe2: {  	v16 =	vbroadcast v16, $0xE;
	_ =	sdelay $0x1  }
0xe3: {  	[tilespmem:$0x2600] =	vst v16  }
0xe4: {  	v16 =	vld [tilespmem:s17+$0x230];
	_ =	sdelay $0x4  }
0xe5: {  	s18 =	sld [smem:$0x7F1];
	v16 =	vbroadcast v16, $0xF;
	_ =	sdelay $0x1  }
0xe6: {  	[tilespmem:$0x2680] =	vst v16  }
0xe7: {  	v16 =	vld.msk [tilespmem:s18+$0x240 ss:$0x0], $0xffff;
	_ =	sdelay $0x4  }
0xe8: {  	[tilespmem:$0x2700] =	vst v16  }
0xe9: {  	v16 =	vld [tilespmem:s18+$0x240];
	_ =	sdelay $0x4  }
0xea: {  	v16 =	vbroadcast v16, $0x1;
	_ =	sdelay $0x1  }
0xeb: {  	[tilespmem:$0x2780] =	vst v16  }
0xec: {  	v16 =	vld [tilespmem:s18+$0x240];
	_ =	sdelay $0x4  }
0xed: {  	v16 =	vbroadcast v16, $0x2;
	_ =	sdelay $0x1  }
0xee: {  	[tilespmem:$0x2800] =	vst v16  }
0xef: {  	v16 =	vld [tilespmem:s18+$0x240];
	_ =	sdelay $0x4  }
0xf0: {  	v16 =	vbroadcast v16, $0x3;
	_ =	sdelay $0x1  }
0xf1: {  	[tilespmem:$0x2880] =	vst v16  }
0xf2: {  	v16 =	vld [tilespmem:s18+$0x240];
	_ =	sdelay $0x4  }
0xf3: {  	v16 =	vbroadcast v16, $0x4;
	_ =	sdelay $0x1  }
0xf4: {  	[tilespmem:$0x2900] =	vst v16  }
0xf5: {  	v16 =	vld [tilespmem:s18+$0x240];
	_ =	sdelay $0x4  }
0xf6: {  	v16 =	vbroadcast v16, $0x5;
	_ =	sdelay $0x1  }
0xf7: {  	[tilespmem:$0x2980] =	vst v16  }
0xf8: {  	v16 =	vld [tilespmem:s18+$0x240];
	_ =	sdelay $0x4  }
0xf9: {  	v16 =	vbroadcast v16, $0x6;
	_ =	sdelay $0x1  }
0xfa: {  	[tilespmem:$0x2A00] =	vst v16  }
0xfb: {  	v16 =	vld [tilespmem:s18+$0x240];
	_ =	sdelay $0x4  }
0xfc: {  	v16 =	vbroadcast v16, $0x7;
	_ =	sdelay $0x1  }
0xfd: {  	[tilespmem:$0x2A80] =	vst v16  }
0xfe: {  	v16 =	vld [tilespmem:s18+$0x240];
	_ =	sdelay $0x4  }
0xff: {  	v16 =	vbroadcast v16, $0x8;
	_ =	sdelay $0x1  }
0x100: {  	[tilespmem:$0x2B00] =	vst v16  }
0x101: {  	v16 =	vld [tilespmem:s18+$0x240];
	_ =	sdelay $0x4  }
0x102: {  	v16 =	vbroadcast v16, $0x9;
	_ =	sdelay $0x1  }
0x103: {  	[tilespmem:$0x2B80] =	vst v16  }
0x104: {  	v16 =	vld [tilespmem:s18+$0x240];
	_ =	sdelay $0x4  }
0x105: {  	v16 =	vbroadcast v16, $0xA;
	_ =	sdelay $0x1  }
0x106: {  	[tilespmem:$0x2C00] =	vst v16  }
0x107: {  	v16 =	vld [tilespmem:s18+$0x240];
	_ =	sdelay $0x4  }
0x108: {  	v16 =	vbroadcast v16, $0xB;
	_ =	sdelay $0x1  }
0x109: {  	[tilespmem:$0x2C80] =	vst v16  }
0x10a: {  	v16 =	vld [tilespmem:s18+$0x240];
	_ =	sdelay $0x4  }
0x10b: {  	v16 =	vbroadcast v16, $0xC;
	_ =	sdelay $0x1  }
0x10c: {  	[tilespmem:$0x2D00] =	vst v16  }
0x10d: {  	v16 =	vld [tilespmem:s18+$0x240];
	_ =	sdelay $0x4  }
0x10e: {  	v16 =	vbroadcast v16, $0xD;
	_ =	sdelay $0x1  }
0x10f: {  	[tilespmem:$0x2D80] =	vst v16  }
0x110: {  	v16 =	vld [tilespmem:s18+$0x240];
	_ =	sdelay $0x4  }
0x111: {  	v16 =	vbroadcast v16, $0xE;
	_ =	sdelay $0x1  }
0x112: {  	[tilespmem:$0x2E00] =	vst v16  }
0x113: {  	v16 =	vld [tilespmem:s18+$0x240];
	_ =	sdelay $0x4  }
0x114: {  	v16 =	vbroadcast v16, $0xF;
	_ =	sdelay $0x1  }
0x115: {  	[tilespmem:$0x2E80] =	vst v16  }
0x116: {  	v16 =	vld.msk [tilespmem:s18+$0x250 ss:$0x0], $0xffff;
	_ =	sdelay $0x4  }
0x117: {  	[tilespmem:$0x2F00] =	vst v16  }
0x118: {  	v16 =	vld [tilespmem:s18+$0x250];
	_ =	sdelay $0x4  }
0x119: {  	v16 =	vbroadcast v16, $0x1;
	_ =	sdelay $0x1  }
0x11a: {  	[tilespmem:$0x2F80] =	vst v16  }
0x11b: {  	v16 =	vld [tilespmem:s18+$0x250];
	_ =	sdelay $0x4  }
0x11c: {  	v16 =	vbroadcast v16, $0x2;
	_ =	sdelay $0x1  }
0x11d: {  	[tilespmem:$0x3000] =	vst v16  }
0x11e: {  	v16 =	vld [tilespmem:s18+$0x250];
	_ =	sdelay $0x4  }
0x11f: {  	v16 =	vbroadcast v16, $0x3;
	_ =	sdelay $0x1  }
0x120: {  	[tilespmem:$0x3080] =	vst v16  }
0x121: {  	v16 =	vld [tilespmem:s18+$0x250];
	_ =	sdelay $0x4  }
0x122: {  	v16 =	vbroadcast v16, $0x4;
	_ =	sdelay $0x1  }
0x123: {  	[tilespmem:$0x3100] =	vst v16  }
0x124: {  	v16 =	vld [tilespmem:s18+$0x250];
	_ =	sdelay $0x4  }
0x125: {  	v16 =	vbroadcast v16, $0x5;
	_ =	sdelay $0x1  }
0x126: {  	[tilespmem:$0x3180] =	vst v16  }
0x127: {  	v16 =	vld [tilespmem:s18+$0x250];
	_ =	sdelay $0x4  }
0x128: {  	v16 =	vbroadcast v16, $0x6;
	_ =	sdelay $0x1  }
0x129: {  	[tilespmem:$0x3200] =	vst v16  }
0x12a: {  	v16 =	vld [tilespmem:s18+$0x250];
	_ =	sdelay $0x4  }
0x12b: {  	v16 =	vbroadcast v16, $0x7;
	_ =	sdelay $0x1  }
0x12c: {  	[tilespmem:$0x3280] =	vst v16  }
0x12d: {  	v16 =	vld [tilespmem:s18+$0x250];
	_ =	sdelay $0x4  }
0x12e: {  	v16 =	vbroadcast v16, $0x8;
	_ =	sdelay $0x1  }
0x12f: {  	[tilespmem:$0x3300] =	vst v16  }
0x130: {  	v16 =	vld [tilespmem:s18+$0x250];
	_ =	sdelay $0x4  }
0x131: {  	v16 =	vbroadcast v16, $0x9;
	_ =	sdelay $0x1  }
0x132: {  	[tilespmem:$0x3380] =	vst v16  }
0x133: {  	v16 =	vld [tilespmem:s18+$0x250];
	_ =	sdelay $0x4  }
0x134: {  	v16 =	vbroadcast v16, $0xA;
	_ =	sdelay $0x1  }
0x135: {  	[tilespmem:$0x3400] =	vst v16  }
0x136: {  	v16 =	vld [tilespmem:s18+$0x250];
	_ =	sdelay $0x4  }
0x137: {  	v16 =	vbroadcast v16, $0xB;
	_ =	sdelay $0x1  }
0x138: {  	[tilespmem:$0x3480] =	vst v16  }
0x139: {  	v16 =	vld [tilespmem:s18+$0x250];
	_ =	sdelay $0x4  }
0x13a: {  	v16 =	vbroadcast v16, $0xC;
	_ =	sdelay $0x1  }
0x13b: {  	[tilespmem:$0x3500] =	vst v16  }
0x13c: {  	v16 =	vld [tilespmem:s18+$0x250];
	_ =	sdelay $0x4  }
0x13d: {  	v16 =	vbroadcast v16, $0xD;
	_ =	sdelay $0x1  }
0x13e: {  	[tilespmem:$0x3580] =	vst v16  }
0x13f: {  	v16 =	vld [tilespmem:s18+$0x250];
	_ =	sdelay $0x4  }
0x140: {  	v16 =	vbroadcast v16, $0xE;
	_ =	sdelay $0x1  }
0x141: {  	[tilespmem:$0x3600] =	vst v16  }
0x142: {  	v16 =	vld [tilespmem:s18+$0x250];
	_ =	sdelay $0x4  }
0x143: {  	v16 =	vbroadcast v16, $0xF;
	_ =	sdelay $0x1  }
0x144: {  	[tilespmem:$0x3680] =	vst v16  }
0x145: {  	v16 =	vld.msk [tilespmem:s18+$0x260 ss:$0x0], $0xffff;
	_ =	sdelay $0x4  }
0x146: {  	[tilespmem:$0x3700] =	vst v16  }
0x147: {  	v16 =	vld [tilespmem:s18+$0x260];
	_ =	sdelay $0x4  }
0x148: {  	v16 =	vbroadcast v16, $0x1;
	_ =	sdelay $0x1  }
0x149: {  	[tilespmem:$0x3780] =	vst v16  }
0x14a: {  	v16 =	vld [tilespmem:s18+$0x260];
	_ =	sdelay $0x4  }
0x14b: {  	v16 =	vbroadcast v16, $0x2;
	_ =	sdelay $0x1  }
0x14c: {  	[tilespmem:$0x3800] =	vst v16  }
0x14d: {  	v16 =	vld [tilespmem:s18+$0x260];
	_ =	sdelay $0x4  }
0x14e: {  	v16 =	vbroadcast v16, $0x3;
	_ =	sdelay $0x1  }
0x14f: {  	[tilespmem:$0x3880] =	vst v16  }
0x150: {  	v16 =	vld [tilespmem:s18+$0x260];
	_ =	sdelay $0x4  }
0x151: {  	v16 =	vbroadcast v16, $0x4;
	_ =	sdelay $0x1  }
0x152: {  	[tilespmem:$0x3900] =	vst v16  }
0x153: {  	v16 =	vld [tilespmem:s18+$0x260];
	_ =	sdelay $0x4  }
0x154: {  	v16 =	vbroadcast v16, $0x5;
	_ =	sdelay $0x1  }
0x155: {  	[tilespmem:$0x3980] =	vst v16  }
0x156: {  	v16 =	vld [tilespmem:s18+$0x260];
	_ =	sdelay $0x4  }
0x157: {  	v16 =	vbroadcast v16, $0x6;
	_ =	sdelay $0x1  }
0x158: {  	[tilespmem:$0x3A00] =	vst v16  }
0x159: {  	v16 =	vld [tilespmem:s18+$0x260];
	_ =	sdelay $0x4  }
0x15a: {  	v16 =	vbroadcast v16, $0x7;
	_ =	sdelay $0x1  }
0x15b: {  	[tilespmem:$0x3A80] =	vst v16  }
0x15c: {  	v16 =	vld [tilespmem:s18+$0x260];
	_ =	sdelay $0x4  }
0x15d: {  	v16 =	vbroadcast v16, $0x8;
	_ =	sdelay $0x1  }
0x15e: {  	[tilespmem:$0x3B00] =	vst v16  }
0x15f: {  	v16 =	vld [tilespmem:s18+$0x260];
	_ =	sdelay $0x4  }
0x160: {  	v16 =	vbroadcast v16, $0x9;
	_ =	sdelay $0x1  }
0x161: {  	[tilespmem:$0x3B80] =	vst v16  }
0x162: {  	v16 =	vld [tilespmem:s18+$0x260];
	_ =	sdelay $0x4  }
0x163: {  	v16 =	vbroadcast v16, $0xA;
	_ =	sdelay $0x1  }
0x164: {  	[tilespmem:$0x3C00] =	vst v16  }
0x165: {  	v16 =	vld [tilespmem:s18+$0x260];
	_ =	sdelay $0x4  }
0x166: {  	v16 =	vbroadcast v16, $0xB;
	_ =	sdelay $0x1  }
0x167: {  	[tilespmem:$0x3C80] =	vst v16  }
0x168: {  	v16 =	vld [tilespmem:s18+$0x260];
	_ =	sdelay $0x4  }
0x169: {  	v16 =	vbroadcast v16, $0xC;
	_ =	sdelay $0x1  }
0x16a: {  	[tilespmem:$0x3D00] =	vst v16  }
0x16b: {  	v16 =	vld [tilespmem:s18+$0x260];
	_ =	sdelay $0x4  }
0x16c: {  	v16 =	vbroadcast v16, $0xD;
	_ =	sdelay $0x1  }
0x16d: {  	[tilespmem:$0x3D80] =	vst v16  }
0x16e: {  	v16 =	vld [tilespmem:s18+$0x260];
	_ =	sdelay $0x4  }
0x16f: {  	v16 =	vbroadcast v16, $0xE;
	_ =	sdelay $0x1  }
0x170: {  	[tilespmem:$0x3E00] =	vst v16  }
0x171: {  	v16 =	vld [tilespmem:s18+$0x260];
	_ =	sdelay $0x4  }
0x172: {  	v16 =	vbroadcast v16, $0xF;
	_ =	sdelay $0x1  }
0x173: {  	[tilespmem:$0x3E80] =	vst v16  }
0x174: {  	v16 =	vld.msk [tilespmem:s18+$0x270 ss:$0x0], $0xffff;
	_ =	sdelay $0x4  }
0x175: {  	[tilespmem:$0x3F00] =	vst v16  }
0x176: {  	v16 =	vld [tilespmem:s18+$0x270];
	_ =	sdelay $0x4  }
0x177: {  	v16 =	vbroadcast v16, $0x1;
	_ =	sdelay $0x1  }
0x178: {  	[tilespmem:$0x3F80] =	vst v16  }
0x179: {  	v16 =	vld [tilespmem:s18+$0x270];
	_ =	sdelay $0x4  }
0x17a: {  	v16 =	vbroadcast v16, $0x2;
	_ =	sdelay $0x1  }
0x17b: {  	[tilespmem:$0x4000] =	vst v16  }
0x17c: {  	v16 =	vld [tilespmem:s18+$0x270];
	_ =	sdelay $0x4  }
0x17d: {  	v16 =	vbroadcast v16, $0x3;
	_ =	sdelay $0x1  }
0x17e: {  	[tilespmem:$0x4080] =	vst v16  }
0x17f: {  	v16 =	vld [tilespmem:s18+$0x270];
	_ =	sdelay $0x4  }
0x180: {  	v16 =	vbroadcast v16, $0x4;
	_ =	sdelay $0x1  }
0x181: {  	[tilespmem:$0x4100] =	vst v16  }
0x182: {  	v16 =	vld [tilespmem:s18+$0x270];
	_ =	sdelay $0x4  }
0x183: {  	v16 =	vbroadcast v16, $0x5;
	_ =	sdelay $0x1  }
0x184: {  	[tilespmem:$0x4180] =	vst v16  }
0x185: {  	v16 =	vld [tilespmem:s18+$0x270];
	_ =	sdelay $0x4  }
0x186: {  	v16 =	vbroadcast v16, $0x6;
	_ =	sdelay $0x1  }
0x187: {  	[tilespmem:$0x4200] =	vst v16  }
0x188: {  	v16 =	vld [tilespmem:s18+$0x270];
	_ =	sdelay $0x4  }
0x189: {  	v16 =	vbroadcast v16, $0x7;
	_ =	sdelay $0x1  }
0x18a: {  	[tilespmem:$0x4280] =	vst v16  }
0x18b: {  	v16 =	vld [tilespmem:s18+$0x270];
	_ =	sdelay $0x4  }
0x18c: {  	v16 =	vbroadcast v16, $0x8;
	_ =	sdelay $0x1  }
0x18d: {  	[tilespmem:$0x4300] =	vst v16  }
0x18e: {  	v16 =	vld [tilespmem:s18+$0x270];
	_ =	sdelay $0x4  }
0x18f: {  	v16 =	vbroadcast v16, $0x9;
	_ =	sdelay $0x1  }
0x190: {  	[tilespmem:$0x4380] =	vst v16  }
0x191: {  	v16 =	vld [tilespmem:s18+$0x270];
	_ =	sdelay $0x4  }
0x192: {  	v16 =	vbroadcast v16, $0xA;
	_ =	sdelay $0x1  }
0x193: {  	[tilespmem:$0x4400] =	vst v16  }
0x194: {  	v16 =	vld [tilespmem:s18+$0x270];
	_ =	sdelay $0x4  }
0x195: {  	v16 =	vbroadcast v16, $0xB;
	_ =	sdelay $0x1  }
0x196: {  	[tilespmem:$0x4480] =	vst v16  }
0x197: {  	v16 =	vld [tilespmem:s18+$0x270];
	_ =	sdelay $0x4  }
0x198: {  	v16 =	vbroadcast v16, $0xC;
	_ =	sdelay $0x1  }
0x199: {  	[tilespmem:$0x4500] =	vst v16  }
0x19a: {  	v16 =	vld [tilespmem:s18+$0x270];
	_ =	sdelay $0x4  }
0x19b: {  	v16 =	vbroadcast v16, $0xD;
	_ =	sdelay $0x1  }
0x19c: {  	[tilespmem:$0x4580] =	vst v16  }
0x19d: {  	v16 =	vld [tilespmem:s18+$0x270];
	_ =	sdelay $0x4  }
0x19e: {  	v16 =	vbroadcast v16, $0xE;
	_ =	sdelay $0x1  }
0x19f: {  	[tilespmem:$0x4600] =	vst v16  }
0x1a0: {  	v16 =	vld [tilespmem:s18+$0x270];
	_ =	sdelay $0x4  }
0x1a1: {  	s19 =	sld [smem:$0x7F9];
	v16 =	vbroadcast v16, $0xF;
	_ =	sdelay $0x1  }
0x1a2: {  	s20 =	sld [smem:$0x7FA];
	[tilespmem:$0x4680] =	vst v16  }
0x1a3: {  	[tilespmem:s0], [sflag:$0x1] =	stream.linear.gather [hbm4b:s19+s0], $0x80, $0x38;
	[tilespmem:$0x1C700] =	vst v63  }
0x1a4: {  	s21 =	simm.s32 $0x100;
	s22 =	sld [smem:$0x7FB]  }
0x1a5: {  	[tilespmem:s21], [sflag:$0x1] =	stream.linear.gather [hbm4b:s20+s0], $0x80, $0x38;
	[tilespmem:$0x1C700] =	vst v63  }
0x1a6: {  	s23 =	sld [smem:$0x7FC]  }
0x1a7: {  	[tilespmem:s29], [sflag:$0x2] =	stream.linear.gather [hbm4b:s22+s0], $0x80, $0x38;
	[tilespmem:$0x1C700] =	vst v63  }
0x1a8: {  	s24 =	simm.s32 $0x1  }
0x1a9: {  	[tilespmem:s3], [sflag:$0x2] =	stream.linear.gather [hbm4b:s23+s0], $0x80, $0x38;
	[tilespmem:$0x1C700] =	vst v63  }
0x1aa: {  	_ =	swait.ge [sflag:s24], $0x100  }
0x1ab: {  	s25 =	sld [smem:$0x7EE]  }
0x1ac: {  	[sflag:s24] =	ssyncset.done $0x0  }
0x1ad: {  	s10 =	sld [smem:$0x7F8];
	[sflag:s24] =	ssyncadd.s32 $0xFFFFFF00  }
0x1ae: {  	[tilespmem:s26], [sflag:$0x3] =	stream.indirect.gather [hbm4b:s25+s29], $0x80, s0, s29, $0xb8;
	[tilespmem:$0x1C700] =	vst v63  }
0x1af: {  	s30 =	simm.s32 $0x8700;
	s11 =	simm.s32 $0x0;
	s2 =	sld [smem:$0x7F7]  }
0x1b0: {  	[tilespmem:s30], [sflag:$0x3] =	stream.indirect.gather [hbm4b:s25+s29], $0x80, s21, s29, $0xb8;
	[tilespmem:$0x1C700] =	vst v63  }
.LBB2_2:
0x1b1: {  	s0 =	simm.s32 $0x2  }
0x1b2: {  	_ =	swait.ge [sflag:s0], $0x100  }
0x1b3: {  	[sflag:s0] =	ssyncset.done $0x0  }
0x1b4: {  	s1 =	simm.s32 $0x3;
	[sflag:s0] =	ssyncadd.s32 $0xFFFFFF00  }
0x1b5: {  	_ =	swait.ge [sflag:s1], $0x4000  }
0x1b6: {  	[sflag:s1] =	ssyncset.done $0x0  }
0x1b7: {  	[sflag:s1] =	ssyncadd.s32 $0xFFFFC000  }
0x1b8: {  	_ =	swait.ge [sflag:s1], $0x4000  }
0x1b9: {  	s5 =	simm.s32 $0x3;
	s6 =	sld [smem:$0x7EE]  }
0x1ba: {  	v16 =	vmov s5;
	[sflag:s1] =	ssyncset.done $0x0  }
0x1bb: {  	s7 =	simm.s32 $0x10700;
	p0 =	seq.s32 s11, $0x0;
	v16 =	vand.u32 $0x7F, v16;
	[sflag:s1] =	ssyncadd.s32 $0xFFFFC000  }
0x1bc: {  	v31 =	vbroadcast v16, $0x0;
	[tilespmem:s31], [sflag:$0x4] =	stream.indirect.gather [hbm4b:s6+s29], $0x80, s29, s29, $0xb8;
	[tilespmem:$0x1C700] =	vst v63  }
0x1bd: {  	s14 =	simm.s32 $0x0;
	s8 =	simm.s32 $0x1;
	s0 =	simm.s32 @!p0 $0x5  }
0x1be: {  	v17 =	vmov s14;
	v16 =	vor.u32 v0, v31;
	[tilespmem:s7], [sflag:$0x4] =	stream.indirect.gather [hbm4b:s6+s29], $0x80, s3, s29, $0xb8;
	[tilespmem:$0x1C700] =	vst v63  }
0x1bf: {  	v18 =	vmov s8;
	v17 =	vand.u32 $0x7C, v17;
	_ =	swait.ge @!p0 [sflag:s0], $0x4000  }
0x1c0: {  	s13 =	simm.s32 $0x2;
	v18 =	vand.u32 $0x7D, v18;
	v17 =	vbroadcast v17, $0x0;
	s8 =	sld [smem:$0x7F6]  }
0x1c1: {  	s9 =	sshll.u32 s2, $0x7;
	v19 =	vmov s13;
	v29 =	vbroadcast v18, $0x0;
	[sflag:s0] =	ssyncset.done @!p0 $0x0  }
0x1c2: {  	s12 =	sand.u32 $0x3FFFE000, s9;
	v18 =	vand.u32 $0x7E, v19;
	v20 =	vor.u32 v0, v17;
	[smem:$0x7E5] =	sst s2;
	[sflag:s0] =	ssyncadd.s32 @!p0 $0xFFFFC000  }
0x1c3: {  	v27 =	vbroadcast v18, $0x0;
	v18 =	vor.u32 v0, v29;
	v19 =	vld.idx.msk [tilespmem:v16+s26+$0x0], $0xffff;
	s4 =	sadd.s32 s12, s8  }
0x1c4: {  	v30 =	vld [tilespmem:s4+$0x80]  }
0x1c5: {  	v21 =	vor.u32 v0, v27;
	_ =	sdelay $0x1  }
0x1c6: {  	v22 =	vor.u32 v1, v31;
	v20 =	vld.idx.msk [tilespmem:v20+s26+$0x0], $0xffff  }
0x1c7: {  	s15 =	simm.s32 $0x180;
	s16 =	sand.u32 $0x3800, s14;
	v18 =	vld.idx.msk [tilespmem:v18+s26+$0x0], $0xffff  }
0x1c8: {  	s1 =	sor.u32 $0x14700, s16;
	s0 =	sand.u32 $0x380, s15;
	v16 =	vld [tilespmem:s4+$0xFFFFFF00];
	v19 =	vadd.f32 v19, v30  }
0x1c9: {  	s5 =	sadd.s32 s0, s1;
	v21 =	vld.idx.msk [tilespmem:v21+s26+$0x0], $0xffff  }
0x1ca: {  	v28 =	vld [tilespmem:s4+$0xFFFFFF80];
	[tilespmem:s5+$0x0] =	vst v19  }
0x1cb: {  	v19 =	vor.u32 v1, v17;
	v22 =	vld.idx.msk [tilespmem:v22+s26+$0x0], $0xffff  }
0x1cc: {  	s17 =	simm.s32 $0x0;
	v25 =	vld [tilespmem:s4+$0x0]  }
0x1cd: {  	s0 =	sand.u32 $0x200, s17;
	v20 =	vadd.f32 v20, v16  }
0x1ce: {  	s18 =	simm.s32 $0x80;
	v23 =	vor.u32 v2, v31;
	s3 =	sadd.s32 s0, s1  }
0x1cf: {  	s0 =	sand.u32 $0x280, s18;
	v18 =	vadd.f32 v18, v28;
	[tilespmem:s3+$0x0] =	vst v20;
	v20 =	vor.u32 v1, v27  }
0x1d0: {  	s19 =	simm.s32 $0x100;
	v24 =	vor.u32 v1, v29;
	s2 =	sadd.s32 s0, s1;
	v19 =	vld.idx.msk [tilespmem:v19+s26+$0x0], $0xffff;
	v22 =	vadd.f32 v22, v30  }
0x1d1: {  	s6 =	sand.u32 $0x300, s19;
	v21 =	vadd.f32 v21, v25;
	[tilespmem:s2+$0x0] =	vst v18  }
0x1d2: {  	s0 =	sadd.s32 s6, s1;
	[tilespmem:s5+$0x10] =	vst v22  }
0x1d3: {  	v18 =	vor.u32 v2, v17;
	[tilespmem:s0+$0x0] =	vst v21;
	v22 =	vld.idx.msk [tilespmem:v23+s26+$0x0], $0xffff  }
0x1d4: {  	v20 =	vld.idx.msk [tilespmem:v20+s26+$0x0], $0xffff  }
0x1d5: {  	v23 =	vld.idx.msk [tilespmem:v24+s26+$0x0], $0xffff;
	v19 =	vadd.f32 v19, v16  }
0x1d6: {  	v21 =	vor.u32 v3, v31  }
0x1d7: {  	[tilespmem:s3+$0x10] =	vst v19;
	v19 =	vor.u32 v2, v27  }
0x1d8: {  	v24 =	vor.u32 v2, v29;
	v18 =	vld.idx.msk [tilespmem:v18+s26+$0x0], $0xffff;
	v22 =	vadd.f32 v22, v30  }
0x1d9: {  	v20 =	vadd.f32 v20, v25  }
0x1da: {  	v23 =	vadd.f32 v23, v28;
	[tilespmem:s5+$0x20] =	vst v22  }
0x1db: {  	[tilespmem:s0+$0x10] =	vst v20;
	v22 =	vor.u32 v3, v17;
	v21 =	vld.idx.msk [tilespmem:v21+s26+$0x0], $0xffff  }
0x1dc: {  	[tilespmem:s2+$0x10] =	vst v23;
	v19 =	vld.idx.msk [tilespmem:v19+s26+$0x0], $0xffff  }
0x1dd: {  	v23 =	vld.idx.msk [tilespmem:v24+s26+$0x0], $0xffff;
	v18 =	vadd.f32 v18, v16  }
0x1de: {  	v20 =	vor.u32 v4, v31  }
0x1df: {  	[tilespmem:s3+$0x20] =	vst v18;
	v18 =	vor.u32 v3, v27  }
0x1e0: {  	v24 =	vor.u32 v3, v29;
	v22 =	vld.idx.msk [tilespmem:v22+s26+$0x0], $0xffff;
	v21 =	vadd.f32 v21, v30  }
0x1e1: {  	v19 =	vadd.f32 v19, v25  }
0x1e2: {  	v23 =	vadd.f32 v23, v28;
	[tilespmem:s5+$0x30] =	vst v21  }
0x1e3: {  	v21 =	vor.u32 v4, v17;
	[tilespmem:s0+$0x20] =	vst v19;
	v20 =	vld.idx.msk [tilespmem:v20+s26+$0x0], $0xffff  }
0x1e4: {  	[tilespmem:s2+$0x20] =	vst v23;
	v18 =	vld.idx.msk [tilespmem:v18+s26+$0x0], $0xffff  }
0x1e5: {  	v23 =	vld.idx.msk [tilespmem:v24+s26+$0x0], $0xffff;
	v19 =	vadd.f32 v22, v16  }
0x1e6: {  	v22 =	vor.u32 v5, v31  }
0x1e7: {  	[tilespmem:s3+$0x30] =	vst v19;
	v19 =	vor.u32 v4, v27  }
0x1e8: {  	v24 =	vor.u32 v4, v29;
	v21 =	vld.idx.msk [tilespmem:v21+s26+$0x0], $0xffff;
	v20 =	vadd.f32 v20, v30  }
0x1e9: {  	v18 =	vadd.f32 v18, v25  }
0x1ea: {  	v23 =	vadd.f32 v23, v28;
	[tilespmem:s5+$0x40] =	vst v20  }
0x1eb: {  	v20 =	vor.u32 v5, v17;
	[tilespmem:s0+$0x30] =	vst v18;
	v22 =	vld.idx.msk [tilespmem:v22+s26+$0x0], $0xffff  }
0x1ec: {  	[tilespmem:s2+$0x30] =	vst v23;
	v19 =	vld.idx.msk [tilespmem:v19+s26+$0x0], $0xffff  }
0x1ed: {  	v23 =	vld.idx.msk [tilespmem:v24+s26+$0x0], $0xffff;
	v18 =	vadd.f32 v21, v16;
	_ =	sdelay $0x1  }
0x1ee: {  	s20 =	simm.s32 $0x4;
	v21 =	vor.u32 v6, v31;
	[tilespmem:s3+$0x40] =	vst v18  }
0x1ef: {  	v26 =	vor.u32 v5, v29;
	v24 =	vmov s20;
	v32 =	vld.idx.msk [tilespmem:v20+s26+$0x0], $0xffff;
	v20 =	vadd.f32 v22, v30  }
0x1f0: {  	s21 =	simm.s32 $0x5;
	v18 =	vand.u32 $0x7C, v24;
	v24 =	vor.u32 v5, v27;
	v19 =	vadd.f32 v19, v25  }
0x1f1: {  	v22 =	vmov s21;
	v23 =	vadd.f32 v23, v28;
	[tilespmem:s5+$0x50] =	vst v20  }
0x1f2: {  	v18 =	vbroadcast v18, $0x0;
	v22 =	vand.u32 $0x7D, v22;
	[tilespmem:s0+$0x40] =	vst v19;
	v19 =	vor.u32 v6, v17  }
0x1f3: {  	v20 =	vbroadcast v22, $0x0;
	[tilespmem:s2+$0x40] =	vst v23;
	v21 =	vld.idx.msk [tilespmem:v21+s26+$0x0], $0xffff  }
0x1f4: {  	v33 =	vor.u32 v0, v18;
	v22 =	vld.idx.msk [tilespmem:v26+s26+$0x0], $0xffff;
	v26 =	vadd.f32 v32, v16  }
0x1f5: {  	s23 =	simm.s32 $0x7;
	v34 =	vld.idx.msk [tilespmem:v24+s26+$0x0], $0xffff;
	v23 =	vor.u32 v0, v20  }
0x1f6: {  	v35 =	vmov s23;
	v42 =	vor.u32 v7, v31;
	[tilespmem:s3+$0x50] =	vst v26  }
0x1f7: {  	v35 =	vand.u32 $0x7F, v35;
	v36 =	vor.u32 v6, v29;
	v19 =	vld.idx.msk [tilespmem:v19+s26+$0x0], $0xffff  }
0x1f8: {  	s22 =	simm.s32 $0x6;
	v37 =	vor.u32 v6, v27;
	v26 =	vbroadcast v35, $0x0;
	v21 =	vadd.f32 v21, v30  }
0x1f9: {  	v24 =	vmov s22;
	v33 =	vld.idx.msk [tilespmem:v33+s26+$0x0], $0xffff;
	v22 =	vadd.f32 v22, v28  }
0x1fa: {  	v24 =	vand.u32 $0x7E, v24;
	v38 =	vld.idx.msk [tilespmem:v23+s26+$0x0], $0xffff;
	v23 =	vadd.f32 v34, v25;
	[tilespmem:s5+$0x60] =	vst v21;
	v21 =	vor.u32 v0, v26  }
0x1fb: {  	v24 =	vbroadcast v24, $0x0;
	[tilespmem:s2+$0x50] =	vst v22;
	v22 =	vld.idx.msk [tilespmem:v42+s26+$0x0], $0xffff  }
0x1fc: {  	v44 =	vld.idx.msk [tilespmem:v36+s26+$0x0], $0xffff;
	[tilespmem:s0+$0x50] =	vst v23;
	v23 =	vor.u32 v7, v17;
	v19 =	vadd.f32 v19, v16  }
0x1fd: {  	s12 =	sadd.s32 $0x200, s4;
	v43 =	vor.u32 v0, v24;
	v45 =	vld.idx.msk [tilespmem:v37+s26+$0x0], $0xffff  }
0x1fe: {  	[tilespmem:s3+$0x60] =	vst v19;
	v19 =	vld [tilespmem:s12+$0xFFFFFF00]  }
0x1ff: {  	v47 =	vld.idx.msk [tilespmem:v21+s26+$0x0], $0xffff  }
0x200: {  	v46 =	vor.u32 v8, v31;
	v21 =	vld [tilespmem:s12+$0x80]  }
0x201: {  	v40 =	vor.u32 v7, v29;
	v22 =	vadd.f32 v22, v30;
	v39 =	vld.idx.msk [tilespmem:v23+s26+$0x0], $0xffff  }
0x202: {  	v41 =	vor.u32 v7, v27;
	s17 =	simm.s32 $0x400;
	v35 =	vld.idx.msk [tilespmem:v43+s26+$0x0], $0xffff;
	v23 =	vadd.f32 v44, v28  }
0x203: {  	s9 =	simm.s32 $0x200;
	s24 =	sand.u32 $0x3800, s17;
	v43 =	vor.u32 v1, v18;
	v34 =	vadd.f32 v45, v25;
	[tilespmem:s5+$0x70] =	vst v22;
	v22 =	vld [tilespmem:s12+$0xFFFFFF80]  }
0x204: {  	s16 =	sand.u32 $0x200, s9;
	s25 =	sor.u32 $0x14700, s24;
	s21 =	simm.s32 $0x380;
	v48 =	vor.u32 v1, v26;
	[tilespmem:s2+$0x60] =	vst v23;
	v23 =	vld [tilespmem:s12+$0x0];
	v33 =	vadd.f32 v33, v19  }
0x205: {  	s9 =	sadd.s32 s16, s25;
	s6 =	sand.u32 $0x380, s21;
	v42 =	vor.u32 v8, v17;
	v36 =	vld.idx.msk [tilespmem:v46+s26+$0x0], $0xffff;
	[tilespmem:s0+$0x60] =	vst v34;
	v37 =	vadd.f32 v47, v21  }
0x206: {  	s30 =	sadd.s32 s6, s25;
	v52 =	vor.u32 v1, v20;
	v50 =	vld.idx.msk [tilespmem:v40+s26+$0x0], $0xffff;
	v49 =	vadd.f32 v39, v16;
	[tilespmem:s9+$0x0] =	vst v33  }
0x207: {  	s7 =	sand.u32 $0x7, s14;
	s18 =	simm.s32 $0x280;
	v53 =	vor.u32 v1, v24;
	v41 =	vld.idx.msk [tilespmem:v41+s26+$0x0], $0xffff;
	[tilespmem:s30+$0x0] =	vst v37  }
0x208: {  	v51 =	vor.u32 v9, v31;
	s19 =	simm.s32 $0x300;
	s15 =	sshll.u32 s7, $0x7;
	v43 =	vld.idx.msk [tilespmem:v43+s26+$0x0], $0xffff;
	[tilespmem:s3+$0x70] =	vst v49;
	v38 =	vadd.f32 v38, v22;
	s3 =	sand.u32 $0x280, s18  }
0x209: {  	v54 =	vor.u32 v8, v29;
	s7 =	sand.u32 $0x300, s19;
	s1 =	sadd.s32 $0x0, s15;
	v32 =	vld.idx.msk [tilespmem:v48+s26+$0x0], $0xffff;
	v35 =	vadd.f32 v35, v23;
	s4 =	sadd.s32 s3, s25  }
0x20a: {  	s29 =	sadd.s32 s7, s25;
	s20 =	sadd.s32 $0x180, s1;
	v44 =	vor.u32 v8, v27;
	v36 =	vadd.f32 v36, v30;
	v42 =	vld.idx.msk [tilespmem:v42+s26+$0x0], $0xffff;
	[tilespmem:s4+$0x0] =	vst v38  }
0x20b: {  	v60 =	vor.u32 v2, v18;
	s22 =	sor.u32 $0x400, s20;
	v55 =	vadd.f32 v50, v28;
	[tilespmem:s29+$0x0] =	vst v35;
	v37 =	vld.idx.msk [tilespmem:v52+s26+$0x0], $0xffff  }
0x20c: {  	p1 =	por $0x0, $0x0;
	v56 =	vor.u32 v2, v26;
	s3 =	simm.s32 $0x1;
	v58 =	vadd.f32 v41, v25;
	[tilespmem:s22+$0x14700] =	vst v36;
	v34 =	vld.idx.msk [tilespmem:v53+s26+$0x0], $0xffff  }
0x20d: {  	v59 =	vor.u32 v9, v17;
	s3 =	simm.s32 @!p1 $0x0;
	[tilespmem:s2+$0x70] =	vst v55;
	v57 =	vld.idx.msk [tilespmem:v51+s26+$0x0], $0xffff;
	v48 =	vadd.f32 v43, v19  }
0x20e: {  	v49 =	vor.u32 v2, v20;
	s3 =	sshll.u32 s3, $0x9;
	v33 =	vld.idx.msk [tilespmem:v54+s26+$0x0], $0xffff;
	[tilespmem:s0+$0x70] =	vst v58;
	v32 =	vadd.f32 v32, v21  }
0x20f: {  	v50 =	vor.u32 v2, v24;
	s5 =	sadd.s32 $0x0, s3;
	v63 =	vld.idx.msk [tilespmem:v44+s26+$0x0], $0xffff;
	v61 =	vadd.f32 v42, v16;
	[tilespmem:s9+$0x10] =	vst v48  }
0x210: {  	v62 =	vor.u32 v10, v31;
	s23 =	sor.u32 $0x400, s5;
	[tilespmem:s30+$0x10] =	vst v32;
	v36 =	vld.idx.msk [tilespmem:v60+s26+$0x0], $0xffff;
	v37 =	vadd.f32 v37, v22  }
0x211: {  	s24 =	sand.u32 $0x3, s14;
	v51 =	vor.u32 v9, v29;
	v38 =	vld.idx.msk [tilespmem:v56+s26+$0x0], $0xffff;
	[tilespmem:s23+$0x14700] =	vst v61;
	v34 =	vadd.f32 v34, v23  }
0x212: {  	v52 =	vor.u32 v9, v27;
	s0 =	sshll.u32 s24, $0x8;
	v39 =	vadd.f32 v57, v30;
	v35 =	vld.idx.msk [tilespmem:v59+s26+$0x0], $0xffff;
	[tilespmem:s4+$0x10] =	vst v37  }
0x213: {  	s25 =	sor.u32 $0x410, s20;
	s3 =	sadd.s32 $0x80, s1;
	s0 =	sadd.s32 $0x0, s0;
	v56 =	vor.u32 v3, v18;
	v33 =	vadd.f32 v33, v28;
	[tilespmem:s29+$0x10] =	vst v34;
	v54 =	vld.idx.msk [tilespmem:v49+s26+$0x0], $0xffff  }
0x214: {  	v53 =	vor.u32 v3, v26;
	s2 =	sor.u32 $0x400, s3;
	s6 =	sadd.s32 $0x100, s0;
	v32 =	vadd.f32 v63, v25;
	[tilespmem:s25+$0x14700] =	vst v39;
	v41 =	vld.idx.msk [tilespmem:v50+s26+$0x0], $0xffff  }
0x215: {  	v55 =	vor.u32 v10, v17;
	s7 =	sor.u32 $0x400, s6;
	[tilespmem:s2+$0x14700] =	vst v33;
	v39 =	vld.idx.msk [tilespmem:v62+s26+$0x0], $0xffff;
	v36 =	vadd.f32 v36, v19  }
0x216: {  	v42 =	vld.idx.msk [tilespmem:v51+s26+$0x0], $0xffff;
	[tilespmem:s7+$0x14700] =	vst v32;
	v38 =	vadd.f32 v38, v21  }
0x217: {  	v59 =	vor.u32 v3, v20;
	v58 =	vld.idx.msk [tilespmem:v52+s26+$0x0], $0xffff;
	v35 =	vadd.f32 v35, v16;
	[tilespmem:s9+$0x20] =	vst v36  }
0x218: {  	s15 =	sor.u32 $0x410, s5;
	v57 =	vor.u32 v11, v31;
	[tilespmem:s30+$0x20] =	vst v38;
	v33 =	vld.idx.msk [tilespmem:v56+s26+$0x0], $0xffff;
	v61 =	vadd.f32 v54, v22  }
0x219: {  	v60 =	vor.u32 v3, v24;
	v37 =	vld.idx.msk [tilespmem:v53+s26+$0x0], $0xffff;
	[tilespmem:s15+$0x14700] =	vst v35;
	v41 =	vadd.f32 v41, v23  }
0x21a: {  	v62 =	vor.u32 v10, v29;
	v39 =	vadd.f32 v39, v30;
	v34 =	vld.idx.msk [tilespmem:v55+s26+$0x0], $0xffff;
	[tilespmem:s4+$0x20] =	vst v61  }
0x21b: {  	s16 =	sor.u32 $0x420, s20;
	v63 =	vor.u32 v10, v27;
	v48 =	vadd.f32 v42, v28;
	[tilespmem:s29+$0x20] =	vst v41  }
0x21c: {  	v47 =	vor.u32 v4, v26;
	s18 =	sor.u32 $0x410, s3;
	v38 =	vadd.f32 v58, v25;
	[tilespmem:s16+$0x14700] =	vst v39;
	v49 =	vld.idx.msk [tilespmem:v59+s26+$0x0], $0xffff  }
0x21d: {  	s19 =	sor.u32 $0x410, s6;
	v50 =	vor.u32 v11, v17;
	[tilespmem:s18+$0x14700] =	vst v48;
	v32 =	vld.idx.msk [tilespmem:v57+s26+$0x0], $0xffff;
	v33 =	vadd.f32 v33, v19  }
0x21e: {  	v35 =	vld.idx.msk [tilespmem:v60+s26+$0x0], $0xffff;
	[tilespmem:s19+$0x14700] =	vst v38;
	v37 =	vadd.f32 v37, v21  }
0x21f: {  	v51 =	vor.u32 v4, v18;
	v40 =	vld.idx.msk [tilespmem:v62+s26+$0x0], $0xffff;
	v34 =	vadd.f32 v34, v16;
	[tilespmem:s9+$0x30] =	vst v33  }
0x220: {  	s22 =	sor.u32 $0x420, s5;
	v52 =	vor.u32 v12, v31;
	v53 =	vld.idx.msk [tilespmem:v63+s26+$0x0], $0xffff;
	[tilespmem:s30+$0x30] =	vst v37  }
0x221: {  	v36 =	vld.idx.msk [tilespmem:v47+s26+$0x0], $0xffff;
	[tilespmem:s22+$0x14700] =	vst v34;
	v57 =	vadd.f32 v49, v22  }
0x222: {  	s25 =	sshll.u32 s10, $0x7;
	v54 =	vor.u32 v4, v20;
	v32 =	vadd.f32 v32, v30;
	v41 =	vld.idx.msk [tilespmem:v50+s26+$0x0], $0xffff;
	[smem:$0x7E6] =	sst s10  }
0x223: {  	s24 =	sor.u32 $0x430, s20;
	s2 =	sand.u32 $0x3FFFE000, s25;
	[tilespmem:s4+$0x30] =	vst v57  }
0x224: {  	s23 =	simm.s32 $0x8;
	s0 =	sadd.s32 s2, s8;
	v55 =	vor.u32 v4, v24;
	v35 =	vadd.f32 v35, v23;
	v39 =	vld.idx.msk [tilespmem:v51+s26+$0x0], $0xffff;
	[tilespmem:s24+$0x14700] =	vst v32  }
0x225: {  	v56 =	vmov s23;
	v38 =	vld.idx.msk [tilespmem:v52+s26+$0x0], $0xffff;
	[smem:$0x7E7] =	sst s0  }
0x226: {  	v44 =	vand.u32 $0x7C, v56;
	s18 =	sor.u32 $0x440, s6;
	v40 =	vadd.f32 v40, v28;
	[tilespmem:s29+$0x30] =	vst v35  }
0x227: {  	v58 =	vor.u32 v11, v29;
	s10 =	sor.u32 $0x420, s3;
	v32 =	vbroadcast v44, $0x0;
	v43 =	vld.idx.msk [tilespmem:v54+s26+$0x0], $0xffff;
	[dreg:$0x10] =	wrdreg s18  }
0x228: {  	v45 =	vor.u32 v11, v27;
	s19 =	sor.u32 $0x450, s6;
	[tilespmem:s10+$0x14700] =	vst v40  }
0x229: {  	s22 =	sor.u32 $0x450, s5;
	v37 =	vadd.f32 v53, v25;
	v44 =	vor.u32 v0, v32;
	v34 =	vld.idx.msk [tilespmem:v55+s26+$0x0], $0xffff;
	[dreg:$0xe] =	wrdreg s19  }
0x22a: {  	s7 =	sor.u32 $0x420, s6;
	v59 =	vor.u32 v5, v26;
	[dreg:$0xf] =	wrdreg s22  }
0x22b: {  	s23 =	sor.u32 $0x460, s6;
	v60 =	vor.u32 v12, v17;
	v36 =	vadd.f32 v36, v21;
	[tilespmem:s7+$0x14700] =	vst v37  }
0x22c: {  	v46 =	vor.u32 v5, v18;
	v61 =	vadd.f32 v41, v16;
	v62 =	vld.idx.msk [tilespmem:v58+s26+$0x0], $0xffff;
	[dreg:$0x4] =	wrdreg s23  }
0x22d: {  	s15 =	sor.u32 $0x430, s5;
	v39 =	vadd.f32 v39, v19;
	[tilespmem:s30+$0x40] =	vst v36;
	v63 =	vld.idx.msk [tilespmem:v45+s26+$0x0], $0xffff  }
0x22e: {  	p1 =	por !p1, !p1;
	v53 =	vadd.f32 v38, v30;
	[tilespmem:s15+$0x14700] =	vst v61;
	v40 =	vld.idx.msk [tilespmem:v44+s26+$0x0], $0xffff  }
0x22f: {  	s1 =	sor.u32 $0x440, s5;
	s16 =	sor.u32 $0x470, s5;
	v50 =	vor.u32 v13, v31;
	s10 =	sor.u32 $0x440, s20;
	[tilespmem:s9+$0x40] =	vst v39;
	v52 =	vld.idx.msk [tilespmem:v59+s26+$0x0], $0xffff  }
0x230: {  	s24 =	sand.u32 $0x3, s13;
	s0 =	sor.u32 $0x460, s5;
	s22 =	sor.u32 $0x440, s3;
	[tilespmem:s10+$0x14700] =	vst v53;
	v35 =	vld.idx.msk [tilespmem:v60+s26+$0x0], $0xffff  }
0x231: {  	s5 =	sshll.u32 s24, $0x8;
	s24 =	sor.u32 $0x450, s3;
	v55 =	vadd.f32 v43, v22;
	v44 =	vld.idx.msk [tilespmem:v46+s26+$0x0], $0xffff;
	[dreg:$0x12] =	wrdreg s22  }
0x232: {  	s25 =	simm.s32 $0x9;
	s8 =	simm.s32 $0x1;
	v51 =	vor.u32 v5, v20;
	[dreg:$0x11] =	wrdreg s24  }
0x233: {  	s8 =	simm.s32 @!p1 $0x0;
	v47 =	vor.u32 v5, v24;
	v54 =	vmov s25;
	s25 =	sor.u32 $0x460, s3;
	[tilespmem:s4+$0x40] =	vst v55  }
0x234: {  	s19 =	sor.u32 $0x430, s3;
	s3 =	sor.u32 $0x470, s3;
	v34 =	vadd.f32 v34, v23;
	v37 =	vld.idx.msk [tilespmem:v50+s26+$0x0], $0xffff;
	[dreg:$0xc] =	wrdreg s25  }
0x235: {  	s8 =	sshll.u32 s8, $0x9;
	v61 =	vadd.f32 v62, v28;
	[dreg:$0x3] =	wrdreg s3  }
0x236: {  	s15 =	sadd.s32 $0x400, s8;
	[tilespmem:s29+$0x40] =	vst v34  }
0x237: {  	v56 =	vor.u32 v12, v29;
	s22 =	sor.u32 $0x400, s15;
	v49 =	vld.idx.msk [tilespmem:v51+s26+$0x0], $0xffff;
	[tilespmem:s19+$0x14700] =	vst v61  }
0x238: {  	s24 =	sor.u32 $0x410, s15;
	v50 =	vld.idx.msk [tilespmem:v47+s26+$0x0], $0xffff;
	[dreg:$0xd] =	wrdreg s22  }
0x239: {  	v59 =	vor.u32 v12, v27;
	s25 =	sor.u32 $0x420, s15;
	v36 =	vadd.f32 v63, v25;
	[dreg:$0x9] =	wrdreg s24  }
0x23a: {  	s2 =	sor.u32 $0x430, s6;
	[dreg:$0x5] =	wrdreg s25  }
0x23b: {  	v60 =	vor.u32 v6, v26;
	s7 =	sor.u32 $0x450, s15;
	v57 =	vadd.f32 v52, v21;
	[tilespmem:s2+$0x14700] =	vst v36  }
0x23c: {  	v38 =	vand.u32 $0x7D, v54;
	v52 =	vld.idx.msk [tilespmem:v56+s26+$0x0], $0xffff;
	[dreg:$0x7] =	wrdreg s7  }
0x23d: {  	s5 =	sadd.s32 $0x400, s5;
	v33 =	vbroadcast v38, $0x0;
	s10 =	sshll.u32 s11, $0x1;
	v62 =	vor.u32 v13, v17;
	v35 =	vadd.f32 v35, v16;
	[tilespmem:s30+$0x50] =	vst v57  }
0x23e: {  	s5 =	sadd.s32 $0x100, s5;
	v48 =	vld.idx.msk [tilespmem:v59+s26+$0x0], $0xffff;
	[smem:$0x7E8] =	sst s10  }
0x23f: {  	s8 =	sor.u32 $0x400, s5;
	v63 =	vor.u32 v0, v33;
	[tilespmem:s1+$0x14700] =	vst v35  }
0x240: {  	s2 =	sadd.s32 s28, s10;
	v59 =	vadd.f32 v44, v19;
	s10 =	sor.u32 $0x410, s5;
	v44 =	vld.idx.msk [tilespmem:v60+s26+$0x0], $0xffff;
	[dreg:$0xb] =	wrdreg s8  }
0x241: {  	v58 =	vor.u32 v6, v18;
	s22 =	sor.u32 $0x440, s5;
	[dreg:$0x8] =	wrdreg s10  }
0x242: {  	v47 =	vld.idx.msk [tilespmem:v62+s26+$0x0], $0xffff;
	[dreg:$0xa] =	wrdreg s22  }
0x243: {  	s23 =	sor.u32 $0x470, s6;
	s6 =	sor.u32 $0x450, s5;
	v60 =	vadd.f32 v37, v30;
	[tilespmem:s9+$0x50] =	vst v59  }
0x244: {  	s7 =	sor.u32 $0x450, s20;
	v43 =	vld.idx.msk [tilespmem:v63+s26+$0x0], $0xffff;
	[dreg:$0x6] =	wrdreg s6  }
0x245: {  	v54 =	vor.u32 v14, v31;
	s18 =	sor.u32 $0x460, s15;
	s3 =	simm.s32 $0xA;
	s19 =	sor.u32 $0x440, s15;
	[tilespmem:s7+$0x14700] =	vst v60  }
0x246: {  	v61 =	vmov s3;
	s3 =	simm.s32 $0xC;
	s8 =	sshllo.u32 s11, $0x1;
	v45 =	vld.idx.msk [tilespmem:v58+s26+$0x0], $0xffff;
	[smem:$0x7E9] =	sst s11  }
0x247: {  	v42 =	vor.u32 v6, v20;
	s25 =	sor.u32 $0x430, s15;
	s15 =	sor.u32 $0x470, s15;
	[smem:$0x7EA] =	sst s8  }
0x248: {  	v41 =	vor.u32 v6, v24;
	v51 =	vor.u32 v13, v29;
	s24 =	sor.u32 $0x430, s5;
	v62 =	vadd.f32 v49, v22;
	[smem:$0x7EB] =	sst s2;
	s11 =	sshrl.u32 s2, $0x6  }
0x249: {  	s28 =	sor.u32 $0x420, s5;
	v46 =	vadd.f32 v50, v23;
	v50 =	vor.u32 v13, v27;
	s1 =	simm.s32 $0xB;
	v63 =	vand.u32 $0x7E, v61;
	[smem:$0x7EC] =	sst s11  }
0x24a: {  	s10 =	sor.u32 $0x470, s5;
	v53 =	vadd.f32 v52, v28;
	s22 =	sor.u32 $0x460, s5;
	v49 =	vor.u32 v7, v26;
	v34 =	vbroadcast v63, $0x0;
	s11 =	simm.s32 $0x400;
	[tilespmem:s4+$0x50] =	vst v62;
	v52 =	vld.idx.msk [tilespmem:v54+s26+$0x0], $0xffff  }
.LBB2_3:
0x24b: {  	[dreg:$0x1c] =	wrdreg s23  }
0x24c: {  	[dreg:$0x1b] =	wrdreg s25  }
0x24d: {  	[dreg:$0x15] =	wrdreg s24  }
0x24e: {  	s23 =	rddreg [dreg:$0x12]  }
0x24f: {  	v36 =	vld.idx.msk [tilespmem:v42+s26+$0x0], $0xffff;
	v37 =	vor.u32 v14, v17;
	s25 =	rddreg [dreg:$0xa];
	[tilespmem:s29+$0x50] =	vst v46;
	v38 =	vadd.f32 v48, v25  }
0x250: {  	s24 =	rddreg [dreg:$0x10];
	v39 =	vor.u32 v0, v34;
	v48 =	vadd.f32 v44, v21;
	[tilespmem:s23+$0x14700] =	vst v53;
	s2 =	smov.u32 s25;
	v41 =	vld.idx.msk [tilespmem:v41+s26+$0x0], $0xffff  }
0x251: {  	v35 =	vmov s1;
	v54 =	vor.u32 v7, v18;
	v55 =	vadd.f32 v47, v16;
	v56 =	vld.idx.msk [tilespmem:v51+s26+$0x0], $0xffff;
	[dreg:$0x10] =	wrdreg s2;
	[tilespmem:s24+$0x14700] =	vst v38  }
0x252: {  	v57 =	vor.u32 v15, v31;
	v35 =	vand.u32 $0x7F, v35;
	s2 =	rddreg [dreg:$0xf];
	[tilespmem:s30+$0x60] =	vst v48;
	v38 =	vld.idx.msk [tilespmem:v50+s26+$0x0], $0xffff  }
0x253: {  	v35 =	vbroadcast v35, $0x0;
	v45 =	vadd.f32 v45, v19;
	v49 =	vld.idx.msk [tilespmem:v49+s26+$0x0], $0xffff;
	[tilespmem:s2+$0x14700] =	vst v55  }
0x254: {  	[dreg:$0x1a] =	wrdreg s16;
	v59 =	vadd.f32 v52, v30;
	v37 =	vld.idx.msk [tilespmem:v37+s26+$0x0], $0xffff  }
0x255: {  	[dreg:$0x14] =	wrdreg s10;
	s7 =	sor.u32 $0x460, s20;
	v58 =	vor.u32 v0, v35;
	v39 =	vld.idx.msk [tilespmem:v39+s26+$0x0], $0xffff;
	[tilespmem:s9+$0x60] =	vst v45  }
0x256: {  	[dreg:$0x13] =	wrdreg s15;
	[tilespmem:s7+$0x14700] =	vst v59;
	v44 =	vld.idx.msk [tilespmem:v54+s26+$0x0], $0xffff  }
0x257: {  	v31 =	vmov v26;
	s5 =	rddreg [dreg:$0x7];
	s12 =	sadd.s32 $0x200, s12;
	v61 =	vor.u32 v7, v20;
	v36 =	vadd.f32 v36, v22;
	v42 =	vld.idx.msk [tilespmem:v57+s26+$0x0], $0xffff  }
0x258: {  	s8 =	rddreg [dreg:$0x11];
	v60 =	vor.u32 v8, v31;
	v55 =	vadd.f32 v56, v28;
	v57 =	vld [tilespmem:s12+$0x80]  }
0x259: {  	s10 =	rddreg [dreg:$0xe];
	v26 =	vmov v35;
	v41 =	vadd.f32 v41, v23;
	[tilespmem:s4+$0x60] =	vst v36;
	v35 =	vld [tilespmem:s12+$0xFFFFFF00]  }
0x25a: {  	v63 =	vor.u32 v7, v24;
	s13 =	sadd.s32 $0x2, s13;
	p1 =	por !p1, !p1;
	s15 =	rddreg [dreg:$0x6];
	v56 =	vld.idx.msk [tilespmem:v58+s26+$0x0], $0xffff;
	v62 =	vadd.f32 v49, v21;
	[tilespmem:s8+$0x14700] =	vst v55  }
0x25b: {  	s17 =	sadd.s32 $0x400, s17;
	s21 =	sadd.s32 $0x200, s21;
	s6 =	smov.u32 s5;
	[tilespmem:s29+$0x60] =	vst v41;
	v38 =	vadd.f32 v38, v25;
	v58 =	vor.u32 v14, v29;
	v52 =	vadd.f32 v37, v16;
	v37 =	vld [tilespmem:s12+$0xFFFFFF80]  }
0x25c: {  	s16 =	smov.u32 s15;
	v53 =	vor.u32 v8, v18;
	s15 =	sadd.s32 $0x4, s14;
	[dreg:$0xf] =	wrdreg s6;
	v59 =	vld.idx.msk [tilespmem:v61+s26+$0x0], $0xffff;
	[tilespmem:s30+$0x70] =	vst v62  }
0x25d: {  	[dreg:$0xe] =	wrdreg s16;
	s24 =	sand.u32 $0x3800, s17;
	s2 =	simm.s32 $0x1;
	v54 =	vor.u32 v1, v26;
	[tilespmem:s10+$0x14700] =	vst v38;
	v44 =	vadd.f32 v44, v19;
	v55 =	vld.idx.msk [tilespmem:v60+s26+$0x0], $0xffff  }
0x25e: {  	s6 =	sor.u32 $0x470, s20;
	s25 =	sor.u32 $0x14700, s24;
	s2 =	simm.s32 @!p1 $0x0;
	[tilespmem:s0+$0x14700] =	vst v52;
	v36 =	vld [tilespmem:s12+$0x0];
	v42 =	vadd.f32 v42, v30;
	v60 =	vor.u32 v14, v27  }
0x25f: {  	s23 =	sshll.u32 s2, $0x9;
	s7 =	sadd.s32 $0xFFFFFE80, s21;
	s8 =	sand.u32 $0x380, s21;
	v61 =	vor.u32 v1, v32;
	v48 =	vld.idx.msk [tilespmem:v63+s26+$0x0], $0xffff;
	v45 =	vadd.f32 v56, v57;
	[tilespmem:s9+$0x70] =	vst v44  }
0x260: {  	s7 =	sand.u32 $0x200, s7;
	s30 =	sadd.s32 s8, s25;
	v30 =	vmov v21;
	s9 =	sand.u32 $0x7, s15;
	[tilespmem:s6+$0x14700] =	vst v42;
	v56 =	vor.u32 v1, v33;
	v49 =	vld.idx.msk [tilespmem:v58+s26+$0x0], $0xffff  }
0x261: {  	s10 =	sadd.s32 $0xFFFFFF00, s21;
	s8 =	sadd.s32 $0xFFFFFF80, s21;
	v21 =	vmov v57;
	v40 =	vadd.f32 v40, v35;
	v63 =	vor.u32 v9, v31;
	s0 =	sshll.u32 s9, $0x7;
	v38 =	vld.idx.msk [tilespmem:v53+s26+$0x0], $0xffff;
	[tilespmem:s30+$0x0] =	vst v45  }
0x262: {  	s6 =	sand.u32 $0x280, s10;
	v57 =	vor.u32 v1, v34;
	v58 =	vor.u32 v8, v20;
	v62 =	vadd.f32 v43, v37;
	s9 =	sadd.s32 s7, s25;
	s11 =	sadd.s32 s11, s0;
	v47 =	vld.idx.msk [tilespmem:v54+s26+$0x0], $0xffff  }
0x263: {  	s14 =	sand.u32 $0x300, s8;
	v44 =	vadd.f32 v59, v22;
	[tilespmem:s9+$0x0] =	vst v40;
	s0 =	sadd.s32 s6, s25;
	v50 =	vadd.f32 v55, v30;
	s20 =	sadd.s32 $0x180, s11;
	v46 =	vld.idx.msk [tilespmem:v60+s26+$0x0], $0xffff  }
0x264: {  	s2 =	sadd.s32 s14, s25;
	v59 =	vor.u32 v8, v24;
	v39 =	vadd.f32 v39, v36;
	v41 =	vld.idx.msk [tilespmem:v61+s26+$0x0], $0xffff;
	s14 =	sadd.s32 $0x80, s11;
	[tilespmem:s0+$0x0] =	vst v62;
	s16 =	sor.u32 $0x400, s20  }
0x265: {  	[dreg:$0x16] =	wrdreg s19;
	s19 =	sand.u32 $0x3, s13;
	v61 =	vor.u32 v9, v18;
	s11 =	sor.u32 $0x430, s14;
	[tilespmem:s16+$0x14700] =	vst v50;
	v45 =	vld.idx.msk [tilespmem:v56+s26+$0x0], $0xffff  }
0x266: {  	s5 =	sshll.u32 s19, $0x8;
	v48 =	vadd.f32 v48, v23;
	v62 =	vor.u32 v15, v29;
	[tilespmem:s2+$0x0] =	vst v39;
	[dreg:$0x19] =	wrdreg s11;
	s11 =	sor.u32 $0x440, s14;
	v43 =	vld.idx.msk [tilespmem:v63+s26+$0x0], $0xffff  }
0x267: {  	s19 =	sadd.s32 s17, s5;
	s5 =	sadd.s32 s23, s17;
	v60 =	vor.u32 v2, v26;
	v29 =	vmov v20;
	[tilespmem:s4+$0x70] =	vst v44;
	v38 =	vadd.f32 v38, v19;
	v50 =	vld.idx.msk [tilespmem:v57+s26+$0x0], $0xffff;
	[dreg:$0x12] =	wrdreg s11  }
0x268: {  	s10 =	smov.u32 s18;
	s18 =	sor.u32 $0x400, s5;
	v20 =	vmov v33;
	v54 =	vadd.f32 v49, v28;
	v63 =	vor.u32 v2, v32;
	v40 =	vld.idx.msk [tilespmem:v58+s26+$0x0], $0xffff;
	[tilespmem:s29+$0x70] =	vst v48;
	s11 =	rddreg [dreg:$0xd]  }
0x269: {  	s7 =	sadd.s32 $0x100, s19;
	s16 =	sor.u32 $0x430, s5;
	v57 =	vor.u32 v2, v20;
	v55 =	vld.idx.msk [tilespmem:v59+s26+$0x0], $0xffff;
	v47 =	vadd.f32 v47, v21;
	[tilespmem:s11+$0x14700] =	vst v38;
	s11 =	rddreg [dreg:$0xc]  }
0x26a: {  	s24 =	sor.u32 $0x400, s7;
	v56 =	vor.u32 v10, v31;
	[dreg:$0x1f] =	wrdreg s16;
	s16 =	sor.u32 $0x440, s5;
	v41 =	vadd.f32 v41, v35;
	v39 =	vld.idx.msk [tilespmem:v61+s26+$0x0], $0xffff;
	[tilespmem:s11+$0x14700] =	vst v54  }
0x26b: {  	v58 =	vor.u32 v2, v34;
	s29 =	smov.u32 s2;
	[dreg:$0x18] =	wrdreg s16;
	s16 =	sor.u32 $0x450, s14;
	[tilespmem:s30+$0x10] =	vst v47;
	v59 =	vadd.f32 v45, v37;
	v44 =	vld.idx.msk [tilespmem:v62+s26+$0x0], $0xffff  }
0x26c: {  	s2 =	smov.u32 s18;
	[dreg:$0x11] =	wrdreg s16;
	s16 =	sor.u32 $0x460, s14;
	[tilespmem:s9+$0x10] =	vst v41;
	v62 =	vor.u32 v9, v24;
	v42 =	vld.idx.msk [tilespmem:v60+s26+$0x0], $0xffff;
	v43 =	vadd.f32 v43, v30  }
0x26d: {  	[dreg:$0xc] =	wrdreg s16;
	s16 =	sor.u32 $0x460, s5;
	s11 =	sor.u32 $0x410, s20;
	v60 =	vor.u32 v9, v29;
	v61 =	vld.idx.msk [tilespmem:v63+s26+$0x0], $0xffff;
	v50 =	vadd.f32 v50, v36;
	[tilespmem:s0+$0x10] =	vst v59  }
0x26e: {  	s4 =	smov.u32 s0;
	[dreg:$0xd] =	wrdreg s2;
	v54 =	vor.u32 v15, v27;
	s18 =	smov.u32 s16;
	v33 =	vadd.f32 v55, v23;
	[tilespmem:s11+$0x14700] =	vst v43;
	v52 =	vld.idx.msk [tilespmem:v57+s26+$0x0], $0xffff  }
0x26f: {  	v53 =	vor.u32 v10, v18;
	s16 =	smov.u32 s24;
	v40 =	vadd.f32 v40, v22;
	s0 =	smov.u32 s10;
	s10 =	rddreg [dreg:$0xb];
	[tilespmem:s29+$0x10] =	vst v50;
	v43 =	vld.idx.msk [tilespmem:v56+s26+$0x0], $0xffff  }
0x270: {  	s1 =	sor.u32 $0x400, s14;
	v46 =	vadd.f32 v46, v25;
	v27 =	vmov v24;
	[dreg:$0xb] =	wrdreg s16;
	v38 =	vld.idx.msk [tilespmem:v58+s26+$0x0], $0xffff;
	[tilespmem:s10+$0x14700] =	vst v33  }
0x271: {  	v24 =	vmov v34;
	v63 =	vor.u32 v3, v26;
	s16 =	rddreg [dreg:$0x4];
	[tilespmem:s1+$0x14700] =	vst v40;
	v39 =	vadd.f32 v39, v19;
	v33 =	vld.idx.msk [tilespmem:v62+s26+$0x0], $0xffff  }
0x272: {  	s2 =	rddreg [dreg:$0x9];
	v55 =	vor.u32 v3, v32;
	v59 =	vor.u32 v3, v24;
	[tilespmem:s16+$0x14700] =	vst v46;
	v45 =	vld.idx.msk [tilespmem:v60+s26+$0x0], $0xffff  }
0x273: {  	v56 =	vor.u32 v11, v31;
	v42 =	vadd.f32 v42, v21;
	[tilespmem:s2+$0x14700] =	vst v39;
	v40 =	vld.idx.msk [tilespmem:v54+s26+$0x0], $0xffff  }
0x274: {  	s6 =	sor.u32 $0x430, s7;
	v58 =	vor.u32 v3, v20;
	v57 =	vadd.f32 v61, v35;
	v61 =	vor.u32 v10, v29;
	v39 =	vld.idx.msk [tilespmem:v53+s26+$0x0], $0xffff  }
0x275: {  	s8 =	smov.u32 s22;
	[dreg:$0x17] =	wrdreg s6;
	s6 =	sor.u32 $0x440, s7;
	[tilespmem:s30+$0x20] =	vst v42;
	v42 =	vadd.f32 v44, v28;
	v28 =	vmovc v22;
	v22 =	vmov v37;
	v43 =	vadd.f32 v43, v30  }
0x276: {  	[dreg:$0xa] =	wrdreg s6;
	s6 =	sor.u32 $0x450, s7;
	s24 =	sor.u32 $0x420, s20;
	[tilespmem:s9+$0x20] =	vst v57;
	v57 =	vor.u32 v4, v24;
	v41 =	vld.idx.msk [tilespmem:v63+s26+$0x0], $0xffff;
	v60 =	vadd.f32 v52, v22  }
0x277: {  	s22 =	sor.u32 $0x410, s5;
	[dreg:$0x6] =	wrdreg s6;
	s6 =	sor.u32 $0x450, s5;
	v62 =	vld.idx.msk [tilespmem:v55+s26+$0x0], $0xffff;
	v38 =	vadd.f32 v38, v36;
	v63 =	vor.u32 v10, v27;
	[tilespmem:s24+$0x14700] =	vst v43  }
0x278: {  	[dreg:$0x7] =	wrdreg s6;
	s10 =	smov.u32 s22;
	s22 =	smov.u32 s8;
	v55 =	vor.u32 v11, v18;
	[tilespmem:s4+$0x20] =	vst v60;
	v53 =	vadd.f32 v45, v28;
	v34 =	vld.idx.msk [tilespmem:v56+s26+$0x0], $0xffff  }
0x279: {  	s25 =	sor.u32 $0x410, s14;
	[dreg:$0x4] =	wrdreg s22;
	v52 =	vor.u32 v4, v26;
	v33 =	vadd.f32 v33, v23;
	[tilespmem:s29+$0x20] =	vst v38;
	v54 =	vld.idx.msk [tilespmem:v58+s26+$0x0], $0xffff  }
0x27a: {  	s6 =	sor.u32 $0x460, s7;
	v37 =	vld.idx.msk [tilespmem:v59+s26+$0x0], $0xffff;
	v56 =	vor.u32 v15, v17;
	v39 =	vadd.f32 v39, v19;
	[tilespmem:s25+$0x14700] =	vst v53;
	s25 =	rddreg [dreg:$0x8]  }
0x27b: {  	s23 =	sor.u32 $0x420, s7;
	s22 =	smov.u32 s6;
	s6 =	rddreg [dreg:$0x5];
	v58 =	vor.u32 v4, v32;
	v41 =	vadd.f32 v41, v21;
	v46 =	vld.idx.msk [tilespmem:v61+s26+$0x0], $0xffff;
	[tilespmem:s25+$0x14700] =	vst v33  }
0x27c: {  	[dreg:$0x1e] =	wrdreg s23;
	v59 =	vor.u32 v12, v31;
	v60 =	vadd.f32 v62, v35;
	[tilespmem:s6+$0x14700] =	vst v39;
	v33 =	vld.idx.msk [tilespmem:v63+s26+$0x0], $0xffff  }
0x27d: {  	[dreg:$0x9] =	wrdreg s10;
	v40 =	vadd.f32 v40, v25;
	v61 =	vor.u32 v4, v20;
	v38 =	vld.idx.msk [tilespmem:v55+s26+$0x0], $0xffff;
	[tilespmem:s30+$0x30] =	vst v41  }
0x27e: {  	s23 =	sor.u32 $0x420, s5;
	s10 =	rddreg [dreg:$0x3];
	v25 =	vmovc v23;
	v23 =	vmov v36;
	v17 =	vmov v18;
	[tilespmem:s9+$0x30] =	vst v60;
	v43 =	vld.idx.msk [tilespmem:v52+s26+$0x0], $0xffff;
	v34 =	vadd.f32 v34, v30  }
0x27f: {  	s8 =	smov.u32 s23;
	s23 =	sor.u32 $0x430, s20;
	v18 =	vmovc v32;
	[tilespmem:s10+$0x14700] =	vst v42;
	v62 =	vmov s3;
	v63 =	vadd.f32 v54, v22;
	v52 =	vor.u32 v11, v29;
	v44 =	vld.idx.msk [tilespmem:v56+s26+$0x0], $0xffff  }
0x280: {  	v53 =	vand.u32 $0x7C, v62;
	v55 =	vor.u32 v11, v27;
	v54 =	vld.idx.msk [tilespmem:v58+s26+$0x0], $0xffff;
	v37 =	vadd.f32 v37, v23;
	[tilespmem:s23+$0x14700] =	vst v34  }
0x281: {  	[dreg:$0x1d] =	wrdreg s28;
	s28 =	sor.u32 $0x410, s7;
	v32 =	vbroadcast v53, $0x0;
	v60 =	vor.u32 v12, v17;
	[tilespmem:s4+$0x30] =	vst v63;
	v58 =	vadd.f32 v46, v28;
	v41 =	vld.idx.msk [tilespmem:v59+s26+$0x0], $0xffff  }
0x282: {  	s19 =	sor.u32 $0x420, s14;
	s2 =	smov.u32 s28;
	s24 =	rddreg [dreg:$0x1d];
	v56 =	vor.u32 v5, v26;
	[tilespmem:s29+$0x30] =	vst v37;
	v59 =	vld.idx.msk [tilespmem:v61+s26+$0x0], $0xffff;
	v33 =	vadd.f32 v33, v25  }
0x283: {  	[dreg:$0x8] =	wrdreg s2;
	v61 =	vor.u32 v0, v32;
	v36 =	vld.idx.msk [tilespmem:v57+s26+$0x0], $0xffff;
	v38 =	vadd.f32 v38, v19;
	[tilespmem:s19+$0x14700] =	vst v58  }
0x284: {  	s2 =	rddreg [dreg:$0x1b];
	v62 =	vor.u32 v5, v18;
	v43 =	vadd.f32 v43, v21;
	v45 =	vld.idx.msk [tilespmem:v52+s26+$0x0], $0xffff;
	[tilespmem:s24+$0x14700] =	vst v33  }
0x285: {  	v51 =	vor.u32 v5, v20;
	v63 =	vor.u32 v13, v31;
	[tilespmem:s2+$0x14700] =	vst v38;
	v57 =	vld.idx.msk [tilespmem:v55+s26+$0x0], $0xffff  }
0x286: {  	s14 =	sor.u32 $0x470, s14;
	s10 =	rddreg [dreg:$0x1c];
	v49 =	vadd.f32 v44, v16;
	v50 =	vadd.f32 v54, v35;
	v37 =	vld.idx.msk [tilespmem:v60+s26+$0x0], $0xffff;
	[tilespmem:s30+$0x40] =	vst v43  }
0x287: {  	[dreg:$0x5] =	wrdreg s8;
	s16 =	smov.u32 s14;
	s8 =	sadd.s32 $0x1, s3;
	v52 =	vor.u32 v5, v24;
	[tilespmem:s10+$0x14700] =	vst v40;
	v34 =	vld.idx.msk [tilespmem:v56+s26+$0x0], $0xffff;
	v53 =	vadd.f32 v41, v30  }
0x288: {  	[dreg:$0x3] =	wrdreg s16;
	s16 =	sor.u32 $0x440, s20;
	v54 =	vmov s8;
	v40 =	vld.idx.msk [tilespmem:v61+s26+$0x0], $0xffff;
	[tilespmem:s9+$0x40] =	vst v50;
	v55 =	vadd.f32 v59, v22;
	v56 =	vor.u32 v12, v29  }
0x289: {  	s14 =	smov.u32 s15;
	s15 =	rddreg [dreg:$0x14];
	v58 =	vand.u32 $0x7D, v54;
	v36 =	vadd.f32 v36, v23;
	v59 =	vor.u32 v12, v27;
	v41 =	vld.idx.msk [tilespmem:v62+s26+$0x0], $0xffff;
	[tilespmem:s16+$0x14700] =	vst v53  }
0x28a: {  	s25 =	rddreg [dreg:$0x1e];
	v60 =	vor.u32 v6, v26;
	v33 =	vbroadcast v58, $0x0;
	[tilespmem:s4+$0x40] =	vst v55;
	v61 =	vadd.f32 v45, v28;
	v62 =	vld.idx.msk [tilespmem:v63+s26+$0x0], $0xffff  }
0x28b: {  	s19 =	rddreg [dreg:$0x19];
	v16 =	vmov v19;
	[tilespmem:s29+$0x40] =	vst v36;
	v39 =	vld.idx.msk [tilespmem:v51+s26+$0x0], $0xffff;
	v63 =	vor.u32 v13, v17;
	v43 =	vadd.f32 v57, v25  }
0x28c: {  	p2 =	slt.u32 s3, $0x3C;
	s7 =	sor.u32 $0x470, s7;
	v19 =	vmov v35;
	s24 =	rddreg [dreg:$0x15];
	v57 =	vor.u32 v0, v33;
	v35 =	vld.idx.msk [tilespmem:v52+s26+$0x0], $0xffff;
	[tilespmem:s19+$0x14700] =	vst v61;
	v34 =	vadd.f32 v34, v21  }
0x28d: {  	s5 =	sor.u32 $0x470, s5;
	s11 =	smov.u32 s17;
	s6 =	rddreg [dreg:$0x1f];
	v58 =	vor.u32 v6, v18;
	v37 =	vadd.f32 v37, v16;
	v53 =	vld.idx.msk [tilespmem:v56+s26+$0x0], $0xffff;
	[tilespmem:s24+$0x14700] =	vst v43  }
0x28e: {  	s28 =	smov.u32 s25;
	s25 =	smov.u32 s6;
	s6 =	rddreg [dreg:$0x16];
	v54 =	vor.u32 v14, v31;
	v48 =	vld.idx.msk [tilespmem:v59+s26+$0x0], $0xffff;
	[tilespmem:s30+$0x50] =	vst v34  }
.Ltmp2:
0x28f: {  	s1 =	sadd.s32 $0x3, s3;
	v42 =	vor.u32 v6, v20;
	[tilespmem:s6+$0x14700] =	vst v37;
	s6 =	rddreg [dreg:$0x1a];
	v59 =	vadd.f32 v41, v19;
	v44 =	vld.idx.msk [tilespmem:v60+s26+$0x0], $0xffff;
	(pc) =	sbr.rel @p2 .LBB2_3-.Ltmp2, $4  }
0x290: {  	s23 =	smov.u32 s15;
	s2 =	rddreg [dreg:$0x17];
	s8 =	sadd.s32 $0x2, s3;
	v50 =	vor.u32 v13, v27;
	v47 =	vld.idx.msk [tilespmem:v63+s26+$0x0], $0xffff;
	v60 =	vadd.f32 v62, v30;
	[tilespmem:s6+$0x14700] =	vst v49  }
0x291: {  	s10 =	smov.u32 s7;
	s7 =	rddreg [dreg:$0x18];
	v51 =	vor.u32 v13, v29;
	v61 =	vmov s8;
	s8 =	sor.u32 $0x450, s20;
	v43 =	vld.idx.msk [tilespmem:v57+s26+$0x0], $0xffff;
	v62 =	vadd.f32 v39, v22;
	[tilespmem:s9+$0x50] =	vst v59  }
0x292: {  	s15 =	smov.u32 s5;
	s19 =	smov.u32 s7;
	s7 =	rddreg [dreg:$0x13];
	v41 =	vor.u32 v6, v24;
	v63 =	vand.u32 $0x7E, v61;
	v46 =	vadd.f32 v35, v23;
	v45 =	vld.idx.msk [tilespmem:v58+s26+$0x0], $0xffff;
	[tilespmem:s8+$0x14700] =	vst v60  }
0x293: {  	s3 =	sadd.s32 $0x4, s3;
	s24 =	smov.u32 s2;
	s16 =	smov.u32 s7;
	v49 =	vor.u32 v7, v26;
	v34 =	vbroadcast v63, $0x0;
	[tilespmem:s4+$0x50] =	vst v62;
	v53 =	vadd.f32 v53, v28;
	v52 =	vld.idx.msk [tilespmem:v54+s26+$0x0], $0xffff  }
0x294: {  	v35 =	vmov s1  }
0x295: {  	v35 =	vand.u32 $0x7F, v35  }
0x296: {  	v39 =	vbroadcast v35, $0x0;
	_ =	sdelay $0x1  }
0x297: {  	v36 =	vor.u32 v0, v39  }
0x298: {  	s12 =	sadd.s32 $0x200, s12;
	v59 =	vor.u32 v0, v34  }
0x299: {  	v38 =	vld [tilespmem:s12+$0x80]  }
0x29a: {  	v35 =	vld [tilespmem:s12+$0xFFFFFF00]  }
0x29b: {  	v37 =	vld [tilespmem:s12+$0xFFFFFF80]  }
0x29c: {  	v55 =	vld.idx.msk [tilespmem:v36+s26+$0x0], $0xffff  }
0x29d: {  	s3 =	sadd.s32 $0x400, s17;
	s21 =	sadd.s32 $0x200, s21;
	v54 =	vld.idx.msk [tilespmem:v59+s26+$0x0], $0xffff;
	v59 =	vor.u32 v1, v32  }
0x29e: {  	v57 =	vor.u32 v1, v33;
	s2 =	sand.u32 $0x3800, s3;
	s1 =	sadd.s32 $0xFFFFFE80, s21;
	v36 =	vld [tilespmem:s12+$0x0]  }
0x29f: {  	s6 =	sadd.s32 $0xFFFFFF00, s21;
	s2 =	sor.u32 $0x14700, s2;
	s1 =	sand.u32 $0x200, s1;
	v56 =	vor.u32 v1, v39;
	v40 =	vadd.f32 v40, v35  }
0x2a0: {  	s6 =	sand.u32 $0x280, s6;
	v43 =	vadd.f32 v43, v37;
	s12 =	sadd.s32 s1, s2  }
0x2a1: {  	v58 =	vor.u32 v1, v34;
	s5 =	sand.u32 $0x380, s21;
	s8 =	sadd.s32 s6, s2;
	[tilespmem:s12+$0x0] =	vst v40;
	v55 =	vadd.f32 v55, v38  }
0x2a2: {  	s7 =	sadd.s32 $0xFFFFFF80, s21;
	s5 =	sadd.s32 s5, s2;
	[tilespmem:s8+$0x0] =	vst v43;
	v60 =	vld.idx.msk [tilespmem:v59+s26+$0x0], $0xffff  }
0x2a3: {  	s7 =	sand.u32 $0x300, s7;
	v43 =	vld.idx.msk [tilespmem:v57+s26+$0x0], $0xffff;
	v54 =	vadd.f32 v54, v36;
	[tilespmem:s5+$0x0] =	vst v55  }
0x2a4: {  	s6 =	sadd.s32 s7, s2;
	v55 =	vld.idx.msk [tilespmem:v56+s26+$0x0], $0xffff  }
0x2a5: {  	v63 =	vor.u32 v2, v32;
	[tilespmem:s6+$0x0] =	vst v54  }
0x2a6: {  	v40 =	vld.idx.msk [tilespmem:v58+s26+$0x0], $0xffff  }
0x2a7: {  	v61 =	vor.u32 v2, v39;
	v60 =	vadd.f32 v60, v35  }
0x2a8: {  	v57 =	vor.u32 v2, v33;
	v43 =	vadd.f32 v43, v37  }
0x2a9: {  	v62 =	vor.u32 v2, v34;
	[tilespmem:s12+$0x10] =	vst v60;
	v55 =	vadd.f32 v55, v38  }
0x2aa: {  	[tilespmem:s8+$0x10] =	vst v43;
	v43 =	vld.idx.msk [tilespmem:v63+s26+$0x0], $0xffff  }
0x2ab: {  	v40 =	vadd.f32 v40, v36;
	[tilespmem:s5+$0x10] =	vst v55  }
0x2ac: {  	v61 =	vld.idx.msk [tilespmem:v61+s26+$0x0], $0xffff  }
0x2ad: {  	v55 =	vld.idx.msk [tilespmem:v57+s26+$0x0], $0xffff;
	[tilespmem:s6+$0x10] =	vst v40  }
0x2ae: {  	v40 =	vld.idx.msk [tilespmem:v62+s26+$0x0], $0xffff  }
0x2af: {  	v43 =	vadd.f32 v43, v35;
	v62 =	vor.u32 v3, v39;
	s2 =	rddreg [dreg:$0x12]  }
0x2b0: {  	v48 =	vadd.f32 v48, v25;
	v63 =	vor.u32 v3, v33;
	[tilespmem:s2+$0x14700] =	vst v53  }
0x2b1: {  	v60 =	vor.u32 v3, v34;
	s1 =	rddreg [dreg:$0x10];
	[tilespmem:s12+$0x20] =	vst v43;
	v59 =	vadd.f32 v61, v38  }
0x2b2: {  	[tilespmem:s1+$0x14700] =	vst v48;
	v55 =	vadd.f32 v55, v37;
	v61 =	vor.u32 v3, v32  }
0x2b3: {  	v51 =	vld.idx.msk [tilespmem:v51+s26+$0x0], $0xffff;
	v40 =	vadd.f32 v40, v36;
	[tilespmem:s5+$0x20] =	vst v59  }
0x2b4: {  	[tilespmem:s8+$0x20] =	vst v55;
	v55 =	vadd.f32 v44, v21;
	v53 =	vld.idx.msk [tilespmem:v62+s26+$0x0], $0xffff  }
0x2b5: {  	[tilespmem:s6+$0x20] =	vst v40;
	v62 =	vadd.f32 v47, v16;
	v47 =	vld.idx.msk [tilespmem:v63+s26+$0x0], $0xffff  }
0x2b6: {  	v63 =	vadd.f32 v52, v30;
	v52 =	vld.idx.msk [tilespmem:v60+s26+$0x0], $0xffff;
	s1 =	rddreg [dreg:$0xf];
	[tilespmem:s30+$0x60] =	vst v55  }
0x2b7: {  	s7 =	sor.u32 $0x460, s20;
	v56 =	vor.u32 v4, v39;
	[tilespmem:s1+$0x14700] =	vst v62;
	v44 =	vld.idx.msk [tilespmem:v61+s26+$0x0], $0xffff  }
0x2b8: {  	v57 =	vld.idx.msk [tilespmem:v50+s26+$0x0], $0xffff;
	v58 =	vadd.f32 v51, v28;
	v59 =	vor.u32 v4, v33;
	[tilespmem:s7+$0x14700] =	vst v63  }
0x2b9: {  	v49 =	vld.idx.msk [tilespmem:v49+s26+$0x0], $0xffff;
	v61 =	vor.u32 v4, v34;
	s1 =	rddreg [dreg:$0x11];
	v60 =	vadd.f32 v53, v38  }
0x2ba: {  	v62 =	vor.u32 v4, v32;
	[tilespmem:s1+$0x14700] =	vst v58;
	v47 =	vadd.f32 v47, v37  }
0x2bb: {  	v63 =	vor.u32 v14, v17;
	v52 =	vadd.f32 v52, v36;
	[tilespmem:s5+$0x30] =	vst v60  }
0x2bc: {  	v55 =	vor.u32 v7, v18;
	[tilespmem:s8+$0x30] =	vst v47;
	v44 =	vadd.f32 v44, v35;
	v48 =	vld.idx.msk [tilespmem:v56+s26+$0x0], $0xffff  }
0x2bd: {  	v45 =	vadd.f32 v45, v19;
	[tilespmem:s6+$0x30] =	vst v52;
	v51 =	vld.idx.msk [tilespmem:v59+s26+$0x0], $0xffff  }
0x2be: {  	v43 =	vadd.f32 v57, v25;
	v57 =	vadd.f32 v49, v21;
	v56 =	vld.idx.msk [tilespmem:v61+s26+$0x0], $0xffff;
	[tilespmem:s12+$0x30] =	vst v44  }
0x2bf: {  	v59 =	vor.u32 v5, v39;
	s1 =	rddreg [dreg:$0xe];
	v58 =	vld.idx.msk [tilespmem:v62+s26+$0x0], $0xffff;
	[tilespmem:s9+$0x60] =	vst v45  }
0x2c0: {  	v40 =	vld.idx.msk [tilespmem:v63+s26+$0x0], $0xffff;
	v60 =	vor.u32 v5, v33;
	[tilespmem:s30+$0x70] =	vst v57  }
0x2c1: {  	v63 =	vor.u32 v5, v34;
	[tilespmem:s29+$0x50] =	vst v46;
	v61 =	vld.idx.msk [tilespmem:v55+s26+$0x0], $0xffff;
	v62 =	vadd.f32 v48, v38  }
0x2c2: {  	v42 =	vld.idx.msk [tilespmem:v42+s26+$0x0], $0xffff;
	v54 =	vor.u32 v5, v32;
	[tilespmem:s1+$0x14700] =	vst v43;
	v51 =	vadd.f32 v51, v37  }
0x2c3: {  	v41 =	vld.idx.msk [tilespmem:v41+s26+$0x0], $0xffff;
	v55 =	vor.u32 v8, v26;
	v44 =	vadd.f32 v56, v36;
	[tilespmem:s5+$0x40] =	vst v62  }
0x2c4: {  	v31 =	vor.u32 v15, v31;
	v49 =	vadd.f32 v58, v35;
	[tilespmem:s8+$0x40] =	vst v51;
	v50 =	vld.idx.msk [tilespmem:v59+s26+$0x0], $0xffff  }
0x2c5: {  	v40 =	vadd.f32 v40, v16;
	v56 =	vor.u32 v7, v20;
	[tilespmem:s6+$0x40] =	vst v44;
	v45 =	vld.idx.msk [tilespmem:v60+s26+$0x0], $0xffff  }
0x2c6: {  	v57 =	vor.u32 v7, v24;
	v43 =	vadd.f32 v61, v19;
	v48 =	vld.idx.msk [tilespmem:v63+s26+$0x0], $0xffff;
	[tilespmem:s12+$0x40] =	vst v49  }
0x2c7: {  	[tilespmem:s0+$0x14700] =	vst v40;
	v58 =	vadd.f32 v42, v22;
	v60 =	vor.u32 v6, v39;
	v59 =	vld.idx.msk [tilespmem:v54+s26+$0x0], $0xffff  }
0x2c8: {  	v41 =	vadd.f32 v41, v23;
	v61 =	vld.idx.msk [tilespmem:v55+s26+$0x0], $0xffff;
	[tilespmem:s9+$0x70] =	vst v43;
	v43 =	vor.u32 v6, v33  }
0x2c9: {  	s2 =	sadd.s32 $0x4, s14;
	v31 =	vld.idx.msk [tilespmem:v31+s26+$0x0], $0xffff;
	v63 =	vor.u32 v6, v34;
	[tilespmem:s4+$0x60] =	vst v58;
	v62 =	vadd.f32 v50, v38  }
0x2ca: {  	s14 =	sand.u32 $0x7, s2;
	v55 =	vor.u32 v6, v32;
	[tilespmem:s29+$0x60] =	vst v41;
	v54 =	vld.idx.msk [tilespmem:v56+s26+$0x0], $0xffff;
	v45 =	vadd.f32 v45, v37  }
0x2cb: {  	s0 =	sshll.u32 s14, $0x7;
	v56 =	vor.u32 v8, v18;
	v44 =	vld.idx.msk [tilespmem:v57+s26+$0x0], $0xffff;
	v57 =	vadd.f32 v48, v36;
	[tilespmem:s5+$0x50] =	vst v62  }
0x2cc: {  	s17 =	sadd.s32 s11, s0;
	v58 =	vor.u32 v14, v29;
	v42 =	vadd.f32 v59, v35;
	[tilespmem:s8+$0x50] =	vst v45;
	v46 =	vld.idx.msk [tilespmem:v60+s26+$0x0], $0xffff  }
0x2cd: {  	s0 =	sadd.s32 $0x180, s17;
	v40 =	vadd.f32 v61, v21;
	[tilespmem:s6+$0x50] =	vst v57;
	v60 =	vor.u32 v9, v26;
	v43 =	vld.idx.msk [tilespmem:v43+s26+$0x0], $0xffff  }
0x2ce: {  	s21 =	sor.u32 $0x400, s0;
	v61 =	vor.u32 v8, v20;
	v59 =	vadd.f32 v31, v30;
	v62 =	vld.idx.msk [tilespmem:v63+s26+$0x0], $0xffff;
	[tilespmem:s12+$0x50] =	vst v42  }
0x2cf: {  	s20 =	sor.u32 $0x470, s20;
	[tilespmem:s21+$0x14700] =	vst v40;
	v63 =	vadd.f32 v54, v22;
	v52 =	vld.idx.msk [tilespmem:v55+s26+$0x0], $0xffff  }
0x2d0: {  	v53 =	vor.u32 v7, v39;
	v54 =	vld.idx.msk [tilespmem:v56+s26+$0x0], $0xffff;
	v44 =	vadd.f32 v44, v23;
	[tilespmem:s20+$0x14700] =	vst v59  }
0x2d1: {  	v56 =	vld.idx.msk [tilespmem:v58+s26+$0x0], $0xffff;
	v55 =	vor.u32 v7, v33;
	[tilespmem:s4+$0x70] =	vst v63;
	v46 =	vadd.f32 v46, v38  }
0x2d2: {  	v57 =	vor.u32 v7, v34;
	[tilespmem:s29+$0x70] =	vst v44;
	v31 =	vld.idx.msk [tilespmem:v60+s26+$0x0], $0xffff;
	v43 =	vadd.f32 v43, v37  }
0x2d3: {  	v58 =	vor.u32 v7, v32;
	v45 =	vld.idx.msk [tilespmem:v61+s26+$0x0], $0xffff;
	v42 =	vadd.f32 v62, v36;
	[tilespmem:s5+$0x60] =	vst v46  }
0x2d4: {  	v61 =	vor.u32 v14, v27;
	v41 =	vadd.f32 v52, v35;
	[tilespmem:s8+$0x60] =	vst v43  }
0x2d5: {  	v59 =	vor.u32 v8, v24;
	[tilespmem:s6+$0x60] =	vst v42;
	v47 =	vld.idx.msk [tilespmem:v53+s26+$0x0], $0xffff  }
0x2d6: {  	v40 =	vadd.f32 v54, v19;
	v62 =	vld.idx.msk [tilespmem:v55+s26+$0x0], $0xffff;
	[tilespmem:s12+$0x60] =	vst v41  }
0x2d7: {  	v60 =	vor.u32 v9, v18;
	v52 =	vld.idx.msk [tilespmem:v57+s26+$0x0], $0xffff;
	s4 =	rddreg [dreg:$0xd];
	v31 =	vadd.f32 v31, v21  }
0x2d8: {  	s1 =	sadd.s32 $0x80, s17;
	s9 =	sor.u32 $0x410, s0;
	v63 =	vor.u32 v10, v26;
	v45 =	vadd.f32 v45, v22;
	v53 =	vld.idx.msk [tilespmem:v58+s26+$0x0], $0xffff;
	[tilespmem:s4+$0x14700] =	vst v40  }
0x2d9: {  	s11 =	sor.u32 $0x400, s1;
	v30 =	vadd.f32 v56, v28;
	v43 =	vld.idx.msk [tilespmem:v61+s26+$0x0], $0xffff;
	v61 =	vor.u32 v9, v20;
	s4 =	rddreg [dreg:$0xc];
	[tilespmem:s9+$0x14700] =	vst v31  }
0x2da: {  	v55 =	vld.idx.msk [tilespmem:v59+s26+$0x0], $0xffff;
	[tilespmem:s11+$0x14700] =	vst v45;
	v58 =	vadd.f32 v47, v38  }
0x2db: {  	v54 =	vor.u32 v8, v39;
	[tilespmem:s4+$0x14700] =	vst v30;
	v42 =	vadd.f32 v62, v37  }
0x2dc: {  	v56 =	vor.u32 v8, v33;
	v57 =	vld.idx.msk [tilespmem:v60+s26+$0x0], $0xffff;
	v41 =	vadd.f32 v52, v36;
	[tilespmem:s5+$0x70] =	vst v58  }
0x2dd: {  	v59 =	vor.u32 v8, v34;
	v49 =	vld.idx.msk [tilespmem:v63+s26+$0x0], $0xffff;
	[tilespmem:s8+$0x70] =	vst v42;
	v40 =	vadd.f32 v53, v35  }
0x2de: {  	v60 =	vor.u32 v8, v32;
	v46 =	vld.idx.msk [tilespmem:v61+s26+$0x0], $0xffff;
	[tilespmem:s6+$0x70] =	vst v41  }
0x2df: {  	v30 =	vadd.f32 v55, v23;
	[tilespmem:s12+$0x70] =	vst v40  }
0x2e0: {  	s2 =	sadd.s32 $0x4, s2;
	v62 =	vor.u32 v9, v24;
	v44 =	vld.idx.msk [tilespmem:v54+s26+$0x0], $0xffff;
	s5 =	rddreg [dreg:$0xb]  }
0x2e1: {  	p1 =	por !p1, !p1;
	s2 =	sand.u32 $0x7, s2;
	v48 =	vld.idx.msk [tilespmem:v56+s26+$0x0], $0xffff;
	v31 =	vadd.f32 v57, v19;
	[tilespmem:s5+$0x14700] =	vst v30  }
0x2e2: {  	s2 =	sshll.u32 s2, $0x7;
	s17 =	sor.u32 $0x420, s0;
	v63 =	vor.u32 v10, v18;
	v53 =	vld.idx.msk [tilespmem:v59+s26+$0x0], $0xffff;
	v57 =	vadd.f32 v49, v21;
	s6 =	rddreg [dreg:$0x9]  }
0x2e3: {  	v17 =	vor.u32 v15, v17;
	s9 =	sor.u32 $0x410, s1;
	s12 =	sadd.s32 $0x2, s13;
	s13 =	sadd.s32 s3, s2;
	v55 =	vld.idx.msk [tilespmem:v60+s26+$0x0], $0xffff;
	v46 =	vadd.f32 v46, v22;
	[tilespmem:s6+$0x14700] =	vst v31  }
0x2e4: {  	v52 =	vor.u32 v15, v29;
	v54 =	vadd.f32 v43, v25;
	s4 =	sand.u32 $0x3, s12;
	s2 =	sadd.s32 $0x180, s13;
	s14 =	rddreg [dreg:$0x4];
	[tilespmem:s17+$0x14700] =	vst v57  }
0x2e5: {  	v56 =	vor.u32 v9, v39;
	s5 =	simm.s32 $0x1;
	s4 =	sshll.u32 s4, $0x8;
	s21 =	sor.u32 $0x400, s2;
	v42 =	vld.idx.msk [tilespmem:v62+s26+$0x0], $0xffff;
	v59 =	vadd.f32 v44, v38;
	[tilespmem:s9+$0x14700] =	vst v46  }
0x2e6: {  	v58 =	vor.u32 v9, v33;
	s5 =	simm.s32 @!p1 $0x0;
	s20 =	sadd.s32 s3, s4;
	s4 =	sadd.s32 $0x80, s13;
	v48 =	vadd.f32 v48, v37;
	[tilespmem:s14+$0x14700] =	vst v54  }
0x2e7: {  	v60 =	vor.u32 v9, v34;
	s5 =	sshll.u32 s5, $0x9;
	s6 =	sadd.s32 $0x100, s20;
	s29 =	sor.u32 $0x400, s4;
	v41 =	vld.idx.msk [tilespmem:v63+s26+$0x0], $0xffff;
	v63 =	vadd.f32 v53, v36;
	[tilespmem:s21+$0x14700] =	vst v59  }
0x2e8: {  	v17 =	vld.idx.msk [tilespmem:v17+s26+$0x0], $0xffff;
	v62 =	vor.u32 v11, v26;
	s3 =	sadd.s32 s5, s3;
	s7 =	sor.u32 $0x400, s6;
	[tilespmem:s29+$0x14700] =	vst v48;
	v43 =	vadd.f32 v55, v35  }
0x2e9: {  	v61 =	vor.u32 v9, v32;
	v29 =	vld.idx.msk [tilespmem:v52+s26+$0x0], $0xffff;
	s8 =	sor.u32 $0x400, s3;
	[tilespmem:s7+$0x14700] =	vst v63  }
0x2ea: {  	v48 =	vor.u32 v10, v20;
	v45 =	vld.idx.msk [tilespmem:v56+s26+$0x0], $0xffff;
	[tilespmem:s8+$0x14700] =	vst v43;
	v42 =	vadd.f32 v42, v23  }
0x2eb: {  	v50 =	vor.u32 v10, v24;
	v47 =	vld.idx.msk [tilespmem:v58+s26+$0x0], $0xffff;
	s5 =	rddreg [dreg:$0x8]  }
0x2ec: {  	v51 =	vor.u32 v11, v18;
	v44 =	vld.idx.msk [tilespmem:v60+s26+$0x0], $0xffff;
	v41 =	vadd.f32 v41, v19;
	[tilespmem:s5+$0x14700] =	vst v42  }
0x2ed: {  	v52 =	vor.u32 v10, v39;
	v54 =	vld.idx.msk [tilespmem:v62+s26+$0x0], $0xffff;
	s5 =	rddreg [dreg:$0x5]  }
0x2ee: {  	v53 =	vadd.f32 v29, v28;
	v55 =	vor.u32 v10, v33;
	v31 =	vld.idx.msk [tilespmem:v61+s26+$0x0], $0xffff;
	[tilespmem:s5+$0x14700] =	vst v41  }
0x2ef: {  	v59 =	vor.u32 v15, v27;
	v40 =	vld.idx.msk [tilespmem:v48+s26+$0x0], $0xffff;
	v56 =	vadd.f32 v45, v38;
	s5 =	rddreg [dreg:$0x3]  }
0x2f0: {  	s11 =	sor.u32 $0x410, s2;
	v57 =	vor.u32 v10, v34;
	v30 =	vld.idx.msk [tilespmem:v50+s26+$0x0], $0xffff;
	v47 =	vadd.f32 v47, v37;
	[tilespmem:s5+$0x14700] =	vst v53  }
0x2f1: {  	s12 =	sor.u32 $0x410, s4;
	v58 =	vor.u32 v10, v32;
	v43 =	vld.idx.msk [tilespmem:v51+s26+$0x0], $0xffff;
	v60 =	vadd.f32 v44, v36;
	[tilespmem:s11+$0x14700] =	vst v56  }
0x2f2: {  	s13 =	sor.u32 $0x410, s6;
	v63 =	vor.u32 v12, v26;
	v29 =	vadd.f32 v54, v21;
	[tilespmem:s12+$0x14700] =	vst v47;
	v46 =	vld.idx.msk [tilespmem:v52+s26+$0x0], $0xffff  }
0x2f3: {  	s17 =	sor.u32 $0x430, s0;
	v61 =	vor.u32 v11, v20;
	v31 =	vadd.f32 v31, v35;
	[tilespmem:s13+$0x14700] =	vst v60;
	v42 =	vld.idx.msk [tilespmem:v55+s26+$0x0], $0xffff  }
0x2f4: {  	s14 =	sor.u32 $0x410, s3;
	v62 =	vor.u32 v11, v24;
	v27 =	vld.idx.msk [tilespmem:v59+s26+$0x0], $0xffff;
	[tilespmem:s17+$0x14700] =	vst v29;
	v48 =	vadd.f32 v40, v22  }
0x2f5: {  	s20 =	sor.u32 $0x420, s1;
	v51 =	vor.u32 v11, v39;
	[tilespmem:s14+$0x14700] =	vst v31;
	v49 =	vld.idx.msk [tilespmem:v57+s26+$0x0], $0xffff;
	v50 =	vadd.f32 v30, v23  }
0x2f6: {  	v53 =	vor.u32 v11, v33;
	v28 =	vld.idx.msk [tilespmem:v58+s26+$0x0], $0xffff;
	[tilespmem:s20+$0x14700] =	vst v48;
	v52 =	vadd.f32 v43, v19  }
0x2f7: {  	v59 =	vor.u32 v12, v18;
	v58 =	vld.idx.msk [tilespmem:v63+s26+$0x0], $0xffff;
	[tilespmem:s28+$0x14700] =	vst v50;
	v55 =	vadd.f32 v46, v38  }
0x2f8: {  	s21 =	sor.u32 $0x420, s2;
	v56 =	vor.u32 v11, v34;
	v54 =	vld.idx.msk [tilespmem:v61+s26+$0x0], $0xffff;
	[tilespmem:s25+$0x14700] =	vst v52;
	v42 =	vadd.f32 v42, v37  }
0x2f9: {  	v57 =	vor.u32 v11, v32;
	v41 =	vld.idx.msk [tilespmem:v62+s26+$0x0], $0xffff;
	s25 =	sor.u32 $0x420, s4;
	[tilespmem:s21+$0x14700] =	vst v55  }
0x2fa: {  	v40 =	vadd.f32 v49, v36;
	[tilespmem:s25+$0x14700] =	vst v42;
	v30 =	vld.idx.msk [tilespmem:v51+s26+$0x0], $0xffff  }
0x2fb: {  	v60 =	vor.u32 v12, v20;
	s28 =	sor.u32 $0x420, s6;
	v28 =	vadd.f32 v28, v35;
	v63 =	vld.idx.msk [tilespmem:v53+s26+$0x0], $0xffff  }
0x2fc: {  	s29 =	sor.u32 $0x420, s3;
	v61 =	vadd.f32 v27, v25;
	[tilespmem:s28+$0x14700] =	vst v40;
	v51 =	vld.idx.msk [tilespmem:v59+s26+$0x0], $0xffff  }
0x2fd: {  	v62 =	vor.u32 v12, v24;
	[tilespmem:s29+$0x14700] =	vst v28;
	v44 =	vadd.f32 v54, v22;
	v48 =	vld.idx.msk [tilespmem:v56+s26+$0x0], $0xffff  }
0x2fe: {  	s7 =	sor.u32 $0x430, s1;
	[tilespmem:s23+$0x14700] =	vst v61;
	v52 =	vadd.f32 v58, v21;
	v31 =	vld.idx.msk [tilespmem:v57+s26+$0x0], $0xffff;
	v57 =	vor.u32 v13, v26  }
0x2ff: {  	s8 =	sor.u32 $0x440, s0;
	v50 =	vor.u32 v12, v39;
	v49 =	vadd.f32 v41, v23;
	[tilespmem:s7+$0x14700] =	vst v44  }
0x300: {  	v53 =	vor.u32 v12, v33;
	[tilespmem:s8+$0x14700] =	vst v52;
	v54 =	vld.idx.msk [tilespmem:v60+s26+$0x0], $0xffff;
	v30 =	vadd.f32 v30, v38  }
0x301: {  	v16 =	vadd.f32 v17, v16;
	s9 =	sor.u32 $0x430, s2;
	v55 =	vor.u32 v12, v34;
	[tilespmem:s24+$0x14700] =	vst v49;
	v40 =	vadd.f32 v63, v37  }
0x302: {  	s11 =	sor.u32 $0x430, s4;
	v56 =	vor.u32 v12, v32;
	v27 =	vld.idx.msk [tilespmem:v62+s26+$0x0], $0xffff;
	v28 =	vadd.f32 v51, v19;
	[tilespmem:s9+$0x14700] =	vst v30  }
0x303: {  	v58 =	vor.u32 v13, v20;
	v29 =	vadd.f32 v48, v36;
	[tilespmem:s11+$0x14700] =	vst v40;
	v17 =	vld.idx.msk [tilespmem:v57+s26+$0x0], $0xffff  }
0x304: {  	s12 =	sor.u32 $0x430, s6;
	v31 =	vadd.f32 v31, v35;
	[tilespmem:s19+$0x14700] =	vst v28;
	v59 =	vld.idx.msk [tilespmem:v50+s26+$0x0], $0xffff  }
0x305: {  	s13 =	sor.u32 $0x430, s3;
	v60 =	vor.u32 v13, v24;
	[tilespmem:s12+$0x14700] =	vst v29;
	v61 =	vld.idx.msk [tilespmem:v53+s26+$0x0], $0xffff;
	v25 =	vadd.f32 v54, v22  }
0x306: {  	s14 =	sor.u32 $0x440, s1;
	[tilespmem:s13+$0x14700] =	vst v31;
	v42 =	vld.idx.msk [tilespmem:v55+s26+$0x0], $0xffff  }
0x307: {  	v62 =	vor.u32 v13, v18;
	v27 =	vadd.f32 v27, v23;
	v43 =	vld.idx.msk [tilespmem:v56+s26+$0x0], $0xffff;
	[tilespmem:s14+$0x14700] =	vst v25  }
0x308: {  	v63 =	vor.u32 v13, v39;
	s5 =	rddreg [dreg:$0xa];
	v49 =	vld.idx.msk [tilespmem:v58+s26+$0x0], $0xffff;
	[tilespmem:s16+$0x14700] =	vst v16;
	v17 =	vadd.f32 v17, v21  }
0x309: {  	s23 =	sor.u32 $0x450, s0;
	v48 =	vor.u32 v13, v33;
	[tilespmem:s5+$0x14700] =	vst v27;
	v50 =	vadd.f32 v59, v38  }
0x30a: {  	s17 =	sor.u32 $0x440, s2;
	v51 =	vor.u32 v13, v34;
	v41 =	vadd.f32 v61, v37;
	v16 =	vld.idx.msk [tilespmem:v60+s26+$0x0], $0xffff;
	[tilespmem:s23+$0x14700] =	vst v17  }
0x30b: {  	v52 =	vor.u32 v13, v32;
	s19 =	sor.u32 $0x440, s4;
	v54 =	vadd.f32 v42, v36;
	[tilespmem:s17+$0x14700] =	vst v50  }
0x30c: {  	s20 =	sor.u32 $0x440, s6;
	v53 =	vor.u32 v14, v26;
	v31 =	vld.idx.msk [tilespmem:v62+s26+$0x0], $0xffff;
	[tilespmem:s19+$0x14700] =	vst v41;
	v56 =	vadd.f32 v43, v35  }
0x30d: {  	s21 =	sor.u32 $0x440, s3;
	v55 =	vor.u32 v14, v20;
	v28 =	vld.idx.msk [tilespmem:v63+s26+$0x0], $0xffff;
	[tilespmem:s20+$0x14700] =	vst v54;
	v27 =	vadd.f32 v49, v22  }
0x30e: {  	s24 =	sor.u32 $0x450, s1;
	v57 =	vor.u32 v14, v24;
	v25 =	vld.idx.msk [tilespmem:v48+s26+$0x0], $0xffff;
	[tilespmem:s21+$0x14700] =	vst v56  }
0x30f: {  	v58 =	vor.u32 v14, v18;
	v40 =	vld.idx.msk [tilespmem:v51+s26+$0x0], $0xffff;
	v16 =	vadd.f32 v16, v23;
	[tilespmem:s24+$0x14700] =	vst v27  }
0x310: {  	v17 =	vor.u32 v14, v39;
	v29 =	vld.idx.msk [tilespmem:v52+s26+$0x0], $0xffff;
	s5 =	rddreg [dreg:$0x6]  }
0x311: {  	v31 =	vadd.f32 v31, v19;
	v60 =	vor.u32 v14, v33;
	v59 =	vld.idx.msk [tilespmem:v53+s26+$0x0], $0xffff;
	[tilespmem:s5+$0x14700] =	vst v16  }
0x312: {  	v61 =	vor.u32 v14, v34;
	v16 =	vld.idx.msk [tilespmem:v55+s26+$0x0], $0xffff;
	v28 =	vadd.f32 v28, v38;
	s5 =	rddreg [dreg:$0x7]  }
0x313: {  	s25 =	sor.u32 $0x450, s2;
	v62 =	vor.u32 v14, v32;
	v25 =	vadd.f32 v25, v37;
	v30 =	vld.idx.msk [tilespmem:v57+s26+$0x0], $0xffff;
	[tilespmem:s5+$0x14700] =	vst v31  }
0x314: {  	s28 =	sor.u32 $0x450, s4;
	v63 =	vor.u32 v15, v26;
	v40 =	vadd.f32 v40, v36;
	[tilespmem:s25+$0x14700] =	vst v28;
	v42 =	vld.idx.msk [tilespmem:v58+s26+$0x0], $0xffff  }
0x315: {  	s29 =	sor.u32 $0x450, s6;
	v44 =	vor.u32 v15, v20;
	[tilespmem:s28+$0x14700] =	vst v25;
	v45 =	vadd.f32 v29, v35;
	v17 =	vld.idx.msk [tilespmem:v17+s26+$0x0], $0xffff  }
0x316: {  	v46 =	vor.u32 v15, v24;
	s7 =	sor.u32 $0x450, s3;
	v27 =	vadd.f32 v59, v21;
	[tilespmem:s29+$0x14700] =	vst v40;
	v47 =	vld.idx.msk [tilespmem:v60+s26+$0x0], $0xffff  }
0x317: {  	s8 =	sor.u32 $0x460, s0;
	v48 =	vor.u32 v15, v18;
	[tilespmem:s7+$0x14700] =	vst v45;
	v49 =	vld.idx.msk [tilespmem:v61+s26+$0x0], $0xffff;
	v16 =	vadd.f32 v16, v22  }
0x318: {  	s9 =	sor.u32 $0x460, s1;
	v51 =	vor.u32 v15, v39;
	[tilespmem:s8+$0x14700] =	vst v27;
	v52 =	vld.idx.msk [tilespmem:v62+s26+$0x0], $0xffff;
	v50 =	vadd.f32 v30, v23  }
0x319: {  	v54 =	vor.u32 v15, v33;
	[tilespmem:s9+$0x14700] =	vst v16;
	v16 =	vld.idx.msk [tilespmem:v63+s26+$0x0], $0xffff;
	v53 =	vadd.f32 v42, v19  }
0x31a: {  	v55 =	vor.u32 v15, v34;
	[tilespmem:s22+$0x14700] =	vst v50;
	v20 =	vld.idx.msk [tilespmem:v44+s26+$0x0], $0xffff;
	v17 =	vadd.f32 v17, v38  }
0x31b: {  	s11 =	sor.u32 $0x460, s2;
	v57 =	vor.u32 v15, v32;
	v56 =	vadd.f32 v47, v37;
	v24 =	vld.idx.msk [tilespmem:v46+s26+$0x0], $0xffff;
	[tilespmem:s18+$0x14700] =	vst v53  }
0x31c: {  	s12 =	sor.u32 $0x460, s4;
	v58 =	vadd.f32 v49, v36;
	[tilespmem:s11+$0x14700] =	vst v17;
	v17 =	vld.idx.msk [tilespmem:v48+s26+$0x0], $0xffff  }
0x31d: {  	s13 =	sor.u32 $0x460, s6;
	[tilespmem:s12+$0x14700] =	vst v56;
	v60 =	vadd.f32 v52, v35;
	v59 =	vld.idx.msk [tilespmem:v51+s26+$0x0], $0xffff  }
0x31e: {  	s14 =	sor.u32 $0x460, s3;
	[tilespmem:s13+$0x14700] =	vst v58;
	v61 =	vld.idx.msk [tilespmem:v54+s26+$0x0], $0xffff;
	v16 =	vadd.f32 v16, v21  }
0x31f: {  	s0 =	sor.u32 $0x470, s0;
	[tilespmem:s14+$0x14700] =	vst v60;
	v62 =	vld.idx.msk [tilespmem:v55+s26+$0x0], $0xffff;
	v20 =	vadd.f32 v20, v22  }
0x320: {  	s16 =	sor.u32 $0x470, s1;
	v63 =	vld.idx.msk [tilespmem:v57+s26+$0x0], $0xffff;
	[tilespmem:s0+$0x14700] =	vst v16;
	v16 =	vadd.f32 v24, v23  }
0x321: {  	[tilespmem:s16+$0x14700] =	vst v20;
	v17 =	vadd.f32 v17, v19  }
0x322: {  	[tilespmem:s10+$0x14700] =	vst v16;
	v16 =	vadd.f32 v59, v38  }
0x323: {  	s17 =	sor.u32 $0x470, s2;
	[tilespmem:s15+$0x14700] =	vst v17;
	v17 =	vadd.f32 v61, v37  }
0x324: {  	s18 =	sor.u32 $0x470, s4;
	[tilespmem:s17+$0x14700] =	vst v16;
	v16 =	vadd.f32 v62, v36  }
0x325: {  	s20 =	sor.u32 $0x470, s6;
	s19 =	sld [smem:$0x7EB];
	[tilespmem:s18+$0x14700] =	vst v17;
	v17 =	vadd.f32 v63, v35  }
0x326: {  	s21 =	sor.u32 $0x470, s3;
	[tilespmem:s20+$0x14700] =	vst v16  }
0x327: {  	s22 =	sld [smem:$0x7EC];
	[tilespmem:s21+$0x14700] =	vst v17  }
0x328: {  	s29 =	sld [smem:$0x7E9];
	_ =	sdelay $0x2  }
0x329: {  	p1 =	seq.s32 s29, $0x13  }
.Ltmp3:
0x32a: {  	s1 =	sshll.u32 s19, $0x8;
	(pc) =	sbr.rel @!p1 .LBB2_5-.Ltmp3, $4  }
0x32b: {  	s25 =	rddreg [dreg:$0x1];
	s1 =	sand.u32 $0x3E00, s1  }
0x32c: {  	s30 =	simm.s32 $0x800;
	s2 =	sshll.u32 s22, $0x11;
	s1 =	sadd.s32 s25, s1  }
0x32d: {  	s24 =	simm.s32 $0x20000;
	s28 =	simm.s32 $0x14700;
	s23 =	sadd.s32 s2, s1  }
0x32e: {  	[hbm4b:s23+s30] =	stream.strided.scatter [tilespmem:s28], [sflag:$0x5], $0x4000, s24, s30, $0x38;
	[tilespmem:$0x1C700] =	vst v63  }
0x32f: {  	s0 =	simm.s32 $0x4  }
0x330: {  	_ =	swait.ge [sflag:s0], $0x4000  }
.Ltmp4:
0x331: {  	[sflag:s0] =	ssyncset.done $0x0;
	(pc) =	sbr.rel .LBB2_7-.Ltmp4, $4  }
0x332: {  	[sflag:s0] =	ssyncadd.s32 $0xFFFFC000  }
0x333: {  	_ =	swait.ge [sflag:s0], $0x4000  }
0x334: {  	[sflag:s0] =	ssyncset.done $0x0  }
0x335: {  	s29 =	simm.s32 $0x80;
	s28 =	sld [smem:$0x7FD];
	[sflag:s0] =	ssyncadd.s32 $0xFFFFC000  }
.LBB2_5:
0x336: {  	s0 =	sld [smem:$0x7F3]  }
0x337: {  	s1 =	sld [smem:$0x7E8];
	_ =	sdelay $0x2  }
0x338: {  	s19 =	sld [smem:$0x7F2];
	s0 =	sadd.s32 s1, s0  }
0x339: {  	s0 =	sshll.u32 s0, $0x5  }
0x33a: {  	s0 =	sand.u32 $0x1FFFFFC0, s0  }
0x33b: {  	s20 =	simm.s32 $0x0;
	s0 =	sadd.s32 s19, s0  }
0x33c: {  	[tilespmem:s20], [sflag:$0x1] =	stream.linear.gather [hbm4b:s0+s20], $0x80, $0x38;
	[tilespmem:$0x1C700] =	vst v63  }
0x33d: {  	s2 =	simm.s32 $0x100;
	s21 =	simm.s32 $0x1;
	s0 =	sadd.s32 $0x10, s0  }
0x33e: {  	[tilespmem:s2], [sflag:$0x1] =	stream.linear.gather [hbm4b:s0+s20], $0x80, $0x38;
	[tilespmem:$0x1C700] =	vst v63  }
0x33f: {  	_ =	swait.ge [sflag:s21], $0x100  }
0x340: {  	[sflag:s21] =	ssyncset.done $0x0  }
0x341: {  	s22 =	simm.s32 $0x4;
	[sflag:s21] =	ssyncadd.s32 $0xFFFFFF00  }
0x342: {  	_ =	swait.ge [sflag:s22], $0x4000  }
0x343: {  	[sflag:s22] =	ssyncset.done $0x0  }
0x344: {  	[sflag:s22] =	ssyncadd.s32 $0xFFFFC000  }
0x345: {  	_ =	swait.ge [sflag:s22], $0x4000  }
0x346: {  	s23 =	sld [smem:$0x7EE]  }
.Ltmp5:
0x347: {  	[sflag:s22] =	ssyncset.done $0x0;
	(pc) =	sbr.rel @p0 .LBB2_8-.Ltmp5, $4  }
0x348: {  	s29 =	simm.s32 $0x80;
	[sflag:s22] =	ssyncadd.s32 $0xFFFFC000  }
0x349: {  	[tilespmem:s26], [sflag:$0x3] =	stream.indirect.gather [hbm4b:s23+s29], $0x80, s20, s29, $0xb8;
	[tilespmem:$0x1C700] =	vst v63  }
0x34a: {  	s24 =	simm.s32 $0x8700;
	s28 =	sld [smem:$0x7FD]  }
0x34b: {  	[tilespmem:s24], [sflag:$0x3] =	stream.indirect.gather [hbm4b:s23+s29], $0x80, s2, s29, $0xb8;
	[tilespmem:$0x1C700] =	vst v63  }
.LBB2_7:
0x34c: {  	s0 =	simm.s32 $0x6  }
0x34d: {  	_ =	swait.ge [sflag:s0], $0x4000  }
0x34e: {  	[sflag:s0] =	ssyncset.done $0x0  }
0x34f: {  	[sflag:s0] =	ssyncadd.s32 $0xFFFFC000  }
.LBB2_8:
0x350: {  	s0 =	simm.s32 $0x3  }
0x351: {  	v16 =	vmov s0  }
0x352: {  	v16 =	vand.u32 $0x7F, v16  }
0x353: {  	v31 =	vbroadcast v16, $0x0  }
0x354: {  	s13 =	simm.s32 $0x0  }
0x355: {  	v17 =	vmov s13;
	v16 =	vor.u32 v0, v31  }
0x356: {  	s7 =	sld [smem:$0x7E7];
	v17 =	vand.u32 $0x7C, v17  }
0x357: {  	s11 =	simm.s32 $0x1;
	v17 =	vbroadcast v17, $0x0  }
0x358: {  	s1 =	simm.s32 $0x2;
	v18 =	vmov s11  }
0x359: {  	v19 =	vmov s1;
	v18 =	vand.u32 $0x7D, v18;
	v30 =	vld [tilespmem:s7+$0x80];
	v20 =	vor.u32 v0, v17  }
0x35a: {  	v29 =	vbroadcast v18, $0x0;
	v18 =	vand.u32 $0x7E, v19;
	v19 =	vld.idx.msk [tilespmem:v16+s31+$0x0], $0xffff;
	_ =	sdelay $0x1  }
0x35b: {  	v24 =	vbroadcast v18, $0x0;
	v18 =	vor.u32 v0, v29  }
0x35c: {  	v22 =	vor.u32 v1, v31  }
0x35d: {  	s12 =	simm.s32 $0x180;
	s2 =	sand.u32 $0x3800, s13;
	v21 =	vor.u32 v0, v24;
	v20 =	vld.idx.msk [tilespmem:v20+s31+$0x0], $0xffff  }
0x35e: {  	s0 =	sand.u32 $0x380, s12;
	s5 =	sor.u32 $0x14700, s2;
	v16 =	vld [tilespmem:s7+$0xFFFFFF00];
	v19 =	vadd.f32 v19, v30  }
0x35f: {  	s4 =	sadd.s32 s0, s5;
	v28 =	vld [tilespmem:s7+$0xFFFFFF80]  }
0x360: {  	v18 =	vld.idx.msk [tilespmem:v18+s31+$0x0], $0xffff;
	[tilespmem:s4+$0x4000] =	vst v19  }
0x361: {  	v23 =	vor.u32 v1, v17;
	v22 =	vld.idx.msk [tilespmem:v22+s31+$0x0], $0xffff  }
0x362: {  	s14 =	simm.s32 $0x0;
	v21 =	vld.idx.msk [tilespmem:v21+s31+$0x0], $0xffff  }
0x363: {  	s0 =	sand.u32 $0x200, s14;
	v20 =	vadd.f32 v20, v16;
	v19 =	vld [tilespmem:s7+$0x0]  }
0x364: {  	s3 =	sadd.s32 s0, s5;
	v25 =	vor.u32 v2, v31  }
0x365: {  	v26 =	vor.u32 v1, v29;
	[tilespmem:s3+$0x4000] =	vst v20  }
0x366: {  	s15 =	simm.s32 $0x80;
	v20 =	vor.u32 v1, v24;
	v23 =	vld.idx.msk [tilespmem:v23+s31+$0x0], $0xffff;
	v22 =	vadd.f32 v22, v30  }
0x367: {  	s16 =	simm.s32 $0x100;
	s0 =	sand.u32 $0x280, s15;
	v18 =	vadd.f32 v18, v28  }
0x368: {  	s6 =	sand.u32 $0x300, s16;
	s17 =	sadd.s32 s0, s5;
	v21 =	vadd.f32 v21, v19;
	[tilespmem:s4+$0x4010] =	vst v22  }
0x369: {  	s0 =	sadd.s32 s6, s5;
	[tilespmem:s17+$0x4000] =	vst v18;
	v18 =	vor.u32 v2, v17;
	v22 =	vld.idx.msk [tilespmem:v25+s31+$0x0], $0xffff  }
0x36a: {  	[tilespmem:s0+$0x4000] =	vst v21;
	v25 =	vld.idx.msk [tilespmem:v26+s31+$0x0], $0xffff  }
0x36b: {  	v21 =	vadd.f32 v23, v16;
	v20 =	vld.idx.msk [tilespmem:v20+s31+$0x0], $0xffff  }
0x36c: {  	v23 =	vor.u32 v3, v31  }
0x36d: {  	v26 =	vor.u32 v2, v29;
	[tilespmem:s3+$0x4010] =	vst v21  }
0x36e: {  	v21 =	vor.u32 v2, v24;
	v18 =	vld.idx.msk [tilespmem:v18+s31+$0x0], $0xffff;
	v22 =	vadd.f32 v22, v30  }
0x36f: {  	v25 =	vadd.f32 v25, v28  }
0x370: {  	v20 =	vadd.f32 v20, v19;
	[tilespmem:s4+$0x4020] =	vst v22  }
0x371: {  	[tilespmem:s17+$0x4010] =	vst v25;
	v22 =	vor.u32 v3, v17;
	v23 =	vld.idx.msk [tilespmem:v23+s31+$0x0], $0xffff  }
0x372: {  	[tilespmem:s0+$0x4010] =	vst v20;
	v25 =	vld.idx.msk [tilespmem:v26+s31+$0x0], $0xffff  }
0x373: {  	v18 =	vadd.f32 v18, v16;
	v20 =	vld.idx.msk [tilespmem:v21+s31+$0x0], $0xffff  }
0x374: {  	v21 =	vor.u32 v4, v31  }
0x375: {  	v26 =	vor.u32 v3, v29;
	[tilespmem:s3+$0x4020] =	vst v18  }
0x376: {  	v18 =	vor.u32 v3, v24;
	v22 =	vld.idx.msk [tilespmem:v22+s31+$0x0], $0xffff;
	v23 =	vadd.f32 v23, v30  }
0x377: {  	v25 =	vadd.f32 v25, v28  }
0x378: {  	v20 =	vadd.f32 v20, v19;
	[tilespmem:s4+$0x4030] =	vst v23  }
0x379: {  	[tilespmem:s17+$0x4020] =	vst v25;
	v23 =	vor.u32 v4, v17;
	v21 =	vld.idx.msk [tilespmem:v21+s31+$0x0], $0xffff  }
0x37a: {  	[tilespmem:s0+$0x4020] =	vst v20;
	v25 =	vld.idx.msk [tilespmem:v26+s31+$0x0], $0xffff  }
0x37b: {  	v18 =	vld.idx.msk [tilespmem:v18+s31+$0x0], $0xffff;
	v20 =	vadd.f32 v22, v16  }
0x37c: {  	v22 =	vor.u32 v5, v31  }
0x37d: {  	v26 =	vor.u32 v4, v29;
	[tilespmem:s3+$0x4030] =	vst v20  }
0x37e: {  	v20 =	vor.u32 v4, v24;
	v23 =	vld.idx.msk [tilespmem:v23+s31+$0x0], $0xffff;
	v21 =	vadd.f32 v21, v30  }
0x37f: {  	v25 =	vadd.f32 v25, v28  }
0x380: {  	v18 =	vadd.f32 v18, v19;
	[tilespmem:s4+$0x4040] =	vst v21  }
0x381: {  	[tilespmem:s17+$0x4030] =	vst v25;
	v21 =	vor.u32 v5, v17;
	v22 =	vld.idx.msk [tilespmem:v22+s31+$0x0], $0xffff  }
0x382: {  	[tilespmem:s0+$0x4030] =	vst v18;
	v25 =	vld.idx.msk [tilespmem:v26+s31+$0x0], $0xffff  }
0x383: {  	s18 =	simm.s32 $0x4;
	v20 =	vld.idx.msk [tilespmem:v20+s31+$0x0], $0xffff;
	v18 =	vadd.f32 v23, v16  }
0x384: {  	v26 =	vmov s18;
	v23 =	vor.u32 v6, v31  }
0x385: {  	v27 =	vor.u32 v5, v29;
	[tilespmem:s3+$0x4040] =	vst v18;
	v18 =	vand.u32 $0x7C, v26  }
0x386: {  	s19 =	simm.s32 $0x5;
	v26 =	vor.u32 v5, v24;
	v21 =	vld.idx.msk [tilespmem:v21+s31+$0x0], $0xffff;
	v18 =	vbroadcast v18, $0x0;
	v22 =	vadd.f32 v22, v30  }
0x387: {  	v32 =	vmov s19;
	v25 =	vadd.f32 v25, v28  }
0x388: {  	v32 =	vand.u32 $0x7D, v32;
	v33 =	vadd.f32 v20, v19;
	[tilespmem:s4+$0x4050] =	vst v22;
	v22 =	vor.u32 v0, v18  }
0x389: {  	v52 =	vor.u32 v6, v17;
	v20 =	vbroadcast v32, $0x0;
	[tilespmem:s17+$0x4040] =	vst v25;
	v25 =	vld.idx.msk [tilespmem:v23+s31+$0x0], $0xffff  }
0x38a: {  	s20 =	simm.s32 $0x6;
	[tilespmem:s0+$0x4040] =	vst v33;
	v51 =	vld.idx.msk [tilespmem:v27+s31+$0x0], $0xffff  }
0x38b: {  	v34 =	vor.u32 v0, v20;
	v26 =	vld.idx.msk [tilespmem:v26+s31+$0x0], $0xffff;
	v23 =	vmov s20;
	v21 =	vadd.f32 v21, v16  }
0x38c: {  	s21 =	simm.s32 $0x7;
	v35 =	vor.u32 v7, v31;
	v23 =	vand.u32 $0x7E, v23  }
0x38d: {  	v36 =	vor.u32 v6, v29;
	v27 =	vmov s21;
	v23 =	vbroadcast v23, $0x0;
	[tilespmem:s3+$0x4050] =	vst v21;
	v37 =	vld.idx.msk [tilespmem:v22+s31+$0x0], $0xffff  }
0x38e: {  	v27 =	vand.u32 $0x7F, v27;
	v22 =	vor.u32 v6, v24;
	v53 =	vld.idx.msk [tilespmem:v52+s31+$0x0], $0xffff;
	v21 =	vadd.f32 v25, v30  }
0x38f: {  	v27 =	vbroadcast v27, $0x0;
	v54 =	vor.u32 v0, v23;
	v25 =	vadd.f32 v51, v28  }
0x390: {  	v34 =	vld.idx.msk [tilespmem:v34+s31+$0x0], $0xffff;
	v26 =	vadd.f32 v26, v19;
	[tilespmem:s4+$0x4060] =	vst v21  }
0x391: {  	v21 =	vor.u32 v0, v27;
	[tilespmem:s17+$0x4050] =	vst v25;
	v25 =	vld.idx.msk [tilespmem:v35+s31+$0x0], $0xffff  }
0x392: {  	[tilespmem:s0+$0x4050] =	vst v26;
	v26 =	vor.u32 v7, v17;
	v55 =	vld.idx.msk [tilespmem:v36+s31+$0x0], $0xffff  }
0x393: {  	v56 =	vld.idx.msk [tilespmem:v22+s31+$0x0], $0xffff;
	v22 =	vadd.f32 v53, v16  }
0x394: {  	s9 =	sadd.s32 $0x200, s7;
	v57 =	vld.idx.msk [tilespmem:v54+s31+$0x0], $0xffff  }
0x395: {  	[tilespmem:s3+$0x4060] =	vst v22;
	v22 =	vld [tilespmem:s9+$0x80]  }
0x396: {  	v58 =	vor.u32 v8, v31;
	v38 =	vld.idx.msk [tilespmem:v21+s31+$0x0], $0xffff  }
0x397: {  	v40 =	vor.u32 v7, v29;
	v39 =	vld.idx.msk [tilespmem:v26+s31+$0x0], $0xffff;
	v25 =	vadd.f32 v25, v30  }
0x398: {  	v41 =	vor.u32 v7, v24;
	v21 =	vld [tilespmem:s9+$0xFFFFFF00];
	v26 =	vadd.f32 v55, v28  }
0x399: {  	s10 =	simm.s32 $0x400;
	v59 =	vor.u32 v1, v27;
	[tilespmem:s4+$0x4070] =	vst v25;
	v25 =	vld [tilespmem:s9+$0xFFFFFF80]  }
0x39a: {  	s22 =	sand.u32 $0x3800, s10;
	s11 =	simm.s32 $0x380;
	v42 =	vor.u32 v8, v17;
	v36 =	vadd.f32 v56, v19;
	[tilespmem:s17+$0x4060] =	vst v26;
	v26 =	vld [tilespmem:s9+$0x0]  }
0x39b: {  	s23 =	sand.u32 $0x380, s11;
	v43 =	vor.u32 v1, v18;
	s4 =	sor.u32 $0x14700, s22;
	v33 =	vld.idx.msk [tilespmem:v58+s31+$0x0], $0xffff;
	v38 =	vadd.f32 v38, v22  }
0x39c: {  	s8 =	simm.s32 $0x200;
	s24 =	sand.u32 $0x7, s13;
	v63 =	vor.u32 v1, v20;
	[tilespmem:s0+$0x4060] =	vst v36;
	v61 =	vld.idx.msk [tilespmem:v40+s31+$0x0], $0xffff;
	s6 =	sadd.s32 s23, s4;
	v60 =	vadd.f32 v39, v16  }
0x39d: {  	s8 =	sand.u32 $0x200, s8;
	s14 =	simm.s32 $0x280;
	s15 =	simm.s32 $0x300;
	v48 =	vor.u32 v1, v23;
	v37 =	vadd.f32 v37, v21;
	v41 =	vld.idx.msk [tilespmem:v41+s31+$0x0], $0xffff;
	[tilespmem:s6+$0x4000] =	vst v38  }
0x39e: {  	v62 =	vor.u32 v9, v31;
	s7 =	sshll.u32 s24, $0x7;
	s8 =	sadd.s32 s8, s4;
	[tilespmem:s3+$0x4070] =	vst v60;
	s3 =	sand.u32 $0x280, s14;
	v35 =	vld.idx.msk [tilespmem:v59+s31+$0x0], $0xffff;
	v34 =	vadd.f32 v34, v25  }
0x39f: {  	v49 =	vor.u32 v8, v29;
	s12 =	sadd.s32 $0x0, s7;
	s7 =	sand.u32 $0x300, s15;
	[tilespmem:s8+$0x4000] =	vst v37;
	v42 =	vld.idx.msk [tilespmem:v42+s31+$0x0], $0xffff;
	v32 =	vadd.f32 v57, v26;
	s3 =	sadd.s32 s3, s4  }
0x3a0: {  	v44 =	vor.u32 v8, v24;
	s5 =	sadd.s32 $0x180, s12;
	v43 =	vld.idx.msk [tilespmem:v43+s31+$0x0], $0xffff;
	s4 =	sadd.s32 s7, s4;
	v33 =	vadd.f32 v33, v30;
	[tilespmem:s3+$0x4000] =	vst v34  }
0x3a1: {  	p0 =	por $0x0, $0x0;
	s5 =	sor.u32 $0x4400, s5;
	v51 =	vor.u32 v2, v27;
	s14 =	simm.s32 $0x1;
	v50 =	vadd.f32 v61, v28;
	[tilespmem:s4+$0x4000] =	vst v32;
	v38 =	vld.idx.msk [tilespmem:v63+s31+$0x0], $0xffff  }
0x3a2: {  	v54 =	vor.u32 v9, v17;
	s14 =	simm.s32 @!p0 $0x0;
	v53 =	vadd.f32 v41, v19;
	[tilespmem:s5+$0x14700] =	vst v33;
	v36 =	vld.idx.msk [tilespmem:v48+s31+$0x0], $0xffff  }
0x3a3: {  	v55 =	vor.u32 v2, v18;
	s16 =	sshll.u32 s14, $0x9;
	[tilespmem:s17+$0x4070] =	vst v50;
	v52 =	vld.idx.msk [tilespmem:v62+s31+$0x0], $0xffff;
	v35 =	vadd.f32 v35, v22  }
0x3a4: {  	v60 =	vor.u32 v2, v20;
	s17 =	sadd.s32 $0x0, s16;
	v37 =	vld.idx.msk [tilespmem:v49+s31+$0x0], $0xffff;
	[tilespmem:s0+$0x4070] =	vst v53;
	v56 =	vadd.f32 v42, v16  }
0x3a5: {  	v61 =	vor.u32 v2, v23;
	s7 =	sor.u32 $0x4400, s17;
	v58 =	vld.idx.msk [tilespmem:v44+s31+$0x0], $0xffff;
	v59 =	vadd.f32 v43, v21;
	[tilespmem:s6+$0x4010] =	vst v35  }
0x3a6: {  	v57 =	vor.u32 v10, v31;
	[tilespmem:s7+$0x14700] =	vst v56;
	v34 =	vld.idx.msk [tilespmem:v51+s31+$0x0], $0xffff;
	v38 =	vadd.f32 v38, v25  }
0x3a7: {  	s18 =	sand.u32 $0x3, s13;
	v62 =	vor.u32 v9, v29;
	[tilespmem:s8+$0x4010] =	vst v59;
	v32 =	vld.idx.msk [tilespmem:v54+s31+$0x0], $0xffff;
	v36 =	vadd.f32 v36, v26  }
0x3a8: {  	v63 =	vor.u32 v9, v24;
	s0 =	sshll.u32 s18, $0x8;
	v33 =	vld.idx.msk [tilespmem:v55+s31+$0x0], $0xffff;
	v39 =	vadd.f32 v52, v30;
	[tilespmem:s3+$0x4010] =	vst v38  }
0x3a9: {  	s19 =	sadd.s32 $0x80, s12;
	v48 =	vor.u32 v3, v27;
	s0 =	sadd.s32 $0x0, s0;
	v37 =	vadd.f32 v37, v28;
	[tilespmem:s4+$0x4010] =	vst v36;
	v49 =	vld.idx.msk [tilespmem:v60+s31+$0x0], $0xffff  }
0x3aa: {  	v50 =	vor.u32 v10, v17;
	s20 =	sadd.s32 $0x100, s0;
	s0 =	sor.u32 $0x4400, s19;
	v35 =	vadd.f32 v58, v19;
	[tilespmem:s5+$0x14710] =	vst v39;
	v41 =	vld.idx.msk [tilespmem:v61+s31+$0x0], $0xffff  }
0x3ab: {  	s14 =	sor.u32 $0x4400, s20;
	v51 =	vor.u32 v3, v18;
	[tilespmem:s0+$0x14700] =	vst v37;
	v39 =	vld.idx.msk [tilespmem:v57+s31+$0x0], $0xffff;
	v34 =	vadd.f32 v34, v22  }
0x3ac: {  	v54 =	vor.u32 v3, v20;
	v42 =	vld.idx.msk [tilespmem:v62+s31+$0x0], $0xffff;
	[tilespmem:s14+$0x14700] =	vst v35;
	v32 =	vadd.f32 v32, v16  }
0x3ad: {  	v55 =	vor.u32 v3, v23;
	v53 =	vld.idx.msk [tilespmem:v63+s31+$0x0], $0xffff;
	v33 =	vadd.f32 v33, v21;
	[tilespmem:s6+$0x4020] =	vst v34  }
0x3ae: {  	v52 =	vor.u32 v11, v31;
	[tilespmem:s7+$0x14710] =	vst v32;
	v38 =	vld.idx.msk [tilespmem:v48+s31+$0x0], $0xffff;
	v56 =	vadd.f32 v49, v25  }
0x3af: {  	v57 =	vor.u32 v10, v29;
	[tilespmem:s8+$0x4020] =	vst v33;
	v36 =	vld.idx.msk [tilespmem:v50+s31+$0x0], $0xffff;
	v41 =	vadd.f32 v41, v26  }
0x3b0: {  	v58 =	vor.u32 v10, v24;
	v37 =	vld.idx.msk [tilespmem:v51+s31+$0x0], $0xffff;
	v39 =	vadd.f32 v39, v30;
	[tilespmem:s3+$0x4020] =	vst v56  }
0x3b1: {  	v59 =	vor.u32 v4, v27;
	v60 =	vadd.f32 v42, v28;
	[tilespmem:s4+$0x4020] =	vst v41;
	v61 =	vld.idx.msk [tilespmem:v54+s31+$0x0], $0xffff  }
0x3b2: {  	v62 =	vor.u32 v11, v17;
	v34 =	vadd.f32 v53, v19;
	[tilespmem:s5+$0x14720] =	vst v39;
	v32 =	vld.idx.msk [tilespmem:v55+s31+$0x0], $0xffff  }
0x3b3: {  	v63 =	vor.u32 v4, v18;
	[tilespmem:s0+$0x14710] =	vst v60;
	v35 =	vld.idx.msk [tilespmem:v52+s31+$0x0], $0xffff;
	v38 =	vadd.f32 v38, v22  }
0x3b4: {  	v50 =	vor.u32 v4, v20;
	v40 =	vld.idx.msk [tilespmem:v57+s31+$0x0], $0xffff;
	[tilespmem:s14+$0x14710] =	vst v34;
	v36 =	vadd.f32 v36, v16  }
0x3b5: {  	v51 =	vor.u32 v4, v23;
	v49 =	vld.idx.msk [tilespmem:v58+s31+$0x0], $0xffff;
	v37 =	vadd.f32 v37, v21;
	[tilespmem:s6+$0x4030] =	vst v38  }
0x3b6: {  	s21 =	simm.s32 $0x8;
	v48 =	vor.u32 v12, v31;
	[tilespmem:s7+$0x14720] =	vst v36;
	v33 =	vld.idx.msk [tilespmem:v59+s31+$0x0], $0xffff;
	v53 =	vadd.f32 v61, v25  }
0x3b7: {  	v54 =	vor.u32 v11, v29;
	v52 =	vmov s21;
	[tilespmem:s8+$0x4030] =	vst v37;
	v41 =	vld.idx.msk [tilespmem:v62+s31+$0x0], $0xffff;
	v45 =	vadd.f32 v32, v26  }
0x3b8: {  	v46 =	vor.u32 v11, v24;
	v44 =	vand.u32 $0x7C, v52;
	v39 =	vld.idx.msk [tilespmem:v63+s31+$0x0], $0xffff;
	v35 =	vadd.f32 v35, v30;
	[tilespmem:s3+$0x4030] =	vst v53  }
0x3b9: {  	v55 =	vor.u32 v5, v27;
	v32 =	vbroadcast v44, $0x0;
	v56 =	vadd.f32 v40, v28;
	[tilespmem:s4+$0x4030] =	vst v45;
	v43 =	vld.idx.msk [tilespmem:v50+s31+$0x0], $0xffff  }
0x3ba: {  	v57 =	vor.u32 v12, v17;
	v38 =	vadd.f32 v49, v19;
	[tilespmem:s5+$0x14730] =	vst v35;
	v36 =	vld.idx.msk [tilespmem:v51+s31+$0x0], $0xffff  }
0x3bb: {  	v44 =	vor.u32 v0, v32;
	[tilespmem:s0+$0x14720] =	vst v56;
	v34 =	vld.idx.msk [tilespmem:v48+s31+$0x0], $0xffff;
	v33 =	vadd.f32 v33, v22  }
0x3bc: {  	v58 =	vor.u32 v5, v18;
	v42 =	vld.idx.msk [tilespmem:v54+s31+$0x0], $0xffff;
	[tilespmem:s14+$0x14720] =	vst v38;
	v41 =	vadd.f32 v41, v16  }
0x3bd: {  	v61 =	vor.u32 v5, v20;
	v38 =	vld.idx.msk [tilespmem:v46+s31+$0x0], $0xffff;
	v60 =	vadd.f32 v39, v21;
	[tilespmem:s6+$0x4040] =	vst v33  }
0x3be: {  	v59 =	vor.u32 v13, v31;
	[tilespmem:s7+$0x14730] =	vst v41;
	v35 =	vld.idx.msk [tilespmem:v55+s31+$0x0], $0xffff;
	v43 =	vadd.f32 v43, v25  }
0x3bf: {  	s22 =	simm.s32 $0x9;
	v62 =	vor.u32 v5, v23;
	[tilespmem:s8+$0x4040] =	vst v60;
	v63 =	vld.idx.msk [tilespmem:v57+s31+$0x0], $0xffff;
	v36 =	vadd.f32 v36, v26  }
0x3c0: {  	v47 =	vor.u32 v12, v29;
	v54 =	vmov s22;
	v40 =	vld.idx.msk [tilespmem:v44+s31+$0x0], $0xffff;
	v34 =	vadd.f32 v34, v30;
	[tilespmem:s3+$0x4040] =	vst v43  }
0x3c1: {  	v56 =	vor.u32 v12, v24;
	v55 =	vand.u32 $0x7D, v54;
	v37 =	vld.idx.msk [tilespmem:v58+s31+$0x0], $0xffff;
	v42 =	vadd.f32 v42, v28;
	[tilespmem:s4+$0x4040] =	vst v36  }
0x3c2: {  	v57 =	vor.u32 v6, v27;
	v33 =	vbroadcast v55, $0x0;
	v38 =	vadd.f32 v38, v19;
	[tilespmem:s5+$0x14740] =	vst v34;
	v39 =	vld.idx.msk [tilespmem:v61+s31+$0x0], $0xffff  }
0x3c3: {  	v58 =	vor.u32 v13, v17;
	[tilespmem:s0+$0x14730] =	vst v42;
	v49 =	vld.idx.msk [tilespmem:v59+s31+$0x0], $0xffff;
	v35 =	vadd.f32 v35, v22  }
0x3c4: {  	v50 =	vor.u32 v0, v33;
	v52 =	vld.idx.msk [tilespmem:v62+s31+$0x0], $0xffff;
	[tilespmem:s14+$0x14730] =	vst v38;
	v59 =	vadd.f32 v63, v16  }
0x3c5: {  	s23 =	sand.u32 $0x3, s1;
	v51 =	vor.u32 v6, v18;
	v53 =	vld.idx.msk [tilespmem:v47+s31+$0x0], $0xffff;
	[tilespmem:s6+$0x4050] =	vst v35  }
0x3c6: {  	s12 =	simm.s32 $0x1;
	s2 =	sshll.u32 s23, $0x8;
	p0 =	por !p0, !p0;
	v60 =	vor.u32 v14, v31;
	v42 =	vld.idx.msk [tilespmem:v56+s31+$0x0], $0xffff;
	[tilespmem:s7+$0x14740] =	vst v59  }
0x3c7: {  	s15 =	sadd.s32 $0x400, s2;
	s12 =	simm.s32 @!p0 $0x0;
	v47 =	vor.u32 v6, v20;
	v37 =	vadd.f32 v37, v21;
	v45 =	vld.idx.msk [tilespmem:v57+s31+$0x0], $0xffff;
	s24 =	sld [smem:$0x7EA]  }
0x3c8: {  	s15 =	sadd.s32 $0x100, s15;
	s12 =	sshll.u32 s12, $0x9;
	s16 =	simm.s32 $0xA;
	v43 =	vor.u32 v6, v23;
	v48 =	vld.idx.msk [tilespmem:v58+s31+$0x0], $0xffff;
	v61 =	vadd.f32 v49, v30  }
0x3c9: {  	s23 =	sor.u32 $0x4400, s15;
	s17 =	sadd.s32 $0x400, s12;
	v62 =	vmov s16;
	v41 =	vld.idx.msk [tilespmem:v50+s31+$0x0], $0xffff;
	[tilespmem:s8+$0x4050] =	vst v37;
	v63 =	vadd.f32 v39, v25;
	v49 =	vor.u32 v13, v29  }
0x3ca: {  	s15 =	simm.s32 $0x400;
	s21 =	sor.u32 $0x4400, s17;
	v44 =	vor.u32 v13, v24;
	v36 =	vand.u32 $0x7E, v62;
	v52 =	vadd.f32 v52, v26;
	v51 =	vld.idx.msk [tilespmem:v51+s31+$0x0], $0xffff;
	s2 =	sadd.s32 s28, s24;
	[tilespmem:s5+$0x14750] =	vst v61  }
0x3cb: {  	s17 =	simm.s32 $0xB;
	v46 =	vor.u32 v7, v27;
	s16 =	simm.s32 $0xC;
	v34 =	vbroadcast v36, $0x0;
	v53 =	vadd.f32 v53, v28;
	[tilespmem:s3+$0x4050] =	vst v63;
	s12 =	sshrl.u32 s2, $0x6;
	v50 =	vld.idx.msk [tilespmem:v60+s31+$0x0], $0xffff  }
.LBB2_9:
0x3cc: {  	p2 =	slt.u32 s16, $0x3C;
	v35 =	vmov s17;
	v36 =	vld.idx.msk [tilespmem:v47+s31+$0x0], $0xffff;
	[tilespmem:s4+$0x4050] =	vst v52;
	v37 =	vor.u32 v14, v17;
	v38 =	vadd.f32 v42, v19  }
0x3cd: {  	v39 =	vor.u32 v0, v34;
	v35 =	vand.u32 $0x7F, v35;
	v42 =	vld.idx.msk [tilespmem:v43+s31+$0x0], $0xffff;
	v43 =	vadd.f32 v45, v22;
	[tilespmem:s0+$0x14740] =	vst v53  }
0x3ce: {  	v45 =	vor.u32 v7, v18;
	v47 =	vadd.f32 v48, v16;
	v35 =	vbroadcast v35, $0x0;
	v48 =	vld.idx.msk [tilespmem:v49+s31+$0x0], $0xffff;
	[tilespmem:s14+$0x14740] =	vst v38  }
0x3cf: {  	[tilespmem:s6+$0x4060] =	vst v43;
	v38 =	vld.idx.msk [tilespmem:v44+s31+$0x0], $0xffff;
	v43 =	vor.u32 v15, v31;
	v31 =	vmov v27  }
0x3d0: {  	v49 =	vadd.f32 v51, v21;
	v44 =	vor.u32 v0, v35;
	v46 =	vld.idx.msk [tilespmem:v46+s31+$0x0], $0xffff;
	[tilespmem:s7+$0x14750] =	vst v47;
	v27 =	vmov v35  }
0x3d1: {  	v35 =	vadd.f32 v50, v30;
	v37 =	vld.idx.msk [tilespmem:v37+s31+$0x0], $0xffff  }
0x3d2: {  	v36 =	vadd.f32 v36, v25;
	v39 =	vld.idx.msk [tilespmem:v39+s31+$0x0], $0xffff;
	[tilespmem:s8+$0x4060] =	vst v49  }
0x3d3: {  	v42 =	vadd.f32 v42, v26;
	v45 =	vld.idx.msk [tilespmem:v45+s31+$0x0], $0xffff;
	[tilespmem:s5+$0x14760] =	vst v35  }
0x3d4: {  	v35 =	vadd.f32 v48, v28;
	[tilespmem:s3+$0x4060] =	vst v36;
	v36 =	vor.u32 v8, v31;
	v43 =	vld.idx.msk [tilespmem:v43+s31+$0x0], $0xffff  }
0x3d5: {  	s9 =	sadd.s32 $0x200, s9;
	v38 =	vadd.f32 v38, v19;
	v44 =	vld.idx.msk [tilespmem:v44+s31+$0x0], $0xffff;
	[tilespmem:s4+$0x4060] =	vst v42  }
0x3d6: {  	v47 =	vor.u32 v7, v20;
	v46 =	vadd.f32 v46, v22;
	v42 =	vld [tilespmem:s9+$0x80];
	[tilespmem:s0+$0x14750] =	vst v35  }
0x3d7: {  	s1 =	sadd.s32 $0x2, s1;
	p0 =	por !p0, !p0;
	s18 =	simm.s32 $0x1;
	v48 =	vor.u32 v7, v23;
	v49 =	vadd.f32 v37, v16;
	v35 =	vld [tilespmem:s9+$0xFFFFFF00];
	[tilespmem:s14+$0x14750] =	vst v38  }
0x3d8: {  	s17 =	sand.u32 $0x3, s1;
	s18 =	simm.s32 @!p0 $0x0;
	v38 =	vor.u32 v8, v18;
	v37 =	vld [tilespmem:s9+$0xFFFFFF80];
	[tilespmem:s6+$0x4070] =	vst v46  }
0x3d9: {  	s10 =	sadd.s32 $0x400, s10;
	s6 =	sshll.u32 s17, $0x8;
	s17 =	sshll.u32 s18, $0x9;
	v46 =	vor.u32 v1, v27;
	v45 =	vadd.f32 v45, v21;
	v50 =	vld.idx.msk [tilespmem:v36+s31+$0x0], $0xffff;
	[tilespmem:s7+$0x14760] =	vst v49  }
0x3da: {  	s11 =	sadd.s32 $0x200, s11;
	s18 =	sadd.s32 s10, s6;
	s6 =	sand.u32 $0x3800, s10;
	v49 =	vor.u32 v14, v29;
	v43 =	vadd.f32 v43, v30;
	v30 =	vmov v22;
	v36 =	vld [tilespmem:s9+$0x0]  }
0x3db: {  	s13 =	sadd.s32 $0x4, s13;
	s19 =	sor.u32 $0x14700, s6;
	s6 =	sand.u32 $0x380, s11;
	v44 =	vadd.f32 v44, v42;
	[tilespmem:s8+$0x4070] =	vst v45;
	v45 =	vld.idx.msk [tilespmem:v47+s31+$0x0], $0xffff;
	v47 =	vor.u32 v14, v24;
	v22 =	vmov v42  }
0x3dc: {  	s20 =	sand.u32 $0x7, s13;
	s8 =	sadd.s32 $0xFFFFFE80, s11;
	v42 =	vor.u32 v1, v32;
	s6 =	sadd.s32 s6, s19;
	v40 =	vadd.f32 v40, v35;
	v48 =	vld.idx.msk [tilespmem:v48+s31+$0x0], $0xffff;
	[tilespmem:s5+$0x14770] =	vst v43  }
0x3dd: {  	s22 =	sadd.s32 $0xFFFFFF80, s11;
	s20 =	sshll.u32 s20, $0x7;
	s5 =	sadd.s32 $0xFFFFFF00, s11;
	v43 =	vor.u32 v9, v31;
	v41 =	vadd.f32 v41, v37;
	[tilespmem:s6+$0x4000] =	vst v44;
	v38 =	vld.idx.msk [tilespmem:v38+s31+$0x0], $0xffff  }
0x3de: {  	s15 =	sadd.s32 s15, s20;
	s8 =	sand.u32 $0x200, s8;
	s5 =	sand.u32 $0x280, s5;
	v44 =	vor.u32 v1, v33;
	v46 =	vld.idx.msk [tilespmem:v46+s31+$0x0], $0xffff  }
0x3df: {  	s20 =	sand.u32 $0x300, s22;
	v51 =	vor.u32 v1, v34;
	s22 =	sadd.s32 $0x180, s15;
	s8 =	sadd.s32 s8, s19;
	v50 =	vadd.f32 v50, v30;
	v39 =	vadd.f32 v39, v36;
	v49 =	vld.idx.msk [tilespmem:v49+s31+$0x0], $0xffff  }
0x3e0: {  	s20 =	sadd.s32 s20, s19;
	s24 =	sadd.s32 s5, s19;
	s5 =	sor.u32 $0x4400, s22;
	[tilespmem:s8+$0x4000] =	vst v40;
	v40 =	vor.u32 v8, v20;
	v47 =	vld.idx.msk [tilespmem:v47+s31+$0x0], $0xffff  }
0x3e1: {  	v52 =	vor.u32 v8, v23;
	s15 =	sadd.s32 $0x80, s15;
	s17 =	sadd.s32 s17, s10;
	s18 =	sadd.s32 $0x100, s18;
	v45 =	vadd.f32 v45, v25;
	v42 =	vld.idx.msk [tilespmem:v42+s31+$0x0], $0xffff;
	[tilespmem:s5+$0x14700] =	vst v50  }
0x3e2: {  	s17 =	sor.u32 $0x4400, s17;
	s18 =	sor.u32 $0x4400, s18;
	s19 =	sor.u32 $0x4400, s15;
	v48 =	vadd.f32 v48, v26;
	[tilespmem:s24+$0x4000] =	vst v41;
	v41 =	vor.u32 v2, v27;
	v43 =	vld.idx.msk [tilespmem:v43+s31+$0x0], $0xffff  }
0x3e3: {  	s15 =	smov.u32 s10;
	v38 =	vadd.f32 v38, v21;
	v44 =	vld.idx.msk [tilespmem:v44+s31+$0x0], $0xffff;
	[tilespmem:s20+$0x4000] =	vst v39;
	v39 =	vor.u32 v9, v18  }
0x3e4: {  	v46 =	vadd.f32 v46, v22;
	v50 =	vld.idx.msk [tilespmem:v51+s31+$0x0], $0xffff;
	[tilespmem:s3+$0x4070] =	vst v45;
	v45 =	vor.u32 v15, v29;
	v29 =	vmov v20;
	s3 =	smov.u32 s24  }
0x3e5: {  	v51 =	vor.u32 v2, v32;
	v20 =	vmov v33;
	v40 =	vld.idx.msk [tilespmem:v40+s31+$0x0], $0xffff;
	[tilespmem:s4+$0x4070] =	vst v48;
	v48 =	vadd.f32 v49, v28;
	s4 =	smov.u32 s20  }
0x3e6: {  	v47 =	vadd.f32 v47, v19;
	[tilespmem:s6+$0x4010] =	vst v46;
	v33 =	vld.idx.msk [tilespmem:v52+s31+$0x0], $0xffff;
	v46 =	vor.u32 v10, v31  }
0x3e7: {  	v49 =	vor.u32 v2, v20;
	v42 =	vadd.f32 v42, v35;
	v41 =	vld.idx.msk [tilespmem:v41+s31+$0x0], $0xffff;
	[tilespmem:s21+$0x14700] =	vst v38  }
0x3e8: {  	v38 =	vor.u32 v2, v34;
	v43 =	vadd.f32 v43, v30;
	v39 =	vld.idx.msk [tilespmem:v39+s31+$0x0], $0xffff;
	[tilespmem:s0+$0x14760] =	vst v48  }
0x3e9: {  	[tilespmem:s8+$0x4010] =	vst v42;
	v42 =	vadd.f32 v44, v37;
	v44 =	vor.u32 v9, v29;
	v45 =	vld.idx.msk [tilespmem:v45+s31+$0x0], $0xffff  }
0x3ea: {  	v50 =	vadd.f32 v50, v36;
	v48 =	vld.idx.msk [tilespmem:v51+s31+$0x0], $0xffff;
	v51 =	vor.u32 v9, v23;
	[tilespmem:s5+$0x14710] =	vst v43  }
0x3eb: {  	v40 =	vadd.f32 v40, v25;
	[tilespmem:s3+$0x4010] =	vst v42;
	v42 =	vor.u32 v3, v27;
	v43 =	vld.idx.msk [tilespmem:v46+s31+$0x0], $0xffff  }
0x3ec: {  	v33 =	vadd.f32 v33, v26;
	v46 =	vld.idx.msk [tilespmem:v49+s31+$0x0], $0xffff;
	[tilespmem:s4+$0x4010] =	vst v50;
	v49 =	vor.u32 v10, v18  }
0x3ed: {  	v41 =	vadd.f32 v41, v22;
	v38 =	vld.idx.msk [tilespmem:v38+s31+$0x0], $0xffff;
	[tilespmem:s19+$0x14700] =	vst v40;
	v40 =	vor.u32 v15, v24;
	v24 =	vmov v23  }
0x3ee: {  	v50 =	vor.u32 v3, v32;
	v39 =	vadd.f32 v39, v21;
	v23 =	vmov v34;
	v44 =	vld.idx.msk [tilespmem:v44+s31+$0x0], $0xffff;
	[tilespmem:s23+$0x14700] =	vst v33  }
0x3ef: {  	v34 =	vor.u32 v11, v31;
	[tilespmem:s6+$0x4020] =	vst v41;
	v33 =	vld.idx.msk [tilespmem:v51+s31+$0x0], $0xffff;
	v41 =	vadd.f32 v45, v28;
	v28 =	vmov v25  }
0x3f0: {  	v45 =	vadd.f32 v48, v35;
	v48 =	vor.u32 v3, v20;
	v25 =	vmov v37;
	v42 =	vld.idx.msk [tilespmem:v42+s31+$0x0], $0xffff;
	[tilespmem:s21+$0x14710] =	vst v39  }
0x3f1: {  	v37 =	vor.u32 v3, v23;
	v43 =	vadd.f32 v43, v30;
	v39 =	vld.idx.msk [tilespmem:v49+s31+$0x0], $0xffff;
	[tilespmem:s14+$0x14760] =	vst v47  }
0x3f2: {  	[tilespmem:s8+$0x4020] =	vst v45;
	v45 =	vadd.f32 v46, v25;
	v46 =	vor.u32 v10, v29;
	v40 =	vld.idx.msk [tilespmem:v40+s31+$0x0], $0xffff  }
0x3f3: {  	v49 =	vor.u32 v10, v24;
	v38 =	vadd.f32 v38, v36;
	v47 =	vld.idx.msk [tilespmem:v50+s31+$0x0], $0xffff;
	[tilespmem:s5+$0x14720] =	vst v43  }
0x3f4: {  	v43 =	vor.u32 v4, v27;
	v44 =	vadd.f32 v44, v28;
	[tilespmem:s3+$0x4020] =	vst v45;
	v34 =	vld.idx.msk [tilespmem:v34+s31+$0x0], $0xffff  }
0x3f5: {  	v33 =	vadd.f32 v33, v26;
	v45 =	vld.idx.msk [tilespmem:v48+s31+$0x0], $0xffff;
	[tilespmem:s4+$0x4020] =	vst v38;
	v38 =	vor.u32 v11, v18  }
0x3f6: {  	v42 =	vadd.f32 v42, v22;
	v37 =	vld.idx.msk [tilespmem:v37+s31+$0x0], $0xffff;
	[tilespmem:s19+$0x14710] =	vst v44;
	v44 =	vor.u32 v15, v17;
	v17 =	vmov v18  }
0x3f7: {  	v48 =	vor.u32 v4, v32;
	v39 =	vadd.f32 v39, v21;
	v18 =	vmov v32;
	v46 =	vld.idx.msk [tilespmem:v46+s31+$0x0], $0xffff;
	[tilespmem:s23+$0x14710] =	vst v33  }
0x3f8: {  	v40 =	vadd.f32 v40, v19;
	v19 =	vmov v26;
	[tilespmem:s6+$0x4030] =	vst v42;
	v33 =	vld.idx.msk [tilespmem:v49+s31+$0x0], $0xffff;
	v42 =	vor.u32 v12, v31  }
0x3f9: {  	v26 =	vmov v36;
	v32 =	vadd.f32 v47, v35;
	v47 =	vor.u32 v4, v20;
	v43 =	vld.idx.msk [tilespmem:v43+s31+$0x0], $0xffff;
	[tilespmem:s21+$0x14720] =	vst v39  }
0x3fa: {  	v36 =	vor.u32 v4, v23;
	v34 =	vadd.f32 v34, v30;
	v38 =	vld.idx.msk [tilespmem:v38+s31+$0x0], $0xffff;
	[tilespmem:s0+$0x14770] =	vst v41;
	s0 =	smov.u32 s19  }
0x3fb: {  	v39 =	vmov s16;
	v41 =	vadd.f32 v45, v25;
	v45 =	vor.u32 v11, v29;
	[tilespmem:s8+$0x4030] =	vst v32;
	v44 =	vld.idx.msk [tilespmem:v44+s31+$0x0], $0xffff  }
0x3fc: {  	v32 =	vand.u32 $0x7C, v39;
	v37 =	vadd.f32 v37, v26;
	v39 =	vld.idx.msk [tilespmem:v48+s31+$0x0], $0xffff;
	v48 =	vor.u32 v11, v24;
	[tilespmem:s5+$0x14730] =	vst v34  }
0x3fd: {  	v32 =	vbroadcast v32, $0x0;
	v34 =	vor.u32 v5, v27;
	[tilespmem:s3+$0x4030] =	vst v41;
	v41 =	vadd.f32 v46, v28;
	v42 =	vld.idx.msk [tilespmem:v42+s31+$0x0], $0xffff  }
0x3fe: {  	v33 =	vadd.f32 v33, v19;
	v46 =	vld.idx.msk [tilespmem:v47+s31+$0x0], $0xffff;
	[tilespmem:s4+$0x4030] =	vst v37;
	v37 =	vor.u32 v12, v17  }
0x3ff: {  	v47 =	vor.u32 v0, v32;
	v43 =	vadd.f32 v43, v22;
	v36 =	vld.idx.msk [tilespmem:v36+s31+$0x0], $0xffff;
	[tilespmem:s0+$0x14720] =	vst v41  }
0x400: {  	v41 =	vor.u32 v5, v18;
	v38 =	vadd.f32 v38, v21;
	v45 =	vld.idx.msk [tilespmem:v45+s31+$0x0], $0xffff;
	[tilespmem:s23+$0x14720] =	vst v33  }
0x401: {  	v44 =	vadd.f32 v44, v16;
	v16 =	vmov v21;
	[tilespmem:s6+$0x4040] =	vst v43;
	v43 =	vld.idx.msk [tilespmem:v48+s31+$0x0], $0xffff;
	v48 =	vor.u32 v13, v31  }
0x402: {  	v21 =	vmov v35;
	v33 =	vadd.f32 v39, v35;
	v39 =	vor.u32 v5, v20;
	v34 =	vld.idx.msk [tilespmem:v34+s31+$0x0], $0xffff;
	[tilespmem:s21+$0x14730] =	vst v38  }
0x403: {  	s19 =	sadd.s32 $0x1, s16;
	v35 =	vor.u32 v5, v23;
	v38 =	vadd.f32 v42, v30;
	v37 =	vld.idx.msk [tilespmem:v37+s31+$0x0], $0xffff;
	[tilespmem:s14+$0x14770] =	vst v40;
	s14 =	smov.u32 s23;
	s23 =	smov.u32 s18  }
0x404: {  	v42 =	vmov s19;
	v46 =	vadd.f32 v46, v25;
	v40 =	vld.idx.msk [tilespmem:v47+s31+$0x0], $0xffff;
	[tilespmem:s8+$0x4040] =	vst v33;
	v47 =	vor.u32 v12, v29  }
0x405: {  	v33 =	vand.u32 $0x7D, v42;
	v36 =	vadd.f32 v36, v26;
	v42 =	vor.u32 v12, v24;
	v41 =	vld.idx.msk [tilespmem:v41+s31+$0x0], $0xffff;
	[tilespmem:s5+$0x14740] =	vst v38  }
0x406: {  	v33 =	vbroadcast v33, $0x0;
	v38 =	vor.u32 v6, v27;
	v45 =	vadd.f32 v45, v28;
	[tilespmem:s3+$0x4040] =	vst v46;
	v46 =	vld.idx.msk [tilespmem:v48+s31+$0x0], $0xffff  }
0x407: {  	v43 =	vadd.f32 v43, v19;
	v39 =	vld.idx.msk [tilespmem:v39+s31+$0x0], $0xffff;
	[tilespmem:s4+$0x4040] =	vst v36;
	v36 =	vor.u32 v13, v17  }
0x408: {  	v49 =	vor.u32 v0, v33;
	v34 =	vadd.f32 v34, v22;
	v35 =	vld.idx.msk [tilespmem:v35+s31+$0x0], $0xffff;
	[tilespmem:s0+$0x14730] =	vst v45  }
0x409: {  	v50 =	vor.u32 v6, v18;
	v37 =	vadd.f32 v37, v16;
	v53 =	vld.idx.msk [tilespmem:v47+s31+$0x0], $0xffff;
	[tilespmem:s14+$0x14730] =	vst v43  }
0x40a: {  	v54 =	vor.u32 v14, v31;
	[tilespmem:s6+$0x4050] =	vst v34;
	v42 =	vld.idx.msk [tilespmem:v42+s31+$0x0], $0xffff  }
.Ltmp6:
0x40b: {  	v47 =	vor.u32 v6, v20;
	v34 =	vadd.f32 v41, v21;
	v45 =	vld.idx.msk [tilespmem:v38+s31+$0x0], $0xffff;
	[tilespmem:s21+$0x14740] =	vst v37;
	(pc) =	sbr.rel @p2 .LBB2_9-.Ltmp6, $4  }
0x40c: {  	s18 =	sadd.s32 $0x2, s16;
	v43 =	vor.u32 v6, v23;
	v48 =	vld.idx.msk [tilespmem:v36+s31+$0x0], $0xffff;
	v36 =	vadd.f32 v46, v30;
	[tilespmem:s7+$0x14770] =	vst v44;
	s7 =	smov.u32 s21;
	s21 =	smov.u32 s17  }
0x40d: {  	v37 =	vmov s18;
	v38 =	vadd.f32 v39, v25;
	v41 =	vld.idx.msk [tilespmem:v49+s31+$0x0], $0xffff;
	[tilespmem:s8+$0x4050] =	vst v34;
	v49 =	vor.u32 v13, v29  }
0x40e: {  	v44 =	vor.u32 v13, v24;
	v34 =	vand.u32 $0x7E, v37;
	v52 =	vadd.f32 v35, v26;
	v51 =	vld.idx.msk [tilespmem:v50+s31+$0x0], $0xffff;
	[tilespmem:s5+$0x14750] =	vst v36  }
0x40f: {  	s17 =	sadd.s32 $0x3, s16;
	s16 =	sadd.s32 $0x4, s16;
	v46 =	vor.u32 v7, v27;
	v34 =	vbroadcast v34, $0x0;
	v53 =	vadd.f32 v53, v28;
	[tilespmem:s3+$0x4050] =	vst v38;
	v50 =	vld.idx.msk [tilespmem:v54+s31+$0x0], $0xffff  }
0x410: {  	v35 =	vmov s17  }
0x411: {  	v35 =	vand.u32 $0x7F, v35  }
0x412: {  	v39 =	vbroadcast v35, $0x0;
	_ =	sdelay $0x1  }
0x413: {  	v36 =	vor.u32 v0, v39  }
0x414: {  	v59 =	vor.u32 v0, v34  }
0x415: {  	s9 =	sadd.s32 $0x200, s9  }
0x416: {  	v38 =	vld [tilespmem:s9+$0x80]  }
0x417: {  	v37 =	vld [tilespmem:s9+$0xFFFFFF80]  }
0x418: {  	v55 =	vld.idx.msk [tilespmem:v36+s31+$0x0], $0xffff  }
0x419: {  	v54 =	vld.idx.msk [tilespmem:v59+s31+$0x0], $0xffff  }
0x41a: {  	v36 =	vld [tilespmem:s9+$0x0]  }
0x41b: {  	v35 =	vld [tilespmem:s9+$0xFFFFFF00];
	v56 =	vor.u32 v1, v39;
	s9 =	sadd.s32 $0x400, s10  }
0x41c: {  	s11 =	sadd.s32 $0x200, s11;
	v57 =	vor.u32 v1, v33;
	s10 =	sand.u32 $0x3800, s9  }
0x41d: {  	s22 =	sand.u32 $0x380, s11;
	s16 =	sadd.s32 $0xFFFFFF00, s11;
	v58 =	vor.u32 v1, v34;
	s18 =	sor.u32 $0x14700, s10;
	v55 =	vadd.f32 v55, v38  }
0x41e: {  	s24 =	sadd.s32 $0xFFFFFF80, s11;
	s16 =	sand.u32 $0x280, s16;
	v59 =	vor.u32 v1, v32;
	v41 =	vadd.f32 v41, v37;
	s10 =	sadd.s32 s22, s18  }
0x41f: {  	s11 =	sadd.s32 $0xFFFFFE80, s11;
	s19 =	sand.u32 $0x300, s24;
	s17 =	sadd.s32 s16, s18;
	v54 =	vadd.f32 v54, v36;
	[tilespmem:s10+$0x4000] =	vst v55  }
0x420: {  	s11 =	sand.u32 $0x200, s11;
	v40 =	vadd.f32 v40, v35;
	s16 =	sadd.s32 s19, s18;
	[tilespmem:s17+$0x4000] =	vst v41;
	v55 =	vld.idx.msk [tilespmem:v56+s31+$0x0], $0xffff  }
0x421: {  	s11 =	sadd.s32 s11, s18;
	v41 =	vld.idx.msk [tilespmem:v57+s31+$0x0], $0xffff;
	[tilespmem:s16+$0x4000] =	vst v54  }
0x422: {  	[tilespmem:s11+$0x4000] =	vst v40;
	v40 =	vld.idx.msk [tilespmem:v58+s31+$0x0], $0xffff  }
0x423: {  	v61 =	vor.u32 v2, v39;
	v60 =	vld.idx.msk [tilespmem:v59+s31+$0x0], $0xffff  }
0x424: {  	v57 =	vor.u32 v2, v33  }
0x425: {  	v62 =	vor.u32 v2, v34;
	v55 =	vadd.f32 v55, v38  }
0x426: {  	v63 =	vor.u32 v2, v32;
	v41 =	vadd.f32 v41, v37  }
0x427: {  	v40 =	vadd.f32 v40, v36;
	[tilespmem:s10+$0x4010] =	vst v55  }
0x428: {  	v60 =	vadd.f32 v60, v35;
	[tilespmem:s17+$0x4010] =	vst v41;
	v61 =	vld.idx.msk [tilespmem:v61+s31+$0x0], $0xffff  }
0x429: {  	v55 =	vld.idx.msk [tilespmem:v57+s31+$0x0], $0xffff;
	[tilespmem:s16+$0x4010] =	vst v40  }
0x42a: {  	[tilespmem:s11+$0x4010] =	vst v60;
	v40 =	vld.idx.msk [tilespmem:v62+s31+$0x0], $0xffff  }
0x42b: {  	v41 =	vld.idx.msk [tilespmem:v63+s31+$0x0], $0xffff;
	v62 =	vor.u32 v3, v39  }
0x42c: {  	v63 =	vor.u32 v3, v33  }
0x42d: {  	[tilespmem:s4+$0x4050] =	vst v52;
	v60 =	vor.u32 v3, v34;
	v59 =	vadd.f32 v61, v38  }
0x42e: {  	[tilespmem:s0+$0x14740] =	vst v53;
	v55 =	vadd.f32 v55, v37;
	v61 =	vor.u32 v3, v32  }
0x42f: {  	v40 =	vadd.f32 v40, v36;
	[tilespmem:s10+$0x4020] =	vst v59  }
0x430: {  	v41 =	vadd.f32 v41, v35;
	[tilespmem:s17+$0x4020] =	vst v55;
	v52 =	vld.idx.msk [tilespmem:v62+s31+$0x0], $0xffff  }
0x431: {  	v48 =	vadd.f32 v48, v16;
	[tilespmem:s16+$0x4020] =	vst v40;
	v62 =	vadd.f32 v42, v19;
	v42 =	vld.idx.msk [tilespmem:v63+s31+$0x0], $0xffff  }
0x432: {  	v50 =	vadd.f32 v50, v30;
	[tilespmem:s11+$0x4020] =	vst v41;
	v56 =	vld.idx.msk [tilespmem:v60+s31+$0x0], $0xffff  }
0x433: {  	[tilespmem:s7+$0x14750] =	vst v48;
	v58 =	vor.u32 v4, v39;
	v57 =	vld.idx.msk [tilespmem:v61+s31+$0x0], $0xffff  }
0x434: {  	[tilespmem:s5+$0x14760] =	vst v50;
	v63 =	vadd.f32 v45, v22;
	v60 =	vor.u32 v4, v33  }
0x435: {  	v47 =	vld.idx.msk [tilespmem:v47+s31+$0x0], $0xffff;
	[tilespmem:s14+$0x14740] =	vst v62;
	v62 =	vor.u32 v4, v34;
	v61 =	vadd.f32 v52, v38  }
0x436: {  	v43 =	vld.idx.msk [tilespmem:v43+s31+$0x0], $0xffff;
	[tilespmem:s6+$0x4060] =	vst v63;
	v63 =	vor.u32 v4, v32;
	v42 =	vadd.f32 v42, v37  }
0x437: {  	v54 =	vld.idx.msk [tilespmem:v49+s31+$0x0], $0xffff;
	v45 =	vadd.f32 v56, v36;
	[tilespmem:s10+$0x4030] =	vst v61  }
0x438: {  	v40 =	vadd.f32 v57, v35;
	[tilespmem:s17+$0x4030] =	vst v42;
	v55 =	vld.idx.msk [tilespmem:v58+s31+$0x0], $0xffff  }
0x439: {  	v59 =	vadd.f32 v51, v21;
	v56 =	vor.u32 v14, v17;
	[tilespmem:s16+$0x4030] =	vst v45;
	v51 =	vld.idx.msk [tilespmem:v60+s31+$0x0], $0xffff  }
0x43a: {  	v47 =	vadd.f32 v47, v25;
	v57 =	vor.u32 v7, v18;
	v58 =	vld.idx.msk [tilespmem:v62+s31+$0x0], $0xffff;
	[tilespmem:s11+$0x4030] =	vst v40  }
0x43b: {  	v43 =	vadd.f32 v43, v26;
	[tilespmem:s8+$0x4060] =	vst v59;
	v59 =	vor.u32 v5, v39;
	v41 =	vld.idx.msk [tilespmem:v63+s31+$0x0], $0xffff  }
0x43c: {  	[tilespmem:s3+$0x4060] =	vst v47;
	v44 =	vld.idx.msk [tilespmem:v44+s31+$0x0], $0xffff;
	v61 =	vor.u32 v5, v33;
	v60 =	vadd.f32 v54, v28  }
0x43d: {  	[tilespmem:s4+$0x4060] =	vst v43;
	v46 =	vld.idx.msk [tilespmem:v46+s31+$0x0], $0xffff;
	v63 =	vor.u32 v5, v34;
	v62 =	vadd.f32 v55, v38  }
0x43e: {  	v54 =	vor.u32 v5, v32;
	v42 =	vld.idx.msk [tilespmem:v56+s31+$0x0], $0xffff;
	[tilespmem:s0+$0x14750] =	vst v60;
	v51 =	vadd.f32 v51, v37  }
0x43f: {  	v31 =	vor.u32 v15, v31;
	v45 =	vld.idx.msk [tilespmem:v57+s31+$0x0], $0xffff;
	v40 =	vadd.f32 v58, v36;
	[tilespmem:s10+$0x4040] =	vst v62  }
0x440: {  	v55 =	vor.u32 v8, v27;
	v41 =	vadd.f32 v41, v35;
	[tilespmem:s17+$0x4040] =	vst v51;
	v50 =	vld.idx.msk [tilespmem:v59+s31+$0x0], $0xffff  }
0x441: {  	v44 =	vadd.f32 v44, v19;
	v56 =	vor.u32 v7, v20;
	[tilespmem:s16+$0x4040] =	vst v40;
	v48 =	vld.idx.msk [tilespmem:v61+s31+$0x0], $0xffff  }
0x442: {  	v17 =	vor.u32 v15, v17;
	v57 =	vadd.f32 v46, v22;
	v58 =	vld.idx.msk [tilespmem:v63+s31+$0x0], $0xffff;
	[tilespmem:s11+$0x4040] =	vst v41  }
0x443: {  	[tilespmem:s14+$0x14750] =	vst v44;
	v46 =	vor.u32 v7, v23;
	v42 =	vadd.f32 v42, v16;
	v59 =	vld.idx.msk [tilespmem:v54+s31+$0x0], $0xffff  }
0x444: {  	v31 =	vld.idx.msk [tilespmem:v31+s31+$0x0], $0xffff;
	v60 =	vor.u32 v6, v39;
	[tilespmem:s6+$0x4070] =	vst v57;
	v61 =	vadd.f32 v45, v21  }
0x445: {  	v62 =	vor.u32 v6, v33;
	[tilespmem:s7+$0x14760] =	vst v42;
	v43 =	vld.idx.msk [tilespmem:v55+s31+$0x0], $0xffff;
	v63 =	vadd.f32 v50, v38  }
0x446: {  	s19 =	sadd.s32 $0x4, s13;
	v54 =	vor.u32 v6, v34;
	v55 =	vld.idx.msk [tilespmem:v56+s31+$0x0], $0xffff;
	[tilespmem:s8+$0x4070] =	vst v61;
	v48 =	vadd.f32 v48, v37  }
0x447: {  	s20 =	sand.u32 $0x7, s19;
	v56 =	vor.u32 v6, v32;
	v17 =	vld.idx.msk [tilespmem:v17+s31+$0x0], $0xffff;
	v41 =	vadd.f32 v58, v36;
	[tilespmem:s10+$0x4050] =	vst v63  }
0x448: {  	v57 =	vor.u32 v8, v18;
	v46 =	vld.idx.msk [tilespmem:v46+s31+$0x0], $0xffff;
	s8 =	sshll.u32 s20, $0x7;
	v44 =	vadd.f32 v59, v35;
	[tilespmem:s17+$0x4050] =	vst v48  }
0x449: {  	s8 =	sadd.s32 s15, s8;
	v58 =	vor.u32 v14, v29;
	v59 =	vadd.f32 v31, v30;
	[tilespmem:s16+$0x4050] =	vst v41;
	v47 =	vld.idx.msk [tilespmem:v60+s31+$0x0], $0xffff  }
0x44a: {  	s22 =	sadd.s32 $0x180, s8;
	v61 =	vadd.f32 v43, v22;
	v60 =	vor.u32 v9, v27;
	v45 =	vld.idx.msk [tilespmem:v62+s31+$0x0], $0xffff;
	[tilespmem:s11+$0x4050] =	vst v44  }
0x44b: {  	s24 =	sor.u32 $0x4400, s22;
	v52 =	vadd.f32 v55, v25;
	v62 =	vor.u32 v8, v20;
	v63 =	vld.idx.msk [tilespmem:v54+s31+$0x0], $0xffff;
	[tilespmem:s5+$0x14770] =	vst v59  }
0x44c: {  	v16 =	vadd.f32 v17, v16;
	v54 =	vor.u32 v7, v39;
	[tilespmem:s24+$0x14700] =	vst v61;
	v53 =	vld.idx.msk [tilespmem:v56+s31+$0x0], $0xffff  }
0x44d: {  	v55 =	vld.idx.msk [tilespmem:v57+s31+$0x0], $0xffff;
	v57 =	vor.u32 v7, v33;
	[tilespmem:s3+$0x4070] =	vst v52;
	v56 =	vadd.f32 v46, v26  }
0x44e: {  	v59 =	vor.u32 v7, v34;
	[tilespmem:s7+$0x14770] =	vst v16;
	v42 =	vld.idx.msk [tilespmem:v58+s31+$0x0], $0xffff;
	v58 =	vadd.f32 v47, v38  }
0x44f: {  	[tilespmem:s4+$0x4070] =	vst v56;
	v31 =	vld.idx.msk [tilespmem:v60+s31+$0x0], $0xffff;
	v60 =	vor.u32 v7, v32;
	v45 =	vadd.f32 v45, v37  }
0x450: {  	v52 =	vor.u32 v14, v24;
	v43 =	vld.idx.msk [tilespmem:v62+s31+$0x0], $0xffff;
	v62 =	vadd.f32 v63, v36;
	[tilespmem:s10+$0x4060] =	vst v58  }
0x451: {  	v61 =	vor.u32 v8, v23;
	v40 =	vadd.f32 v53, v35;
	[tilespmem:s17+$0x4060] =	vst v45;
	v48 =	vld.idx.msk [tilespmem:v54+s31+$0x0], $0xffff  }
0x452: {  	v49 =	vadd.f32 v55, v21;
	v63 =	vor.u32 v9, v18;
	[tilespmem:s16+$0x4060] =	vst v62;
	v53 =	vld.idx.msk [tilespmem:v57+s31+$0x0], $0xffff  }
0x453: {  	v42 =	vadd.f32 v42, v28;
	v54 =	vor.u32 v10, v27;
	v55 =	vld.idx.msk [tilespmem:v59+s31+$0x0], $0xffff;
	[tilespmem:s11+$0x4060] =	vst v40  }
0x454: {  	v56 =	vor.u32 v8, v39;
	[tilespmem:s21+$0x14700] =	vst v49;
	v31 =	vadd.f32 v31, v22;
	v41 =	vld.idx.msk [tilespmem:v60+s31+$0x0], $0xffff  }
0x455: {  	s8 =	sadd.s32 $0x80, s8;
	v45 =	vld.idx.msk [tilespmem:v52+s31+$0x0], $0xffff;
	v59 =	vor.u32 v8, v33;
	[tilespmem:s0+$0x14760] =	vst v42;
	v58 =	vadd.f32 v43, v25  }
0x456: {  	s3 =	sor.u32 $0x4400, s8;
	v57 =	vld.idx.msk [tilespmem:v61+s31+$0x0], $0xffff;
	v61 =	vor.u32 v8, v34;
	[tilespmem:s24+$0x14710] =	vst v31;
	v60 =	vadd.f32 v48, v38  }
0x457: {  	v62 =	vor.u32 v8, v32;
	v44 =	vld.idx.msk [tilespmem:v63+s31+$0x0], $0xffff;
	[tilespmem:s3+$0x14700] =	vst v58;
	v30 =	vadd.f32 v53, v37  }
0x458: {  	v63 =	vor.u32 v9, v20;
	v46 =	vld.idx.msk [tilespmem:v54+s31+$0x0], $0xffff;
	v52 =	vadd.f32 v55, v36;
	[tilespmem:s10+$0x4070] =	vst v60  }
0x459: {  	v53 =	vor.u32 v9, v23;
	v41 =	vadd.f32 v41, v35;
	[tilespmem:s17+$0x4070] =	vst v30;
	v47 =	vld.idx.msk [tilespmem:v56+s31+$0x0], $0xffff  }
0x45a: {  	s13 =	sadd.s32 $0x4, s19;
	v58 =	vadd.f32 v45, v19;
	v55 =	vor.u32 v15, v29;
	[tilespmem:s16+$0x4070] =	vst v52;
	v43 =	vld.idx.msk [tilespmem:v59+s31+$0x0], $0xffff  }
0x45b: {  	s4 =	sand.u32 $0x7, s13;
	v54 =	vor.u32 v10, v18;
	v49 =	vadd.f32 v57, v26;
	v57 =	vld.idx.msk [tilespmem:v61+s31+$0x0], $0xffff;
	[tilespmem:s11+$0x4070] =	vst v41  }
0x45c: {  	s1 =	sadd.s32 $0x2, s1;
	p0 =	por !p0, !p0;
	s4 =	sshll.u32 s4, $0x7;
	[tilespmem:s14+$0x14760] =	vst v58;
	v56 =	vadd.f32 v44, v21;
	v59 =	vor.u32 v9, v39;
	v42 =	vld.idx.msk [tilespmem:v62+s31+$0x0], $0xffff  }
0x45d: {  	s1 =	sand.u32 $0x3, s1;
	s6 =	simm.s32 $0x1;
	s4 =	sadd.s32 s9, s4;
	[tilespmem:s23+$0x14700] =	vst v49;
	v60 =	vld.idx.msk [tilespmem:v63+s31+$0x0], $0xffff;
	v62 =	vor.u32 v9, v33  }
0x45e: {  	s1 =	sshll.u32 s1, $0x8;
	s6 =	simm.s32 @!p0 $0x0;
	s15 =	sadd.s32 $0x180, s4;
	v52 =	vor.u32 v9, v34;
	[tilespmem:s21+$0x14710] =	vst v56;
	v40 =	vld.idx.msk [tilespmem:v53+s31+$0x0], $0xffff;
	v63 =	vadd.f32 v47, v38  }
0x45f: {  	s4 =	sadd.s32 $0x80, s4;
	s16 =	sadd.s32 s9, s1;
	s17 =	sor.u32 $0x4400, s15;
	v61 =	vadd.f32 v46, v22;
	v53 =	vor.u32 v9, v32;
	v29 =	vld.idx.msk [tilespmem:v55+s31+$0x0], $0xffff;
	v43 =	vadd.f32 v43, v37  }
0x460: {  	s6 =	sshll.u32 s6, $0x9;
	s4 =	sor.u32 $0x4400, s4;
	s18 =	sadd.s32 $0x100, s16;
	v55 =	vor.u32 v10, v20;
	v30 =	vld.idx.msk [tilespmem:v54+s31+$0x0], $0xffff;
	v41 =	vadd.f32 v57, v36;
	[tilespmem:s17+$0x14700] =	vst v63  }
0x461: {  	s9 =	sadd.s32 s6, s9;
	s19 =	sor.u32 $0x4400, s18;
	v54 =	vor.u32 v11, v27;
	v42 =	vadd.f32 v42, v35;
	[tilespmem:s4+$0x14700] =	vst v43;
	v45 =	vld.idx.msk [tilespmem:v59+s31+$0x0], $0xffff  }
0x462: {  	s20 =	sor.u32 $0x4400, s9;
	v56 =	vor.u32 v10, v23;
	v48 =	vadd.f32 v60, v25;
	[tilespmem:s19+$0x14700] =	vst v41;
	v46 =	vld.idx.msk [tilespmem:v62+s31+$0x0], $0xffff  }
0x463: {  	v57 =	vor.u32 v11, v18;
	v58 =	vld.idx.msk [tilespmem:v52+s31+$0x0], $0xffff;
	[tilespmem:s20+$0x14700] =	vst v42  }
0x464: {  	[tilespmem:s3+$0x14710] =	vst v48;
	v40 =	vadd.f32 v40, v26;
	v59 =	vor.u32 v10, v39;
	v31 =	vld.idx.msk [tilespmem:v53+s31+$0x0], $0xffff  }
0x465: {  	[tilespmem:s24+$0x14720] =	vst v61;
	v44 =	vld.idx.msk [tilespmem:v55+s31+$0x0], $0xffff;
	v30 =	vadd.f32 v30, v21;
	v62 =	vor.u32 v10, v33  }
0x466: {  	v48 =	vor.u32 v10, v34;
	v61 =	vld.idx.msk [tilespmem:v54+s31+$0x0], $0xffff;
	[tilespmem:s23+$0x14710] =	vst v40;
	v63 =	vadd.f32 v45, v38  }
0x467: {  	v49 =	vor.u32 v10, v32;
	[tilespmem:s21+$0x14720] =	vst v30;
	v43 =	vld.idx.msk [tilespmem:v56+s31+$0x0], $0xffff;
	v46 =	vadd.f32 v46, v37  }
0x468: {  	v50 =	vor.u32 v15, v24;
	v41 =	vld.idx.msk [tilespmem:v57+s31+$0x0], $0xffff;
	v51 =	vadd.f32 v58, v36;
	[tilespmem:s17+$0x14710] =	vst v63  }
0x469: {  	v52 =	vor.u32 v11, v20;
	v31 =	vadd.f32 v31, v35;
	[tilespmem:s4+$0x14710] =	vst v46;
	v47 =	vld.idx.msk [tilespmem:v59+s31+$0x0], $0xffff  }
0x46a: {  	v60 =	vadd.f32 v29, v28;
	v53 =	vor.u32 v11, v23;
	[tilespmem:s19+$0x14710] =	vst v51;
	v40 =	vld.idx.msk [tilespmem:v62+s31+$0x0], $0xffff  }
0x46b: {  	v54 =	vor.u32 v12, v27;
	v44 =	vadd.f32 v44, v25;
	v55 =	vld.idx.msk [tilespmem:v48+s31+$0x0], $0xffff;
	[tilespmem:s20+$0x14710] =	vst v31  }
0x46c: {  	[tilespmem:s0+$0x14770] =	vst v60;
	v57 =	vor.u32 v11, v39;
	v56 =	vadd.f32 v43, v26;
	v28 =	vld.idx.msk [tilespmem:v49+s31+$0x0], $0xffff  }
0x46d: {  	v24 =	vld.idx.msk [tilespmem:v50+s31+$0x0], $0xffff;
	v29 =	vadd.f32 v61, v22;
	v58 =	vor.u32 v11, v33;
	[tilespmem:s3+$0x14720] =	vst v44  }
0x46e: {  	v60 =	vor.u32 v11, v34;
	v42 =	vld.idx.msk [tilespmem:v52+s31+$0x0], $0xffff;
	[tilespmem:s23+$0x14720] =	vst v56;
	v59 =	vadd.f32 v47, v38  }
0x46f: {  	v61 =	vor.u32 v11, v32;
	[tilespmem:s24+$0x14730] =	vst v29;
	v46 =	vld.idx.msk [tilespmem:v53+s31+$0x0], $0xffff;
	v40 =	vadd.f32 v40, v37  }
0x470: {  	v30 =	vld.idx.msk [tilespmem:v54+s31+$0x0], $0xffff;
	v63 =	vadd.f32 v55, v36;
	[tilespmem:s17+$0x14720] =	vst v59  }
0x471: {  	v48 =	vor.u32 v12, v20;
	v28 =	vadd.f32 v28, v35;
	[tilespmem:s4+$0x14720] =	vst v40;
	v43 =	vld.idx.msk [tilespmem:v57+s31+$0x0], $0xffff  }
0x472: {  	v50 =	vor.u32 v12, v23;
	v41 =	vadd.f32 v41, v21;
	[tilespmem:s19+$0x14720] =	vst v63;
	v40 =	vld.idx.msk [tilespmem:v58+s31+$0x0], $0xffff  }
0x473: {  	v62 =	vor.u32 v12, v18;
	v51 =	vadd.f32 v42, v25;
	v52 =	vld.idx.msk [tilespmem:v60+s31+$0x0], $0xffff;
	[tilespmem:s20+$0x14720] =	vst v28  }
0x474: {  	v54 =	vor.u32 v12, v39;
	[tilespmem:s21+$0x14730] =	vst v41;
	v53 =	vadd.f32 v46, v26;
	v41 =	vld.idx.msk [tilespmem:v61+s31+$0x0], $0xffff  }
0x475: {  	v56 =	vor.u32 v12, v33;
	v49 =	vadd.f32 v24, v19;
	[tilespmem:s3+$0x14730] =	vst v51  }
0x476: {  	v31 =	vld.idx.msk [tilespmem:v48+s31+$0x0], $0xffff;
	v58 =	vor.u32 v12, v34;
	[tilespmem:s23+$0x14730] =	vst v53;
	v57 =	vadd.f32 v43, v38  }
0x477: {  	[tilespmem:s14+$0x14770] =	vst v49;
	v59 =	vor.u32 v12, v32;
	v24 =	vld.idx.msk [tilespmem:v50+s31+$0x0], $0xffff;
	v40 =	vadd.f32 v40, v37  }
0x478: {  	v55 =	vld.idx.msk [tilespmem:v62+s31+$0x0], $0xffff;
	v60 =	vor.u32 v13, v27;
	v61 =	vadd.f32 v52, v36;
	[tilespmem:s17+$0x14730] =	vst v57  }
0x479: {  	v62 =	vor.u32 v13, v20;
	v41 =	vadd.f32 v41, v35;
	[tilespmem:s4+$0x14730] =	vst v40;
	v42 =	vld.idx.msk [tilespmem:v54+s31+$0x0], $0xffff  }
0x47a: {  	v30 =	vadd.f32 v30, v22;
	v48 =	vor.u32 v13, v23;
	[tilespmem:s19+$0x14730] =	vst v61;
	v29 =	vld.idx.msk [tilespmem:v56+s31+$0x0], $0xffff  }
0x47b: {  	v49 =	vor.u32 v13, v18;
	v31 =	vadd.f32 v31, v25;
	v50 =	vld.idx.msk [tilespmem:v58+s31+$0x0], $0xffff;
	[tilespmem:s20+$0x14730] =	vst v41  }
0x47c: {  	v51 =	vor.u32 v13, v39;
	[tilespmem:s24+$0x14740] =	vst v30;
	v24 =	vadd.f32 v24, v26;
	v30 =	vld.idx.msk [tilespmem:v59+s31+$0x0], $0xffff  }
0x47d: {  	v63 =	vadd.f32 v55, v21;
	v17 =	vld.idx.msk [tilespmem:v60+s31+$0x0], $0xffff;
	v52 =	vor.u32 v13, v33;
	[tilespmem:s3+$0x14740] =	vst v31  }
0x47e: {  	v28 =	vld.idx.msk [tilespmem:v62+s31+$0x0], $0xffff;
	v54 =	vor.u32 v13, v34;
	[tilespmem:s23+$0x14740] =	vst v24;
	v53 =	vadd.f32 v42, v38  }
0x47f: {  	v55 =	vor.u32 v13, v32;
	[tilespmem:s21+$0x14740] =	vst v63;
	v16 =	vld.idx.msk [tilespmem:v48+s31+$0x0], $0xffff;
	v29 =	vadd.f32 v29, v37  }
0x480: {  	v19 =	vld.idx.msk [tilespmem:v49+s31+$0x0], $0xffff;
	v56 =	vor.u32 v14, v27;
	v57 =	vadd.f32 v50, v36;
	[tilespmem:s17+$0x14740] =	vst v53  }
0x481: {  	v58 =	vor.u32 v14, v20;
	v30 =	vadd.f32 v30, v35;
	[tilespmem:s4+$0x14740] =	vst v29;
	v40 =	vld.idx.msk [tilespmem:v51+s31+$0x0], $0xffff  }
0x482: {  	v17 =	vadd.f32 v17, v22;
	v59 =	vor.u32 v14, v23;
	[tilespmem:s19+$0x14740] =	vst v57;
	v31 =	vld.idx.msk [tilespmem:v52+s31+$0x0], $0xffff  }
0x483: {  	v60 =	vor.u32 v14, v18;
	v28 =	vadd.f32 v28, v25;
	v61 =	vld.idx.msk [tilespmem:v54+s31+$0x0], $0xffff;
	[tilespmem:s20+$0x14740] =	vst v30  }
0x484: {  	[tilespmem:s24+$0x14750] =	vst v17;
	v17 =	vor.u32 v14, v39;
	v16 =	vadd.f32 v16, v26;
	v62 =	vld.idx.msk [tilespmem:v55+s31+$0x0], $0xffff  }
0x485: {  	v45 =	vor.u32 v14, v33;
	v19 =	vadd.f32 v19, v21;
	v63 =	vld.idx.msk [tilespmem:v56+s31+$0x0], $0xffff;
	[tilespmem:s3+$0x14750] =	vst v28  }
0x486: {  	v46 =	vor.u32 v14, v34;
	[tilespmem:s23+$0x14750] =	vst v16;
	v16 =	vld.idx.msk [tilespmem:v58+s31+$0x0], $0xffff;
	v40 =	vadd.f32 v40, v38  }
0x487: {  	v48 =	vor.u32 v14, v32;
	[tilespmem:s21+$0x14750] =	vst v19;
	v47 =	vld.idx.msk [tilespmem:v59+s31+$0x0], $0xffff;
	v31 =	vadd.f32 v31, v37  }
0x488: {  	v49 =	vor.u32 v15, v27;
	v24 =	vld.idx.msk [tilespmem:v60+s31+$0x0], $0xffff;
	v30 =	vadd.f32 v61, v36;
	[tilespmem:s17+$0x14750] =	vst v40  }
0x489: {  	v50 =	vor.u32 v15, v20;
	v51 =	vadd.f32 v62, v35;
	[tilespmem:s4+$0x14750] =	vst v31;
	v17 =	vld.idx.msk [tilespmem:v17+s31+$0x0], $0xffff  }
0x48a: {  	v53 =	vor.u32 v15, v23;
	v52 =	vadd.f32 v63, v22;
	[tilespmem:s19+$0x14750] =	vst v30;
	v28 =	vld.idx.msk [tilespmem:v45+s31+$0x0], $0xffff  }
0x48b: {  	v54 =	vor.u32 v15, v18;
	v16 =	vadd.f32 v16, v25;
	v30 =	vld.idx.msk [tilespmem:v46+s31+$0x0], $0xffff;
	[tilespmem:s20+$0x14750] =	vst v51  }
0x48c: {  	v55 =	vor.u32 v15, v39;
	[tilespmem:s24+$0x14760] =	vst v52;
	v19 =	vadd.f32 v47, v26;
	v29 =	vld.idx.msk [tilespmem:v48+s31+$0x0], $0xffff  }
0x48d: {  	v24 =	vadd.f32 v24, v21;
	v27 =	vld.idx.msk [tilespmem:v49+s31+$0x0], $0xffff;
	[tilespmem:s3+$0x14760] =	vst v16;
	v16 =	vor.u32 v15, v33  }
0x48e: {  	v56 =	vor.u32 v15, v34;
	v20 =	vld.idx.msk [tilespmem:v50+s31+$0x0], $0xffff;
	[tilespmem:s23+$0x14760] =	vst v19;
	v17 =	vadd.f32 v17, v38  }
0x48f: {  	v58 =	vor.u32 v15, v32;
	[tilespmem:s21+$0x14760] =	vst v24;
	v23 =	vld.idx.msk [tilespmem:v53+s31+$0x0], $0xffff;
	v57 =	vadd.f32 v28, v37  }
0x490: {  	v18 =	vld.idx.msk [tilespmem:v54+s31+$0x0], $0xffff;
	[tilespmem:s17+$0x14760] =	vst v17;
	v17 =	vadd.f32 v30, v36  }
0x491: {  	v29 =	vadd.f32 v29, v35;
	[tilespmem:s4+$0x14760] =	vst v57;
	v59 =	vld.idx.msk [tilespmem:v55+s31+$0x0], $0xffff  }
0x492: {  	v60 =	vadd.f32 v27, v22;
	v16 =	vld.idx.msk [tilespmem:v16+s31+$0x0], $0xffff;
	[tilespmem:s19+$0x14760] =	vst v17  }
0x493: {  	v17 =	vadd.f32 v20, v25;
	[tilespmem:s20+$0x14760] =	vst v29;
	v19 =	vld.idx.msk [tilespmem:v56+s31+$0x0], $0xffff  }
0x494: {  	[tilespmem:s24+$0x14770] =	vst v60;
	v61 =	vadd.f32 v23, v26;
	v62 =	vld.idx.msk [tilespmem:v58+s31+$0x0], $0xffff  }
0x495: {  	[tilespmem:s3+$0x14770] =	vst v17;
	v17 =	vadd.f32 v18, v21  }
0x496: {  	[tilespmem:s23+$0x14770] =	vst v61;
	v63 =	vadd.f32 v59, v38  }
0x497: {  	[tilespmem:s21+$0x14770] =	vst v17;
	v16 =	vadd.f32 v16, v37  }
.Ltmp7:
0x498: {  	s22 =	sshll.u32 s2, $0x8;
	[tilespmem:s17+$0x14770] =	vst v63;
	v17 =	vadd.f32 v19, v36;
	(pc) =	sbr.rel @p1 .LBB2_12-.Ltmp7, $4  }
0x499: {  	s0 =	sand.u32 $0x3F00, s22;
	[tilespmem:s4+$0x14770] =	vst v16;
	v16 =	vadd.f32 v62, v35  }
0x49a: {  	s0 =	sadd.s32 s25, s0;
	s23 =	sshll.u32 s12, $0x11;
	[tilespmem:s19+$0x14770] =	vst v17  }
0x49b: {  	s25 =	simm.s32 $0x18700;
	s24 =	simm.s32 $0x20000;
	s0 =	sadd.s32 s23, s0;
	[tilespmem:s20+$0x14770] =	vst v16  }
0x49c: {  	[hbm4b:s0+s30] =	stream.strided.scatter [tilespmem:s25], [sflag:$0x6], $0x4000, s24, s30, $0x38;
	[tilespmem:$0x1C700] =	vst v63  }
0x49d: {  	s0 =	sld [smem:$0x7F4]  }
0x49e: {  	s1 =	sld [smem:$0x7E8];
	_ =	sdelay $0x1  }
0x49f: {  	s25 =	sld [smem:$0x7F2]  }
0x4a0: {  	s11 =	sld [smem:$0x7E9];
	s0 =	sadd.s32 s1, s0  }
0x4a1: {  	s30 =	simm.s32 $0x0;
	s2 =	sld [smem:$0x7E5];
	s0 =	sshll.u32 s0, $0x5  }
.Ltmp8:
0x4a2: {  	s10 =	sld [smem:$0x7E6];
	s0 =	sand.u32 $0x1FFFFFE0, s0;
	(pc) =	sbr.rel .LBB2_2-.Ltmp8, $4  }
0x4a3: {  	s3 =	simm.s32 $0x180;
	s11 =	sadd.s32 $0x1, s11;
	s0 =	sadd.s32 s25, s0  }
0x4a4: {  	[tilespmem:s29], [sflag:$0x2] =	stream.linear.gather [hbm4b:s0+s30], $0x80, $0x38;
	[tilespmem:$0x1C700] =	vst v63  }
0x4a5: {  	s2 =	sadd.s32 $0x2, s2;
	s10 =	sadd.s32 $0x2, s10;
	s0 =	sadd.s32 $0x10, s0  }
0x4a6: {  	[tilespmem:s3], [sflag:$0x2] =	stream.linear.gather [hbm4b:s0+s30], $0x80, $0x38;
	[tilespmem:$0x1C700] =	vst v63  }
.LBB2_13:
0x4a7: {  	_ =	sfence.sel $0x180000  }
0x4a8: {  	[bflag:$0x0] =	sbarrier.arrive $0xFFFF  }
0x4a9: {  	_ =	strace $0x90000047  }
0x4aa: {  	s0 =	stileid.u32;
	[bflag:$0x2] =	sbarrier.arrive $0xFFFF  }
0x4ab: {  	p0 =	sne.s32 s0, $0x0;
	s0 =	rddreg [dreg:$0x2]  }
0x4ac: {  	s0 =	sadd.s32 @!p0 $0x100000, s0  }
0x4ad: {  	[sflag:s0] =	ssyncadd.tile.s32 @!p0 $0x1;
	_ =	shalt  }
.Lfunc_end2:
_tile_overlayer_lowered:
.L_overlay_start_2:
0x4ae: {  	(tag) =	ssettag $0x2  }
0x4af: {  	s0 =	rddreg [dreg:$0x0];
	s2 =	stileid.u32  }
0x4b0: {  	s1 =	rddreg [dreg:$0x1];
	p0 =	sne.s32 s2, $0x0  }
0x4b1: {  	s3 =	rddreg [dreg:$0x2];
	[bflag:$0x3] =	sbarrier.arrive $0xFFFF;
	s2 =	simm.s32 @!p0 $0x1C07  }
0x4b2: {  	[timem:s3], [sflag:s2] =	dma.local @!p0 [hbm:s0], s1  }
0x4b3: {  	s0 =	simm.s32 @!p0 $0x7  }
0x4b4: {  	_ =	swait.ge @!p0 [sflag:s0], s1  }
0x4b5: {  	s1 =	ssub.s32 @!p0 $0x0, s1;
	[sflag:s0] =	ssyncset.done @!p0 $0x0  }
0x4b6: {  	[sflag:s0] =	ssyncadd.s32 @!p0 s1  }
0x4b7: {  	[bflag:$0x3] =	sbarrier.arrive $0xFFFF  }
0x4b8: {  	_ =	shalt  }

</sc_bundles>
